<compile_context>
chip_gen: v7x
topology: tpu7x:2x2x1
jax: 0.10.2.dev20260603
libtpu: 0.0.44.dev20260713+nightly
codegen_flags: <defaults>
</compile_context>

<pallas_src>
import functools

import numpy as np
import jax
import jax.numpy as jnp
from jax import lax
from jax.experimental import pallas as pl
from jax.experimental.pallas import tpu as pltpu
from jax.experimental.pallas import tpu_sc as plsc

_B = 16384
_L = 200
_EMB = 8

_NC = 2
_NS = 16
_NW = _NC * _NS
_RPW = _B // _NW
_C = 8
_CHI = _C * _L
_NCHUNK = _RPW // _C

_NV = 1000001
_CW = 2048
_NBLK = _NV // _CW
_TAILC = _NV - _NBLK * _CW
_FLAT = _NV * _EMB


@functools.partial(
    pl.kernel,
    out_type=[jax.ShapeDtypeStruct((_FLAT,), jnp.float32)] * 3,
    mesh=plsc.VectorSubcoreMesh(core_axis_name="c", subcore_axis_name="s"),
    compiler_params=pltpu.CompilerParams(needs_layout_passes=False),
    scratch_types=(
        [pltpu.VMEM((_EMB, _CW), jnp.float32) for _ in range(2)]
        + [pltpu.VMEM((_CW * _EMB,), jnp.float32) for _ in range(2)]
        + [pltpu.VMEM((_EMB, _TAILC), jnp.float32)]
        + [pltpu.VMEM((_EMB * 17,), jnp.float32)]
        + [pltpu.SemaphoreType.DMA for _ in range(4)]
    ),
)
def _sc_compact(t0_h, t1_h, t2_h, o0_h, o1_h, o2_h,
                b20, b21, b10, b11, bt, st, si0, si1, so0, so1):
    wid = lax.axis_index("s") * _NC + lax.axis_index("c")
    b2 = (b20, b21)
    b1 = (b10, b11)
    si = (si0, si1)
    so = (so0, so1)
    iota = lax.iota(jnp.int32, 16)
    div8 = iota >> 3
    mod8 = iota & 7
    n_own = (_NBLK - 1 - wid) // _NW + 1

    for tab_h, out_h in ((t0_h, o0_h), (t1_h, o1_h), (t2_h, o2_h)):
        def in_desc(i, b, tab_h=tab_h):
            c0 = (wid + i * _NW) * _CW
            return pltpu.make_async_copy(
                tab_h.at[:, pl.ds(c0, _CW)], b2[b], si[b])

        def out_desc(i, b, out_h=out_h):
            c0 = (wid + i * _NW) * _CW
            return pltpu.make_async_copy(
                b1[b], out_h.at[pl.ds(c0 * _EMB, _CW * _EMB)], so[b])

        def transpose(b):
            stidx = mod8 * 17 + div8

            def body(q, c):
                c0 = q * 16
                for d in range(8):
                    st[pl.ds(d * 17, 16)] = b2[b][d, pl.ds(c0, 16)]
                for p in range(8):
                    v = plsc.load_gather(st, [stidx + 2 * p])
                    b1[b][pl.ds(c0 * _EMB + p * 16, 16)] = v
                return c
            lax.fori_loop(0, _CW // 16, body, 0)

        in_desc(0, 0).start()

        def step(i, c):
            for b in range(2):
                @pl.when(2 * i + b < n_own)
                def _(b=b, i=i):
                    ii = 2 * i + b
                    in_desc(ii, b).wait()
                    @pl.when(ii + 1 < n_own)
                    def _():
                        in_desc(ii + 1, 1 - b).start()
                    @pl.when(ii >= 2)
                    def _():
                        out_desc(ii - 2, b).wait()
                    transpose(b)
                    out_desc(ii, b).start()
            return c

        lax.fori_loop(0, (n_own + 1) // 2, step, 0)
        for b in range(2):
            @pl.when(n_own > b)
            def _(b=b):
                i_b = ((n_own - 1 - b) // 2) * 2 + b
                out_desc(i_b, b).wait()

        @pl.when(wid == _NW - 1)
        def _(tab_h=tab_h, out_h=out_h):
            c0 = _NBLK * _CW
            pltpu.make_async_copy(
                tab_h.at[:, pl.ds(c0, _TAILC)], bt, si[0]).start()
            pltpu.make_async_copy(
                tab_h.at[:, pl.ds(c0, _TAILC)], bt, si[0]).wait()
            def body(p, c):
                col = jnp.minimum(2 * p + div8, _TAILC - 1)
                v = plsc.load_gather(bt, [mod8, col])
                b1[0][pl.ds(p * 16, 16)] = v
                return c
            lax.fori_loop(0, (_TAILC * _EMB + 15) // 16, body, 0)
            pltpu.sync_copy(b1[0].at[pl.ds(0, _TAILC * _EMB)],
                            out_h.at[pl.ds(c0 * _EMB, _TAILC * _EMB)])


@functools.partial(
    pl.kernel,
    out_type=jax.ShapeDtypeStruct((48, _B), jnp.float32),
    mesh=plsc.VectorSubcoreMesh(core_axis_name="c", subcore_axis_name="s"),
    compiler_params=pltpu.CompilerParams(
        needs_layout_passes=False, use_tc_tiling_on_sc=False),
    scratch_types=(
        [pltpu.VMEM((_CHI,), jnp.int32) for _ in range(6)]
        + [pltpu.VMEM((_CHI,), jnp.float32) for _ in range(2)]
        + [pltpu.VMEM((_CHI, _EMB), jnp.float32) for _ in range(6)]
        + [pltpu.VMEM((48, _C), jnp.float32)]
        + [pltpu.SemaphoreType.DMA for _ in range(4)]
    ),
)
def _sc_pool(shp_h, clr_h, clu_h, msk_h, ts_h, tc_h, tu_h, out_h,
             i00, i01, i02, i10, i11, i12, m0, m1,
             d00, d01, d02, d10, d11, d12,
             out_v, sem_i0, sem_i1, sem_g0, sem_g1):
    wid = lax.axis_index("s") * _NC + lax.axis_index("c")
    base = wid * _RPW

    idx_hbm = (shp_h, clr_h, clu_h)
    tab_hbm = (ts_h, tc_h, tu_h)
    idx_v = ((i00, i01, i02), (i10, i11, i12))
    msk_v = (m0, m1)
    dat_v = ((d00, d01, d02), (d10, d11, d12))
    sems_i = (sem_i0, sem_i1)
    sems_g = (sem_g0, sem_g1)

    def in_descs(k, b):
        off = (base + k * _C) * _L
        ds = [pltpu.make_async_copy(idx_hbm[t].at[pl.ds(off, _CHI)],
                                    idx_v[b][t], sems_i[b]) for t in range(3)]
        ds.append(pltpu.make_async_copy(msk_h.at[pl.ds(off, _CHI)],
                                        msk_v[b], sems_i[b]))
        return ds

    _SUB = 128
    _NFULL = _CHI // _SUB
    _TAIL = _CHI - _NFULL * _SUB

    def _g_desc(b, t, off, n):
        return pltpu.make_async_copy(
            tab_hbm[t].at[idx_v[b][t].at[pl.ds(off, n)]],
            dat_v[b][t].at[pl.ds(off, n), :], sems_g[b])

    def start_gathers(b):
        def fire(s, c):
            for t in range(3):
                _g_desc(b, t, s * _SUB, _SUB).start()
            return c
        lax.fori_loop(0, _NFULL, fire, 0)
        for t in range(3):
            _g_desc(b, t, _NFULL * _SUB, _TAIL).start()

    def wait_gathers(b):
        def w(s, c):
            for t in range(3):
                _g_desc(b, t, 0, _SUB).wait()
            return c
        lax.fori_loop(0, _NFULL, w, 0)
        for t in range(3):
            _g_desc(b, t, 0, _TAIL).wait()

    def start(descs):
        for d in descs:
            d.start()

    def wait(descs):
        for d in descs:
            d.wait()

    iota = lax.iota(jnp.int32, 16)
    div8 = iota >> 3
    mod8 = iota & 7
    zero = jnp.zeros((16,), jnp.float32)

    def compute(k, b):
        def row_body(r, _):
            roff = r * _L

            def j_body(jc, accs):
                a0, a1, a2 = accs
                base = roff + 8 * jc + div8
                for u in range(4):
                    ridx = base + 2 * u
                    m = plsc.load_gather(msk_v[b], [ridx])
                    d0 = plsc.load_gather(dat_v[b][0], [ridx, mod8])
                    d1 = plsc.load_gather(dat_v[b][1], [ridx, mod8])
                    d2 = plsc.load_gather(dat_v[b][2], [ridx, mod8])
                    a0 = a0 + d0 * m
                    a1 = a1 + d1 * m
                    a2 = a2 + d2 * m
                return (a0, a1, a2)

            a0, a1, a2 = lax.fori_loop(0, _L // 8, j_body, (zero, zero, zero))
            rvec = (iota & 0) + r
            plsc.store_scatter(out_v, [iota, rvec], a0)
            plsc.store_scatter(out_v, [iota + 16, rvec], a1)
            plsc.store_scatter(out_v, [iota + 32, rvec], a2)
            return 0

        lax.fori_loop(0, _C, row_body, 0)
        pltpu.sync_copy(out_v, out_h.at[:, pl.ds(base + k * _C, _C)])

    start(in_descs(0, 0))
    wait(in_descs(0, 0))
    start_gathers(0)
    start(in_descs(1, 1))

    def chunk_pair(k2, carry):
        for par in range(2):
            k = 2 * k2 + par
            b, nb = par, 1 - par

            @pl.when(k + 1 < _NCHUNK)
            def _():
                wait(in_descs(k + 1, nb))
                start_gathers(nb)

            wait_gathers(b)
            compute(k, b)

            @pl.when(k + 2 < _NCHUNK)
            def _():
                start(in_descs(k + 2, b))
        return carry

    lax.fori_loop(0, _NCHUNK // 2, chunk_pair, 0)


_FOLD = np.zeros((48, 24), np.float32)
for _t in range(3):
    for _p in range(2):
        for _d in range(8):
            _FOLD[_t * 16 + _p * 8 + _d, _t * 8 + _d] = 1.0

_BM = 512


def _mlp_body(x_ref, m_ref, w1_ref, b1_ref, w2_ref, b2_ref, o_ref):
    x = x_ref[...]
    xw = jnp.dot(w1_ref[...], x, preferred_element_type=jnp.float32)
    msum = jnp.sum(m_ref[...], axis=0, keepdims=True)
    h = jnp.maximum(xw / msum + b1_ref[...], 0.0)
    o_ref[...] = jnp.dot(w2_ref[...], h, preferred_element_type=jnp.float32) + b2_ref[...]


def kernel(shp, clr, clust, mask, shape_table, color_table, cluster_table,
           W1, b1, W2, b2):
    f0, f1, f2 = _sc_compact(shape_table.T, color_table.T, cluster_table.T)
    x48t = _sc_pool(shp.reshape(-1), clr.reshape(-1), clust.reshape(-1),
                    mask.reshape(-1), f0.reshape(_NV, _EMB),
                    f1.reshape(_NV, _EMB), f2.reshape(_NV, _EMB))
    w1ft = (jnp.asarray(_FOLD) @ W1).T
    ncls = W2.shape[1]
    outt = pl.pallas_call(
        _mlp_body,
        grid=(_B // _BM,),
        in_specs=[
            pl.BlockSpec((48, _BM), lambda i: (0, i)),
            pl.BlockSpec((_L, _BM), lambda i: (0, i)),
            pl.BlockSpec((64, 48), lambda i: (0, 0)),
            pl.BlockSpec((64, 1), lambda i: (0, 0)),
            pl.BlockSpec((ncls, 64), lambda i: (0, 0)),
            pl.BlockSpec((ncls, 1), lambda i: (0, 0)),
        ],
        out_specs=pl.BlockSpec((ncls, _BM), lambda i: (0, i)),
        out_shape=jax.ShapeDtypeStruct((ncls, _B), jnp.float32),
    )(x48t, mask.T, w1ft, b1.reshape(-1, 1), W2.T, b2.reshape(-1, 1))
    return outt.T

# --- scband reference (transcript-rebuilt; emitter-appended) ---
"""Pipeline reference for scband-glyph-model-88648124990304 (READ-ONLY COPY).

The authoritative reference and input builder live on the scoring server;
editing this copy changes nothing except your own understanding.
"""

import jax, jax.numpy as jnp
import numpy as np

N_SHAPE = 1000000
N_COLOR = 1000000
N_CLUSTER = 1000000
N_CLS = 1000
EMB = 8
B = 16384
L = 200


def setup_inputs(seed: int = 0) -> dict:
    key = jax.random.key(seed)
    ks = jax.random.split(key, 12)
    shp = jax.random.randint(ks[0], (B, L), 0, N_SHAPE + 1, dtype=jnp.int32)
    clr = jax.random.randint(ks[1], (B, L), 0, N_COLOR + 1, dtype=jnp.int32)
    clust = jax.random.randint(ks[2], (B, L), 0, N_CLUSTER + 1, dtype=jnp.int32)
    mask = jax.random.uniform(ks[3], (B, L), dtype=jnp.float32, minval=0.01, maxval=1.0)
    # Embedding tables with padding_idx=0 (row 0 zeroed)
    shape_table = (jax.random.normal(ks[4], (N_SHAPE + 1, EMB), dtype=jnp.float32) * 0.02).at[0].set(0.0)
    color_table = (jax.random.normal(ks[5], (N_COLOR + 1, EMB), dtype=jnp.float32) * 0.02).at[0].set(0.0)
    cluster_table = (jax.random.normal(ks[6], (N_CLUSTER + 1, EMB), dtype=jnp.float32) * 0.02).at[0].set(0.0)
    # FF: Linear(emb*3 -> 64) -> ReLU -> Linear(64 -> n_cls); stored as [in, out]
    W1 = jax.random.normal(ks[7], (EMB * 3, 64), dtype=jnp.float32) * (1.0 / np.sqrt(EMB * 3))
    b1 = jnp.zeros((64,), dtype=jnp.float32)
    W2 = jax.random.normal(ks[8], (64, N_CLS), dtype=jnp.float32) * (1.0 / np.sqrt(64))
    b2 = jnp.zeros((N_CLS,), dtype=jnp.float32)
    return {"shp": shp, "clr": clr, "clust": clust, "mask": mask,
            "shape_table": shape_table, "color_table": color_table, "cluster_table": cluster_table,
            "W1": W1, "b1": b1, "W2": W2, "b2": b2}


def reference(shp, clr, clust, mask, shape_table, color_table, cluster_table, W1, b1, W2, b2):
    # embedding gathers (SparseCore-friendly)
    e = jnp.concatenate([
        jnp.take(shape_table, shp, axis=0),
        jnp.take(color_table, clr, axis=0),
        jnp.take(cluster_table, clust, axis=0),
    ], axis=-1)  # [B, L, 3*EMB]
    m = mask[..., None]  # [B, L, 1]
    pooled = (e * m).sum(axis=1) / m.sum(axis=1)  # [B, 3*EMB]
    h = jax.nn.relu(pooled @ W1 + b1)
    out = h @ W2 + b2
    return out

if __name__ == "__main__":
    import jax
    _d = setup_inputs()
    print(jax.jit(kernel)(*tuple(_d.values())))

</pallas_src>

<mosaic_0001>
#map = affine_map<(d0, d1) -> (0)>
#map1 = affine_map<(d0, d1) -> (0, 0)>
module attributes {stable_mosaic.version = 14 : i64} {
  func.func @_sc_pool(%arg0: i32, %arg1: i32, %arg2: memref<3276800xi32, #tpu.memory_space<hbm>>, %arg3: memref<3276800xi32, #tpu.memory_space<hbm>>, %arg4: memref<3276800xi32, #tpu.memory_space<hbm>>, %arg5: memref<3276800xf32, #tpu.memory_space<hbm>>, %arg6: memref<1000001x8xf32, #tpu.memory_space<hbm>>, %arg7: memref<1000001x8xf32, #tpu.memory_space<hbm>>, %arg8: memref<1000001x8xf32, #tpu.memory_space<hbm>>, %arg9: memref<48x16384xf32, #tpu.memory_space<hbm>>, %arg10: memref<1600xi32, #tpu.memory_space<vmem>>, %arg11: memref<1600xi32, #tpu.memory_space<vmem>>, %arg12: memref<1600xi32, #tpu.memory_space<vmem>>, %arg13: memref<1600xi32, #tpu.memory_space<vmem>>, %arg14: memref<1600xi32, #tpu.memory_space<vmem>>, %arg15: memref<1600xi32, #tpu.memory_space<vmem>>, %arg16: memref<1600xf32, #tpu.memory_space<vmem>>, %arg17: memref<1600xf32, #tpu.memory_space<vmem>>, %arg18: memref<1600x8xf32, #tpu.memory_space<vmem>>, %arg19: memref<1600x8xf32, #tpu.memory_space<vmem>>, %arg20: memref<1600x8xf32, #tpu.memory_space<vmem>>, %arg21: memref<1600x8xf32, #tpu.memory_space<vmem>>, %arg22: memref<1600x8xf32, #tpu.memory_space<vmem>>, %arg23: memref<1600x8xf32, #tpu.memory_space<vmem>>, %arg24: memref<48x8xf32, #tpu.memory_space<vmem>>, %arg25: memref<!tpu.dma_semaphore, #tpu.memory_space<semaphore_mem>>, %arg26: memref<!tpu.dma_semaphore, #tpu.memory_space<semaphore_mem>>, %arg27: memref<!tpu.dma_semaphore, #tpu.memory_space<semaphore_mem>>, %arg28: memref<!tpu.dma_semaphore, #tpu.memory_space<semaphore_mem>>) attributes {dimension_semantics = [#tpu.dimension_semantics<core_parallel>, #tpu.dimension_semantics<subcore_parallel>], iteration_bounds = array<i64: 2, 16>, scalar_prefetch = 0 : i64, scratch_operands = 19 : i64, tpu.core_type = #tpu.core_type<sc_vector_subcore>, window_params = [{transform_indices = #map}, {transform_indices = #map}, {transform_indices = #map}, {transform_indices = #map}, {transform_indices = #map1}, {transform_indices = #map1}, {transform_indices = #map1}, {transform_indices = #map1}]} {
    %mul3A = arith.constant 2 : i32
    %mul3A_0 = arith.muli %arg1, %mul3A : i32
    %add3A = arith.addi %mul3A_0, %arg0 : i32
    %mul3A_1 = arith.constant 512 : i32
    %mul3A_2 = arith.muli %add3A, %mul3A_1 : i32
    %iota3A = tpu.iota {dimensions = array<i32: 0>} : vector<16xi32>
    %shift_right_arithmetic3A = arith.constant 3 : i32
    %shift_right_arithmetic3A_3 = vector.broadcast %shift_right_arithmetic3A : i32 to vector<16xi32>
    %shift_right_arithmetic3A_4 = arith.shrsi %iota3A, %shift_right_arithmetic3A_3 : vector<16xi32>
    %and3A = arith.constant 7 : i32
    %and3A_5 = vector.broadcast %and3A : i32 to vector<16xi32>
    %and3A_6 = arith.andi %iota3A, %and3A_5 : vector<16xi32>
    %broadcast_in_dim3A = arith.constant 0.000000e+00 : f32
    %broadcast_in_dim3A_7 = vector.broadcast %broadcast_in_dim3A : f32 to vector<16xf32>
    %add3A_8 = arith.constant 0 : i32
    %add3A_9 = arith.addi %mul3A_2, %add3A_8 : i32
    %mul3A_10 = arith.constant 200 : i32
    %mul3A_11 = arith.muli %add3A_9, %mul3A_10 : i32
    %dma_start3A = tpu.memref_slice %arg2[%mul3A_11] : memref<3276800xi32, #tpu.memory_space<hbm>> -> memref<1600xi32, #tpu.memory_space<hbm>>
    %dma_start3A_12 = tpu.memref_slice %arg2[%mul3A_11] : memref<3276800xi32, #tpu.memory_space<hbm>> -> memref<1600xi32, #tpu.memory_space<hbm>>
    tpu.enqueue_dma source(%dma_start3A_12 : memref<1600xi32, #tpu.memory_space<hbm>>) target(%arg10 : memref<1600xi32, #tpu.memory_space<vmem>>) target_semaphore(%arg25 : memref<!tpu.dma_semaphore, #tpu.memory_space<semaphore_mem>>)
    %dma_start3A_13 = tpu.memref_slice %arg3[%mul3A_11] : memref<3276800xi32, #tpu.memory_space<hbm>> -> memref<1600xi32, #tpu.memory_space<hbm>>
    %dma_start3A_14 = tpu.memref_slice %arg3[%mul3A_11] : memref<3276800xi32, #tpu.memory_space<hbm>> -> memref<1600xi32, #tpu.memory_space<hbm>>
    tpu.enqueue_dma source(%dma_start3A_14 : memref<1600xi32, #tpu.memory_space<hbm>>) target(%arg11 : memref<1600xi32, #tpu.memory_space<vmem>>) target_semaphore(%arg25 : memref<!tpu.dma_semaphore, #tpu.memory_space<semaphore_mem>>)
    %dma_start3A_15 = tpu.memref_slice %arg4[%mul3A_11] : memref<3276800xi32, #tpu.memory_space<hbm>> -> memref<1600xi32, #tpu.memory_space<hbm>>
    %dma_start3A_16 = tpu.memref_slice %arg4[%mul3A_11] : memref<3276800xi32, #tpu.memory_space<hbm>> -> memref<1600xi32, #tpu.memory_space<hbm>>
    tpu.enqueue_dma source(%dma_start3A_16 : memref<1600xi32, #tpu.memory_space<hbm>>) target(%arg12 : memref<1600xi32, #tpu.memory_space<vmem>>) target_semaphore(%arg25 : memref<!tpu.dma_semaphore, #tpu.memory_space<semaphore_mem>>)
    %dma_start3A_17 = tpu.memref_slice %arg5[%mul3A_11] : memref<3276800xf32, #tpu.memory_space<hbm>> -> memref<1600xf32, #tpu.memory_space<hbm>>
    %dma_start3A_18 = tpu.memref_slice %arg5[%mul3A_11] : memref<3276800xf32, #tpu.memory_space<hbm>> -> memref<1600xf32, #tpu.memory_space<hbm>>
    tpu.enqueue_dma source(%dma_start3A_18 : memref<1600xf32, #tpu.memory_space<hbm>>) target(%arg16 : memref<1600xf32, #tpu.memory_space<vmem>>) target_semaphore(%arg25 : memref<!tpu.dma_semaphore, #tpu.memory_space<semaphore_mem>>)
    %add3A_19 = arith.constant 0 : i32
    %add3A_20 = arith.addi %mul3A_2, %add3A_19 : i32
    %mul3A_21 = arith.constant 200 : i32
    %mul3A_22 = arith.muli %add3A_20, %mul3A_21 : i32
    %dma_wait3A = tpu.memref_slice %arg2[%mul3A_22] : memref<3276800xi32, #tpu.memory_space<hbm>> -> memref<1600xi32, #tpu.memory_space<hbm>>
    %dma_wait3A_23 = tpu.memref_slice %arg2[%mul3A_22] : memref<3276800xi32, #tpu.memory_space<hbm>> -> memref<1600xi32, #tpu.memory_space<hbm>>
    tpu.wait_dma2 semaphore(%arg25 : memref<!tpu.dma_semaphore, #tpu.memory_space<semaphore_mem>>) src(%dma_wait3A_23 : memref<1600xi32, #tpu.memory_space<hbm>>) dst(%arg10 : memref<1600xi32, #tpu.memory_space<vmem>>)
    %dma_wait3A_24 = tpu.memref_slice %arg3[%mul3A_22] : memref<3276800xi32, #tpu.memory_space<hbm>> -> memref<1600xi32, #tpu.memory_space<hbm>>
    %dma_wait3A_25 = tpu.memref_slice %arg3[%mul3A_22] : memref<3276800xi32, #tpu.memory_space<hbm>> -> memref<1600xi32, #tpu.memory_space<hbm>>
    tpu.wait_dma2 semaphore(%arg25 : memref<!tpu.dma_semaphore, #tpu.memory_space<semaphore_mem>>) src(%dma_wait3A_25 : memref<1600xi32, #tpu.memory_space<hbm>>) dst(%arg11 : memref<1600xi32, #tpu.memory_space<vmem>>)
    %dma_wait3A_26 = tpu.memref_slice %arg4[%mul3A_22] : memref<3276800xi32, #tpu.memory_space<hbm>> -> memref<1600xi32, #tpu.memory_space<hbm>>
    %dma_wait3A_27 = tpu.memref_slice %arg4[%mul3A_22] : memref<3276800xi32, #tpu.memory_space<hbm>> -> memref<1600xi32, #tpu.memory_space<hbm>>
    tpu.wait_dma2 semaphore(%arg25 : memref<!tpu.dma_semaphore, #tpu.memory_space<semaphore_mem>>) src(%dma_wait3A_27 : memref<1600xi32, #tpu.memory_space<hbm>>) dst(%arg12 : memref<1600xi32, #tpu.memory_space<vmem>>)
    %dma_wait3A_28 = tpu.memref_slice %arg5[%mul3A_22] : memref<3276800xf32, #tpu.memory_space<hbm>> -> memref<1600xf32, #tpu.memory_space<hbm>>
    %dma_wait3A_29 = tpu.memref_slice %arg5[%mul3A_22] : memref<3276800xf32, #tpu.memory_space<hbm>> -> memref<1600xf32, #tpu.memory_space<hbm>>
    tpu.wait_dma2 semaphore(%arg25 : memref<!tpu.dma_semaphore, #tpu.memory_space<semaphore_mem>>) src(%dma_wait3A_29 : memref<1600xf32, #tpu.memory_space<hbm>>) dst(%arg16 : memref<1600xf32, #tpu.memory_space<vmem>>)
    %scan3A = arith.constant 0 : i32
    %scan3A_30 = arith.constant 0 : i32
    %scan3A_31 = arith.constant 12 : i32
    %scan3A_32 = arith.addi %scan3A_30, %scan3A_31 : i32
    %scan3A_33 = arith.constant 1 : i32
    scf.for %scan3A_77 = %scan3A_30 to %scan3A_32 step %scan3A_33  : i32 {
      %mul3A_78 = arith.constant 128 : i32
      %mul3A_79 = arith.muli %scan3A_77, %mul3A_78 : i32
      %dma_start3A_80 = arith.constant 0 : i32
      %dma_start3A_81 = tpu.memref_slice %arg18[%mul3A_79, %dma_start3A_80] : memref<1600x8xf32, #tpu.memory_space<vmem>> -> memref<128x8xf32, #tpu.memory_space<vmem>>
      %dma_start3A_82 = tpu.memref_slice %arg10[%mul3A_79] : memref<1600xi32, #tpu.memory_space<vmem>> -> memref<128xi32, #tpu.memory_space<vmem>>
      %dma_start3A_83 = arith.constant 0 : i32
      %dma_start3A_84 = arith.constant 0 : i32
      %dma_start3A_85 = tpu.memref_slice %arg6[%dma_start3A_83, %dma_start3A_84] : memref<1000001x8xf32, #tpu.memory_space<hbm>> -> memref<1000001x8xf32, #tpu.memory_space<hbm>>
      tpu.enqueue_indirect_dma source(%dma_start3A_85 : memref<1000001x8xf32, #tpu.memory_space<hbm>>) target(%dma_start3A_81 : memref<128x8xf32, #tpu.memory_space<vmem>>) offsets(%dma_start3A_82 : memref<128xi32, #tpu.memory_space<vmem>>) semaphore(%arg27 : memref<!tpu.dma_semaphore, #tpu.memory_space<semaphore_mem>>)
      %mul3A_86 = arith.constant 128 : i32
      %mul3A_87 = arith.muli %scan3A_77, %mul3A_86 : i32
      %dma_start3A_88 = arith.constant 0 : i32
      %dma_start3A_89 = tpu.memref_slice %arg19[%mul3A_87, %dma_start3A_88] : memref<1600x8xf32, #tpu.memory_space<vmem>> -> memref<128x8xf32, #tpu.memory_space<vmem>>
      %dma_start3A_90 = tpu.memref_slice %arg11[%mul3A_87] : memref<1600xi32, #tpu.memory_space<vmem>> -> memref<128xi32, #tpu.memory_space<vmem>>
      %dma_start3A_91 = arith.constant 0 : i32
      %dma_start3A_92 = arith.constant 0 : i32
      %dma_start3A_93 = tpu.memref_slice %arg7[%dma_start3A_91, %dma_start3A_92] : memref<1000001x8xf32, #tpu.memory_space<hbm>> -> memref<1000001x8xf32, #tpu.memory_space<hbm>>
      tpu.enqueue_indirect_dma source(%dma_start3A_93 : memref<1000001x8xf32, #tpu.memory_space<hbm>>) target(%dma_start3A_89 : memref<128x8xf32, #tpu.memory_space<vmem>>) offsets(%dma_start3A_90 : memref<128xi32, #tpu.memory_space<vmem>>) semaphore(%arg27 : memref<!tpu.dma_semaphore, #tpu.memory_space<semaphore_mem>>)
      %mul3A_94 = arith.constant 128 : i32
      %mul3A_95 = arith.muli %scan3A_77, %mul3A_94 : i32
      %dma_start3A_96 = arith.constant 0 : i32
      %dma_start3A_97 = tpu.memref_slice %arg20[%mul3A_95, %dma_start3A_96] : memref<1600x8xf32, #tpu.memory_space<vmem>> -> memref<128x8xf32, #tpu.memory_space<vmem>>
      %dma_start3A_98 = tpu.memref_slice %arg12[%mul3A_95] : memref<1600xi32, #tpu.memory_space<vmem>> -> memref<128xi32, #tpu.memory_space<vmem>>
      %dma_start3A_99 = arith.constant 0 : i32
      %dma_start3A_100 = arith.constant 0 : i32
      %dma_start3A_101 = tpu.memref_slice %arg8[%dma_start3A_99, %dma_start3A_100] : memref<1000001x8xf32, #tpu.memory_space<hbm>> -> memref<1000001x8xf32, #tpu.memory_space<hbm>>
      tpu.enqueue_indirect_dma source(%dma_start3A_101 : memref<1000001x8xf32, #tpu.memory_space<hbm>>) target(%dma_start3A_97 : memref<128x8xf32, #tpu.memory_space<vmem>>) offsets(%dma_start3A_98 : memref<128xi32, #tpu.memory_space<vmem>>) semaphore(%arg27 : memref<!tpu.dma_semaphore, #tpu.memory_space<semaphore_mem>>)
    }
    %scan3A_34 = arith.constant 12 : i32
    %dma_start3A_35 = arith.constant 1536 : i32
    %dma_start3A_36 = arith.constant 0 : i32
    %dma_start3A_37 = tpu.memref_slice %arg18[%dma_start3A_35, %dma_start3A_36] : memref<1600x8xf32, #tpu.memory_space<vmem>> -> memref<64x8xf32, #tpu.memory_space<vmem>>
    %dma_start3A_38 = arith.constant 1536 : i32
    %dma_start3A_39 = tpu.memref_slice %arg10[%dma_start3A_38] : memref<1600xi32, #tpu.memory_space<vmem>> -> memref<64xi32, #tpu.memory_space<vmem>>
    %dma_start3A_40 = arith.constant 0 : i32
    %dma_start3A_41 = arith.constant 0 : i32
    %dma_start3A_42 = tpu.memref_slice %arg6[%dma_start3A_40, %dma_start3A_41] : memref<1000001x8xf32, #tpu.memory_space<hbm>> -> memref<1000001x8xf32, #tpu.memory_space<hbm>>
    tpu.enqueue_indirect_dma source(%dma_start3A_42 : memref<1000001x8xf32, #tpu.memory_space<hbm>>) target(%dma_start3A_37 : memref<64x8xf32, #tpu.memory_space<vmem>>) offsets(%dma_start3A_39 : memref<64xi32, #tpu.memory_space<vmem>>) semaphore(%arg27 : memref<!tpu.dma_semaphore, #tpu.memory_space<semaphore_mem>>)
    %dma_start3A_43 = arith.constant 1536 : i32
    %dma_start3A_44 = arith.constant 0 : i32
    %dma_start3A_45 = tpu.memref_slice %arg19[%dma_start3A_43, %dma_start3A_44] : memref<1600x8xf32, #tpu.memory_space<vmem>> -> memref<64x8xf32, #tpu.memory_space<vmem>>
    %dma_start3A_46 = arith.constant 1536 : i32
    %dma_start3A_47 = tpu.memref_slice %arg11[%dma_start3A_46] : memref<1600xi32, #tpu.memory_space<vmem>> -> memref<64xi32, #tpu.memory_space<vmem>>
    %dma_start3A_48 = arith.constant 0 : i32
    %dma_start3A_49 = arith.constant 0 : i32
    %dma_start3A_50 = tpu.memref_slice %arg7[%dma_start3A_48, %dma_start3A_49] : memref<1000001x8xf32, #tpu.memory_space<hbm>> -> memref<1000001x8xf32, #tpu.memory_space<hbm>>
    tpu.enqueue_indirect_dma source(%dma_start3A_50 : memref<1000001x8xf32, #tpu.memory_space<hbm>>) target(%dma_start3A_45 : memref<64x8xf32, #tpu.memory_space<vmem>>) offsets(%dma_start3A_47 : memref<64xi32, #tpu.memory_space<vmem>>) semaphore(%arg27 : memref<!tpu.dma_semaphore, #tpu.memory_space<semaphore_mem>>)
    %dma_start3A_51 = arith.constant 1536 : i32
    %dma_start3A_52 = arith.constant 0 : i32
    %dma_start3A_53 = tpu.memref_slice %arg20[%dma_start3A_51, %dma_start3A_52] : memref<1600x8xf32, #tpu.memory_space<vmem>> -> memref<64x8xf32, #tpu.memory_space<vmem>>
    %dma_start3A_54 = arith.constant 1536 : i32
    %dma_start3A_55 = tpu.memref_slice %arg12[%dma_start3A_54] : memref<1600xi32, #tpu.memory_space<vmem>> -> memref<64xi32, #tpu.memory_space<vmem>>
    %dma_start3A_56 = arith.constant 0 : i32
    %dma_start3A_57 = arith.constant 0 : i32
    %dma_start3A_58 = tpu.memref_slice %arg8[%dma_start3A_56, %dma_start3A_57] : memref<1000001x8xf32, #tpu.memory_space<hbm>> -> memref<1000001x8xf32, #tpu.memory_space<hbm>>
    tpu.enqueue_indirect_dma source(%dma_start3A_58 : memref<1000001x8xf32, #tpu.memory_space<hbm>>) target(%dma_start3A_53 : memref<64x8xf32, #tpu.memory_space<vmem>>) offsets(%dma_start3A_55 : memref<64xi32, #tpu.memory_space<vmem>>) semaphore(%arg27 : memref<!tpu.dma_semaphore, #tpu.memory_space<semaphore_mem>>)
    %add3A_59 = arith.constant 8 : i32
    %add3A_60 = arith.addi %mul3A_2, %add3A_59 : i32
    %mul3A_61 = arith.constant 200 : i32
    %mul3A_62 = arith.muli %add3A_60, %mul3A_61 : i32
    %dma_start3A_63 = tpu.memref_slice %arg2[%mul3A_62] : memref<3276800xi32, #tpu.memory_space<hbm>> -> memref<1600xi32, #tpu.memory_space<hbm>>
    %dma_start3A_64 = tpu.memref_slice %arg2[%mul3A_62] : memref<3276800xi32, #tpu.memory_space<hbm>> -> memref<1600xi32, #tpu.memory_space<hbm>>
    tpu.enqueue_dma source(%dma_start3A_64 : memref<1600xi32, #tpu.memory_space<hbm>>) target(%arg13 : memref<1600xi32, #tpu.memory_space<vmem>>) target_semaphore(%arg26 : memref<!tpu.dma_semaphore, #tpu.memory_space<semaphore_mem>>)
    %dma_start3A_65 = tpu.memref_slice %arg3[%mul3A_62] : memref<3276800xi32, #tpu.memory_space<hbm>> -> memref<1600xi32, #tpu.memory_space<hbm>>
    %dma_start3A_66 = tpu.memref_slice %arg3[%mul3A_62] : memref<3276800xi32, #tpu.memory_space<hbm>> -> memref<1600xi32, #tpu.memory_space<hbm>>
    tpu.enqueue_dma source(%dma_start3A_66 : memref<1600xi32, #tpu.memory_space<hbm>>) target(%arg14 : memref<1600xi32, #tpu.memory_space<vmem>>) target_semaphore(%arg26 : memref<!tpu.dma_semaphore, #tpu.memory_space<semaphore_mem>>)
    %dma_start3A_67 = tpu.memref_slice %arg4[%mul3A_62] : memref<3276800xi32, #tpu.memory_space<hbm>> -> memref<1600xi32, #tpu.memory_space<hbm>>
    %dma_start3A_68 = tpu.memref_slice %arg4[%mul3A_62] : memref<3276800xi32, #tpu.memory_space<hbm>> -> memref<1600xi32, #tpu.memory_space<hbm>>
    tpu.enqueue_dma source(%dma_start3A_68 : memref<1600xi32, #tpu.memory_space<hbm>>) target(%arg15 : memref<1600xi32, #tpu.memory_space<vmem>>) target_semaphore(%arg26 : memref<!tpu.dma_semaphore, #tpu.memory_space<semaphore_mem>>)
    %dma_start3A_69 = tpu.memref_slice %arg5[%mul3A_62] : memref<3276800xf32, #tpu.memory_space<hbm>> -> memref<1600xf32, #tpu.memory_space<hbm>>
    %dma_start3A_70 = tpu.memref_slice %arg5[%mul3A_62] : memref<3276800xf32, #tpu.memory_space<hbm>> -> memref<1600xf32, #tpu.memory_space<hbm>>
    tpu.enqueue_dma source(%dma_start3A_70 : memref<1600xf32, #tpu.memory_space<hbm>>) target(%arg17 : memref<1600xf32, #tpu.memory_space<vmem>>) target_semaphore(%arg26 : memref<!tpu.dma_semaphore, #tpu.memory_space<semaphore_mem>>)
    %scan3A_71 = arith.constant 0 : i32
    %scan3A_72 = arith.constant 0 : i32
    %scan3A_73 = arith.constant 32 : i32
    %scan3A_74 = arith.addi %scan3A_72, %scan3A_73 : i32
    %scan3A_75 = arith.constant 1 : i32
    scf.for %scan3A_77 = %scan3A_72 to %scan3A_74 step %scan3A_75  : i32 {
      %mul3A_78 = arith.constant 2 : i32
      %mul3A_79 = arith.muli %mul3A_78, %scan3A_77 : i32
      %add3A_80 = arith.constant 0 : i32
      %add3A_81 = arith.addi %mul3A_79, %add3A_80 : i32
      %add3A_82 = arith.constant 1 : i32
      %add3A_83 = arith.addi %add3A_81, %add3A_82 : i32
      %lt3A = arith.constant 64 : i32
      %lt3A_84 = arith.cmpi slt, %add3A_83, %lt3A : i32
      %convert_element_type3A = arith.extui %lt3A_84 : i1 to i32
      %cond3A = arith.constant 0 : i32
      %cond3A_85 = arith.cmpi ne, %convert_element_type3A, %cond3A : i32
      scf.if %cond3A_85 {
        %add3A_191 = arith.constant 1 : i32
        %add3A_192 = arith.addi %add3A_81, %add3A_191 : i32
        %mul3A_193 = arith.constant 8 : i32
        %mul3A_194 = arith.muli %add3A_192, %mul3A_193 : i32
        %add3A_195 = arith.addi %mul3A_2, %mul3A_194 : i32
        %mul3A_196 = arith.constant 200 : i32
        %mul3A_197 = arith.muli %add3A_195, %mul3A_196 : i32
        %dma_wait3A_198 = tpu.memref_slice %arg2[%mul3A_197] : memref<3276800xi32, #tpu.memory_space<hbm>> -> memref<1600xi32, #tpu.memory_space<hbm>>
        %dma_wait3A_199 = tpu.memref_slice %arg2[%mul3A_197] : memref<3276800xi32, #tpu.memory_space<hbm>> -> memref<1600xi32, #tpu.memory_space<hbm>>
        tpu.wait_dma2 semaphore(%arg26 : memref<!tpu.dma_semaphore, #tpu.memory_space<semaphore_mem>>) src(%dma_wait3A_199 : memref<1600xi32, #tpu.memory_space<hbm>>) dst(%arg13 : memref<1600xi32, #tpu.memory_space<vmem>>)
        %dma_wait3A_200 = tpu.memref_slice %arg3[%mul3A_197] : memref<3276800xi32, #tpu.memory_space<hbm>> -> memref<1600xi32, #tpu.memory_space<hbm>>
        %dma_wait3A_201 = tpu.memref_slice %arg3[%mul3A_197] : memref<3276800xi32, #tpu.memory_space<hbm>> -> memref<1600xi32, #tpu.memory_space<hbm>>
        tpu.wait_dma2 semaphore(%arg26 : memref<!tpu.dma_semaphore, #tpu.memory_space<semaphore_mem>>) src(%dma_wait3A_201 : memref<1600xi32, #tpu.memory_space<hbm>>) dst(%arg14 : memref<1600xi32, #tpu.memory_space<vmem>>)
        %dma_wait3A_202 = tpu.memref_slice %arg4[%mul3A_197] : memref<3276800xi32, #tpu.memory_space<hbm>> -> memref<1600xi32, #tpu.memory_space<hbm>>
        %dma_wait3A_203 = tpu.memref_slice %arg4[%mul3A_197] : memref<3276800xi32, #tpu.memory_space<hbm>> -> memref<1600xi32, #tpu.memory_space<hbm>>
        tpu.wait_dma2 semaphore(%arg26 : memref<!tpu.dma_semaphore, #tpu.memory_space<semaphore_mem>>) src(%dma_wait3A_203 : memref<1600xi32, #tpu.memory_space<hbm>>) dst(%arg15 : memref<1600xi32, #tpu.memory_space<vmem>>)
        %dma_wait3A_204 = tpu.memref_slice %arg5[%mul3A_197] : memref<3276800xf32, #tpu.memory_space<hbm>> -> memref<1600xf32, #tpu.memory_space<hbm>>
        %dma_wait3A_205 = tpu.memref_slice %arg5[%mul3A_197] : memref<3276800xf32, #tpu.memory_space<hbm>> -> memref<1600xf32, #tpu.memory_space<hbm>>
        tpu.wait_dma2 semaphore(%arg26 : memref<!tpu.dma_semaphore, #tpu.memory_space<semaphore_mem>>) src(%dma_wait3A_205 : memref<1600xf32, #tpu.memory_space<hbm>>) dst(%arg17 : memref<1600xf32, #tpu.memory_space<vmem>>)
        %scan3A_206 = arith.constant 0 : i32
        %scan3A_207 = arith.constant 0 : i32
        %scan3A_208 = arith.constant 12 : i32
        %scan3A_209 = arith.addi %scan3A_207, %scan3A_208 : i32
        %scan3A_210 = arith.constant 1 : i32
        scf.for %scan3A_236 = %scan3A_207 to %scan3A_209 step %scan3A_210  : i32 {
          %mul3A_237 = arith.constant 128 : i32
          %mul3A_238 = arith.muli %scan3A_236, %mul3A_237 : i32
          %dma_start3A_239 = arith.constant 0 : i32
          %dma_start3A_240 = tpu.memref_slice %arg21[%mul3A_238, %dma_start3A_239] : memref<1600x8xf32, #tpu.memory_space<vmem>> -> memref<128x8xf32, #tpu.memory_space<vmem>>
          %dma_start3A_241 = tpu.memref_slice %arg13[%mul3A_238] : memref<1600xi32, #tpu.memory_space<vmem>> -> memref<128xi32, #tpu.memory_space<vmem>>
          %dma_start3A_242 = arith.constant 0 : i32
          %dma_start3A_243 = arith.constant 0 : i32
          %dma_start3A_244 = tpu.memref_slice %arg6[%dma_start3A_242, %dma_start3A_243] : memref<1000001x8xf32, #tpu.memory_space<hbm>> -> memref<1000001x8xf32, #tpu.memory_space<hbm>>
          tpu.enqueue_indirect_dma source(%dma_start3A_244 : memref<1000001x8xf32, #tpu.memory_space<hbm>>) target(%dma_start3A_240 : memref<128x8xf32, #tpu.memory_space<vmem>>) offsets(%dma_start3A_241 : memref<128xi32, #tpu.memory_space<vmem>>) semaphore(%arg28 : memref<!tpu.dma_semaphore, #tpu.memory_space<semaphore_mem>>)
          %mul3A_245 = arith.constant 128 : i32
          %mul3A_246 = arith.muli %scan3A_236, %mul3A_245 : i32
          %dma_start3A_247 = arith.constant 0 : i32
          %dma_start3A_248 = tpu.memref_slice %arg22[%mul3A_246, %dma_start3A_247] : memref<1600x8xf32, #tpu.memory_space<vmem>> -> memref<128x8xf32, #tpu.memory_space<vmem>>
          %dma_start3A_249 = tpu.memref_slice %arg14[%mul3A_246] : memref<1600xi32, #tpu.memory_space<vmem>> -> memref<128xi32, #tpu.memory_space<vmem>>
          %dma_start3A_250 = arith.constant 0 : i32
          %dma_start3A_251 = arith.constant 0 : i32
          %dma_start3A_252 = tpu.memref_slice %arg7[%dma_start3A_250, %dma_start3A_251] : memref<1000001x8xf32, #tpu.memory_space<hbm>> -> memref<1000001x8xf32, #tpu.memory_space<hbm>>
          tpu.enqueue_indirect_dma source(%dma_start3A_252 : memref<1000001x8xf32, #tpu.memory_space<hbm>>) target(%dma_start3A_248 : memref<128x8xf32, #tpu.memory_space<vmem>>) offsets(%dma_start3A_249 : memref<128xi32, #tpu.memory_space<vmem>>) semaphore(%arg28 : memref<!tpu.dma_semaphore, #tpu.memory_space<semaphore_mem>>)
          %mul3A_253 = arith.constant 128 : i32
          %mul3A_254 = arith.muli %scan3A_236, %mul3A_253 : i32
          %dma_start3A_255 = arith.constant 0 : i32
          %dma_start3A_256 = tpu.memref_slice %arg23[%mul3A_254, %dma_start3A_255] : memref<1600x8xf32, #tpu.memory_space<vmem>> -> memref<128x8xf32, #tpu.memory_space<vmem>>
          %dma_start3A_257 = tpu.memref_slice %arg15[%mul3A_254] : memref<1600xi32, #tpu.memory_space<vmem>> -> memref<128xi32, #tpu.memory_space<vmem>>
          %dma_start3A_258 = arith.constant 0 : i32
          %dma_start3A_259 = arith.constant 0 : i32
          %dma_start3A_260 = tpu.memref_slice %arg8[%dma_start3A_258, %dma_start3A_259] : memref<1000001x8xf32, #tpu.memory_space<hbm>> -> memref<1000001x8xf32, #tpu.memory_space<hbm>>
          tpu.enqueue_indirect_dma source(%dma_start3A_260 : memref<1000001x8xf32, #tpu.memory_space<hbm>>) target(%dma_start3A_256 : memref<128x8xf32, #tpu.memory_space<vmem>>) offsets(%dma_start3A_257 : memref<128xi32, #tpu.memory_space<vmem>>) semaphore(%arg28 : memref<!tpu.dma_semaphore, #tpu.memory_space<semaphore_mem>>)
        }
        %scan3A_211 = arith.constant 12 : i32
        %dma_start3A_212 = arith.constant 1536 : i32
        %dma_start3A_213 = arith.constant 0 : i32
        %dma_start3A_214 = tpu.memref_slice %arg21[%dma_start3A_212, %dma_start3A_213] : memref<1600x8xf32, #tpu.memory_space<vmem>> -> memref<64x8xf32, #tpu.memory_space<vmem>>
        %dma_start3A_215 = arith.constant 1536 : i32
        %dma_start3A_216 = tpu.memref_slice %arg13[%dma_start3A_215] : memref<1600xi32, #tpu.memory_space<vmem>> -> memref<64xi32, #tpu.memory_space<vmem>>
        %dma_start3A_217 = arith.constant 0 : i32
        %dma_start3A_218 = arith.constant 0 : i32
        %dma_start3A_219 = tpu.memref_slice %arg6[%dma_start3A_217, %dma_start3A_218] : memref<1000001x8xf32, #tpu.memory_space<hbm>> -> memref<1000001x8xf32, #tpu.memory_space<hbm>>
        tpu.enqueue_indirect_dma source(%dma_start3A_219 : memref<1000001x8xf32, #tpu.memory_space<hbm>>) target(%dma_start3A_214 : memref<64x8xf32, #tpu.memory_space<vmem>>) offsets(%dma_start3A_216 : memref<64xi32, #tpu.memory_space<vmem>>) semaphore(%arg28 : memref<!tpu.dma_semaphore, #tpu.memory_space<semaphore_mem>>)
        %dma_start3A_220 = arith.constant 1536 : i32
        %dma_start3A_221 = arith.constant 0 : i32
        %dma_start3A_222 = tpu.memref_slice %arg22[%dma_start3A_220, %dma_start3A_221] : memref<1600x8xf32, #tpu.memory_space<vmem>> -> memref<64x8xf32, #tpu.memory_space<vmem>>
        %dma_start3A_223 = arith.constant 1536 : i32
        %dma_start3A_224 = tpu.memref_slice %arg14[%dma_start3A_223] : memref<1600xi32, #tpu.memory_space<vmem>> -> memref<64xi32, #tpu.memory_space<vmem>>
        %dma_start3A_225 = arith.constant 0 : i32
        %dma_start3A_226 = arith.constant 0 : i32
        %dma_start3A_227 = tpu.memref_slice %arg7[%dma_start3A_225, %dma_start3A_226] : memref<1000001x8xf32, #tpu.memory_space<hbm>> -> memref<1000001x8xf32, #tpu.memory_space<hbm>>
        tpu.enqueue_indirect_dma source(%dma_start3A_227 : memref<1000001x8xf32, #tpu.memory_space<hbm>>) target(%dma_start3A_222 : memref<64x8xf32, #tpu.memory_space<vmem>>) offsets(%dma_start3A_224 : memref<64xi32, #tpu.memory_space<vmem>>) semaphore(%arg28 : memref<!tpu.dma_semaphore, #tpu.memory_space<semaphore_mem>>)
        %dma_start3A_228 = arith.constant 1536 : i32
        %dma_start3A_229 = arith.constant 0 : i32
        %dma_start3A_230 = tpu.memref_slice %arg23[%dma_start3A_228, %dma_start3A_229] : memref<1600x8xf32, #tpu.memory_space<vmem>> -> memref<64x8xf32, #tpu.memory_space<vmem>>
        %dma_start3A_231 = arith.constant 1536 : i32
        %dma_start3A_232 = tpu.memref_slice %arg15[%dma_start3A_231] : memref<1600xi32, #tpu.memory_space<vmem>> -> memref<64xi32, #tpu.memory_space<vmem>>
        %dma_start3A_233 = arith.constant 0 : i32
        %dma_start3A_234 = arith.constant 0 : i32
        %dma_start3A_235 = tpu.memref_slice %arg8[%dma_start3A_233, %dma_start3A_234] : memref<1000001x8xf32, #tpu.memory_space<hbm>> -> memref<1000001x8xf32, #tpu.memory_space<hbm>>
        tpu.enqueue_indirect_dma source(%dma_start3A_235 : memref<1000001x8xf32, #tpu.memory_space<hbm>>) target(%dma_start3A_230 : memref<64x8xf32, #tpu.memory_space<vmem>>) offsets(%dma_start3A_232 : memref<64xi32, #tpu.memory_space<vmem>>) semaphore(%arg28 : memref<!tpu.dma_semaphore, #tpu.memory_space<semaphore_mem>>)
      } else {
      }
      %scan3A_86 = arith.constant 0 : i32
      %scan3A_87 = arith.constant 0 : i32
      %scan3A_88 = arith.constant 12 : i32
      %scan3A_89 = arith.addi %scan3A_87, %scan3A_88 : i32
      %scan3A_90 = arith.constant 1 : i32
      scf.for %scan3A_191 = %scan3A_87 to %scan3A_89 step %scan3A_90  : i32 {
        %dma_wait3A_192 = arith.constant 0 : i32
        %dma_wait3A_193 = arith.constant 0 : i32
        %dma_wait3A_194 = tpu.memref_slice %arg18[%dma_wait3A_192, %dma_wait3A_193] : memref<1600x8xf32, #tpu.memory_space<vmem>> -> memref<128x8xf32, #tpu.memory_space<vmem>>
        %dma_wait3A_195 = arith.constant 0 : i32
        %dma_wait3A_196 = tpu.memref_slice %arg10[%dma_wait3A_195] : memref<1600xi32, #tpu.memory_space<vmem>> -> memref<128xi32, #tpu.memory_space<vmem>>
        %dma_wait3A_197 = arith.constant 0 : i32
        %dma_wait3A_198 = arith.constant 0 : i32
        %dma_wait3A_199 = tpu.memref_slice %arg6[%dma_wait3A_197, %dma_wait3A_198] : memref<1000001x8xf32, #tpu.memory_space<hbm>> -> memref<1000001x8xf32, #tpu.memory_space<hbm>>
        tpu.wait_indirect_dma semaphore(%arg27 : memref<!tpu.dma_semaphore, #tpu.memory_space<semaphore_mem>>) src(%dma_wait3A_199 : memref<1000001x8xf32, #tpu.memory_space<hbm>>) dst(%dma_wait3A_194 : memref<128x8xf32, #tpu.memory_space<vmem>>)
        %dma_wait3A_200 = arith.constant 0 : i32
        %dma_wait3A_201 = arith.constant 0 : i32
        %dma_wait3A_202 = tpu.memref_slice %arg19[%dma_wait3A_200, %dma_wait3A_201] : memref<1600x8xf32, #tpu.memory_space<vmem>> -> memref<128x8xf32, #tpu.memory_space<vmem>>
        %dma_wait3A_203 = arith.constant 0 : i32
        %dma_wait3A_204 = tpu.memref_slice %arg11[%dma_wait3A_203] : memref<1600xi32, #tpu.memory_space<vmem>> -> memref<128xi32, #tpu.memory_space<vmem>>
        %dma_wait3A_205 = arith.constant 0 : i32
        %dma_wait3A_206 = arith.constant 0 : i32
        %dma_wait3A_207 = tpu.memref_slice %arg7[%dma_wait3A_205, %dma_wait3A_206] : memref<1000001x8xf32, #tpu.memory_space<hbm>> -> memref<1000001x8xf32, #tpu.memory_space<hbm>>
        tpu.wait_indirect_dma semaphore(%arg27 : memref<!tpu.dma_semaphore, #tpu.memory_space<semaphore_mem>>) src(%dma_wait3A_207 : memref<1000001x8xf32, #tpu.memory_space<hbm>>) dst(%dma_wait3A_202 : memref<128x8xf32, #tpu.memory_space<vmem>>)
        %dma_wait3A_208 = arith.constant 0 : i32
        %dma_wait3A_209 = arith.constant 0 : i32
        %dma_wait3A_210 = tpu.memref_slice %arg20[%dma_wait3A_208, %dma_wait3A_209] : memref<1600x8xf32, #tpu.memory_space<vmem>> -> memref<128x8xf32, #tpu.memory_space<vmem>>
        %dma_wait3A_211 = arith.constant 0 : i32
        %dma_wait3A_212 = tpu.memref_slice %arg12[%dma_wait3A_211] : memref<1600xi32, #tpu.memory_space<vmem>> -> memref<128xi32, #tpu.memory_space<vmem>>
        %dma_wait3A_213 = arith.constant 0 : i32
        %dma_wait3A_214 = arith.constant 0 : i32
        %dma_wait3A_215 = tpu.memref_slice %arg8[%dma_wait3A_213, %dma_wait3A_214] : memref<1000001x8xf32, #tpu.memory_space<hbm>> -> memref<1000001x8xf32, #tpu.memory_space<hbm>>
        tpu.wait_indirect_dma semaphore(%arg27 : memref<!tpu.dma_semaphore, #tpu.memory_space<semaphore_mem>>) src(%dma_wait3A_215 : memref<1000001x8xf32, #tpu.memory_space<hbm>>) dst(%dma_wait3A_210 : memref<128x8xf32, #tpu.memory_space<vmem>>)
      }
      %scan3A_91 = arith.constant 12 : i32
      %dma_wait3A_92 = arith.constant 0 : i32
      %dma_wait3A_93 = arith.constant 0 : i32
      %dma_wait3A_94 = tpu.memref_slice %arg18[%dma_wait3A_92, %dma_wait3A_93] : memref<1600x8xf32, #tpu.memory_space<vmem>> -> memref<64x8xf32, #tpu.memory_space<vmem>>
      %dma_wait3A_95 = arith.constant 0 : i32
      %dma_wait3A_96 = tpu.memref_slice %arg10[%dma_wait3A_95] : memref<1600xi32, #tpu.memory_space<vmem>> -> memref<64xi32, #tpu.memory_space<vmem>>
      %dma_wait3A_97 = arith.constant 0 : i32
      %dma_wait3A_98 = arith.constant 0 : i32
      %dma_wait3A_99 = tpu.memref_slice %arg6[%dma_wait3A_97, %dma_wait3A_98] : memref<1000001x8xf32, #tpu.memory_space<hbm>> -> memref<1000001x8xf32, #tpu.memory_space<hbm>>
      tpu.wait_indirect_dma semaphore(%arg27 : memref<!tpu.dma_semaphore, #tpu.memory_space<semaphore_mem>>) src(%dma_wait3A_99 : memref<1000001x8xf32, #tpu.memory_space<hbm>>) dst(%dma_wait3A_94 : memref<64x8xf32, #tpu.memory_space<vmem>>)
      %dma_wait3A_100 = arith.constant 0 : i32
      %dma_wait3A_101 = arith.constant 0 : i32
      %dma_wait3A_102 = tpu.memref_slice %arg19[%dma_wait3A_100, %dma_wait3A_101] : memref<1600x8xf32, #tpu.memory_space<vmem>> -> memref<64x8xf32, #tpu.memory_space<vmem>>
      %dma_wait3A_103 = arith.constant 0 : i32
      %dma_wait3A_104 = tpu.memref_slice %arg11[%dma_wait3A_103] : memref<1600xi32, #tpu.memory_space<vmem>> -> memref<64xi32, #tpu.memory_space<vmem>>
      %dma_wait3A_105 = arith.constant 0 : i32
      %dma_wait3A_106 = arith.constant 0 : i32
      %dma_wait3A_107 = tpu.memref_slice %arg7[%dma_wait3A_105, %dma_wait3A_106] : memref<1000001x8xf32, #tpu.memory_space<hbm>> -> memref<1000001x8xf32, #tpu.memory_space<hbm>>
      tpu.wait_indirect_dma semaphore(%arg27 : memref<!tpu.dma_semaphore, #tpu.memory_space<semaphore_mem>>) src(%dma_wait3A_107 : memref<1000001x8xf32, #tpu.memory_space<hbm>>) dst(%dma_wait3A_102 : memref<64x8xf32, #tpu.memory_space<vmem>>)
      %dma_wait3A_108 = arith.constant 0 : i32
      %dma_wait3A_109 = arith.constant 0 : i32
      %dma_wait3A_110 = tpu.memref_slice %arg20[%dma_wait3A_108, %dma_wait3A_109] : memref<1600x8xf32, #tpu.memory_space<vmem>> -> memref<64x8xf32, #tpu.memory_space<vmem>>
      %dma_wait3A_111 = arith.constant 0 : i32
      %dma_wait3A_112 = tpu.memref_slice %arg12[%dma_wait3A_111] : memref<1600xi32, #tpu.memory_space<vmem>> -> memref<64xi32, #tpu.memory_space<vmem>>
      %dma_wait3A_113 = arith.constant 0 : i32
      %dma_wait3A_114 = arith.constant 0 : i32
      %dma_wait3A_115 = tpu.memref_slice %arg8[%dma_wait3A_113, %dma_wait3A_114] : memref<1000001x8xf32, #tpu.memory_space<hbm>> -> memref<1000001x8xf32, #tpu.memory_space<hbm>>
      tpu.wait_indirect_dma semaphore(%arg27 : memref<!tpu.dma_semaphore, #tpu.memory_space<semaphore_mem>>) src(%dma_wait3A_115 : memref<1000001x8xf32, #tpu.memory_space<hbm>>) dst(%dma_wait3A_110 : memref<64x8xf32, #tpu.memory_space<vmem>>)
      %scan3A_116 = arith.constant 0 : i32
      %scan3A_117 = arith.constant 0 : i32
      %scan3A_118 = arith.constant 8 : i32
      %scan3A_119 = arith.addi %scan3A_117, %scan3A_118 : i32
      %scan3A_120 = arith.constant 1 : i32
      %scan3A_121 = scf.for %scan3A_191 = %scan3A_117 to %scan3A_119 step %scan3A_120 iter_args(%scan3A_192 = %scan3A_116) -> (i32)  : i32 {
        %mul3A_193 = arith.constant 200 : i32
        %mul3A_194 = arith.muli %scan3A_191, %mul3A_193 : i32
        %scan3A_195 = arith.constant 0 : i32
        %scan3A_196 = arith.constant 25 : i32
        %scan3A_197 = arith.addi %scan3A_195, %scan3A_196 : i32
        %scan3A_198 = arith.constant 1 : i32
        %scan3A_199:3 = scf.for %scan3A_213 = %scan3A_195 to %scan3A_197 step %scan3A_198 iter_args(%scan3A_214 = %broadcast_in_dim3A_7, %scan3A_215 = %broadcast_in_dim3A_7, %scan3A_216 = %broadcast_in_dim3A_7) -> (vector<16xf32>, vector<16xf32>, vector<16xf32>)  : i32 {
          %mul3A_217 = arith.constant 8 : i32
          %mul3A_218 = arith.muli %mul3A_217, %scan3A_213 : i32
          %add3A_219 = arith.addi %mul3A_194, %mul3A_218 : i32
          %add3A_220 = vector.broadcast %add3A_219 : i32 to vector<16xi32>
          %add3A_221 = arith.addi %add3A_220, %shift_right_arithmetic3A_4 : vector<16xi32>
          %add3A_222 = arith.constant 0 : i32
          %add3A_223 = vector.broadcast %add3A_222 : i32 to vector<16xi32>
          %add3A_224 = arith.addi %add3A_221, %add3A_223 : vector<16xi32>
          %gather3A = tpu.vector_load_idx %arg16[%add3A_224] : memref<1600xf32, #tpu.memory_space<vmem>>[vector<16xi32>], vector<16xf32>,
          %gather3A_225 = tpu.vector_load_idx %arg18[%add3A_224, %and3A_6] : memref<1600x8xf32, #tpu.memory_space<vmem>>[vector<16xi32>, vector<16xi32>], vector<16xf32>,
          %gather3A_226 = tpu.vector_load_idx %arg19[%add3A_224, %and3A_6] : memref<1600x8xf32, #tpu.memory_space<vmem>>[vector<16xi32>, vector<16xi32>], vector<16xf32>,
          %gather3A_227 = tpu.vector_load_idx %arg20[%add3A_224, %and3A_6] : memref<1600x8xf32, #tpu.memory_space<vmem>>[vector<16xi32>, vector<16xi32>], vector<16xf32>,
          %mul3A_228 = arith.mulf %gather3A_225, %gather3A : vector<16xf32>
          %add3A_229 = arith.addf %scan3A_214, %mul3A_228 : vector<16xf32>
          %mul3A_230 = arith.mulf %gather3A_226, %gather3A : vector<16xf32>
          %add3A_231 = arith.addf %scan3A_215, %mul3A_230 : vector<16xf32>
          %mul3A_232 = arith.mulf %gather3A_227, %gather3A : vector<16xf32>
          %add3A_233 = arith.addf %scan3A_216, %mul3A_232 : vector<16xf32>
          %add3A_234 = arith.constant 2 : i32
          %add3A_235 = vector.broadcast %add3A_234 : i32 to vector<16xi32>
          %add3A_236 = arith.addi %add3A_221, %add3A_235 : vector<16xi32>
          %gather3A_237 = tpu.vector_load_idx %arg16[%add3A_236] : memref<1600xf32, #tpu.memory_space<vmem>>[vector<16xi32>], vector<16xf32>,
          %gather3A_238 = tpu.vector_load_idx %arg18[%add3A_236, %and3A_6] : memref<1600x8xf32, #tpu.memory_space<vmem>>[vector<16xi32>, vector<16xi32>], vector<16xf32>,
          %gather3A_239 = tpu.vector_load_idx %arg19[%add3A_236, %and3A_6] : memref<1600x8xf32, #tpu.memory_space<vmem>>[vector<16xi32>, vector<16xi32>], vector<16xf32>,
          %gather3A_240 = tpu.vector_load_idx %arg20[%add3A_236, %and3A_6] : memref<1600x8xf32, #tpu.memory_space<vmem>>[vector<16xi32>, vector<16xi32>], vector<16xf32>,
          %mul3A_241 = arith.mulf %gather3A_238, %gather3A_237 : vector<16xf32>
          %add3A_242 = arith.addf %add3A_229, %mul3A_241 : vector<16xf32>
          %mul3A_243 = arith.mulf %gather3A_239, %gather3A_237 : vector<16xf32>
          %add3A_244 = arith.addf %add3A_231, %mul3A_243 : vector<16xf32>
          %mul3A_245 = arith.mulf %gather3A_240, %gather3A_237 : vector<16xf32>
          %add3A_246 = arith.addf %add3A_233, %mul3A_245 : vector<16xf32>
          %add3A_247 = arith.constant 4 : i32
          %add3A_248 = vector.broadcast %add3A_247 : i32 to vector<16xi32>
          %add3A_249 = arith.addi %add3A_221, %add3A_248 : vector<16xi32>
          %gather3A_250 = tpu.vector_load_idx %arg16[%add3A_249] : memref<1600xf32, #tpu.memory_space<vmem>>[vector<16xi32>], vector<16xf32>,
          %gather3A_251 = tpu.vector_load_idx %arg18[%add3A_249, %and3A_6] : memref<1600x8xf32, #tpu.memory_space<vmem>>[vector<16xi32>, vector<16xi32>], vector<16xf32>,
          %gather3A_252 = tpu.vector_load_idx %arg19[%add3A_249, %and3A_6] : memref<1600x8xf32, #tpu.memory_space<vmem>>[vector<16xi32>, vector<16xi32>], vector<16xf32>,
          %gather3A_253 = tpu.vector_load_idx %arg20[%add3A_249, %and3A_6] : memref<1600x8xf32, #tpu.memory_space<vmem>>[vector<16xi32>, vector<16xi32>], vector<16xf32>,
          %mul3A_254 = arith.mulf %gather3A_251, %gather3A_250 : vector<16xf32>
          %add3A_255 = arith.addf %add3A_242, %mul3A_254 : vector<16xf32>
          %mul3A_256 = arith.mulf %gather3A_252, %gather3A_250 : vector<16xf32>
          %add3A_257 = arith.addf %add3A_244, %mul3A_256 : vector<16xf32>
          %mul3A_258 = arith.mulf %gather3A_253, %gather3A_250 : vector<16xf32>
          %add3A_259 = arith.addf %add3A_246, %mul3A_258 : vector<16xf32>
          %add3A_260 = arith.constant 6 : i32
          %add3A_261 = vector.broadcast %add3A_260 : i32 to vector<16xi32>
          %add3A_262 = arith.addi %add3A_221, %add3A_261 : vector<16xi32>
          %gather3A_263 = tpu.vector_load_idx %arg16[%add3A_262] : memref<1600xf32, #tpu.memory_space<vmem>>[vector<16xi32>], vector<16xf32>,
          %gather3A_264 = tpu.vector_load_idx %arg18[%add3A_262, %and3A_6] : memref<1600x8xf32, #tpu.memory_space<vmem>>[vector<16xi32>, vector<16xi32>], vector<16xf32>,
          %gather3A_265 = tpu.vector_load_idx %arg19[%add3A_262, %and3A_6] : memref<1600x8xf32, #tpu.memory_space<vmem>>[vector<16xi32>, vector<16xi32>], vector<16xf32>,
          %gather3A_266 = tpu.vector_load_idx %arg20[%add3A_262, %and3A_6] : memref<1600x8xf32, #tpu.memory_space<vmem>>[vector<16xi32>, vector<16xi32>], vector<16xf32>,
          %mul3A_267 = arith.mulf %gather3A_264, %gather3A_263 : vector<16xf32>
          %add3A_268 = arith.addf %add3A_255, %mul3A_267 : vector<16xf32>
          %mul3A_269 = arith.mulf %gather3A_265, %gather3A_263 : vector<16xf32>
          %add3A_270 = arith.addf %add3A_257, %mul3A_269 : vector<16xf32>
          %mul3A_271 = arith.mulf %gather3A_266, %gather3A_263 : vector<16xf32>
          %add3A_272 = arith.addf %add3A_259, %mul3A_271 : vector<16xf32>
          scf.yield %add3A_268, %add3A_270, %add3A_272 : vector<16xf32>, vector<16xf32>, vector<16xf32>
        }
        %scan3A_200 = arith.constant 25 : i32
        %and3A_201 = arith.constant 0 : i32
        %and3A_202 = vector.broadcast %and3A_201 : i32 to vector<16xi32>
        %and3A_203 = arith.andi %iota3A, %and3A_202 : vector<16xi32>
        %add3A_204 = vector.broadcast %scan3A_191 : i32 to vector<16xi32>
        %add3A_205 = arith.addi %and3A_203, %add3A_204 : vector<16xi32>
        tpu.vector_store_idx %arg24[%iota3A, %add3A_205], %scan3A_199#0 : memref<48x8xf32, #tpu.memory_space<vmem>>[vector<16xi32>, vector<16xi32>], vector<16xf32>,
        %add3A_206 = arith.constant 16 : i32
        %add3A_207 = vector.broadcast %add3A_206 : i32 to vector<16xi32>
        %add3A_208 = arith.addi %iota3A, %add3A_207 : vector<16xi32>
        tpu.vector_store_idx %arg24[%add3A_208, %add3A_205], %scan3A_199#1 : memref<48x8xf32, #tpu.memory_space<vmem>>[vector<16xi32>, vector<16xi32>], vector<16xf32>,
        %add3A_209 = arith.constant 32 : i32
        %add3A_210 = vector.broadcast %add3A_209 : i32 to vector<16xi32>
        %add3A_211 = arith.addi %iota3A, %add3A_210 : vector<16xi32>
        tpu.vector_store_idx %arg24[%add3A_211, %add3A_205], %scan3A_199#2 : memref<48x8xf32, #tpu.memory_space<vmem>>[vector<16xi32>, vector<16xi32>], vector<16xf32>,
        %scan3A_212 = arith.constant 0 : i32
        scf.yield %scan3A_212 : i32
      }
      %scan3A_122 = arith.constant 8 : i32
      %mul3A_123 = arith.constant 8 : i32
      %mul3A_124 = arith.muli %add3A_81, %mul3A_123 : i32
      %add3A_125 = arith.addi %mul3A_2, %mul3A_124 : i32
      "tpu.region"() ({
        %run_scoped3A = tpu.sem_alloc : memref<!tpu.dma_semaphore, #tpu.memory_space<semaphore_mem>>
        %dma_start3A_191 = arith.constant 0 : i32
        %dma_start3A_192 = tpu.memref_slice %arg9[%dma_start3A_191, %add3A_125] : memref<48x16384xf32, #tpu.memory_space<hbm>> -> memref<48x8xf32, #tpu.memory_space<hbm>>
        %dma_start3A_193 = arith.constant 0 : i32
        %dma_start3A_194 = tpu.memref_slice %arg9[%dma_start3A_193, %add3A_125] : memref<48x16384xf32, #tpu.memory_space<hbm>> -> memref<48x8xf32, #tpu.memory_space<hbm>>
        tpu.enqueue_dma source(%arg24 : memref<48x8xf32, #tpu.memory_space<vmem>>) target(%dma_start3A_194 : memref<48x8xf32, #tpu.memory_space<hbm>>) target_semaphore(%run_scoped3A : memref<!tpu.dma_semaphore, #tpu.memory_space<semaphore_mem>>)
        %dma_wait3A_195 = arith.constant 0 : i32
        %dma_wait3A_196 = tpu.memref_slice %arg9[%dma_wait3A_195, %add3A_125] : memref<48x16384xf32, #tpu.memory_space<hbm>> -> memref<48x8xf32, #tpu.memory_space<hbm>>
        %dma_wait3A_197 = arith.constant 0 : i32
        %dma_wait3A_198 = tpu.memref_slice %arg9[%dma_wait3A_197, %add3A_125] : memref<48x16384xf32, #tpu.memory_space<hbm>> -> memref<48x8xf32, #tpu.memory_space<hbm>>
        tpu.wait_dma2 semaphore(%run_scoped3A : memref<!tpu.dma_semaphore, #tpu.memory_space<semaphore_mem>>) src(%arg24 : memref<48x8xf32, #tpu.memory_space<vmem>>) dst(%dma_wait3A_198 : memref<48x8xf32, #tpu.memory_space<hbm>>)
        tpu.yield
      }) : () -> ()
      %add3A_126 = arith.constant 2 : i32
      %add3A_127 = arith.addi %add3A_81, %add3A_126 : i32
      %lt3A_128 = arith.constant 64 : i32
      %lt3A_129 = arith.cmpi slt, %add3A_127, %lt3A_128 : i32
      %convert_element_type3A_130 = arith.extui %lt3A_129 : i1 to i32
      %cond3A_131 = arith.constant 0 : i32
      %cond3A_132 = arith.cmpi ne, %convert_element_type3A_130, %cond3A_131 : i32
      scf.if %cond3A_132 {
        %add3A_191 = arith.constant 2 : i32
        %add3A_192 = arith.addi %add3A_81, %add3A_191 : i32
        %mul3A_193 = arith.constant 8 : i32
        %mul3A_194 = arith.muli %add3A_192, %mul3A_193 : i32
        %add3A_195 = arith.addi %mul3A_2, %mul3A_194 : i32
        %mul3A_196 = arith.constant 200 : i32
        %mul3A_197 = arith.muli %add3A_195, %mul3A_196 : i32
        %dma_start3A_198 = tpu.memref_slice %arg2[%mul3A_197] : memref<3276800xi32, #tpu.memory_space<hbm>> -> memref<1600xi32, #tpu.memory_space<hbm>>
        %dma_start3A_199 = tpu.memref_slice %arg2[%mul3A_197] : memref<3276800xi32, #tpu.memory_space<hbm>> -> memref<1600xi32, #tpu.memory_space<hbm>>
        tpu.enqueue_dma source(%dma_start3A_199 : memref<1600xi32, #tpu.memory_space<hbm>>) target(%arg10 : memref<1600xi32, #tpu.memory_space<vmem>>) target_semaphore(%arg25 : memref<!tpu.dma_semaphore, #tpu.memory_space<semaphore_mem>>)
        %dma_start3A_200 = tpu.memref_slice %arg3[%mul3A_197] : memref<3276800xi32, #tpu.memory_space<hbm>> -> memref<1600xi32, #tpu.memory_space<hbm>>
        %dma_start3A_201 = tpu.memref_slice %arg3[%mul3A_197] : memref<3276800xi32, #tpu.memory_space<hbm>> -> memref<1600xi32, #tpu.memory_space<hbm>>
        tpu.enqueue_dma source(%dma_start3A_201 : memref<1600xi32, #tpu.memory_space<hbm>>) target(%arg11 : memref<1600xi32, #tpu.memory_space<vmem>>) target_semaphore(%arg25 : memref<!tpu.dma_semaphore, #tpu.memory_space<semaphore_mem>>)
        %dma_start3A_202 = tpu.memref_slice %arg4[%mul3A_197] : memref<3276800xi32, #tpu.memory_space<hbm>> -> memref<1600xi32, #tpu.memory_space<hbm>>
        %dma_start3A_203 = tpu.memref_slice %arg4[%mul3A_197] : memref<3276800xi32, #tpu.memory_space<hbm>> -> memref<1600xi32, #tpu.memory_space<hbm>>
        tpu.enqueue_dma source(%dma_start3A_203 : memref<1600xi32, #tpu.memory_space<hbm>>) target(%arg12 : memref<1600xi32, #tpu.memory_space<vmem>>) target_semaphore(%arg25 : memref<!tpu.dma_semaphore, #tpu.memory_space<semaphore_mem>>)
        %dma_start3A_204 = tpu.memref_slice %arg5[%mul3A_197] : memref<3276800xf32, #tpu.memory_space<hbm>> -> memref<1600xf32, #tpu.memory_space<hbm>>
        %dma_start3A_205 = tpu.memref_slice %arg5[%mul3A_197] : memref<3276800xf32, #tpu.memory_space<hbm>> -> memref<1600xf32, #tpu.memory_space<hbm>>
        tpu.enqueue_dma source(%dma_start3A_205 : memref<1600xf32, #tpu.memory_space<hbm>>) target(%arg16 : memref<1600xf32, #tpu.memory_space<vmem>>) target_semaphore(%arg25 : memref<!tpu.dma_semaphore, #tpu.memory_space<semaphore_mem>>)
      } else {
      }
      %mul3A_133 = arith.constant 2 : i32
      %mul3A_134 = arith.muli %mul3A_133, %scan3A_77 : i32
      %add3A_135 = arith.constant 1 : i32
      %add3A_136 = arith.addi %mul3A_134, %add3A_135 : i32
      %add3A_137 = arith.constant 1 : i32
      %add3A_138 = arith.addi %add3A_136, %add3A_137 : i32
      %lt3A_139 = arith.constant 64 : i32
      %lt3A_140 = arith.cmpi slt, %add3A_138, %lt3A_139 : i32
      %convert_element_type3A_141 = arith.extui %lt3A_140 : i1 to i32
      %cond3A_142 = arith.constant 0 : i32
      %cond3A_143 = arith.cmpi ne, %convert_element_type3A_141, %cond3A_142 : i32
      scf.if %cond3A_143 {
        %add3A_191 = arith.constant 1 : i32
        %add3A_192 = arith.addi %add3A_136, %add3A_191 : i32
        %mul3A_193 = arith.constant 8 : i32
        %mul3A_194 = arith.muli %add3A_192, %mul3A_193 : i32
        %add3A_195 = arith.addi %mul3A_2, %mul3A_194 : i32
        %mul3A_196 = arith.constant 200 : i32
        %mul3A_197 = arith.muli %add3A_195, %mul3A_196 : i32
        %dma_wait3A_198 = tpu.memref_slice %arg2[%mul3A_197] : memref<3276800xi32, #tpu.memory_space<hbm>> -> memref<1600xi32, #tpu.memory_space<hbm>>
        %dma_wait3A_199 = tpu.memref_slice %arg2[%mul3A_197] : memref<3276800xi32, #tpu.memory_space<hbm>> -> memref<1600xi32, #tpu.memory_space<hbm>>
        tpu.wait_dma2 semaphore(%arg25 : memref<!tpu.dma_semaphore, #tpu.memory_space<semaphore_mem>>) src(%dma_wait3A_199 : memref<1600xi32, #tpu.memory_space<hbm>>) dst(%arg10 : memref<1600xi32, #tpu.memory_space<vmem>>)
        %dma_wait3A_200 = tpu.memref_slice %arg3[%mul3A_197] : memref<3276800xi32, #tpu.memory_space<hbm>> -> memref<1600xi32, #tpu.memory_space<hbm>>
        %dma_wait3A_201 = tpu.memref_slice %arg3[%mul3A_197] : memref<3276800xi32, #tpu.memory_space<hbm>> -> memref<1600xi32, #tpu.memory_space<hbm>>
        tpu.wait_dma2 semaphore(%arg25 : memref<!tpu.dma_semaphore, #tpu.memory_space<semaphore_mem>>) src(%dma_wait3A_201 : memref<1600xi32, #tpu.memory_space<hbm>>) dst(%arg11 : memref<1600xi32, #tpu.memory_space<vmem>>)
        %dma_wait3A_202 = tpu.memref_slice %arg4[%mul3A_197] : memref<3276800xi32, #tpu.memory_space<hbm>> -> memref<1600xi32, #tpu.memory_space<hbm>>
        %dma_wait3A_203 = tpu.memref_slice %arg4[%mul3A_197] : memref<3276800xi32, #tpu.memory_space<hbm>> -> memref<1600xi32, #tpu.memory_space<hbm>>
        tpu.wait_dma2 semaphore(%arg25 : memref<!tpu.dma_semaphore, #tpu.memory_space<semaphore_mem>>) src(%dma_wait3A_203 : memref<1600xi32, #tpu.memory_space<hbm>>) dst(%arg12 : memref<1600xi32, #tpu.memory_space<vmem>>)
        %dma_wait3A_204 = tpu.memref_slice %arg5[%mul3A_197] : memref<3276800xf32, #tpu.memory_space<hbm>> -> memref<1600xf32, #tpu.memory_space<hbm>>
        %dma_wait3A_205 = tpu.memref_slice %arg5[%mul3A_197] : memref<3276800xf32, #tpu.memory_space<hbm>> -> memref<1600xf32, #tpu.memory_space<hbm>>
        tpu.wait_dma2 semaphore(%arg25 : memref<!tpu.dma_semaphore, #tpu.memory_space<semaphore_mem>>) src(%dma_wait3A_205 : memref<1600xf32, #tpu.memory_space<hbm>>) dst(%arg16 : memref<1600xf32, #tpu.memory_space<vmem>>)
        %scan3A_206 = arith.constant 0 : i32
        %scan3A_207 = arith.constant 0 : i32
        %scan3A_208 = arith.constant 12 : i32
        %scan3A_209 = arith.addi %scan3A_207, %scan3A_208 : i32
        %scan3A_210 = arith.constant 1 : i32
        scf.for %scan3A_236 = %scan3A_207 to %scan3A_209 step %scan3A_210  : i32 {
          %mul3A_237 = arith.constant 128 : i32
          %mul3A_238 = arith.muli %scan3A_236, %mul3A_237 : i32
          %dma_start3A_239 = arith.constant 0 : i32
          %dma_start3A_240 = tpu.memref_slice %arg18[%mul3A_238, %dma_start3A_239] : memref<1600x8xf32, #tpu.memory_space<vmem>> -> memref<128x8xf32, #tpu.memory_space<vmem>>
          %dma_start3A_241 = tpu.memref_slice %arg10[%mul3A_238] : memref<1600xi32, #tpu.memory_space<vmem>> -> memref<128xi32, #tpu.memory_space<vmem>>
          %dma_start3A_242 = arith.constant 0 : i32
          %dma_start3A_243 = arith.constant 0 : i32
          %dma_start3A_244 = tpu.memref_slice %arg6[%dma_start3A_242, %dma_start3A_243] : memref<1000001x8xf32, #tpu.memory_space<hbm>> -> memref<1000001x8xf32, #tpu.memory_space<hbm>>
          tpu.enqueue_indirect_dma source(%dma_start3A_244 : memref<1000001x8xf32, #tpu.memory_space<hbm>>) target(%dma_start3A_240 : memref<128x8xf32, #tpu.memory_space<vmem>>) offsets(%dma_start3A_241 : memref<128xi32, #tpu.memory_space<vmem>>) semaphore(%arg27 : memref<!tpu.dma_semaphore, #tpu.memory_space<semaphore_mem>>)
          %mul3A_245 = arith.constant 128 : i32
          %mul3A_246 = arith.muli %scan3A_236, %mul3A_245 : i32
          %dma_start3A_247 = arith.constant 0 : i32
          %dma_start3A_248 = tpu.memref_slice %arg19[%mul3A_246, %dma_start3A_247] : memref<1600x8xf32, #tpu.memory_space<vmem>> -> memref<128x8xf32, #tpu.memory_space<vmem>>
          %dma_start3A_249 = tpu.memref_slice %arg11[%mul3A_246] : memref<1600xi32, #tpu.memory_space<vmem>> -> memref<128xi32, #tpu.memory_space<vmem>>
          %dma_start3A_250 = arith.constant 0 : i32
          %dma_start3A_251 = arith.constant 0 : i32
          %dma_start3A_252 = tpu.memref_slice %arg7[%dma_start3A_250, %dma_start3A_251] : memref<1000001x8xf32, #tpu.memory_space<hbm>> -> memref<1000001x8xf32, #tpu.memory_space<hbm>>
          tpu.enqueue_indirect_dma source(%dma_start3A_252 : memref<1000001x8xf32, #tpu.memory_space<hbm>>) target(%dma_start3A_248 : memref<128x8xf32, #tpu.memory_space<vmem>>) offsets(%dma_start3A_249 : memref<128xi32, #tpu.memory_space<vmem>>) semaphore(%arg27 : memref<!tpu.dma_semaphore, #tpu.memory_space<semaphore_mem>>)
          %mul3A_253 = arith.constant 128 : i32
          %mul3A_254 = arith.muli %scan3A_236, %mul3A_253 : i32
          %dma_start3A_255 = arith.constant 0 : i32
          %dma_start3A_256 = tpu.memref_slice %arg20[%mul3A_254, %dma_start3A_255] : memref<1600x8xf32, #tpu.memory_space<vmem>> -> memref<128x8xf32, #tpu.memory_space<vmem>>
          %dma_start3A_257 = tpu.memref_slice %arg12[%mul3A_254] : memref<1600xi32, #tpu.memory_space<vmem>> -> memref<128xi32, #tpu.memory_space<vmem>>
          %dma_start3A_258 = arith.constant 0 : i32
          %dma_start3A_259 = arith.constant 0 : i32
          %dma_start3A_260 = tpu.memref_slice %arg8[%dma_start3A_258, %dma_start3A_259] : memref<1000001x8xf32, #tpu.memory_space<hbm>> -> memref<1000001x8xf32, #tpu.memory_space<hbm>>
          tpu.enqueue_indirect_dma source(%dma_start3A_260 : memref<1000001x8xf32, #tpu.memory_space<hbm>>) target(%dma_start3A_256 : memref<128x8xf32, #tpu.memory_space<vmem>>) offsets(%dma_start3A_257 : memref<128xi32, #tpu.memory_space<vmem>>) semaphore(%arg27 : memref<!tpu.dma_semaphore, #tpu.memory_space<semaphore_mem>>)
        }
        %scan3A_211 = arith.constant 12 : i32
        %dma_start3A_212 = arith.constant 1536 : i32
        %dma_start3A_213 = arith.constant 0 : i32
        %dma_start3A_214 = tpu.memref_slice %arg18[%dma_start3A_212, %dma_start3A_213] : memref<1600x8xf32, #tpu.memory_space<vmem>> -> memref<64x8xf32, #tpu.memory_space<vmem>>
        %dma_start3A_215 = arith.constant 1536 : i32
        %dma_start3A_216 = tpu.memref_slice %arg10[%dma_start3A_215] : memref<1600xi32, #tpu.memory_space<vmem>> -> memref<64xi32, #tpu.memory_space<vmem>>
        %dma_start3A_217 = arith.constant 0 : i32
        %dma_start3A_218 = arith.constant 0 : i32
        %dma_start3A_219 = tpu.memref_slice %arg6[%dma_start3A_217, %dma_start3A_218] : memref<1000001x8xf32, #tpu.memory_space<hbm>> -> memref<1000001x8xf32, #tpu.memory_space<hbm>>
        tpu.enqueue_indirect_dma source(%dma_start3A_219 : memref<1000001x8xf32, #tpu.memory_space<hbm>>) target(%dma_start3A_214 : memref<64x8xf32, #tpu.memory_space<vmem>>) offsets(%dma_start3A_216 : memref<64xi32, #tpu.memory_space<vmem>>) semaphore(%arg27 : memref<!tpu.dma_semaphore, #tpu.memory_space<semaphore_mem>>)
        %dma_start3A_220 = arith.constant 1536 : i32
        %dma_start3A_221 = arith.constant 0 : i32
        %dma_start3A_222 = tpu.memref_slice %arg19[%dma_start3A_220, %dma_start3A_221] : memref<1600x8xf32, #tpu.memory_space<vmem>> -> memref<64x8xf32, #tpu.memory_space<vmem>>
        %dma_start3A_223 = arith.constant 1536 : i32
        %dma_start3A_224 = tpu.memref_slice %arg11[%dma_start3A_223] : memref<1600xi32, #tpu.memory_space<vmem>> -> memref<64xi32, #tpu.memory_space<vmem>>
        %dma_start3A_225 = arith.constant 0 : i32
        %dma_start3A_226 = arith.constant 0 : i32
        %dma_start3A_227 = tpu.memref_slice %arg7[%dma_start3A_225, %dma_start3A_226] : memref<1000001x8xf32, #tpu.memory_space<hbm>> -> memref<1000001x8xf32, #tpu.memory_space<hbm>>
        tpu.enqueue_indirect_dma source(%dma_start3A_227 : memref<1000001x8xf32, #tpu.memory_space<hbm>>) target(%dma_start3A_222 : memref<64x8xf32, #tpu.memory_space<vmem>>) offsets(%dma_start3A_224 : memref<64xi32, #tpu.memory_space<vmem>>) semaphore(%arg27 : memref<!tpu.dma_semaphore, #tpu.memory_space<semaphore_mem>>)
        %dma_start3A_228 = arith.constant 1536 : i32
        %dma_start3A_229 = arith.constant 0 : i32
        %dma_start3A_230 = tpu.memref_slice %arg20[%dma_start3A_228, %dma_start3A_229] : memref<1600x8xf32, #tpu.memory_space<vmem>> -> memref<64x8xf32, #tpu.memory_space<vmem>>
        %dma_start3A_231 = arith.constant 1536 : i32
        %dma_start3A_232 = tpu.memref_slice %arg12[%dma_start3A_231] : memref<1600xi32, #tpu.memory_space<vmem>> -> memref<64xi32, #tpu.memory_space<vmem>>
        %dma_start3A_233 = arith.constant 0 : i32
        %dma_start3A_234 = arith.constant 0 : i32
        %dma_start3A_235 = tpu.memref_slice %arg8[%dma_start3A_233, %dma_start3A_234] : memref<1000001x8xf32, #tpu.memory_space<hbm>> -> memref<1000001x8xf32, #tpu.memory_space<hbm>>
        tpu.enqueue_indirect_dma source(%dma_start3A_235 : memref<1000001x8xf32, #tpu.memory_space<hbm>>) target(%dma_start3A_230 : memref<64x8xf32, #tpu.memory_space<vmem>>) offsets(%dma_start3A_232 : memref<64xi32, #tpu.memory_space<vmem>>) semaphore(%arg27 : memref<!tpu.dma_semaphore, #tpu.memory_space<semaphore_mem>>)
      } else {
      }
      %scan3A_144 = arith.constant 0 : i32
      %scan3A_145 = arith.constant 0 : i32
      %scan3A_146 = arith.constant 12 : i32
      %scan3A_147 = arith.addi %scan3A_145, %scan3A_146 : i32
      %scan3A_148 = arith.constant 1 : i32
      scf.for %scan3A_191 = %scan3A_145 to %scan3A_147 step %scan3A_148  : i32 {
        %dma_wait3A_192 = arith.constant 0 : i32
        %dma_wait3A_193 = arith.constant 0 : i32
        %dma_wait3A_194 = tpu.memref_slice %arg21[%dma_wait3A_192, %dma_wait3A_193] : memref<1600x8xf32, #tpu.memory_space<vmem>> -> memref<128x8xf32, #tpu.memory_space<vmem>>
        %dma_wait3A_195 = arith.constant 0 : i32
        %dma_wait3A_196 = tpu.memref_slice %arg13[%dma_wait3A_195] : memref<1600xi32, #tpu.memory_space<vmem>> -> memref<128xi32, #tpu.memory_space<vmem>>
        %dma_wait3A_197 = arith.constant 0 : i32
        %dma_wait3A_198 = arith.constant 0 : i32
        %dma_wait3A_199 = tpu.memref_slice %arg6[%dma_wait3A_197, %dma_wait3A_198] : memref<1000001x8xf32, #tpu.memory_space<hbm>> -> memref<1000001x8xf32, #tpu.memory_space<hbm>>
        tpu.wait_indirect_dma semaphore(%arg28 : memref<!tpu.dma_semaphore, #tpu.memory_space<semaphore_mem>>) src(%dma_wait3A_199 : memref<1000001x8xf32, #tpu.memory_space<hbm>>) dst(%dma_wait3A_194 : memref<128x8xf32, #tpu.memory_space<vmem>>)
        %dma_wait3A_200 = arith.constant 0 : i32
        %dma_wait3A_201 = arith.constant 0 : i32
        %dma_wait3A_202 = tpu.memref_slice %arg22[%dma_wait3A_200, %dma_wait3A_201] : memref<1600x8xf32, #tpu.memory_space<vmem>> -> memref<128x8xf32, #tpu.memory_space<vmem>>
        %dma_wait3A_203 = arith.constant 0 : i32
        %dma_wait3A_204 = tpu.memref_slice %arg14[%dma_wait3A_203] : memref<1600xi32, #tpu.memory_space<vmem>> -> memref<128xi32, #tpu.memory_space<vmem>>
        %dma_wait3A_205 = arith.constant 0 : i32
        %dma_wait3A_206 = arith.constant 0 : i32
        %dma_wait3A_207 = tpu.memref_slice %arg7[%dma_wait3A_205, %dma_wait3A_206] : memref<1000001x8xf32, #tpu.memory_space<hbm>> -> memref<1000001x8xf32, #tpu.memory_space<hbm>>
        tpu.wait_indirect_dma semaphore(%arg28 : memref<!tpu.dma_semaphore, #tpu.memory_space<semaphore_mem>>) src(%dma_wait3A_207 : memref<1000001x8xf32, #tpu.memory_space<hbm>>) dst(%dma_wait3A_202 : memref<128x8xf32, #tpu.memory_space<vmem>>)
        %dma_wait3A_208 = arith.constant 0 : i32
        %dma_wait3A_209 = arith.constant 0 : i32
        %dma_wait3A_210 = tpu.memref_slice %arg23[%dma_wait3A_208, %dma_wait3A_209] : memref<1600x8xf32, #tpu.memory_space<vmem>> -> memref<128x8xf32, #tpu.memory_space<vmem>>
        %dma_wait3A_211 = arith.constant 0 : i32
        %dma_wait3A_212 = tpu.memref_slice %arg15[%dma_wait3A_211] : memref<1600xi32, #tpu.memory_space<vmem>> -> memref<128xi32, #tpu.memory_space<vmem>>
        %dma_wait3A_213 = arith.constant 0 : i32
        %dma_wait3A_214 = arith.constant 0 : i32
        %dma_wait3A_215 = tpu.memref_slice %arg8[%dma_wait3A_213, %dma_wait3A_214] : memref<1000001x8xf32, #tpu.memory_space<hbm>> -> memref<1000001x8xf32, #tpu.memory_space<hbm>>
        tpu.wait_indirect_dma semaphore(%arg28 : memref<!tpu.dma_semaphore, #tpu.memory_space<semaphore_mem>>) src(%dma_wait3A_215 : memref<1000001x8xf32, #tpu.memory_space<hbm>>) dst(%dma_wait3A_210 : memref<128x8xf32, #tpu.memory_space<vmem>>)
      }
      %scan3A_149 = arith.constant 12 : i32
      %dma_wait3A_150 = arith.constant 0 : i32
      %dma_wait3A_151 = arith.constant 0 : i32
      %dma_wait3A_152 = tpu.memref_slice %arg21[%dma_wait3A_150, %dma_wait3A_151] : memref<1600x8xf32, #tpu.memory_space<vmem>> -> memref<64x8xf32, #tpu.memory_space<vmem>>
      %dma_wait3A_153 = arith.constant 0 : i32
      %dma_wait3A_154 = tpu.memref_slice %arg13[%dma_wait3A_153] : memref<1600xi32, #tpu.memory_space<vmem>> -> memref<64xi32, #tpu.memory_space<vmem>>
      %dma_wait3A_155 = arith.constant 0 : i32
      %dma_wait3A_156 = arith.constant 0 : i32
      %dma_wait3A_157 = tpu.memref_slice %arg6[%dma_wait3A_155, %dma_wait3A_156] : memref<1000001x8xf32, #tpu.memory_space<hbm>> -> memref<1000001x8xf32, #tpu.memory_space<hbm>>
      tpu.wait_indirect_dma semaphore(%arg28 : memref<!tpu.dma_semaphore, #tpu.memory_space<semaphore_mem>>) src(%dma_wait3A_157 : memref<1000001x8xf32, #tpu.memory_space<hbm>>) dst(%dma_wait3A_152 : memref<64x8xf32, #tpu.memory_space<vmem>>)
      %dma_wait3A_158 = arith.constant 0 : i32
      %dma_wait3A_159 = arith.constant 0 : i32
      %dma_wait3A_160 = tpu.memref_slice %arg22[%dma_wait3A_158, %dma_wait3A_159] : memref<1600x8xf32, #tpu.memory_space<vmem>> -> memref<64x8xf32, #tpu.memory_space<vmem>>
      %dma_wait3A_161 = arith.constant 0 : i32
      %dma_wait3A_162 = tpu.memref_slice %arg14[%dma_wait3A_161] : memref<1600xi32, #tpu.memory_space<vmem>> -> memref<64xi32, #tpu.memory_space<vmem>>
      %dma_wait3A_163 = arith.constant 0 : i32
      %dma_wait3A_164 = arith.constant 0 : i32
      %dma_wait3A_165 = tpu.memref_slice %arg7[%dma_wait3A_163, %dma_wait3A_164] : memref<1000001x8xf32, #tpu.memory_space<hbm>> -> memref<1000001x8xf32, #tpu.memory_space<hbm>>
      tpu.wait_indirect_dma semaphore(%arg28 : memref<!tpu.dma_semaphore, #tpu.memory_space<semaphore_mem>>) src(%dma_wait3A_165 : memref<1000001x8xf32, #tpu.memory_space<hbm>>) dst(%dma_wait3A_160 : memref<64x8xf32, #tpu.memory_space<vmem>>)
      %dma_wait3A_166 = arith.constant 0 : i32
      %dma_wait3A_167 = arith.constant 0 : i32
      %dma_wait3A_168 = tpu.memref_slice %arg23[%dma_wait3A_166, %dma_wait3A_167] : memref<1600x8xf32, #tpu.memory_space<vmem>> -> memref<64x8xf32, #tpu.memory_space<vmem>>
      %dma_wait3A_169 = arith.constant 0 : i32
      %dma_wait3A_170 = tpu.memref_slice %arg15[%dma_wait3A_169] : memref<1600xi32, #tpu.memory_space<vmem>> -> memref<64xi32, #tpu.memory_space<vmem>>
      %dma_wait3A_171 = arith.constant 0 : i32
      %dma_wait3A_172 = arith.constant 0 : i32
      %dma_wait3A_173 = tpu.memref_slice %arg8[%dma_wait3A_171, %dma_wait3A_172] : memref<1000001x8xf32, #tpu.memory_space<hbm>> -> memref<1000001x8xf32, #tpu.memory_space<hbm>>
      tpu.wait_indirect_dma semaphore(%arg28 : memref<!tpu.dma_semaphore, #tpu.memory_space<semaphore_mem>>) src(%dma_wait3A_173 : memref<1000001x8xf32, #tpu.memory_space<hbm>>) dst(%dma_wait3A_168 : memref<64x8xf32, #tpu.memory_space<vmem>>)
      %scan3A_174 = arith.constant 0 : i32
      %scan3A_175 = arith.constant 0 : i32
      %scan3A_176 = arith.constant 8 : i32
      %scan3A_177 = arith.addi %scan3A_175, %scan3A_176 : i32
      %scan3A_178 = arith.constant 1 : i32
      %scan3A_179 = scf.for %scan3A_191 = %scan3A_175 to %scan3A_177 step %scan3A_178 iter_args(%scan3A_192 = %scan3A_174) -> (i32)  : i32 {
        %mul3A_193 = arith.constant 200 : i32
        %mul3A_194 = arith.muli %scan3A_191, %mul3A_193 : i32
        %scan3A_195 = arith.constant 0 : i32
        %scan3A_196 = arith.constant 25 : i32
        %scan3A_197 = arith.addi %scan3A_195, %scan3A_196 : i32
        %scan3A_198 = arith.constant 1 : i32
        %scan3A_199:3 = scf.for %scan3A_213 = %scan3A_195 to %scan3A_197 step %scan3A_198 iter_args(%scan3A_214 = %broadcast_in_dim3A_7, %scan3A_215 = %broadcast_in_dim3A_7, %scan3A_216 = %broadcast_in_dim3A_7) -> (vector<16xf32>, vector<16xf32>, vector<16xf32>)  : i32 {
          %mul3A_217 = arith.constant 8 : i32
          %mul3A_218 = arith.muli %mul3A_217, %scan3A_213 : i32
          %add3A_219 = arith.addi %mul3A_194, %mul3A_218 : i32
          %add3A_220 = vector.broadcast %add3A_219 : i32 to vector<16xi32>
          %add3A_221 = arith.addi %add3A_220, %shift_right_arithmetic3A_4 : vector<16xi32>
          %add3A_222 = arith.constant 0 : i32
          %add3A_223 = vector.broadcast %add3A_222 : i32 to vector<16xi32>
          %add3A_224 = arith.addi %add3A_221, %add3A_223 : vector<16xi32>
          %gather3A = tpu.vector_load_idx %arg17[%add3A_224] : memref<1600xf32, #tpu.memory_space<vmem>>[vector<16xi32>], vector<16xf32>,
          %gather3A_225 = tpu.vector_load_idx %arg21[%add3A_224, %and3A_6] : memref<1600x8xf32, #tpu.memory_space<vmem>>[vector<16xi32>, vector<16xi32>], vector<16xf32>,
          %gather3A_226 = tpu.vector_load_idx %arg22[%add3A_224, %and3A_6] : memref<1600x8xf32, #tpu.memory_space<vmem>>[vector<16xi32>, vector<16xi32>], vector<16xf32>,
          %gather3A_227 = tpu.vector_load_idx %arg23[%add3A_224, %and3A_6] : memref<1600x8xf32, #tpu.memory_space<vmem>>[vector<16xi32>, vector<16xi32>], vector<16xf32>,
          %mul3A_228 = arith.mulf %gather3A_225, %gather3A : vector<16xf32>
          %add3A_229 = arith.addf %scan3A_214, %mul3A_228 : vector<16xf32>
          %mul3A_230 = arith.mulf %gather3A_226, %gather3A : vector<16xf32>
          %add3A_231 = arith.addf %scan3A_215, %mul3A_230 : vector<16xf32>
          %mul3A_232 = arith.mulf %gather3A_227, %gather3A : vector<16xf32>
          %add3A_233 = arith.addf %scan3A_216, %mul3A_232 : vector<16xf32>
          %add3A_234 = arith.constant 2 : i32
          %add3A_235 = vector.broadcast %add3A_234 : i32 to vector<16xi32>
          %add3A_236 = arith.addi %add3A_221, %add3A_235 : vector<16xi32>
          %gather3A_237 = tpu.vector_load_idx %arg17[%add3A_236] : memref<1600xf32, #tpu.memory_space<vmem>>[vector<16xi32>], vector<16xf32>,
          %gather3A_238 = tpu.vector_load_idx %arg21[%add3A_236, %and3A_6] : memref<1600x8xf32, #tpu.memory_space<vmem>>[vector<16xi32>, vector<16xi32>], vector<16xf32>,
          %gather3A_239 = tpu.vector_load_idx %arg22[%add3A_236, %and3A_6] : memref<1600x8xf32, #tpu.memory_space<vmem>>[vector<16xi32>, vector<16xi32>], vector<16xf32>,
          %gather3A_240 = tpu.vector_load_idx %arg23[%add3A_236, %and3A_6] : memref<1600x8xf32, #tpu.memory_space<vmem>>[vector<16xi32>, vector<16xi32>], vector<16xf32>,
          %mul3A_241 = arith.mulf %gather3A_238, %gather3A_237 : vector<16xf32>
          %add3A_242 = arith.addf %add3A_229, %mul3A_241 : vector<16xf32>
          %mul3A_243 = arith.mulf %gather3A_239, %gather3A_237 : vector<16xf32>
          %add3A_244 = arith.addf %add3A_231, %mul3A_243 : vector<16xf32>
          %mul3A_245 = arith.mulf %gather3A_240, %gather3A_237 : vector<16xf32>
          %add3A_246 = arith.addf %add3A_233, %mul3A_245 : vector<16xf32>
          %add3A_247 = arith.constant 4 : i32
          %add3A_248 = vector.broadcast %add3A_247 : i32 to vector<16xi32>
          %add3A_249 = arith.addi %add3A_221, %add3A_248 : vector<16xi32>
          %gather3A_250 = tpu.vector_load_idx %arg17[%add3A_249] : memref<1600xf32, #tpu.memory_space<vmem>>[vector<16xi32>], vector<16xf32>,
          %gather3A_251 = tpu.vector_load_idx %arg21[%add3A_249, %and3A_6] : memref<1600x8xf32, #tpu.memory_space<vmem>>[vector<16xi32>, vector<16xi32>], vector<16xf32>,
          %gather3A_252 = tpu.vector_load_idx %arg22[%add3A_249, %and3A_6] : memref<1600x8xf32, #tpu.memory_space<vmem>>[vector<16xi32>, vector<16xi32>], vector<16xf32>,
          %gather3A_253 = tpu.vector_load_idx %arg23[%add3A_249, %and3A_6] : memref<1600x8xf32, #tpu.memory_space<vmem>>[vector<16xi32>, vector<16xi32>], vector<16xf32>,
          %mul3A_254 = arith.mulf %gather3A_251, %gather3A_250 : vector<16xf32>
          %add3A_255 = arith.addf %add3A_242, %mul3A_254 : vector<16xf32>
          %mul3A_256 = arith.mulf %gather3A_252, %gather3A_250 : vector<16xf32>
          %add3A_257 = arith.addf %add3A_244, %mul3A_256 : vector<16xf32>
          %mul3A_258 = arith.mulf %gather3A_253, %gather3A_250 : vector<16xf32>
          %add3A_259 = arith.addf %add3A_246, %mul3A_258 : vector<16xf32>
          %add3A_260 = arith.constant 6 : i32
          %add3A_261 = vector.broadcast %add3A_260 : i32 to vector<16xi32>
          %add3A_262 = arith.addi %add3A_221, %add3A_261 : vector<16xi32>
          %gather3A_263 = tpu.vector_load_idx %arg17[%add3A_262] : memref<1600xf32, #tpu.memory_space<vmem>>[vector<16xi32>], vector<16xf32>,
          %gather3A_264 = tpu.vector_load_idx %arg21[%add3A_262, %and3A_6] : memref<1600x8xf32, #tpu.memory_space<vmem>>[vector<16xi32>, vector<16xi32>], vector<16xf32>,
          %gather3A_265 = tpu.vector_load_idx %arg22[%add3A_262, %and3A_6] : memref<1600x8xf32, #tpu.memory_space<vmem>>[vector<16xi32>, vector<16xi32>], vector<16xf32>,
          %gather3A_266 = tpu.vector_load_idx %arg23[%add3A_262, %and3A_6] : memref<1600x8xf32, #tpu.memory_space<vmem>>[vector<16xi32>, vector<16xi32>], vector<16xf32>,
          %mul3A_267 = arith.mulf %gather3A_264, %gather3A_263 : vector<16xf32>
          %add3A_268 = arith.addf %add3A_255, %mul3A_267 : vector<16xf32>
          %mul3A_269 = arith.mulf %gather3A_265, %gather3A_263 : vector<16xf32>
          %add3A_270 = arith.addf %add3A_257, %mul3A_269 : vector<16xf32>
          %mul3A_271 = arith.mulf %gather3A_266, %gather3A_263 : vector<16xf32>
          %add3A_272 = arith.addf %add3A_259, %mul3A_271 : vector<16xf32>
          scf.yield %add3A_268, %add3A_270, %add3A_272 : vector<16xf32>, vector<16xf32>, vector<16xf32>
        }
        %scan3A_200 = arith.constant 25 : i32
        %and3A_201 = arith.constant 0 : i32
        %and3A_202 = vector.broadcast %and3A_201 : i32 to vector<16xi32>
        %and3A_203 = arith.andi %iota3A, %and3A_202 : vector<16xi32>
        %add3A_204 = vector.broadcast %scan3A_191 : i32 to vector<16xi32>
        %add3A_205 = arith.addi %and3A_203, %add3A_204 : vector<16xi32>
        tpu.vector_store_idx %arg24[%iota3A, %add3A_205], %scan3A_199#0 : memref<48x8xf32, #tpu.memory_space<vmem>>[vector<16xi32>, vector<16xi32>], vector<16xf32>,
        %add3A_206 = arith.constant 16 : i32
        %add3A_207 = vector.broadcast %add3A_206 : i32 to vector<16xi32>
        %add3A_208 = arith.addi %iota3A, %add3A_207 : vector<16xi32>
        tpu.vector_store_idx %arg24[%add3A_208, %add3A_205], %scan3A_199#1 : memref<48x8xf32, #tpu.memory_space<vmem>>[vector<16xi32>, vector<16xi32>], vector<16xf32>,
        %add3A_209 = arith.constant 32 : i32
        %add3A_210 = vector.broadcast %add3A_209 : i32 to vector<16xi32>
        %add3A_211 = arith.addi %iota3A, %add3A_210 : vector<16xi32>
        tpu.vector_store_idx %arg24[%add3A_211, %add3A_205], %scan3A_199#2 : memref<48x8xf32, #tpu.memory_space<vmem>>[vector<16xi32>, vector<16xi32>], vector<16xf32>,
        %scan3A_212 = arith.constant 0 : i32
        scf.yield %scan3A_212 : i32
      }
      %scan3A_180 = arith.constant 8 : i32
      %mul3A_181 = arith.constant 8 : i32
      %mul3A_182 = arith.muli %add3A_136, %mul3A_181 : i32
      %add3A_183 = arith.addi %mul3A_2, %mul3A_182 : i32
      "tpu.region"() ({
        %run_scoped3A = tpu.sem_alloc : memref<!tpu.dma_semaphore, #tpu.memory_space<semaphore_mem>>
        %dma_start3A_191 = arith.constant 0 : i32
        %dma_start3A_192 = tpu.memref_slice %arg9[%dma_start3A_191, %add3A_183] : memref<48x16384xf32, #tpu.memory_space<hbm>> -> memref<48x8xf32, #tpu.memory_space<hbm>>
        %dma_start3A_193 = arith.constant 0 : i32
        %dma_start3A_194 = tpu.memref_slice %arg9[%dma_start3A_193, %add3A_183] : memref<48x16384xf32, #tpu.memory_space<hbm>> -> memref<48x8xf32, #tpu.memory_space<hbm>>
        tpu.enqueue_dma source(%arg24 : memref<48x8xf32, #tpu.memory_space<vmem>>) target(%dma_start3A_194 : memref<48x8xf32, #tpu.memory_space<hbm>>) target_semaphore(%run_scoped3A : memref<!tpu.dma_semaphore, #tpu.memory_space<semaphore_mem>>)
        %dma_wait3A_195 = arith.constant 0 : i32
        %dma_wait3A_196 = tpu.memref_slice %arg9[%dma_wait3A_195, %add3A_183] : memref<48x16384xf32, #tpu.memory_space<hbm>> -> memref<48x8xf32, #tpu.memory_space<hbm>>
        %dma_wait3A_197 = arith.constant 0 : i32
        %dma_wait3A_198 = tpu.memref_slice %arg9[%dma_wait3A_197, %add3A_183] : memref<48x16384xf32, #tpu.memory_space<hbm>> -> memref<48x8xf32, #tpu.memory_space<hbm>>
        tpu.wait_dma2 semaphore(%run_scoped3A : memref<!tpu.dma_semaphore, #tpu.memory_space<semaphore_mem>>) src(%arg24 : memref<48x8xf32, #tpu.memory_space<vmem>>) dst(%dma_wait3A_198 : memref<48x8xf32, #tpu.memory_space<hbm>>)
        tpu.yield
      }) : () -> ()
      %add3A_184 = arith.constant 2 : i32
      %add3A_185 = arith.addi %add3A_136, %add3A_184 : i32
      %lt3A_186 = arith.constant 64 : i32
      %lt3A_187 = arith.cmpi slt, %add3A_185, %lt3A_186 : i32
      %convert_element_type3A_188 = arith.extui %lt3A_187 : i1 to i32
      %cond3A_189 = arith.constant 0 : i32
      %cond3A_190 = arith.cmpi ne, %convert_element_type3A_188, %cond3A_189 : i32
      scf.if %cond3A_190 {
        %add3A_191 = arith.constant 2 : i32
        %add3A_192 = arith.addi %add3A_136, %add3A_191 : i32
        %mul3A_193 = arith.constant 8 : i32
        %mul3A_194 = arith.muli %add3A_192, %mul3A_193 : i32
        %add3A_195 = arith.addi %mul3A_2, %mul3A_194 : i32
        %mul3A_196 = arith.constant 200 : i32
        %mul3A_197 = arith.muli %add3A_195, %mul3A_196 : i32
        %dma_start3A_198 = tpu.memref_slice %arg2[%mul3A_197] : memref<3276800xi32, #tpu.memory_space<hbm>> -> memref<1600xi32, #tpu.memory_space<hbm>>
        %dma_start3A_199 = tpu.memref_slice %arg2[%mul3A_197] : memref<3276800xi32, #tpu.memory_space<hbm>> -> memref<1600xi32, #tpu.memory_space<hbm>>
        tpu.enqueue_dma source(%dma_start3A_199 : memref<1600xi32, #tpu.memory_space<hbm>>) target(%arg13 : memref<1600xi32, #tpu.memory_space<vmem>>) target_semaphore(%arg26 : memref<!tpu.dma_semaphore, #tpu.memory_space<semaphore_mem>>)
        %dma_start3A_200 = tpu.memref_slice %arg3[%mul3A_197] : memref<3276800xi32, #tpu.memory_space<hbm>> -> memref<1600xi32, #tpu.memory_space<hbm>>
        %dma_start3A_201 = tpu.memref_slice %arg3[%mul3A_197] : memref<3276800xi32, #tpu.memory_space<hbm>> -> memref<1600xi32, #tpu.memory_space<hbm>>
        tpu.enqueue_dma source(%dma_start3A_201 : memref<1600xi32, #tpu.memory_space<hbm>>) target(%arg14 : memref<1600xi32, #tpu.memory_space<vmem>>) target_semaphore(%arg26 : memref<!tpu.dma_semaphore, #tpu.memory_space<semaphore_mem>>)
        %dma_start3A_202 = tpu.memref_slice %arg4[%mul3A_197] : memref<3276800xi32, #tpu.memory_space<hbm>> -> memref<1600xi32, #tpu.memory_space<hbm>>
        %dma_start3A_203 = tpu.memref_slice %arg4[%mul3A_197] : memref<3276800xi32, #tpu.memory_space<hbm>> -> memref<1600xi32, #tpu.memory_space<hbm>>
        tpu.enqueue_dma source(%dma_start3A_203 : memref<1600xi32, #tpu.memory_space<hbm>>) target(%arg15 : memref<1600xi32, #tpu.memory_space<vmem>>) target_semaphore(%arg26 : memref<!tpu.dma_semaphore, #tpu.memory_space<semaphore_mem>>)
        %dma_start3A_204 = tpu.memref_slice %arg5[%mul3A_197] : memref<3276800xf32, #tpu.memory_space<hbm>> -> memref<1600xf32, #tpu.memory_space<hbm>>
        %dma_start3A_205 = tpu.memref_slice %arg5[%mul3A_197] : memref<3276800xf32, #tpu.memory_space<hbm>> -> memref<1600xf32, #tpu.memory_space<hbm>>
        tpu.enqueue_dma source(%dma_start3A_205 : memref<1600xf32, #tpu.memory_space<hbm>>) target(%arg17 : memref<1600xf32, #tpu.memory_space<vmem>>) target_semaphore(%arg26 : memref<!tpu.dma_semaphore, #tpu.memory_space<semaphore_mem>>)
      } else {
      }
    }
    %scan3A_76 = arith.constant 32 : i32
    return
  }
}

#map = affine_map<(d0, d1) -> (0, 0)>
#map1 = affine_map<(d0, d1) -> (0)>
module attributes {stable_mosaic.version = 14 : i64} {
  func.func @_sc_compact(%arg0: i32, %arg1: i32, %arg2: memref<8x1000001xf32, #tpu.memory_space<hbm>>, %arg3: memref<8x1000001xf32, #tpu.memory_space<hbm>>, %arg4: memref<8x1000001xf32, #tpu.memory_space<hbm>>, %arg5: memref<8000008xf32, #tpu.memory_space<hbm>>, %arg6: memref<8000008xf32, #tpu.memory_space<hbm>>, %arg7: memref<8000008xf32, #tpu.memory_space<hbm>>, %arg8: memref<8x2048xf32, #tpu.memory_space<vmem>>, %arg9: memref<8x2048xf32, #tpu.memory_space<vmem>>, %arg10: memref<16384xf32, #tpu.memory_space<vmem>>, %arg11: memref<16384xf32, #tpu.memory_space<vmem>>, %arg12: memref<8x577xf32, #tpu.memory_space<vmem>>, %arg13: memref<136xf32, #tpu.memory_space<vmem>>, %arg14: memref<!tpu.dma_semaphore, #tpu.memory_space<semaphore_mem>>, %arg15: memref<!tpu.dma_semaphore, #tpu.memory_space<semaphore_mem>>, %arg16: memref<!tpu.dma_semaphore, #tpu.memory_space<semaphore_mem>>, %arg17: memref<!tpu.dma_semaphore, #tpu.memory_space<semaphore_mem>>) attributes {dimension_semantics = [#tpu.dimension_semantics<core_parallel>, #tpu.dimension_semantics<subcore_parallel>], iteration_bounds = array<i64: 2, 16>, scalar_prefetch = 0 : i64, scratch_operands = 10 : i64, tpu.core_type = #tpu.core_type<sc_vector_subcore>, window_params = [{transform_indices = #map}, {transform_indices = #map}, {transform_indices = #map}, {transform_indices = #map1}, {transform_indices = #map1}, {transform_indices = #map1}]} {
    %mul3A = arith.constant 2 : i32
    %mul3A_0 = arith.muli %arg1, %mul3A : i32
    %add3A = arith.addi %mul3A_0, %arg0 : i32
    %iota3A = tpu.iota {dimensions = array<i32: 0>} : vector<16xi32>
    %shift_right_arithmetic3A = arith.constant 3 : i32
    %shift_right_arithmetic3A_1 = vector.broadcast %shift_right_arithmetic3A : i32 to vector<16xi32>
    %shift_right_arithmetic3A_2 = arith.shrsi %iota3A, %shift_right_arithmetic3A_1 : vector<16xi32>
    %and3A = arith.constant 7 : i32
    %and3A_3 = vector.broadcast %and3A : i32 to vector<16xi32>
    %and3A_4 = arith.andi %iota3A, %and3A_3 : vector<16xi32>
    %sub3A = arith.constant 487 : i32
    %sub3A_5 = arith.subi %sub3A, %add3A : i32
    %jit3A = arith.constant 32 : i32
    %div3A = arith.divsi %sub3A_5, %jit3A : i32
    %sign3A = arith.constant 0 : i32
    %sign3A_6 = arith.cmpi sgt, %sub3A_5, %sign3A : i32
    %sign3A_7 = arith.extui %sign3A_6 : i1 to i32
    %sign3A_8 = arith.constant 0 : i32
    %sign3A_9 = arith.cmpi slt, %sub3A_5, %sign3A_8 : i32
    %sign3A_10 = arith.extui %sign3A_9 : i1 to i32
    %sign3A_11 = arith.subi %sign3A_7, %sign3A_10 : i32
    %sign3A_12 = arith.constant 0 : i32
    %sign3A_13 = arith.cmpi sgt, %jit3A, %sign3A_12 : i32
    %sign3A_14 = arith.extui %sign3A_13 : i1 to i32
    %sign3A_15 = arith.constant 0 : i32
    %sign3A_16 = arith.cmpi slt, %jit3A, %sign3A_15 : i32
    %sign3A_17 = arith.extui %sign3A_16 : i1 to i32
    %sign3A_18 = arith.subi %sign3A_14, %sign3A_17 : i32
    %ne3A = arith.cmpi ne, %sign3A_11, %sign3A_18 : i32
    %rem3A = arith.remsi %sub3A_5, %jit3A : i32
    %ne3A_19 = arith.constant 0 : i32
    %ne3A_20 = arith.cmpi ne, %rem3A, %ne3A_19 : i32
    %and3A_21 = arith.andi %ne3A, %ne3A_20 : i1
    %sub3A_22 = arith.constant 1 : i32
    %sub3A_23 = arith.subi %div3A, %sub3A_22 : i32
    %select_n3A = arith.select %and3A_21, %sub3A_23, %div3A : i32
    %add3A_24 = arith.constant 1 : i32
    %add3A_25 = arith.addi %select_n3A, %add3A_24 : i32
    %add3A_26 = arith.constant 0 : i32
    %add3A_27 = arith.addi %add3A, %add3A_26 : i32
    %mul3A_28 = arith.constant 2048 : i32
    %mul3A_29 = arith.muli %add3A_27, %mul3A_28 : i32
    %dma_start3A = arith.constant 0 : i32
    %dma_start3A_30 = tpu.memref_slice %arg2[%dma_start3A, %mul3A_29] : memref<8x1000001xf32, #tpu.memory_space<hbm>> -> memref<8x2048xf32, #tpu.memory_space<hbm>>
    %dma_start3A_31 = arith.constant 0 : i32
    %dma_start3A_32 = tpu.memref_slice %arg2[%dma_start3A_31, %mul3A_29] : memref<8x1000001xf32, #tpu.memory_space<hbm>> -> memref<8x2048xf32, #tpu.memory_space<hbm>>
    tpu.enqueue_dma source(%dma_start3A_32 : memref<8x2048xf32, #tpu.memory_space<hbm>>) target(%arg8 : memref<8x2048xf32, #tpu.memory_space<vmem>>) target_semaphore(%arg14 : memref<!tpu.dma_semaphore, #tpu.memory_space<semaphore_mem>>)
    %add3A_33 = arith.constant 1 : i32
    %add3A_34 = arith.addi %add3A_25, %add3A_33 : i32
    %jit3A_35 = arith.constant 2 : i32
    %div3A_36 = arith.divsi %add3A_34, %jit3A_35 : i32
    %sign3A_37 = arith.constant 0 : i32
    %sign3A_38 = arith.cmpi sgt, %add3A_34, %sign3A_37 : i32
    %sign3A_39 = arith.extui %sign3A_38 : i1 to i32
    %sign3A_40 = arith.constant 0 : i32
    %sign3A_41 = arith.cmpi slt, %add3A_34, %sign3A_40 : i32
    %sign3A_42 = arith.extui %sign3A_41 : i1 to i32
    %sign3A_43 = arith.subi %sign3A_39, %sign3A_42 : i32
    %sign3A_44 = arith.constant 0 : i32
    %sign3A_45 = arith.cmpi sgt, %jit3A_35, %sign3A_44 : i32
    %sign3A_46 = arith.extui %sign3A_45 : i1 to i32
    %sign3A_47 = arith.constant 0 : i32
    %sign3A_48 = arith.cmpi slt, %jit3A_35, %sign3A_47 : i32
    %sign3A_49 = arith.extui %sign3A_48 : i1 to i32
    %sign3A_50 = arith.subi %sign3A_46, %sign3A_49 : i32
    %ne3A_51 = arith.cmpi ne, %sign3A_43, %sign3A_50 : i32
    %rem3A_52 = arith.remsi %add3A_34, %jit3A_35 : i32
    %ne3A_53 = arith.constant 0 : i32
    %ne3A_54 = arith.cmpi ne, %rem3A_52, %ne3A_53 : i32
    %and3A_55 = arith.andi %ne3A_51, %ne3A_54 : i1
    %sub3A_56 = arith.constant 1 : i32
    %sub3A_57 = arith.subi %div3A_36, %sub3A_56 : i32
    %select_n3A_58 = arith.select %and3A_55, %sub3A_57, %div3A_36 : i32
    %while3A = arith.constant 0 : i32
    %while3A_59 = arith.constant 0 : i32
    %while3A_60 = arith.subi %select_n3A_58, %while3A_59 : i32
    %while3A_61 = arith.addi %while3A_59, %while3A_60 : i32
    %while3A_62 = arith.constant 1 : i32
    %while3A_63 = arith.divsi %while3A_60, %while3A_62 : i32
    %while3A_64 = arith.muli %while3A_63, %while3A_62 : i32
    %while3A_65 = arith.addi %while3A_59, %while3A_64 : i32
    %while3A_66 = arith.constant 1 : i32
    scf.for %while3A_197 = %while3A_59 to %while3A_65 step %while3A_66  : i32 {
      %mul3A_198 = arith.constant 2 : i32
      %mul3A_199 = arith.muli %mul3A_198, %while3A_197 : i32
      %add3A_200 = arith.constant 0 : i32
      %add3A_201 = arith.addi %mul3A_199, %add3A_200 : i32
      %lt3A = arith.cmpi slt, %add3A_201, %add3A_25 : i32
      %convert_element_type3A_202 = arith.extui %lt3A : i1 to i32
      %cond3A_203 = arith.constant 0 : i32
      %cond3A_204 = arith.cmpi ne, %convert_element_type3A_202, %cond3A_203 : i32
      scf.if %cond3A_204 {
        %mul3A_213 = arith.constant 2 : i32
        %mul3A_214 = arith.muli %mul3A_213, %while3A_197 : i32
        %add3A_215 = arith.constant 0 : i32
        %add3A_216 = arith.addi %mul3A_214, %add3A_215 : i32
        %mul3A_217 = arith.constant 32 : i32
        %mul3A_218 = arith.muli %add3A_216, %mul3A_217 : i32
        %add3A_219 = arith.addi %add3A, %mul3A_218 : i32
        %mul3A_220 = arith.constant 2048 : i32
        %mul3A_221 = arith.muli %add3A_219, %mul3A_220 : i32
        %dma_wait3A = arith.constant 0 : i32
        %dma_wait3A_222 = tpu.memref_slice %arg2[%dma_wait3A, %mul3A_221] : memref<8x1000001xf32, #tpu.memory_space<hbm>> -> memref<8x2048xf32, #tpu.memory_space<hbm>>
        %dma_wait3A_223 = arith.constant 0 : i32
        %dma_wait3A_224 = tpu.memref_slice %arg2[%dma_wait3A_223, %mul3A_221] : memref<8x1000001xf32, #tpu.memory_space<hbm>> -> memref<8x2048xf32, #tpu.memory_space<hbm>>
        tpu.wait_dma2 semaphore(%arg14 : memref<!tpu.dma_semaphore, #tpu.memory_space<semaphore_mem>>) src(%dma_wait3A_224 : memref<8x2048xf32, #tpu.memory_space<hbm>>) dst(%arg8 : memref<8x2048xf32, #tpu.memory_space<vmem>>)
        %add3A_225 = arith.constant 1 : i32
        %add3A_226 = arith.addi %add3A_216, %add3A_225 : i32
        %lt3A_227 = arith.cmpi slt, %add3A_226, %add3A_25 : i32
        %convert_element_type3A_228 = arith.extui %lt3A_227 : i1 to i32
        %cond3A_229 = arith.constant 0 : i32
        %cond3A_230 = arith.cmpi ne, %convert_element_type3A_228, %cond3A_229 : i32
        scf.if %cond3A_230 {
          %add3A_253 = arith.constant 1 : i32
          %add3A_254 = arith.addi %add3A_216, %add3A_253 : i32
          %mul3A_255 = arith.constant 32 : i32
          %mul3A_256 = arith.muli %add3A_254, %mul3A_255 : i32
          %add3A_257 = arith.addi %add3A, %mul3A_256 : i32
          %mul3A_258 = arith.constant 2048 : i32
          %mul3A_259 = arith.muli %add3A_257, %mul3A_258 : i32
          %dma_start3A_260 = arith.constant 0 : i32
          %dma_start3A_261 = tpu.memref_slice %arg2[%dma_start3A_260, %mul3A_259] : memref<8x1000001xf32, #tpu.memory_space<hbm>> -> memref<8x2048xf32, #tpu.memory_space<hbm>>
          %dma_start3A_262 = arith.constant 0 : i32
          %dma_start3A_263 = tpu.memref_slice %arg2[%dma_start3A_262, %mul3A_259] : memref<8x1000001xf32, #tpu.memory_space<hbm>> -> memref<8x2048xf32, #tpu.memory_space<hbm>>
          tpu.enqueue_dma source(%dma_start3A_263 : memref<8x2048xf32, #tpu.memory_space<hbm>>) target(%arg9 : memref<8x2048xf32, #tpu.memory_space<vmem>>) target_semaphore(%arg15 : memref<!tpu.dma_semaphore, #tpu.memory_space<semaphore_mem>>)
        } else {
        }
        %ge3A = arith.constant 2 : i32
        %ge3A_231 = arith.cmpi sge, %add3A_216, %ge3A : i32
        %convert_element_type3A_232 = arith.extui %ge3A_231 : i1 to i32
        %cond3A_233 = arith.constant 0 : i32
        %cond3A_234 = arith.cmpi ne, %convert_element_type3A_232, %cond3A_233 : i32
        scf.if %cond3A_234 {
          %sub3A_253 = arith.constant 2 : i32
          %sub3A_254 = arith.subi %add3A_216, %sub3A_253 : i32
          %mul3A_255 = arith.constant 32 : i32
          %mul3A_256 = arith.muli %sub3A_254, %mul3A_255 : i32
          %add3A_257 = arith.addi %add3A, %mul3A_256 : i32
          %mul3A_258 = arith.constant 2048 : i32
          %mul3A_259 = arith.muli %add3A_257, %mul3A_258 : i32
          %mul3A_260 = arith.constant 8 : i32
          %mul3A_261 = arith.muli %mul3A_259, %mul3A_260 : i32
          %dma_wait3A_262 = tpu.memref_slice %arg5[%mul3A_261] : memref<8000008xf32, #tpu.memory_space<hbm>> -> memref<16384xf32, #tpu.memory_space<hbm>>
          %dma_wait3A_263 = tpu.memref_slice %arg5[%mul3A_261] : memref<8000008xf32, #tpu.memory_space<hbm>> -> memref<16384xf32, #tpu.memory_space<hbm>>
          tpu.wait_dma2 semaphore(%arg16 : memref<!tpu.dma_semaphore, #tpu.memory_space<semaphore_mem>>) src(%arg10 : memref<16384xf32, #tpu.memory_space<vmem>>) dst(%dma_wait3A_263 : memref<16384xf32, #tpu.memory_space<hbm>>)
        } else {
        }
        %mul3A_235 = arith.constant 17 : i32
        %mul3A_236 = vector.broadcast %mul3A_235 : i32 to vector<16xi32>
        %mul3A_237 = arith.muli %and3A_4, %mul3A_236 : vector<16xi32>
        %add3A_238 = arith.addi %mul3A_237, %shift_right_arithmetic3A_2 : vector<16xi32>
        %scan3A = arith.constant 0 : i32
        %scan3A_239 = arith.constant 0 : i32
        %scan3A_240 = arith.constant 128 : i32
        %scan3A_241 = arith.addi %scan3A_239, %scan3A_240 : i32
        %scan3A_242 = arith.constant 1 : i32
        scf.for %scan3A_253 = %scan3A_239 to %scan3A_241 step %scan3A_242  : i32 {
          %mul3A_254 = arith.constant 16 : i32
          %mul3A_255 = arith.muli %scan3A_253, %mul3A_254 : i32
          %get3A = arith.constant 0 : i32
          %get3A_256 = arith.index_cast %get3A : i32 to index
          %get3A_257 = arith.index_cast %mul3A_255 : i32 to index
          %get3A_258 = tpu.vector_load %arg8[%get3A_256, %get3A_257] {strides = array<i32>} : memref<8x2048xf32, #tpu.memory_space<vmem>>, vector<16xf32>,
          %swap3A = arith.constant 0 : index
          %swap3A_259 = tpu.vector_load %arg13[%swap3A] {strides = array<i32>} : memref<136xf32, #tpu.memory_space<vmem>>, vector<16xf32>,
          tpu.vector_store %arg13[%swap3A], %get3A_258 {strides = array<i32>} : memref<136xf32, #tpu.memory_space<vmem>>, vector<16xf32>,
          %get3A_260 = arith.constant 1 : i32
          %get3A_261 = arith.index_cast %get3A_260 : i32 to index
          %get3A_262 = arith.index_cast %mul3A_255 : i32 to index
          %get3A_263 = tpu.vector_load %arg8[%get3A_261, %get3A_262] {strides = array<i32>} : memref<8x2048xf32, #tpu.memory_space<vmem>>, vector<16xf32>,
          %swap3A_264 = arith.constant 17 : index
          %swap3A_265 = tpu.vector_load %arg13[%swap3A_264] {strides = array<i32>} : memref<136xf32, #tpu.memory_space<vmem>>, vector<16xf32>,
          tpu.vector_store %arg13[%swap3A_264], %get3A_263 {strides = array<i32>} : memref<136xf32, #tpu.memory_space<vmem>>, vector<16xf32>,
          %get3A_266 = arith.constant 2 : i32
          %get3A_267 = arith.index_cast %get3A_266 : i32 to index
          %get3A_268 = arith.index_cast %mul3A_255 : i32 to index
          %get3A_269 = tpu.vector_load %arg8[%get3A_267, %get3A_268] {strides = array<i32>} : memref<8x2048xf32, #tpu.memory_space<vmem>>, vector<16xf32>,
          %swap3A_270 = arith.constant 34 : index
          %swap3A_271 = tpu.vector_load %arg13[%swap3A_270] {strides = array<i32>} : memref<136xf32, #tpu.memory_space<vmem>>, vector<16xf32>,
          tpu.vector_store %arg13[%swap3A_270], %get3A_269 {strides = array<i32>} : memref<136xf32, #tpu.memory_space<vmem>>, vector<16xf32>,
          %get3A_272 = arith.constant 3 : i32
          %get3A_273 = arith.index_cast %get3A_272 : i32 to index
          %get3A_274 = arith.index_cast %mul3A_255 : i32 to index
          %get3A_275 = tpu.vector_load %arg8[%get3A_273, %get3A_274] {strides = array<i32>} : memref<8x2048xf32, #tpu.memory_space<vmem>>, vector<16xf32>,
          %swap3A_276 = arith.constant 51 : index
          %swap3A_277 = tpu.vector_load %arg13[%swap3A_276] {strides = array<i32>} : memref<136xf32, #tpu.memory_space<vmem>>, vector<16xf32>,
          tpu.vector_store %arg13[%swap3A_276], %get3A_275 {strides = array<i32>} : memref<136xf32, #tpu.memory_space<vmem>>, vector<16xf32>,
          %get3A_278 = arith.constant 4 : i32
          %get3A_279 = arith.index_cast %get3A_278 : i32 to index
          %get3A_280 = arith.index_cast %mul3A_255 : i32 to index
          %get3A_281 = tpu.vector_load %arg8[%get3A_279, %get3A_280] {strides = array<i32>} : memref<8x2048xf32, #tpu.memory_space<vmem>>, vector<16xf32>,
          %swap3A_282 = arith.constant 68 : index
          %swap3A_283 = tpu.vector_load %arg13[%swap3A_282] {strides = array<i32>} : memref<136xf32, #tpu.memory_space<vmem>>, vector<16xf32>,
          tpu.vector_store %arg13[%swap3A_282], %get3A_281 {strides = array<i32>} : memref<136xf32, #tpu.memory_space<vmem>>, vector<16xf32>,
          %get3A_284 = arith.constant 5 : i32
          %get3A_285 = arith.index_cast %get3A_284 : i32 to index
          %get3A_286 = arith.index_cast %mul3A_255 : i32 to index
          %get3A_287 = tpu.vector_load %arg8[%get3A_285, %get3A_286] {strides = array<i32>} : memref<8x2048xf32, #tpu.memory_space<vmem>>, vector<16xf32>,
          %swap3A_288 = arith.constant 85 : index
          %swap3A_289 = tpu.vector_load %arg13[%swap3A_288] {strides = array<i32>} : memref<136xf32, #tpu.memory_space<vmem>>, vector<16xf32>,
          tpu.vector_store %arg13[%swap3A_288], %get3A_287 {strides = array<i32>} : memref<136xf32, #tpu.memory_space<vmem>>, vector<16xf32>,
          %get3A_290 = arith.constant 6 : i32
          %get3A_291 = arith.index_cast %get3A_290 : i32 to index
          %get3A_292 = arith.index_cast %mul3A_255 : i32 to index
          %get3A_293 = tpu.vector_load %arg8[%get3A_291, %get3A_292] {strides = array<i32>} : memref<8x2048xf32, #tpu.memory_space<vmem>>, vector<16xf32>,
          %swap3A_294 = arith.constant 102 : index
          %swap3A_295 = tpu.vector_load %arg13[%swap3A_294] {strides = array<i32>} : memref<136xf32, #tpu.memory_space<vmem>>, vector<16xf32>,
          tpu.vector_store %arg13[%swap3A_294], %get3A_293 {strides = array<i32>} : memref<136xf32, #tpu.memory_space<vmem>>, vector<16xf32>,
          %get3A_296 = arith.constant 7 : i32
          %get3A_297 = arith.index_cast %get3A_296 : i32 to index
          %get3A_298 = arith.index_cast %mul3A_255 : i32 to index
          %get3A_299 = tpu.vector_load %arg8[%get3A_297, %get3A_298] {strides = array<i32>} : memref<8x2048xf32, #tpu.memory_space<vmem>>, vector<16xf32>,
          %swap3A_300 = arith.constant 119 : index
          %swap3A_301 = tpu.vector_load %arg13[%swap3A_300] {strides = array<i32>} : memref<136xf32, #tpu.memory_space<vmem>>, vector<16xf32>,
          tpu.vector_store %arg13[%swap3A_300], %get3A_299 {strides = array<i32>} : memref<136xf32, #tpu.memory_space<vmem>>, vector<16xf32>,
          %add3A_302 = arith.constant 0 : i32
          %add3A_303 = vector.broadcast %add3A_302 : i32 to vector<16xi32>
          %add3A_304 = arith.addi %add3A_238, %add3A_303 : vector<16xi32>
          %gather3A = tpu.vector_load_idx %arg13[%add3A_304] : memref<136xf32, #tpu.memory_space<vmem>>[vector<16xi32>], vector<16xf32>,
          %mul3A_305 = arith.constant 8 : i32
          %mul3A_306 = arith.muli %mul3A_255, %mul3A_305 : i32
          %add3A_307 = arith.constant 0 : i32
          %add3A_308 = arith.addi %mul3A_306, %add3A_307 : i32
          %swap3A_309 = arith.index_cast %add3A_308 : i32 to index
          %swap3A_310 = tpu.vector_load %arg10[%swap3A_309] {strides = array<i32>} : memref<16384xf32, #tpu.memory_space<vmem>>, vector<16xf32>,
          tpu.vector_store %arg10[%swap3A_309], %gather3A {strides = array<i32>} : memref<16384xf32, #tpu.memory_space<vmem>>, vector<16xf32>,
          %add3A_311 = arith.constant 2 : i32
          %add3A_312 = vector.broadcast %add3A_311 : i32 to vector<16xi32>
          %add3A_313 = arith.addi %add3A_238, %add3A_312 : vector<16xi32>
          %gather3A_314 = tpu.vector_load_idx %arg13[%add3A_313] : memref<136xf32, #tpu.memory_space<vmem>>[vector<16xi32>], vector<16xf32>,
          %mul3A_315 = arith.constant 8 : i32
          %mul3A_316 = arith.muli %mul3A_255, %mul3A_315 : i32
          %add3A_317 = arith.constant 16 : i32
          %add3A_318 = arith.addi %mul3A_316, %add3A_317 : i32
          %swap3A_319 = arith.index_cast %add3A_318 : i32 to index
          %swap3A_320 = tpu.vector_load %arg10[%swap3A_319] {strides = array<i32>} : memref<16384xf32, #tpu.memory_space<vmem>>, vector<16xf32>,
          tpu.vector_store %arg10[%swap3A_319], %gather3A_314 {strides = array<i32>} : memref<16384xf32, #tpu.memory_space<vmem>>, vector<16xf32>,
          %add3A_321 = arith.constant 4 : i32
          %add3A_322 = vector.broadcast %add3A_321 : i32 to vector<16xi32>
          %add3A_323 = arith.addi %add3A_238, %add3A_322 : vector<16xi32>
          %gather3A_324 = tpu.vector_load_idx %arg13[%add3A_323] : memref<136xf32, #tpu.memory_space<vmem>>[vector<16xi32>], vector<16xf32>,
          %mul3A_325 = arith.constant 8 : i32
          %mul3A_326 = arith.muli %mul3A_255, %mul3A_325 : i32
          %add3A_327 = arith.constant 32 : i32
          %add3A_328 = arith.addi %mul3A_326, %add3A_327 : i32
          %swap3A_329 = arith.index_cast %add3A_328 : i32 to index
          %swap3A_330 = tpu.vector_load %arg10[%swap3A_329] {strides = array<i32>} : memref<16384xf32, #tpu.memory_space<vmem>>, vector<16xf32>,
          tpu.vector_store %arg10[%swap3A_329], %gather3A_324 {strides = array<i32>} : memref<16384xf32, #tpu.memory_space<vmem>>, vector<16xf32>,
          %add3A_331 = arith.constant 6 : i32
          %add3A_332 = vector.broadcast %add3A_331 : i32 to vector<16xi32>
          %add3A_333 = arith.addi %add3A_238, %add3A_332 : vector<16xi32>
          %gather3A_334 = tpu.vector_load_idx %arg13[%add3A_333] : memref<136xf32, #tpu.memory_space<vmem>>[vector<16xi32>], vector<16xf32>,
          %mul3A_335 = arith.constant 8 : i32
          %mul3A_336 = arith.muli %mul3A_255, %mul3A_335 : i32
          %add3A_337 = arith.constant 48 : i32
          %add3A_338 = arith.addi %mul3A_336, %add3A_337 : i32
          %swap3A_339 = arith.index_cast %add3A_338 : i32 to index
          %swap3A_340 = tpu.vector_load %arg10[%swap3A_339] {strides = array<i32>} : memref<16384xf32, #tpu.memory_space<vmem>>, vector<16xf32>,
          tpu.vector_store %arg10[%swap3A_339], %gather3A_334 {strides = array<i32>} : memref<16384xf32, #tpu.memory_space<vmem>>, vector<16xf32>,
          %add3A_341 = arith.constant 8 : i32
          %add3A_342 = vector.broadcast %add3A_341 : i32 to vector<16xi32>
          %add3A_343 = arith.addi %add3A_238, %add3A_342 : vector<16xi32>
          %gather3A_344 = tpu.vector_load_idx %arg13[%add3A_343] : memref<136xf32, #tpu.memory_space<vmem>>[vector<16xi32>], vector<16xf32>,
          %mul3A_345 = arith.constant 8 : i32
          %mul3A_346 = arith.muli %mul3A_255, %mul3A_345 : i32
          %add3A_347 = arith.constant 64 : i32
          %add3A_348 = arith.addi %mul3A_346, %add3A_347 : i32
          %swap3A_349 = arith.index_cast %add3A_348 : i32 to index
          %swap3A_350 = tpu.vector_load %arg10[%swap3A_349] {strides = array<i32>} : memref<16384xf32, #tpu.memory_space<vmem>>, vector<16xf32>,
          tpu.vector_store %arg10[%swap3A_349], %gather3A_344 {strides = array<i32>} : memref<16384xf32, #tpu.memory_space<vmem>>, vector<16xf32>,
          %add3A_351 = arith.constant 10 : i32
          %add3A_352 = vector.broadcast %add3A_351 : i32 to vector<16xi32>
          %add3A_353 = arith.addi %add3A_238, %add3A_352 : vector<16xi32>
          %gather3A_354 = tpu.vector_load_idx %arg13[%add3A_353] : memref<136xf32, #tpu.memory_space<vmem>>[vector<16xi32>], vector<16xf32>,
          %mul3A_355 = arith.constant 8 : i32
          %mul3A_356 = arith.muli %mul3A_255, %mul3A_355 : i32
          %add3A_357 = arith.constant 80 : i32
          %add3A_358 = arith.addi %mul3A_356, %add3A_357 : i32
          %swap3A_359 = arith.index_cast %add3A_358 : i32 to index
          %swap3A_360 = tpu.vector_load %arg10[%swap3A_359] {strides = array<i32>} : memref<16384xf32, #tpu.memory_space<vmem>>, vector<16xf32>,
          tpu.vector_store %arg10[%swap3A_359], %gather3A_354 {strides = array<i32>} : memref<16384xf32, #tpu.memory_space<vmem>>, vector<16xf32>,
          %add3A_361 = arith.constant 12 : i32
          %add3A_362 = vector.broadcast %add3A_361 : i32 to vector<16xi32>
          %add3A_363 = arith.addi %add3A_238, %add3A_362 : vector<16xi32>
          %gather3A_364 = tpu.vector_load_idx %arg13[%add3A_363] : memref<136xf32, #tpu.memory_space<vmem>>[vector<16xi32>], vector<16xf32>,
          %mul3A_365 = arith.constant 8 : i32
          %mul3A_366 = arith.muli %mul3A_255, %mul3A_365 : i32
          %add3A_367 = arith.constant 96 : i32
          %add3A_368 = arith.addi %mul3A_366, %add3A_367 : i32
          %swap3A_369 = arith.index_cast %add3A_368 : i32 to index
          %swap3A_370 = tpu.vector_load %arg10[%swap3A_369] {strides = array<i32>} : memref<16384xf32, #tpu.memory_space<vmem>>, vector<16xf32>,
          tpu.vector_store %arg10[%swap3A_369], %gather3A_364 {strides = array<i32>} : memref<16384xf32, #tpu.memory_space<vmem>>, vector<16xf32>,
          %add3A_371 = arith.constant 14 : i32
          %add3A_372 = vector.broadcast %add3A_371 : i32 to vector<16xi32>
          %add3A_373 = arith.addi %add3A_238, %add3A_372 : vector<16xi32>
          %gather3A_374 = tpu.vector_load_idx %arg13[%add3A_373] : memref<136xf32, #tpu.memory_space<vmem>>[vector<16xi32>], vector<16xf32>,
          %mul3A_375 = arith.constant 8 : i32
          %mul3A_376 = arith.muli %mul3A_255, %mul3A_375 : i32
          %add3A_377 = arith.constant 112 : i32
          %add3A_378 = arith.addi %mul3A_376, %add3A_377 : i32
          %swap3A_379 = arith.index_cast %add3A_378 : i32 to index
          %swap3A_380 = tpu.vector_load %arg10[%swap3A_379] {strides = array<i32>} : memref<16384xf32, #tpu.memory_space<vmem>>, vector<16xf32>,
          tpu.vector_store %arg10[%swap3A_379], %gather3A_374 {strides = array<i32>} : memref<16384xf32, #tpu.memory_space<vmem>>, vector<16xf32>,
        }
        %scan3A_243 = arith.constant 128 : i32
        %mul3A_244 = arith.constant 32 : i32
        %mul3A_245 = arith.muli %add3A_216, %mul3A_244 : i32
        %add3A_246 = arith.addi %add3A, %mul3A_245 : i32
        %mul3A_247 = arith.constant 2048 : i32
        %mul3A_248 = arith.muli %add3A_246, %mul3A_247 : i32
        %mul3A_249 = arith.constant 8 : i32
        %mul3A_250 = arith.muli %mul3A_248, %mul3A_249 : i32
        %dma_start3A_251 = tpu.memref_slice %arg5[%mul3A_250] : memref<8000008xf32, #tpu.memory_space<hbm>> -> memref<16384xf32, #tpu.memory_space<hbm>>
        %dma_start3A_252 = tpu.memref_slice %arg5[%mul3A_250] : memref<8000008xf32, #tpu.memory_space<hbm>> -> memref<16384xf32, #tpu.memory_space<hbm>>
        tpu.enqueue_dma source(%arg10 : memref<16384xf32, #tpu.memory_space<vmem>>) target(%dma_start3A_252 : memref<16384xf32, #tpu.memory_space<hbm>>) target_semaphore(%arg16 : memref<!tpu.dma_semaphore, #tpu.memory_space<semaphore_mem>>)
      } else {
      }
      %mul3A_205 = arith.constant 2 : i32
      %mul3A_206 = arith.muli %mul3A_205, %while3A_197 : i32
      %add3A_207 = arith.constant 1 : i32
      %add3A_208 = arith.addi %mul3A_206, %add3A_207 : i32
      %lt3A_209 = arith.cmpi slt, %add3A_208, %add3A_25 : i32
      %convert_element_type3A_210 = arith.extui %lt3A_209 : i1 to i32
      %cond3A_211 = arith.constant 0 : i32
      %cond3A_212 = arith.cmpi ne, %convert_element_type3A_210, %cond3A_211 : i32
      scf.if %cond3A_212 {
        %mul3A_213 = arith.constant 2 : i32
        %mul3A_214 = arith.muli %mul3A_213, %while3A_197 : i32
        %add3A_215 = arith.constant 1 : i32
        %add3A_216 = arith.addi %mul3A_214, %add3A_215 : i32
        %mul3A_217 = arith.constant 32 : i32
        %mul3A_218 = arith.muli %add3A_216, %mul3A_217 : i32
        %add3A_219 = arith.addi %add3A, %mul3A_218 : i32
        %mul3A_220 = arith.constant 2048 : i32
        %mul3A_221 = arith.muli %add3A_219, %mul3A_220 : i32
        %dma_wait3A = arith.constant 0 : i32
        %dma_wait3A_222 = tpu.memref_slice %arg2[%dma_wait3A, %mul3A_221] : memref<8x1000001xf32, #tpu.memory_space<hbm>> -> memref<8x2048xf32, #tpu.memory_space<hbm>>
        %dma_wait3A_223 = arith.constant 0 : i32
        %dma_wait3A_224 = tpu.memref_slice %arg2[%dma_wait3A_223, %mul3A_221] : memref<8x1000001xf32, #tpu.memory_space<hbm>> -> memref<8x2048xf32, #tpu.memory_space<hbm>>
        tpu.wait_dma2 semaphore(%arg15 : memref<!tpu.dma_semaphore, #tpu.memory_space<semaphore_mem>>) src(%dma_wait3A_224 : memref<8x2048xf32, #tpu.memory_space<hbm>>) dst(%arg9 : memref<8x2048xf32, #tpu.memory_space<vmem>>)
        %add3A_225 = arith.constant 1 : i32
        %add3A_226 = arith.addi %add3A_216, %add3A_225 : i32
        %lt3A_227 = arith.cmpi slt, %add3A_226, %add3A_25 : i32
        %convert_element_type3A_228 = arith.extui %lt3A_227 : i1 to i32
        %cond3A_229 = arith.constant 0 : i32
        %cond3A_230 = arith.cmpi ne, %convert_element_type3A_228, %cond3A_229 : i32
        scf.if %cond3A_230 {
          %add3A_253 = arith.constant 1 : i32
          %add3A_254 = arith.addi %add3A_216, %add3A_253 : i32
          %mul3A_255 = arith.constant 32 : i32
          %mul3A_256 = arith.muli %add3A_254, %mul3A_255 : i32
          %add3A_257 = arith.addi %add3A, %mul3A_256 : i32
          %mul3A_258 = arith.constant 2048 : i32
          %mul3A_259 = arith.muli %add3A_257, %mul3A_258 : i32
          %dma_start3A_260 = arith.constant 0 : i32
          %dma_start3A_261 = tpu.memref_slice %arg2[%dma_start3A_260, %mul3A_259] : memref<8x1000001xf32, #tpu.memory_space<hbm>> -> memref<8x2048xf32, #tpu.memory_space<hbm>>
          %dma_start3A_262 = arith.constant 0 : i32
          %dma_start3A_263 = tpu.memref_slice %arg2[%dma_start3A_262, %mul3A_259] : memref<8x1000001xf32, #tpu.memory_space<hbm>> -> memref<8x2048xf32, #tpu.memory_space<hbm>>
          tpu.enqueue_dma source(%dma_start3A_263 : memref<8x2048xf32, #tpu.memory_space<hbm>>) target(%arg8 : memref<8x2048xf32, #tpu.memory_space<vmem>>) target_semaphore(%arg14 : memref<!tpu.dma_semaphore, #tpu.memory_space<semaphore_mem>>)
        } else {
        }
        %ge3A = arith.constant 2 : i32
        %ge3A_231 = arith.cmpi sge, %add3A_216, %ge3A : i32
        %convert_element_type3A_232 = arith.extui %ge3A_231 : i1 to i32
        %cond3A_233 = arith.constant 0 : i32
        %cond3A_234 = arith.cmpi ne, %convert_element_type3A_232, %cond3A_233 : i32
        scf.if %cond3A_234 {
          %sub3A_253 = arith.constant 2 : i32
          %sub3A_254 = arith.subi %add3A_216, %sub3A_253 : i32
          %mul3A_255 = arith.constant 32 : i32
          %mul3A_256 = arith.muli %sub3A_254, %mul3A_255 : i32
          %add3A_257 = arith.addi %add3A, %mul3A_256 : i32
          %mul3A_258 = arith.constant 2048 : i32
          %mul3A_259 = arith.muli %add3A_257, %mul3A_258 : i32
          %mul3A_260 = arith.constant 8 : i32
          %mul3A_261 = arith.muli %mul3A_259, %mul3A_260 : i32
          %dma_wait3A_262 = tpu.memref_slice %arg5[%mul3A_261] : memref<8000008xf32, #tpu.memory_space<hbm>> -> memref<16384xf32, #tpu.memory_space<hbm>>
          %dma_wait3A_263 = tpu.memref_slice %arg5[%mul3A_261] : memref<8000008xf32, #tpu.memory_space<hbm>> -> memref<16384xf32, #tpu.memory_space<hbm>>
          tpu.wait_dma2 semaphore(%arg17 : memref<!tpu.dma_semaphore, #tpu.memory_space<semaphore_mem>>) src(%arg11 : memref<16384xf32, #tpu.memory_space<vmem>>) dst(%dma_wait3A_263 : memref<16384xf32, #tpu.memory_space<hbm>>)
        } else {
        }
        %mul3A_235 = arith.constant 17 : i32
        %mul3A_236 = vector.broadcast %mul3A_235 : i32 to vector<16xi32>
        %mul3A_237 = arith.muli %and3A_4, %mul3A_236 : vector<16xi32>
        %add3A_238 = arith.addi %mul3A_237, %shift_right_arithmetic3A_2 : vector<16xi32>
        %scan3A = arith.constant 0 : i32
        %scan3A_239 = arith.constant 0 : i32
        %scan3A_240 = arith.constant 128 : i32
        %scan3A_241 = arith.addi %scan3A_239, %scan3A_240 : i32
        %scan3A_242 = arith.constant 1 : i32
        scf.for %scan3A_253 = %scan3A_239 to %scan3A_241 step %scan3A_242  : i32 {
          %mul3A_254 = arith.constant 16 : i32
          %mul3A_255 = arith.muli %scan3A_253, %mul3A_254 : i32
          %get3A = arith.constant 0 : i32
          %get3A_256 = arith.index_cast %get3A : i32 to index
          %get3A_257 = arith.index_cast %mul3A_255 : i32 to index
          %get3A_258 = tpu.vector_load %arg9[%get3A_256, %get3A_257] {strides = array<i32>} : memref<8x2048xf32, #tpu.memory_space<vmem>>, vector<16xf32>,
          %swap3A = arith.constant 0 : index
          %swap3A_259 = tpu.vector_load %arg13[%swap3A] {strides = array<i32>} : memref<136xf32, #tpu.memory_space<vmem>>, vector<16xf32>,
          tpu.vector_store %arg13[%swap3A], %get3A_258 {strides = array<i32>} : memref<136xf32, #tpu.memory_space<vmem>>, vector<16xf32>,
          %get3A_260 = arith.constant 1 : i32
          %get3A_261 = arith.index_cast %get3A_260 : i32 to index
          %get3A_262 = arith.index_cast %mul3A_255 : i32 to index
          %get3A_263 = tpu.vector_load %arg9[%get3A_261, %get3A_262] {strides = array<i32>} : memref<8x2048xf32, #tpu.memory_space<vmem>>, vector<16xf32>,
          %swap3A_264 = arith.constant 17 : index
          %swap3A_265 = tpu.vector_load %arg13[%swap3A_264] {strides = array<i32>} : memref<136xf32, #tpu.memory_space<vmem>>, vector<16xf32>,
          tpu.vector_store %arg13[%swap3A_264], %get3A_263 {strides = array<i32>} : memref<136xf32, #tpu.memory_space<vmem>>, vector<16xf32>,
          %get3A_266 = arith.constant 2 : i32
          %get3A_267 = arith.index_cast %get3A_266 : i32 to index
          %get3A_268 = arith.index_cast %mul3A_255 : i32 to index
          %get3A_269 = tpu.vector_load %arg9[%get3A_267, %get3A_268] {strides = array<i32>} : memref<8x2048xf32, #tpu.memory_space<vmem>>, vector<16xf32>,
          %swap3A_270 = arith.constant 34 : index
          %swap3A_271 = tpu.vector_load %arg13[%swap3A_270] {strides = array<i32>} : memref<136xf32, #tpu.memory_space<vmem>>, vector<16xf32>,
          tpu.vector_store %arg13[%swap3A_270], %get3A_269 {strides = array<i32>} : memref<136xf32, #tpu.memory_space<vmem>>, vector<16xf32>,
          %get3A_272 = arith.constant 3 : i32
          %get3A_273 = arith.index_cast %get3A_272 : i32 to index
          %get3A_274 = arith.index_cast %mul3A_255 : i32 to index
          %get3A_275 = tpu.vector_load %arg9[%get3A_273, %get3A_274] {strides = array<i32>} : memref<8x2048xf32, #tpu.memory_space<vmem>>, vector<16xf32>,
          %swap3A_276 = arith.constant 51 : index
          %swap3A_277 = tpu.vector_load %arg13[%swap3A_276] {strides = array<i32>} : memref<136xf32, #tpu.memory_space<vmem>>, vector<16xf32>,
          tpu.vector_store %arg13[%swap3A_276], %get3A_275 {strides = array<i32>} : memref<136xf32, #tpu.memory_space<vmem>>, vector<16xf32>,
          %get3A_278 = arith.constant 4 : i32
          %get3A_279 = arith.index_cast %get3A_278 : i32 to index
          %get3A_280 = arith.index_cast %mul3A_255 : i32 to index
          %get3A_281 = tpu.vector_load %arg9[%get3A_279, %get3A_280] {strides = array<i32>} : memref<8x2048xf32, #tpu.memory_space<vmem>>, vector<16xf32>,
          %swap3A_282 = arith.constant 68 : index
          %swap3A_283 = tpu.vector_load %arg13[%swap3A_282] {strides = array<i32>} : memref<136xf32, #tpu.memory_space<vmem>>, vector<16xf32>,
          tpu.vector_store %arg13[%swap3A_282], %get3A_281 {strides = array<i32>} : memref<136xf32, #tpu.memory_space<vmem>>, vector<16xf32>,
          %get3A_284 = arith.constant 5 : i32
          %get3A_285 = arith.index_cast %get3A_284 : i32 to index
          %get3A_286 = arith.index_cast %mul3A_255 : i32 to index
          %get3A_287 = tpu.vector_load %arg9[%get3A_285, %get3A_286] {strides = array<i32>} : memref<8x2048xf32, #tpu.memory_space<vmem>>, vector<16xf32>,
          %swap3A_288 = arith.constant 85 : index
          %swap3A_289 = tpu.vector_load %arg13[%swap3A_288] {strides = array<i32>} : memref<136xf32, #tpu.memory_space<vmem>>, vector<16xf32>,
          tpu.vector_store %arg13[%swap3A_288], %get3A_287 {strides = array<i32>} : memref<136xf32, #tpu.memory_space<vmem>>, vector<16xf32>,
          %get3A_290 = arith.constant 6 : i32
          %get3A_291 = arith.index_cast %get3A_290 : i32 to index
          %get3A_292 = arith.index_cast %mul3A_255 : i32 to index
          %get3A_293 = tpu.vector_load %arg9[%get3A_291, %get3A_292] {strides = array<i32>} : memref<8x2048xf32, #tpu.memory_space<vmem>>, vector<16xf32>,
          %swap3A_294 = arith.constant 102 : index
          %swap3A_295 = tpu.vector_load %arg13[%swap3A_294] {strides = array<i32>} : memref<136xf32, #tpu.memory_space<vmem>>, vector<16xf32>,
          tpu.vector_store %arg13[%swap3A_294], %get3A_293 {strides = array<i32>} : memref<136xf32, #tpu.memory_space<vmem>>, vector<16xf32>,
          %get3A_296 = arith.constant 7 : i32
          %get3A_297 = arith.index_cast %get3A_296 : i32 to index
          %get3A_298 = arith.index_cast %mul3A_255 : i32 to index
          %get3A_299 = tpu.vector_load %arg9[%get3A_297, %get3A_298] {strides = array<i32>} : memref<8x2048xf32, #tpu.memory_space<vmem>>, vector<16xf32>,
          %swap3A_300 = arith.constant 119 : index
          %swap3A_301 = tpu.vector_load %arg13[%swap3A_300] {strides = array<i32>} : memref<136xf32, #tpu.memory_space<vmem>>, vector<16xf32>,
          tpu.vector_store %arg13[%swap3A_300], %get3A_299 {strides = array<i32>} : memref<136xf32, #tpu.memory_space<vmem>>, vector<16xf32>,
          %add3A_302 = arith.constant 0 : i32
          %add3A_303 = vector.broadcast %add3A_302 : i32 to vector<16xi32>
          %add3A_304 = arith.addi %add3A_238, %add3A_303 : vector<16xi32>
          %gather3A = tpu.vector_load_idx %arg13[%add3A_304] : memref<136xf32, #tpu.memory_space<vmem>>[vector<16xi32>], vector<16xf32>,
          %mul3A_305 = arith.constant 8 : i32
          %mul3A_306 = arith.muli %mul3A_255, %mul3A_305 : i32
          %add3A_307 = arith.constant 0 : i32
          %add3A_308 = arith.addi %mul3A_306, %add3A_307 : i32
          %swap3A_309 = arith.index_cast %add3A_308 : i32 to index
          %swap3A_310 = tpu.vector_load %arg11[%swap3A_309] {strides = array<i32>} : memref<16384xf32, #tpu.memory_space<vmem>>, vector<16xf32>,
          tpu.vector_store %arg11[%swap3A_309], %gather3A {strides = array<i32>} : memref<16384xf32, #tpu.memory_space<vmem>>, vector<16xf32>,
          %add3A_311 = arith.constant 2 : i32
          %add3A_312 = vector.broadcast %add3A_311 : i32 to vector<16xi32>
          %add3A_313 = arith.addi %add3A_238, %add3A_312 : vector<16xi32>
          %gather3A_314 = tpu.vector_load_idx %arg13[%add3A_313] : memref<136xf32, #tpu.memory_space<vmem>>[vector<16xi32>], vector<16xf32>,
          %mul3A_315 = arith.constant 8 : i32
          %mul3A_316 = arith.muli %mul3A_255, %mul3A_315 : i32
          %add3A_317 = arith.constant 16 : i32
          %add3A_318 = arith.addi %mul3A_316, %add3A_317 : i32
          %swap3A_319 = arith.index_cast %add3A_318 : i32 to index
          %swap3A_320 = tpu.vector_load %arg11[%swap3A_319] {strides = array<i32>} : memref<16384xf32, #tpu.memory_space<vmem>>, vector<16xf32>,
          tpu.vector_store %arg11[%swap3A_319], %gather3A_314 {strides = array<i32>} : memref<16384xf32, #tpu.memory_space<vmem>>, vector<16xf32>,
          %add3A_321 = arith.constant 4 : i32
          %add3A_322 = vector.broadcast %add3A_321 : i32 to vector<16xi32>
          %add3A_323 = arith.addi %add3A_238, %add3A_322 : vector<16xi32>
          %gather3A_324 = tpu.vector_load_idx %arg13[%add3A_323] : memref<136xf32, #tpu.memory_space<vmem>>[vector<16xi32>], vector<16xf32>,
          %mul3A_325 = arith.constant 8 : i32
          %mul3A_326 = arith.muli %mul3A_255, %mul3A_325 : i32
          %add3A_327 = arith.constant 32 : i32
          %add3A_328 = arith.addi %mul3A_326, %add3A_327 : i32
          %swap3A_329 = arith.index_cast %add3A_328 : i32 to index
          %swap3A_330 = tpu.vector_load %arg11[%swap3A_329] {strides = array<i32>} : memref<16384xf32, #tpu.memory_space<vmem>>, vector<16xf32>,
          tpu.vector_store %arg11[%swap3A_329], %gather3A_324 {strides = array<i32>} : memref<16384xf32, #tpu.memory_space<vmem>>, vector<16xf32>,
          %add3A_331 = arith.constant 6 : i32
          %add3A_332 = vector.broadcast %add3A_331 : i32 to vector<16xi32>
          %add3A_333 = arith.addi %add3A_238, %add3A_332 : vector<16xi32>
          %gather3A_334 = tpu.vector_load_idx %arg13[%add3A_333] : memref<136xf32, #tpu.memory_space<vmem>>[vector<16xi32>], vector<16xf32>,
          %mul3A_335 = arith.constant 8 : i32
          %mul3A_336 = arith.muli %mul3A_255, %mul3A_335 : i32
          %add3A_337 = arith.constant 48 : i32
          %add3A_338 = arith.addi %mul3A_336, %add3A_337 : i32
          %swap3A_339 = arith.index_cast %add3A_338 : i32 to index
          %swap3A_340 = tpu.vector_load %arg11[%swap3A_339] {strides = array<i32>} : memref<16384xf32, #tpu.memory_space<vmem>>, vector<16xf32>,
          tpu.vector_store %arg11[%swap3A_339], %gather3A_334 {strides = array<i32>} : memref<16384xf32, #tpu.memory_space<vmem>>, vector<16xf32>,
          %add3A_341 = arith.constant 8 : i32
          %add3A_342 = vector.broadcast %add3A_341 : i32 to vector<16xi32>
          %add3A_343 = arith.addi %add3A_238, %add3A_342 : vector<16xi32>
          %gather3A_344 = tpu.vector_load_idx %arg13[%add3A_343] : memref<136xf32, #tpu.memory_space<vmem>>[vector<16xi32>], vector<16xf32>,
          %mul3A_345 = arith.constant 8 : i32
          %mul3A_346 = arith.muli %mul3A_255, %mul3A_345 : i32
          %add3A_347 = arith.constant 64 : i32
          %add3A_348 = arith.addi %mul3A_346, %add3A_347 : i32
          %swap3A_349 = arith.index_cast %add3A_348 : i32 to index
          %swap3A_350 = tpu.vector_load %arg11[%swap3A_349] {strides = array<i32>} : memref<16384xf32, #tpu.memory_space<vmem>>, vector<16xf32>,
          tpu.vector_store %arg11[%swap3A_349], %gather3A_344 {strides = array<i32>} : memref<16384xf32, #tpu.memory_space<vmem>>, vector<16xf32>,
          %add3A_351 = arith.constant 10 : i32
          %add3A_352 = vector.broadcast %add3A_351 : i32 to vector<16xi32>
          %add3A_353 = arith.addi %add3A_238, %add3A_352 : vector<16xi32>
          %gather3A_354 = tpu.vector_load_idx %arg13[%add3A_353] : memref<136xf32, #tpu.memory_space<vmem>>[vector<16xi32>], vector<16xf32>,
          %mul3A_355 = arith.constant 8 : i32
          %mul3A_356 = arith.muli %mul3A_255, %mul3A_355 : i32
          %add3A_357 = arith.constant 80 : i32
          %add3A_358 = arith.addi %mul3A_356, %add3A_357 : i32
          %swap3A_359 = arith.index_cast %add3A_358 : i32 to index
          %swap3A_360 = tpu.vector_load %arg11[%swap3A_359] {strides = array<i32>} : memref<16384xf32, #tpu.memory_space<vmem>>, vector<16xf32>,
          tpu.vector_store %arg11[%swap3A_359], %gather3A_354 {strides = array<i32>} : memref<16384xf32, #tpu.memory_space<vmem>>, vector<16xf32>,
          %add3A_361 = arith.constant 12 : i32
          %add3A_362 = vector.broadcast %add3A_361 : i32 to vector<16xi32>
          %add3A_363 = arith.addi %add3A_238, %add3A_362 : vector<16xi32>
          %gather3A_364 = tpu.vector_load_idx %arg13[%add3A_363] : memref<136xf32, #tpu.memory_space<vmem>>[vector<16xi32>], vector<16xf32>,
          %mul3A_365 = arith.constant 8 : i32
          %mul3A_366 = arith.muli %mul3A_255, %mul3A_365 : i32
          %add3A_367 = arith.constant 96 : i32
          %add3A_368 = arith.addi %mul3A_366, %add3A_367 : i32
          %swap3A_369 = arith.index_cast %add3A_368 : i32 to index
          %swap3A_370 = tpu.vector_load %arg11[%swap3A_369] {strides = array<i32>} : memref<16384xf32, #tpu.memory_space<vmem>>, vector<16xf32>,
          tpu.vector_store %arg11[%swap3A_369], %gather3A_364 {strides = array<i32>} : memref<16384xf32, #tpu.memory_space<vmem>>, vector<16xf32>,
          %add3A_371 = arith.constant 14 : i32
          %add3A_372 = vector.broadcast %add3A_371 : i32 to vector<16xi32>
          %add3A_373 = arith.addi %add3A_238, %add3A_372 : vector<16xi32>
          %gather3A_374 = tpu.vector_load_idx %arg13[%add3A_373] : memref<136xf32, #tpu.memory_space<vmem>>[vector<16xi32>], vector<16xf32>,
          %mul3A_375 = arith.constant 8 : i32
          %mul3A_376 = arith.muli %mul3A_255, %mul3A_375 : i32
          %add3A_377 = arith.constant 112 : i32
          %add3A_378 = arith.addi %mul3A_376, %add3A_377 : i32
          %swap3A_379 = arith.index_cast %add3A_378 : i32 to index
          %swap3A_380 = tpu.vector_load %arg11[%swap3A_379] {strides = array<i32>} : memref<16384xf32, #tpu.memory_space<vmem>>, vector<16xf32>,
          tpu.vector_store %arg11[%swap3A_379], %gather3A_374 {strides = array<i32>} : memref<16384xf32, #tpu.memory_space<vmem>>, vector<16xf32>,
        }
        %scan3A_243 = arith.constant 128 : i32
        %mul3A_244 = arith.constant 32 : i32
        %mul3A_245 = arith.muli %add3A_216, %mul3A_244 : i32
        %add3A_246 = arith.addi %add3A, %mul3A_245 : i32
        %mul3A_247 = arith.constant 2048 : i32
        %mul3A_248 = arith.muli %add3A_246, %mul3A_247 : i32
        %mul3A_249 = arith.constant 8 : i32
        %mul3A_250 = arith.muli %mul3A_248, %mul3A_249 : i32
        %dma_start3A_251 = tpu.memref_slice %arg5[%mul3A_250] : memref<8000008xf32, #tpu.memory_space<hbm>> -> memref<16384xf32, #tpu.memory_space<hbm>>
        %dma_start3A_252 = tpu.memref_slice %arg5[%mul3A_250] : memref<8000008xf32, #tpu.memory_space<hbm>> -> memref<16384xf32, #tpu.memory_space<hbm>>
        tpu.enqueue_dma source(%arg11 : memref<16384xf32, #tpu.memory_space<vmem>>) target(%dma_start3A_252 : memref<16384xf32, #tpu.memory_space<hbm>>) target_semaphore(%arg17 : memref<!tpu.dma_semaphore, #tpu.memory_space<semaphore_mem>>)
      } else {
      }
    }
    %while3A_67 = arith.constant 1 : i32
    scf.for %while3A_197 = %while3A_65 to %while3A_61 step %while3A_67  : i32 {
      %mul3A_198 = arith.constant 2 : i32
      %mul3A_199 = arith.muli %mul3A_198, %while3A_197 : i32
      %add3A_200 = arith.constant 0 : i32
      %add3A_201 = arith.addi %mul3A_199, %add3A_200 : i32
      %lt3A = arith.cmpi slt, %add3A_201, %add3A_25 : i32
      %convert_element_type3A_202 = arith.extui %lt3A : i1 to i32
      %cond3A_203 = arith.constant 0 : i32
      %cond3A_204 = arith.cmpi ne, %convert_element_type3A_202, %cond3A_203 : i32
      scf.if %cond3A_204 {
        %mul3A_213 = arith.constant 2 : i32
        %mul3A_214 = arith.muli %mul3A_213, %while3A_197 : i32
        %add3A_215 = arith.constant 0 : i32
        %add3A_216 = arith.addi %mul3A_214, %add3A_215 : i32
        %mul3A_217 = arith.constant 32 : i32
        %mul3A_218 = arith.muli %add3A_216, %mul3A_217 : i32
        %add3A_219 = arith.addi %add3A, %mul3A_218 : i32
        %mul3A_220 = arith.constant 2048 : i32
        %mul3A_221 = arith.muli %add3A_219, %mul3A_220 : i32
        %dma_wait3A = arith.constant 0 : i32
        %dma_wait3A_222 = tpu.memref_slice %arg2[%dma_wait3A, %mul3A_221] : memref<8x1000001xf32, #tpu.memory_space<hbm>> -> memref<8x2048xf32, #tpu.memory_space<hbm>>
        %dma_wait3A_223 = arith.constant 0 : i32
        %dma_wait3A_224 = tpu.memref_slice %arg2[%dma_wait3A_223, %mul3A_221] : memref<8x1000001xf32, #tpu.memory_space<hbm>> -> memref<8x2048xf32, #tpu.memory_space<hbm>>
        tpu.wait_dma2 semaphore(%arg14 : memref<!tpu.dma_semaphore, #tpu.memory_space<semaphore_mem>>) src(%dma_wait3A_224 : memref<8x2048xf32, #tpu.memory_space<hbm>>) dst(%arg8 : memref<8x2048xf32, #tpu.memory_space<vmem>>)
        %add3A_225 = arith.constant 1 : i32
        %add3A_226 = arith.addi %add3A_216, %add3A_225 : i32
        %lt3A_227 = arith.cmpi slt, %add3A_226, %add3A_25 : i32
        %convert_element_type3A_228 = arith.extui %lt3A_227 : i1 to i32
        %cond3A_229 = arith.constant 0 : i32
        %cond3A_230 = arith.cmpi ne, %convert_element_type3A_228, %cond3A_229 : i32
        scf.if %cond3A_230 {
          %add3A_253 = arith.constant 1 : i32
          %add3A_254 = arith.addi %add3A_216, %add3A_253 : i32
          %mul3A_255 = arith.constant 32 : i32
          %mul3A_256 = arith.muli %add3A_254, %mul3A_255 : i32
          %add3A_257 = arith.addi %add3A, %mul3A_256 : i32
          %mul3A_258 = arith.constant 2048 : i32
          %mul3A_259 = arith.muli %add3A_257, %mul3A_258 : i32
          %dma_start3A_260 = arith.constant 0 : i32
          %dma_start3A_261 = tpu.memref_slice %arg2[%dma_start3A_260, %mul3A_259] : memref<8x1000001xf32, #tpu.memory_space<hbm>> -> memref<8x2048xf32, #tpu.memory_space<hbm>>
          %dma_start3A_262 = arith.constant 0 : i32
          %dma_start3A_263 = tpu.memref_slice %arg2[%dma_start3A_262, %mul3A_259] : memref<8x1000001xf32, #tpu.memory_space<hbm>> -> memref<8x2048xf32, #tpu.memory_space<hbm>>
          tpu.enqueue_dma source(%dma_start3A_263 : memref<8x2048xf32, #tpu.memory_space<hbm>>) target(%arg9 : memref<8x2048xf32, #tpu.memory_space<vmem>>) target_semaphore(%arg15 : memref<!tpu.dma_semaphore, #tpu.memory_space<semaphore_mem>>)
        } else {
        }
        %ge3A = arith.constant 2 : i32
        %ge3A_231 = arith.cmpi sge, %add3A_216, %ge3A : i32
        %convert_element_type3A_232 = arith.extui %ge3A_231 : i1 to i32
        %cond3A_233 = arith.constant 0 : i32
        %cond3A_234 = arith.cmpi ne, %convert_element_type3A_232, %cond3A_233 : i32
        scf.if %cond3A_234 {
          %sub3A_253 = arith.constant 2 : i32
          %sub3A_254 = arith.subi %add3A_216, %sub3A_253 : i32
          %mul3A_255 = arith.constant 32 : i32
          %mul3A_256 = arith.muli %sub3A_254, %mul3A_255 : i32
          %add3A_257 = arith.addi %add3A, %mul3A_256 : i32
          %mul3A_258 = arith.constant 2048 : i32
          %mul3A_259 = arith.muli %add3A_257, %mul3A_258 : i32
          %mul3A_260 = arith.constant 8 : i32
          %mul3A_261 = arith.muli %mul3A_259, %mul3A_260 : i32
          %dma_wait3A_262 = tpu.memref_slice %arg5[%mul3A_261] : memref<8000008xf32, #tpu.memory_space<hbm>> -> memref<16384xf32, #tpu.memory_space<hbm>>
          %dma_wait3A_263 = tpu.memref_slice %arg5[%mul3A_261] : memref<8000008xf32, #tpu.memory_space<hbm>> -> memref<16384xf32, #tpu.memory_space<hbm>>
          tpu.wait_dma2 semaphore(%arg16 : memref<!tpu.dma_semaphore, #tpu.memory_space<semaphore_mem>>) src(%arg10 : memref<16384xf32, #tpu.memory_space<vmem>>) dst(%dma_wait3A_263 : memref<16384xf32, #tpu.memory_space<hbm>>)
        } else {
        }
        %mul3A_235 = arith.constant 17 : i32
        %mul3A_236 = vector.broadcast %mul3A_235 : i32 to vector<16xi32>
        %mul3A_237 = arith.muli %and3A_4, %mul3A_236 : vector<16xi32>
        %add3A_238 = arith.addi %mul3A_237, %shift_right_arithmetic3A_2 : vector<16xi32>
        %scan3A = arith.constant 0 : i32
        %scan3A_239 = arith.constant 0 : i32
        %scan3A_240 = arith.constant 128 : i32
        %scan3A_241 = arith.addi %scan3A_239, %scan3A_240 : i32
        %scan3A_242 = arith.constant 1 : i32
        scf.for %scan3A_253 = %scan3A_239 to %scan3A_241 step %scan3A_242  : i32 {
          %mul3A_254 = arith.constant 16 : i32
          %mul3A_255 = arith.muli %scan3A_253, %mul3A_254 : i32
          %get3A = arith.constant 0 : i32
          %get3A_256 = arith.index_cast %get3A : i32 to index
          %get3A_257 = arith.index_cast %mul3A_255 : i32 to index
          %get3A_258 = tpu.vector_load %arg8[%get3A_256, %get3A_257] {strides = array<i32>} : memref<8x2048xf32, #tpu.memory_space<vmem>>, vector<16xf32>,
          %swap3A = arith.constant 0 : index
          %swap3A_259 = tpu.vector_load %arg13[%swap3A] {strides = array<i32>} : memref<136xf32, #tpu.memory_space<vmem>>, vector<16xf32>,
          tpu.vector_store %arg13[%swap3A], %get3A_258 {strides = array<i32>} : memref<136xf32, #tpu.memory_space<vmem>>, vector<16xf32>,
          %get3A_260 = arith.constant 1 : i32
          %get3A_261 = arith.index_cast %get3A_260 : i32 to index
          %get3A_262 = arith.index_cast %mul3A_255 : i32 to index
          %get3A_263 = tpu.vector_load %arg8[%get3A_261, %get3A_262] {strides = array<i32>} : memref<8x2048xf32, #tpu.memory_space<vmem>>, vector<16xf32>,
          %swap3A_264 = arith.constant 17 : index
          %swap3A_265 = tpu.vector_load %arg13[%swap3A_264] {strides = array<i32>} : memref<136xf32, #tpu.memory_space<vmem>>, vector<16xf32>,
          tpu.vector_store %arg13[%swap3A_264], %get3A_263 {strides = array<i32>} : memref<136xf32, #tpu.memory_space<vmem>>, vector<16xf32>,
          %get3A_266 = arith.constant 2 : i32
          %get3A_267 = arith.index_cast %get3A_266 : i32 to index
          %get3A_268 = arith.index_cast %mul3A_255 : i32 to index
          %get3A_269 = tpu.vector_load %arg8[%get3A_267, %get3A_268] {strides = array<i32>} : memref<8x2048xf32, #tpu.memory_space<vmem>>, vector<16xf32>,
          %swap3A_270 = arith.constant 34 : index
          %swap3A_271 = tpu.vector_load %arg13[%swap3A_270] {strides = array<i32>} : memref<136xf32, #tpu.memory_space<vmem>>, vector<16xf32>,
          tpu.vector_store %arg13[%swap3A_270], %get3A_269 {strides = array<i32>} : memref<136xf32, #tpu.memory_space<vmem>>, vector<16xf32>,
          %get3A_272 = arith.constant 3 : i32
          %get3A_273 = arith.index_cast %get3A_272 : i32 to index
          %get3A_274 = arith.index_cast %mul3A_255 : i32 to index
          %get3A_275 = tpu.vector_load %arg8[%get3A_273, %get3A_274] {strides = array<i32>} : memref<8x2048xf32, #tpu.memory_space<vmem>>, vector<16xf32>,
          %swap3A_276 = arith.constant 51 : index
          %swap3A_277 = tpu.vector_load %arg13[%swap3A_276] {strides = array<i32>} : memref<136xf32, #tpu.memory_space<vmem>>, vector<16xf32>,
          tpu.vector_store %arg13[%swap3A_276], %get3A_275 {strides = array<i32>} : memref<136xf32, #tpu.memory_space<vmem>>, vector<16xf32>,
          %get3A_278 = arith.constant 4 : i32
          %get3A_279 = arith.index_cast %get3A_278 : i32 to index
          %get3A_280 = arith.index_cast %mul3A_255 : i32 to index
          %get3A_281 = tpu.vector_load %arg8[%get3A_279, %get3A_280] {strides = array<i32>} : memref<8x2048xf32, #tpu.memory_space<vmem>>, vector<16xf32>,
          %swap3A_282 = arith.constant 68 : index
          %swap3A_283 = tpu.vector_load %arg13[%swap3A_282] {strides = array<i32>} : memref<136xf32, #tpu.memory_space<vmem>>, vector<16xf32>,
          tpu.vector_store %arg13[%swap3A_282], %get3A_281 {strides = array<i32>} : memref<136xf32, #tpu.memory_space<vmem>>, vector<16xf32>,
          %get3A_284 = arith.constant 5 : i32
          %get3A_285 = arith.index_cast %get3A_284 : i32 to index
          %get3A_286 = arith.index_cast %mul3A_255 : i32 to index
          %get3A_287 = tpu.vector_load %arg8[%get3A_285, %get3A_286] {strides = array<i32>} : memref<8x2048xf32, #tpu.memory_space<vmem>>, vector<16xf32>,
          %swap3A_288 = arith.constant 85 : index
          %swap3A_289 = tpu.vector_load %arg13[%swap3A_288] {strides = array<i32>} : memref<136xf32, #tpu.memory_space<vmem>>, vector<16xf32>,
          tpu.vector_store %arg13[%swap3A_288], %get3A_287 {strides = array<i32>} : memref<136xf32, #tpu.memory_space<vmem>>, vector<16xf32>,
          %get3A_290 = arith.constant 6 : i32
          %get3A_291 = arith.index_cast %get3A_290 : i32 to index
          %get3A_292 = arith.index_cast %mul3A_255 : i32 to index
          %get3A_293 = tpu.vector_load %arg8[%get3A_291, %get3A_292] {strides = array<i32>} : memref<8x2048xf32, #tpu.memory_space<vmem>>, vector<16xf32>,
          %swap3A_294 = arith.constant 102 : index
          %swap3A_295 = tpu.vector_load %arg13[%swap3A_294] {strides = array<i32>} : memref<136xf32, #tpu.memory_space<vmem>>, vector<16xf32>,
          tpu.vector_store %arg13[%swap3A_294], %get3A_293 {strides = array<i32>} : memref<136xf32, #tpu.memory_space<vmem>>, vector<16xf32>,
          %get3A_296 = arith.constant 7 : i32
          %get3A_297 = arith.index_cast %get3A_296 : i32 to index
          %get3A_298 = arith.index_cast %mul3A_255 : i32 to index
          %get3A_299 = tpu.vector_load %arg8[%get3A_297, %get3A_298] {strides = array<i32>} : memref<8x2048xf32, #tpu.memory_space<vmem>>, vector<16xf32>,
          %swap3A_300 = arith.constant 119 : index
          %swap3A_301 = tpu.vector_load %arg13[%swap3A_300] {strides = array<i32>} : memref<136xf32, #tpu.memory_space<vmem>>, vector<16xf32>,
          tpu.vector_store %arg13[%swap3A_300], %get3A_299 {strides = array<i32>} : memref<136xf32, #tpu.memory_space<vmem>>, vector<16xf32>,
          %add3A_302 = arith.constant 0 : i32
          %add3A_303 = vector.broadcast %add3A_302 : i32 to vector<16xi32>
          %add3A_304 = arith.addi %add3A_238, %add3A_303 : vector<16xi32>
          %gather3A = tpu.vector_load_idx %arg13[%add3A_304] : memref<136xf32, #tpu.memory_space<vmem>>[vector<16xi32>], vector<16xf32>,
          %mul3A_305 = arith.constant 8 : i32
          %mul3A_306 = arith.muli %mul3A_255, %mul3A_305 : i32
          %add3A_307 = arith.constant 0 : i32
          %add3A_308 = arith.addi %mul3A_306, %add3A_307 : i32
          %swap3A_309 = arith.index_cast %add3A_308 : i32 to index
          %swap3A_310 = tpu.vector_load %arg10[%swap3A_309] {strides = array<i32>} : memref<16384xf32, #tpu.memory_space<vmem>>, vector<16xf32>,
          tpu.vector_store %arg10[%swap3A_309], %gather3A {strides = array<i32>} : memref<16384xf32, #tpu.memory_space<vmem>>, vector<16xf32>,
          %add3A_311 = arith.constant 2 : i32
          %add3A_312 = vector.broadcast %add3A_311 : i32 to vector<16xi32>
          %add3A_313 = arith.addi %add3A_238, %add3A_312 : vector<16xi32>
          %gather3A_314 = tpu.vector_load_idx %arg13[%add3A_313] : memref<136xf32, #tpu.memory_space<vmem>>[vector<16xi32>], vector<16xf32>,
          %mul3A_315 = arith.constant 8 : i32
          %mul3A_316 = arith.muli %mul3A_255, %mul3A_315 : i32
          %add3A_317 = arith.constant 16 : i32
          %add3A_318 = arith.addi %mul3A_316, %add3A_317 : i32
          %swap3A_319 = arith.index_cast %add3A_318 : i32 to index
          %swap3A_320 = tpu.vector_load %arg10[%swap3A_319] {strides = array<i32>} : memref<16384xf32, #tpu.memory_space<vmem>>, vector<16xf32>,
          tpu.vector_store %arg10[%swap3A_319], %gather3A_314 {strides = array<i32>} : memref<16384xf32, #tpu.memory_space<vmem>>, vector<16xf32>,
          %add3A_321 = arith.constant 4 : i32
          %add3A_322 = vector.broadcast %add3A_321 : i32 to vector<16xi32>
          %add3A_323 = arith.addi %add3A_238, %add3A_322 : vector<16xi32>
          %gather3A_324 = tpu.vector_load_idx %arg13[%add3A_323] : memref<136xf32, #tpu.memory_space<vmem>>[vector<16xi32>], vector<16xf32>,
          %mul3A_325 = arith.constant 8 : i32
          %mul3A_326 = arith.muli %mul3A_255, %mul3A_325 : i32
          %add3A_327 = arith.constant 32 : i32
          %add3A_328 = arith.addi %mul3A_326, %add3A_327 : i32
          %swap3A_329 = arith.index_cast %add3A_328 : i32 to index
          %swap3A_330 = tpu.vector_load %arg10[%swap3A_329] {strides = array<i32>} : memref<16384xf32, #tpu.memory_space<vmem>>, vector<16xf32>,
          tpu.vector_store %arg10[%swap3A_329], %gather3A_324 {strides = array<i32>} : memref<16384xf32, #tpu.memory_space<vmem>>, vector<16xf32>,
          %add3A_331 = arith.constant 6 : i32
          %add3A_332 = vector.broadcast %add3A_331 : i32 to vector<16xi32>
          %add3A_333 = arith.addi %add3A_238, %add3A_332 : vector<16xi32>
          %gather3A_334 = tpu.vector_load_idx %arg13[%add3A_333] : memref<136xf32, #tpu.memory_space<vmem>>[vector<16xi32>], vector<16xf32>,
          %mul3A_335 = arith.constant 8 : i32
          %mul3A_336 = arith.muli %mul3A_255, %mul3A_335 : i32
          %add3A_337 = arith.constant 48 : i32
          %add3A_338 = arith.addi %mul3A_336, %add3A_337 : i32
          %swap3A_339 = arith.index_cast %add3A_338 : i32 to index
          %swap3A_340 = tpu.vector_load %arg10[%swap3A_339] {strides = array<i32>} : memref<16384xf32, #tpu.memory_space<vmem>>, vector<16xf32>,
          tpu.vector_store %arg10[%swap3A_339], %gather3A_334 {strides = array<i32>} : memref<16384xf32, #tpu.memory_space<vmem>>, vector<16xf32>,
          %add3A_341 = arith.constant 8 : i32
          %add3A_342 = vector.broadcast %add3A_341 : i32 to vector<16xi32>
          %add3A_343 = arith.addi %add3A_238, %add3A_342 : vector<16xi32>
          %gather3A_344 = tpu.vector_load_idx %arg13[%add3A_343] : memref<136xf32, #tpu.memory_space<vmem>>[vector<16xi32>], vector<16xf32>,
          %mul3A_345 = arith.constant 8 : i32
          %mul3A_346 = arith.muli %mul3A_255, %mul3A_345 : i32
          %add3A_347 = arith.constant 64 : i32
          %add3A_348 = arith.addi %mul3A_346, %add3A_347 : i32
          %swap3A_349 = arith.index_cast %add3A_348 : i32 to index
          %swap3A_350 = tpu.vector_load %arg10[%swap3A_349] {strides = array<i32>} : memref<16384xf32, #tpu.memory_space<vmem>>, vector<16xf32>,
          tpu.vector_store %arg10[%swap3A_349], %gather3A_344 {strides = array<i32>} : memref<16384xf32, #tpu.memory_space<vmem>>, vector<16xf32>,
          %add3A_351 = arith.constant 10 : i32
          %add3A_352 = vector.broadcast %add3A_351 : i32 to vector<16xi32>
          %add3A_353 = arith.addi %add3A_238, %add3A_352 : vector<16xi32>
          %gather3A_354 = tpu.vector_load_idx %arg13[%add3A_353] : memref<136xf32, #tpu.memory_space<vmem>>[vector<16xi32>], vector<16xf32>,
          %mul3A_355 = arith.constant 8 : i32
          %mul3A_356 = arith.muli %mul3A_255, %mul3A_355 : i32
          %add3A_357 = arith.constant 80 : i32
          %add3A_358 = arith.addi %mul3A_356, %add3A_357 : i32
          %swap3A_359 = arith.index_cast %add3A_358 : i32 to index
          %swap3A_360 = tpu.vector_load %arg10[%swap3A_359] {strides = array<i32>} : memref<16384xf32, #tpu.memory_space<vmem>>, vector<16xf32>,
          tpu.vector_store %arg10[%swap3A_359], %gather3A_354 {strides = array<i32>} : memref<16384xf32, #tpu.memory_space<vmem>>, vector<16xf32>,
          %add3A_361 = arith.constant 12 : i32
          %add3A_362 = vector.broadcast %add3A_361 : i32 to vector<16xi32>
          %add3A_363 = arith.addi %add3A_238, %add3A_362 : vector<16xi32>
          %gather3A_364 = tpu.vector_load_idx %arg13[%add3A_363] : memref<136xf32, #tpu.memory_space<vmem>>[vector<16xi32>], vector<16xf32>,
          %mul3A_365 = arith.constant 8 : i32
          %mul3A_366 = arith.muli %mul3A_255, %mul3A_365 : i32
          %add3A_367 = arith.constant 96 : i32
          %add3A_368 = arith.addi %mul3A_366, %add3A_367 : i32
          %swap3A_369 = arith.index_cast %add3A_368 : i32 to index
          %swap3A_370 = tpu.vector_load %arg10[%swap3A_369] {strides = array<i32>} : memref<16384xf32, #tpu.memory_space<vmem>>, vector<16xf32>,
          tpu.vector_store %arg10[%swap3A_369], %gather3A_364 {strides = array<i32>} : memref<16384xf32, #tpu.memory_space<vmem>>, vector<16xf32>,
          %add3A_371 = arith.constant 14 : i32
          %add3A_372 = vector.broadcast %add3A_371 : i32 to vector<16xi32>
          %add3A_373 = arith.addi %add3A_238, %add3A_372 : vector<16xi32>
          %gather3A_374 = tpu.vector_load_idx %arg13[%add3A_373] : memref<136xf32, #tpu.memory_space<vmem>>[vector<16xi32>], vector<16xf32>,
          %mul3A_375 = arith.constant 8 : i32
          %mul3A_376 = arith.muli %mul3A_255, %mul3A_375 : i32
          %add3A_377 = arith.constant 112 : i32
          %add3A_378 = arith.addi %mul3A_376, %add3A_377 : i32
          %swap3A_379 = arith.index_cast %add3A_378 : i32 to index
          %swap3A_380 = tpu.vector_load %arg10[%swap3A_379] {strides = array<i32>} : memref<16384xf32, #tpu.memory_space<vmem>>, vector<16xf32>,
          tpu.vector_store %arg10[%swap3A_379], %gather3A_374 {strides = array<i32>} : memref<16384xf32, #tpu.memory_space<vmem>>, vector<16xf32>,
        }
        %scan3A_243 = arith.constant 128 : i32
        %mul3A_244 = arith.constant 32 : i32
        %mul3A_245 = arith.muli %add3A_216, %mul3A_244 : i32
        %add3A_246 = arith.addi %add3A, %mul3A_245 : i32
        %mul3A_247 = arith.constant 2048 : i32
        %mul3A_248 = arith.muli %add3A_246, %mul3A_247 : i32
        %mul3A_249 = arith.constant 8 : i32
        %mul3A_250 = arith.muli %mul3A_248, %mul3A_249 : i32
        %dma_start3A_251 = tpu.memref_slice %arg5[%mul3A_250] : memref<8000008xf32, #tpu.memory_space<hbm>> -> memref<16384xf32, #tpu.memory_space<hbm>>
        %dma_start3A_252 = tpu.memref_slice %arg5[%mul3A_250] : memref<8000008xf32, #tpu.memory_space<hbm>> -> memref<16384xf32, #tpu.memory_space<hbm>>
        tpu.enqueue_dma source(%arg10 : memref<16384xf32, #tpu.memory_space<vmem>>) target(%dma_start3A_252 : memref<16384xf32, #tpu.memory_space<hbm>>) target_semaphore(%arg16 : memref<!tpu.dma_semaphore, #tpu.memory_space<semaphore_mem>>)
      } else {
      }
      %mul3A_205 = arith.constant 2 : i32
      %mul3A_206 = arith.muli %mul3A_205, %while3A_197 : i32
      %add3A_207 = arith.constant 1 : i32
      %add3A_208 = arith.addi %mul3A_206, %add3A_207 : i32
      %lt3A_209 = arith.cmpi slt, %add3A_208, %add3A_25 : i32
      %convert_element_type3A_210 = arith.extui %lt3A_209 : i1 to i32
      %cond3A_211 = arith.constant 0 : i32
      %cond3A_212 = arith.cmpi ne, %convert_element_type3A_210, %cond3A_211 : i32
      scf.if %cond3A_212 {
        %mul3A_213 = arith.constant 2 : i32
        %mul3A_214 = arith.muli %mul3A_213, %while3A_197 : i32
        %add3A_215 = arith.constant 1 : i32
        %add3A_216 = arith.addi %mul3A_214, %add3A_215 : i32
        %mul3A_217 = arith.constant 32 : i32
        %mul3A_218 = arith.muli %add3A_216, %mul3A_217 : i32
        %add3A_219 = arith.addi %add3A, %mul3A_218 : i32
        %mul3A_220 = arith.constant 2048 : i32
        %mul3A_221 = arith.muli %add3A_219, %mul3A_220 : i32
        %dma_wait3A = arith.constant 0 : i32
        %dma_wait3A_222 = tpu.memref_slice %arg2[%dma_wait3A, %mul3A_221] : memref<8x1000001xf32, #tpu.memory_space<hbm>> -> memref<8x2048xf32, #tpu.memory_space<hbm>>
        %dma_wait3A_223 = arith.constant 0 : i32
        %dma_wait3A_224 = tpu.memref_slice %arg2[%dma_wait3A_223, %mul3A_221] : memref<8x1000001xf32, #tpu.memory_space<hbm>> -> memref<8x2048xf32, #tpu.memory_space<hbm>>
        tpu.wait_dma2 semaphore(%arg15 : memref<!tpu.dma_semaphore, #tpu.memory_space<semaphore_mem>>) src(%dma_wait3A_224 : memref<8x2048xf32, #tpu.memory_space<hbm>>) dst(%arg9 : memref<8x2048xf32, #tpu.memory_space<vmem>>)
        %add3A_225 = arith.constant 1 : i32
        %add3A_226 = arith.addi %add3A_216, %add3A_225 : i32
        %lt3A_227 = arith.cmpi slt, %add3A_226, %add3A_25 : i32
        %convert_element_type3A_228 = arith.extui %lt3A_227 : i1 to i32
        %cond3A_229 = arith.constant 0 : i32
        %cond3A_230 = arith.cmpi ne, %convert_element_type3A_228, %cond3A_229 : i32
        scf.if %cond3A_230 {
          %add3A_253 = arith.constant 1 : i32
          %add3A_254 = arith.addi %add3A_216, %add3A_253 : i32
          %mul3A_255 = arith.constant 32 : i32
          %mul3A_256 = arith.muli %add3A_254, %mul3A_255 : i32
          %add3A_257 = arith.addi %add3A, %mul3A_256 : i32
          %mul3A_258 = arith.constant 2048 : i32
          %mul3A_259 = arith.muli %add3A_257, %mul3A_258 : i32
          %dma_start3A_260 = arith.constant 0 : i32
          %dma_start3A_261 = tpu.memref_slice %arg2[%dma_start3A_260, %mul3A_259] : memref<8x1000001xf32, #tpu.memory_space<hbm>> -> memref<8x2048xf32, #tpu.memory_space<hbm>>
          %dma_start3A_262 = arith.constant 0 : i32
          %dma_start3A_263 = tpu.memref_slice %arg2[%dma_start3A_262, %mul3A_259] : memref<8x1000001xf32, #tpu.memory_space<hbm>> -> memref<8x2048xf32, #tpu.memory_space<hbm>>
          tpu.enqueue_dma source(%dma_start3A_263 : memref<8x2048xf32, #tpu.memory_space<hbm>>) target(%arg8 : memref<8x2048xf32, #tpu.memory_space<vmem>>) target_semaphore(%arg14 : memref<!tpu.dma_semaphore, #tpu.memory_space<semaphore_mem>>)
        } else {
        }
        %ge3A = arith.constant 2 : i32
        %ge3A_231 = arith.cmpi sge, %add3A_216, %ge3A : i32
        %convert_element_type3A_232 = arith.extui %ge3A_231 : i1 to i32
        %cond3A_233 = arith.constant 0 : i32
        %cond3A_234 = arith.cmpi ne, %convert_element_type3A_232, %cond3A_233 : i32
        scf.if %cond3A_234 {
          %sub3A_253 = arith.constant 2 : i32
          %sub3A_254 = arith.subi %add3A_216, %sub3A_253 : i32
          %mul3A_255 = arith.constant 32 : i32
          %mul3A_256 = arith.muli %sub3A_254, %mul3A_255 : i32
          %add3A_257 = arith.addi %add3A, %mul3A_256 : i32
          %mul3A_258 = arith.constant 2048 : i32
          %mul3A_259 = arith.muli %add3A_257, %mul3A_258 : i32
          %mul3A_260 = arith.constant 8 : i32
          %mul3A_261 = arith.muli %mul3A_259, %mul3A_260 : i32
          %dma_wait3A_262 = tpu.memref_slice %arg5[%mul3A_261] : memref<8000008xf32, #tpu.memory_space<hbm>> -> memref<16384xf32, #tpu.memory_space<hbm>>
          %dma_wait3A_263 = tpu.memref_slice %arg5[%mul3A_261] : memref<8000008xf32, #tpu.memory_space<hbm>> -> memref<16384xf32, #tpu.memory_space<hbm>>
          tpu.wait_dma2 semaphore(%arg17 : memref<!tpu.dma_semaphore, #tpu.memory_space<semaphore_mem>>) src(%arg11 : memref<16384xf32, #tpu.memory_space<vmem>>) dst(%dma_wait3A_263 : memref<16384xf32, #tpu.memory_space<hbm>>)
        } else {
        }
        %mul3A_235 = arith.constant 17 : i32
        %mul3A_236 = vector.broadcast %mul3A_235 : i32 to vector<16xi32>
        %mul3A_237 = arith.muli %and3A_4, %mul3A_236 : vector<16xi32>
        %add3A_238 = arith.addi %mul3A_237, %shift_right_arithmetic3A_2 : vector<16xi32>
        %scan3A = arith.constant 0 : i32
        %scan3A_239 = arith.constant 0 : i32
        %scan3A_240 = arith.constant 128 : i32
        %scan3A_241 = arith.addi %scan3A_239, %scan3A_240 : i32
        %scan3A_242 = arith.constant 1 : i32
        scf.for %scan3A_253 = %scan3A_239 to %scan3A_241 step %scan3A_242  : i32 {
          %mul3A_254 = arith.constant 16 : i32
          %mul3A_255 = arith.muli %scan3A_253, %mul3A_254 : i32
          %get3A = arith.constant 0 : i32
          %get3A_256 = arith.index_cast %get3A : i32 to index
          %get3A_257 = arith.index_cast %mul3A_255 : i32 to index
          %get3A_258 = tpu.vector_load %arg9[%get3A_256, %get3A_257] {strides = array<i32>} : memref<8x2048xf32, #tpu.memory_space<vmem>>, vector<16xf32>,
          %swap3A = arith.constant 0 : index
          %swap3A_259 = tpu.vector_load %arg13[%swap3A] {strides = array<i32>} : memref<136xf32, #tpu.memory_space<vmem>>, vector<16xf32>,
          tpu.vector_store %arg13[%swap3A], %get3A_258 {strides = array<i32>} : memref<136xf32, #tpu.memory_space<vmem>>, vector<16xf32>,
          %get3A_260 = arith.constant 1 : i32
          %get3A_261 = arith.index_cast %get3A_260 : i32 to index
          %get3A_262 = arith.index_cast %mul3A_255 : i32 to index
          %get3A_263 = tpu.vector_load %arg9[%get3A_261, %get3A_262] {strides = array<i32>} : memref<8x2048xf32, #tpu.memory_space<vmem>>, vector<16xf32>,
          %swap3A_264 = arith.constant 17 : index
          %swap3A_265 = tpu.vector_load %arg13[%swap3A_264] {strides = array<i32>} : memref<136xf32, #tpu.memory_space<vmem>>, vector<16xf32>,
          tpu.vector_store %arg13[%swap3A_264], %get3A_263 {strides = array<i32>} : memref<136xf32, #tpu.memory_space<vmem>>, vector<16xf32>,
          %get3A_266 = arith.constant 2 : i32
          %get3A_267 = arith.index_cast %get3A_266 : i32 to index
          %get3A_268 = arith.index_cast %mul3A_255 : i32 to index
          %get3A_269 = tpu.vector_load %arg9[%get3A_267, %get3A_268] {strides = array<i32>} : memref<8x2048xf32, #tpu.memory_space<vmem>>, vector<16xf32>,
          %swap3A_270 = arith.constant 34 : index
          %swap3A_271 = tpu.vector_load %arg13[%swap3A_270] {strides = array<i32>} : memref<136xf32, #tpu.memory_space<vmem>>, vector<16xf32>,
          tpu.vector_store %arg13[%swap3A_270], %get3A_269 {strides = array<i32>} : memref<136xf32, #tpu.memory_space<vmem>>, vector<16xf32>,
          %get3A_272 = arith.constant 3 : i32
          %get3A_273 = arith.index_cast %get3A_272 : i32 to index
          %get3A_274 = arith.index_cast %mul3A_255 : i32 to index
          %get3A_275 = tpu.vector_load %arg9[%get3A_273, %get3A_274] {strides = array<i32>} : memref<8x2048xf32, #tpu.memory_space<vmem>>, vector<16xf32>,
          %swap3A_276 = arith.constant 51 : index
          %swap3A_277 = tpu.vector_load %arg13[%swap3A_276] {strides = array<i32>} : memref<136xf32, #tpu.memory_space<vmem>>, vector<16xf32>,
          tpu.vector_store %arg13[%swap3A_276], %get3A_275 {strides = array<i32>} : memref<136xf32, #tpu.memory_space<vmem>>, vector<16xf32>,
          %get3A_278 = arith.constant 4 : i32
          %get3A_279 = arith.index_cast %get3A_278 : i32 to index
          %get3A_280 = arith.index_cast %mul3A_255 : i32 to index
          %get3A_281 = tpu.vector_load %arg9[%get3A_279, %get3A_280] {strides = array<i32>} : memref<8x2048xf32, #tpu.memory_space<vmem>>, vector<16xf32>,
          %swap3A_282 = arith.constant 68 : index
          %swap3A_283 = tpu.vector_load %arg13[%swap3A_282] {strides = array<i32>} : memref<136xf32, #tpu.memory_space<vmem>>, vector<16xf32>,
          tpu.vector_store %arg13[%swap3A_282], %get3A_281 {strides = array<i32>} : memref<136xf32, #tpu.memory_space<vmem>>, vector<16xf32>,
          %get3A_284 = arith.constant 5 : i32
          %get3A_285 = arith.index_cast %get3A_284 : i32 to index
          %get3A_286 = arith.index_cast %mul3A_255 : i32 to index
          %get3A_287 = tpu.vector_load %arg9[%get3A_285, %get3A_286] {strides = array<i32>} : memref<8x2048xf32, #tpu.memory_space<vmem>>, vector<16xf32>,
          %swap3A_288 = arith.constant 85 : index
          %swap3A_289 = tpu.vector_load %arg13[%swap3A_288] {strides = array<i32>} : memref<136xf32, #tpu.memory_space<vmem>>, vector<16xf32>,
          tpu.vector_store %arg13[%swap3A_288], %get3A_287 {strides = array<i32>} : memref<136xf32, #tpu.memory_space<vmem>>, vector<16xf32>,
          %get3A_290 = arith.constant 6 : i32
          %get3A_291 = arith.index_cast %get3A_290 : i32 to index
          %get3A_292 = arith.index_cast %mul3A_255 : i32 to index
          %get3A_293 = tpu.vector_load %arg9[%get3A_291, %get3A_292] {strides = array<i32>} : memref<8x2048xf32, #tpu.memory_space<vmem>>, vector<16xf32>,
          %swap3A_294 = arith.constant 102 : index
          %swap3A_295 = tpu.vector_load %arg13[%swap3A_294] {strides = array<i32>} : memref<136xf32, #tpu.memory_space<vmem>>, vector<16xf32>,
          tpu.vector_store %arg13[%swap3A_294], %get3A_293 {strides = array<i32>} : memref<136xf32, #tpu.memory_space<vmem>>, vector<16xf32>,
          %get3A_296 = arith.constant 7 : i32
          %get3A_297 = arith.index_cast %get3A_296 : i32 to index
          %get3A_298 = arith.index_cast %mul3A_255 : i32 to index
          %get3A_299 = tpu.vector_load %arg9[%get3A_297, %get3A_298] {strides = array<i32>} : memref<8x2048xf32, #tpu.memory_space<vmem>>, vector<16xf32>,
          %swap3A_300 = arith.constant 119 : index
          %swap3A_301 = tpu.vector_load %arg13[%swap3A_300] {strides = array<i32>} : memref<136xf32, #tpu.memory_space<vmem>>, vector<16xf32>,
          tpu.vector_store %arg13[%swap3A_300], %get3A_299 {strides = array<i32>} : memref<136xf32, #tpu.memory_space<vmem>>, vector<16xf32>,
          %add3A_302 = arith.constant 0 : i32
          %add3A_303 = vector.broadcast %add3A_302 : i32 to vector<16xi32>
          %add3A_304 = arith.addi %add3A_238, %add3A_303 : vector<16xi32>
          %gather3A = tpu.vector_load_idx %arg13[%add3A_304] : memref<136xf32, #tpu.memory_space<vmem>>[vector<16xi32>], vector<16xf32>,
          %mul3A_305 = arith.constant 8 : i32
          %mul3A_306 = arith.muli %mul3A_255, %mul3A_305 : i32
          %add3A_307 = arith.constant 0 : i32
          %add3A_308 = arith.addi %mul3A_306, %add3A_307 : i32
          %swap3A_309 = arith.index_cast %add3A_308 : i32 to index
          %swap3A_310 = tpu.vector_load %arg11[%swap3A_309] {strides = array<i32>} : memref<16384xf32, #tpu.memory_space<vmem>>, vector<16xf32>,
          tpu.vector_store %arg11[%swap3A_309], %gather3A {strides = array<i32>} : memref<16384xf32, #tpu.memory_space<vmem>>, vector<16xf32>,
          %add3A_311 = arith.constant 2 : i32
          %add3A_312 = vector.broadcast %add3A_311 : i32 to vector<16xi32>
          %add3A_313 = arith.addi %add3A_238, %add3A_312 : vector<16xi32>
          %gather3A_314 = tpu.vector_load_idx %arg13[%add3A_313] : memref<136xf32, #tpu.memory_space<vmem>>[vector<16xi32>], vector<16xf32>,
          %mul3A_315 = arith.constant 8 : i32
          %mul3A_316 = arith.muli %mul3A_255, %mul3A_315 : i32
          %add3A_317 = arith.constant 16 : i32
          %add3A_318 = arith.addi %mul3A_316, %add3A_317 : i32
          %swap3A_319 = arith.index_cast %add3A_318 : i32 to index
          %swap3A_320 = tpu.vector_load %arg11[%swap3A_319] {strides = array<i32>} : memref<16384xf32, #tpu.memory_space<vmem>>, vector<16xf32>,
          tpu.vector_store %arg11[%swap3A_319], %gather3A_314 {strides = array<i32>} : memref<16384xf32, #tpu.memory_space<vmem>>, vector<16xf32>,
          %add3A_321 = arith.constant 4 : i32
          %add3A_322 = vector.broadcast %add3A_321 : i32 to vector<16xi32>
          %add3A_323 = arith.addi %add3A_238, %add3A_322 : vector<16xi32>
          %gather3A_324 = tpu.vector_load_idx %arg13[%add3A_323] : memref<136xf32, #tpu.memory_space<vmem>>[vector<16xi32>], vector<16xf32>,
          %mul3A_325 = arith.constant 8 : i32
          %mul3A_326 = arith.muli %mul3A_255, %mul3A_325 : i32
          %add3A_327 = arith.constant 32 : i32
          %add3A_328 = arith.addi %mul3A_326, %add3A_327 : i32
          %swap3A_329 = arith.index_cast %add3A_328 : i32 to index
          %swap3A_330 = tpu.vector_load %arg11[%swap3A_329] {strides = array<i32>} : memref<16384xf32, #tpu.memory_space<vmem>>, vector<16xf32>,
          tpu.vector_store %arg11[%swap3A_329], %gather3A_324 {strides = array<i32>} : memref<16384xf32, #tpu.memory_space<vmem>>, vector<16xf32>,
          %add3A_331 = arith.constant 6 : i32
          %add3A_332 = vector.broadcast %add3A_331 : i32 to vector<16xi32>
          %add3A_333 = arith.addi %add3A_238, %add3A_332 : vector<16xi32>
          %gather3A_334 = tpu.vector_load_idx %arg13[%add3A_333] : memref<136xf32, #tpu.memory_space<vmem>>[vector<16xi32>], vector<16xf32>,
          %mul3A_335 = arith.constant 8 : i32
          %mul3A_336 = arith.muli %mul3A_255, %mul3A_335 : i32
          %add3A_337 = arith.constant 48 : i32
          %add3A_338 = arith.addi %mul3A_336, %add3A_337 : i32
          %swap3A_339 = arith.index_cast %add3A_338 : i32 to index
          %swap3A_340 = tpu.vector_load %arg11[%swap3A_339] {strides = array<i32>} : memref<16384xf32, #tpu.memory_space<vmem>>, vector<16xf32>,
          tpu.vector_store %arg11[%swap3A_339], %gather3A_334 {strides = array<i32>} : memref<16384xf32, #tpu.memory_space<vmem>>, vector<16xf32>,
          %add3A_341 = arith.constant 8 : i32
          %add3A_342 = vector.broadcast %add3A_341 : i32 to vector<16xi32>
          %add3A_343 = arith.addi %add3A_238, %add3A_342 : vector<16xi32>
          %gather3A_344 = tpu.vector_load_idx %arg13[%add3A_343] : memref<136xf32, #tpu.memory_space<vmem>>[vector<16xi32>], vector<16xf32>,
          %mul3A_345 = arith.constant 8 : i32
          %mul3A_346 = arith.muli %mul3A_255, %mul3A_345 : i32
          %add3A_347 = arith.constant 64 : i32
          %add3A_348 = arith.addi %mul3A_346, %add3A_347 : i32
          %swap3A_349 = arith.index_cast %add3A_348 : i32 to index
          %swap3A_350 = tpu.vector_load %arg11[%swap3A_349] {strides = array<i32>} : memref<16384xf32, #tpu.memory_space<vmem>>, vector<16xf32>,
          tpu.vector_store %arg11[%swap3A_349], %gather3A_344 {strides = array<i32>} : memref<16384xf32, #tpu.memory_space<vmem>>, vector<16xf32>,
          %add3A_351 = arith.constant 10 : i32
          %add3A_352 = vector.broadcast %add3A_351 : i32 to vector<16xi32>
          %add3A_353 = arith.addi %add3A_238, %add3A_352 : vector<16xi32>
          %gather3A_354 = tpu.vector_load_idx %arg13[%add3A_353] : memref<136xf32, #tpu.memory_space<vmem>>[vector<16xi32>], vector<16xf32>,
          %mul3A_355 = arith.constant 8 : i32
          %mul3A_356 = arith.muli %mul3A_255, %mul3A_355 : i32
          %add3A_357 = arith.constant 80 : i32
          %add3A_358 = arith.addi %mul3A_356, %add3A_357 : i32
          %swap3A_359 = arith.index_cast %add3A_358 : i32 to index
          %swap3A_360 = tpu.vector_load %arg11[%swap3A_359] {strides = array<i32>} : memref<16384xf32, #tpu.memory_space<vmem>>, vector<16xf32>,
          tpu.vector_store %arg11[%swap3A_359], %gather3A_354 {strides = array<i32>} : memref<16384xf32, #tpu.memory_space<vmem>>, vector<16xf32>,
          %add3A_361 = arith.constant 12 : i32
          %add3A_362 = vector.broadcast %add3A_361 : i32 to vector<16xi32>
          %add3A_363 = arith.addi %add3A_238, %add3A_362 : vector<16xi32>
          %gather3A_364 = tpu.vector_load_idx %arg13[%add3A_363] : memref<136xf32, #tpu.memory_space<vmem>>[vector<16xi32>], vector<16xf32>,
          %mul3A_365 = arith.constant 8 : i32
          %mul3A_366 = arith.muli %mul3A_255, %mul3A_365 : i32
          %add3A_367 = arith.constant 96 : i32
          %add3A_368 = arith.addi %mul3A_366, %add3A_367 : i32
          %swap3A_369 = arith.index_cast %add3A_368 : i32 to index
          %swap3A_370 = tpu.vector_load %arg11[%swap3A_369] {strides = array<i32>} : memref<16384xf32, #tpu.memory_space<vmem>>, vector<16xf32>,
          tpu.vector_store %arg11[%swap3A_369], %gather3A_364 {strides = array<i32>} : memref<16384xf32, #tpu.memory_space<vmem>>, vector<16xf32>,
          %add3A_371 = arith.constant 14 : i32
          %add3A_372 = vector.broadcast %add3A_371 : i32 to vector<16xi32>
          %add3A_373 = arith.addi %add3A_238, %add3A_372 : vector<16xi32>
          %gather3A_374 = tpu.vector_load_idx %arg13[%add3A_373] : memref<136xf32, #tpu.memory_space<vmem>>[vector<16xi32>], vector<16xf32>,
          %mul3A_375 = arith.constant 8 : i32
          %mul3A_376 = arith.muli %mul3A_255, %mul3A_375 : i32
          %add3A_377 = arith.constant 112 : i32
          %add3A_378 = arith.addi %mul3A_376, %add3A_377 : i32
          %swap3A_379 = arith.index_cast %add3A_378 : i32 to index
          %swap3A_380 = tpu.vector_load %arg11[%swap3A_379] {strides = array<i32>} : memref<16384xf32, #tpu.memory_space<vmem>>, vector<16xf32>,
          tpu.vector_store %arg11[%swap3A_379], %gather3A_374 {strides = array<i32>} : memref<16384xf32, #tpu.memory_space<vmem>>, vector<16xf32>,
        }
        %scan3A_243 = arith.constant 128 : i32
        %mul3A_244 = arith.constant 32 : i32
        %mul3A_245 = arith.muli %add3A_216, %mul3A_244 : i32
        %add3A_246 = arith.addi %add3A, %mul3A_245 : i32
        %mul3A_247 = arith.constant 2048 : i32
        %mul3A_248 = arith.muli %add3A_246, %mul3A_247 : i32
        %mul3A_249 = arith.constant 8 : i32
        %mul3A_250 = arith.muli %mul3A_248, %mul3A_249 : i32
        %dma_start3A_251 = tpu.memref_slice %arg5[%mul3A_250] : memref<8000008xf32, #tpu.memory_space<hbm>> -> memref<16384xf32, #tpu.memory_space<hbm>>
        %dma_start3A_252 = tpu.memref_slice %arg5[%mul3A_250] : memref<8000008xf32, #tpu.memory_space<hbm>> -> memref<16384xf32, #tpu.memory_space<hbm>>
        tpu.enqueue_dma source(%arg11 : memref<16384xf32, #tpu.memory_space<vmem>>) target(%dma_start3A_252 : memref<16384xf32, #tpu.memory_space<hbm>>) target_semaphore(%arg17 : memref<!tpu.dma_semaphore, #tpu.memory_space<semaphore_mem>>)
      } else {
      }
    }
    %gt3A = arith.constant 0 : i32
    %gt3A_68 = arith.cmpi sgt, %add3A_25, %gt3A : i32
    %convert_element_type3A = arith.extui %gt3A_68 : i1 to i32
    %cond3A = arith.constant 0 : i32
    %cond3A_69 = arith.cmpi ne, %convert_element_type3A, %cond3A : i32
    scf.if %cond3A_69 {
      %sub3A_197 = arith.constant 1 : i32
      %sub3A_198 = arith.subi %add3A_25, %sub3A_197 : i32
      %sub3A_199 = arith.constant 0 : i32
      %sub3A_200 = arith.subi %sub3A_198, %sub3A_199 : i32
      %jit3A_201 = arith.constant 2 : i32
      %div3A_202 = arith.divsi %sub3A_200, %jit3A_201 : i32
      %sign3A_203 = arith.constant 0 : i32
      %sign3A_204 = arith.cmpi sgt, %sub3A_200, %sign3A_203 : i32
      %sign3A_205 = arith.extui %sign3A_204 : i1 to i32
      %sign3A_206 = arith.constant 0 : i32
      %sign3A_207 = arith.cmpi slt, %sub3A_200, %sign3A_206 : i32
      %sign3A_208 = arith.extui %sign3A_207 : i1 to i32
      %sign3A_209 = arith.subi %sign3A_205, %sign3A_208 : i32
      %sign3A_210 = arith.constant 0 : i32
      %sign3A_211 = arith.cmpi sgt, %jit3A_201, %sign3A_210 : i32
      %sign3A_212 = arith.extui %sign3A_211 : i1 to i32
      %sign3A_213 = arith.constant 0 : i32
      %sign3A_214 = arith.cmpi slt, %jit3A_201, %sign3A_213 : i32
      %sign3A_215 = arith.extui %sign3A_214 : i1 to i32
      %sign3A_216 = arith.subi %sign3A_212, %sign3A_215 : i32
      %ne3A_217 = arith.cmpi ne, %sign3A_209, %sign3A_216 : i32
      %rem3A_218 = arith.remsi %sub3A_200, %jit3A_201 : i32
      %ne3A_219 = arith.constant 0 : i32
      %ne3A_220 = arith.cmpi ne, %rem3A_218, %ne3A_219 : i32
      %and3A_221 = arith.andi %ne3A_217, %ne3A_220 : i1
      %sub3A_222 = arith.constant 1 : i32
      %sub3A_223 = arith.subi %div3A_202, %sub3A_222 : i32
      %select_n3A_224 = arith.select %and3A_221, %sub3A_223, %div3A_202 : i32
      %mul3A_225 = arith.constant 2 : i32
      %mul3A_226 = arith.muli %select_n3A_224, %mul3A_225 : i32
      %add3A_227 = arith.constant 0 : i32
      %add3A_228 = arith.addi %mul3A_226, %add3A_227 : i32
      %mul3A_229 = arith.constant 32 : i32
      %mul3A_230 = arith.muli %add3A_228, %mul3A_229 : i32
      %add3A_231 = arith.addi %add3A, %mul3A_230 : i32
      %mul3A_232 = arith.constant 2048 : i32
      %mul3A_233 = arith.muli %add3A_231, %mul3A_232 : i32
      %mul3A_234 = arith.constant 8 : i32
      %mul3A_235 = arith.muli %mul3A_233, %mul3A_234 : i32
      %dma_wait3A = tpu.memref_slice %arg5[%mul3A_235] : memref<8000008xf32, #tpu.memory_space<hbm>> -> memref<16384xf32, #tpu.memory_space<hbm>>
      %dma_wait3A_236 = tpu.memref_slice %arg5[%mul3A_235] : memref<8000008xf32, #tpu.memory_space<hbm>> -> memref<16384xf32, #tpu.memory_space<hbm>>
      tpu.wait_dma2 semaphore(%arg16 : memref<!tpu.dma_semaphore, #tpu.memory_space<semaphore_mem>>) src(%arg10 : memref<16384xf32, #tpu.memory_space<vmem>>) dst(%dma_wait3A_236 : memref<16384xf32, #tpu.memory_space<hbm>>)
    } else {
    }
    %gt3A_70 = arith.constant 1 : i32
    %gt3A_71 = arith.cmpi sgt, %add3A_25, %gt3A_70 : i32
    %convert_element_type3A_72 = arith.extui %gt3A_71 : i1 to i32
    %cond3A_73 = arith.constant 0 : i32
    %cond3A_74 = arith.cmpi ne, %convert_element_type3A_72, %cond3A_73 : i32
    scf.if %cond3A_74 {
      %sub3A_197 = arith.constant 1 : i32
      %sub3A_198 = arith.subi %add3A_25, %sub3A_197 : i32
      %sub3A_199 = arith.constant 1 : i32
      %sub3A_200 = arith.subi %sub3A_198, %sub3A_199 : i32
      %jit3A_201 = arith.constant 2 : i32
      %div3A_202 = arith.divsi %sub3A_200, %jit3A_201 : i32
      %sign3A_203 = arith.constant 0 : i32
      %sign3A_204 = arith.cmpi sgt, %sub3A_200, %sign3A_203 : i32
      %sign3A_205 = arith.extui %sign3A_204 : i1 to i32
      %sign3A_206 = arith.constant 0 : i32
      %sign3A_207 = arith.cmpi slt, %sub3A_200, %sign3A_206 : i32
      %sign3A_208 = arith.extui %sign3A_207 : i1 to i32
      %sign3A_209 = arith.subi %sign3A_205, %sign3A_208 : i32
      %sign3A_210 = arith.constant 0 : i32
      %sign3A_211 = arith.cmpi sgt, %jit3A_201, %sign3A_210 : i32
      %sign3A_212 = arith.extui %sign3A_211 : i1 to i32
      %sign3A_213 = arith.constant 0 : i32
      %sign3A_214 = arith.cmpi slt, %jit3A_201, %sign3A_213 : i32
      %sign3A_215 = arith.extui %sign3A_214 : i1 to i32
      %sign3A_216 = arith.subi %sign3A_212, %sign3A_215 : i32
      %ne3A_217 = arith.cmpi ne, %sign3A_209, %sign3A_216 : i32
      %rem3A_218 = arith.remsi %sub3A_200, %jit3A_201 : i32
      %ne3A_219 = arith.constant 0 : i32
      %ne3A_220 = arith.cmpi ne, %rem3A_218, %ne3A_219 : i32
      %and3A_221 = arith.andi %ne3A_217, %ne3A_220 : i1
      %sub3A_222 = arith.constant 1 : i32
      %sub3A_223 = arith.subi %div3A_202, %sub3A_222 : i32
      %select_n3A_224 = arith.select %and3A_221, %sub3A_223, %div3A_202 : i32
      %mul3A_225 = arith.constant 2 : i32
      %mul3A_226 = arith.muli %select_n3A_224, %mul3A_225 : i32
      %add3A_227 = arith.constant 1 : i32
      %add3A_228 = arith.addi %mul3A_226, %add3A_227 : i32
      %mul3A_229 = arith.constant 32 : i32
      %mul3A_230 = arith.muli %add3A_228, %mul3A_229 : i32
      %add3A_231 = arith.addi %add3A, %mul3A_230 : i32
      %mul3A_232 = arith.constant 2048 : i32
      %mul3A_233 = arith.muli %add3A_231, %mul3A_232 : i32
      %mul3A_234 = arith.constant 8 : i32
      %mul3A_235 = arith.muli %mul3A_233, %mul3A_234 : i32
      %dma_wait3A = tpu.memref_slice %arg5[%mul3A_235] : memref<8000008xf32, #tpu.memory_space<hbm>> -> memref<16384xf32, #tpu.memory_space<hbm>>
      %dma_wait3A_236 = tpu.memref_slice %arg5[%mul3A_235] : memref<8000008xf32, #tpu.memory_space<hbm>> -> memref<16384xf32, #tpu.memory_space<hbm>>
      tpu.wait_dma2 semaphore(%arg17 : memref<!tpu.dma_semaphore, #tpu.memory_space<semaphore_mem>>) src(%arg11 : memref<16384xf32, #tpu.memory_space<vmem>>) dst(%dma_wait3A_236 : memref<16384xf32, #tpu.memory_space<hbm>>)
    } else {
    }
    %eq3A = arith.constant 31 : i32
    %eq3A_75 = arith.cmpi eq, %add3A, %eq3A : i32
    %convert_element_type3A_76 = arith.extui %eq3A_75 : i1 to i32
    %cond3A_77 = arith.constant 0 : i32
    %cond3A_78 = arith.cmpi ne, %convert_element_type3A_76, %cond3A_77 : i32
    scf.if %cond3A_78 {
      %dma_start3A_197 = arith.constant 0 : i32
      %dma_start3A_198 = arith.constant 999424 : i32
      %dma_start3A_199 = tpu.memref_slice %arg2[%dma_start3A_197, %dma_start3A_198] : memref<8x1000001xf32, #tpu.memory_space<hbm>> -> memref<8x577xf32, #tpu.memory_space<hbm>>
      %dma_start3A_200 = arith.constant 0 : i32
      %dma_start3A_201 = arith.constant 999424 : i32
      %dma_start3A_202 = tpu.memref_slice %arg2[%dma_start3A_200, %dma_start3A_201] : memref<8x1000001xf32, #tpu.memory_space<hbm>> -> memref<8x577xf32, #tpu.memory_space<hbm>>
      tpu.enqueue_dma source(%dma_start3A_202 : memref<8x577xf32, #tpu.memory_space<hbm>>) target(%arg12 : memref<8x577xf32, #tpu.memory_space<vmem>>) target_semaphore(%arg14 : memref<!tpu.dma_semaphore, #tpu.memory_space<semaphore_mem>>)
      %dma_wait3A = arith.constant 0 : i32
      %dma_wait3A_203 = arith.constant 999424 : i32
      %dma_wait3A_204 = tpu.memref_slice %arg2[%dma_wait3A, %dma_wait3A_203] : memref<8x1000001xf32, #tpu.memory_space<hbm>> -> memref<8x577xf32, #tpu.memory_space<hbm>>
      %dma_wait3A_205 = arith.constant 0 : i32
      %dma_wait3A_206 = arith.constant 999424 : i32
      %dma_wait3A_207 = tpu.memref_slice %arg2[%dma_wait3A_205, %dma_wait3A_206] : memref<8x1000001xf32, #tpu.memory_space<hbm>> -> memref<8x577xf32, #tpu.memory_space<hbm>>
      tpu.wait_dma2 semaphore(%arg14 : memref<!tpu.dma_semaphore, #tpu.memory_space<semaphore_mem>>) src(%dma_wait3A_207 : memref<8x577xf32, #tpu.memory_space<hbm>>) dst(%arg12 : memref<8x577xf32, #tpu.memory_space<vmem>>)
      %scan3A = arith.constant 0 : i32
      %scan3A_208 = arith.constant 0 : i32
      %scan3A_209 = arith.constant 289 : i32
      %scan3A_210 = arith.addi %scan3A_208, %scan3A_209 : i32
      %scan3A_211 = arith.constant 1 : i32
      scf.for %scan3A_213 = %scan3A_208 to %scan3A_210 step %scan3A_211  : i32 {
        %mul3A_214 = arith.constant 2 : i32
        %mul3A_215 = arith.muli %mul3A_214, %scan3A_213 : i32
        %add3A_216 = vector.broadcast %mul3A_215 : i32 to vector<16xi32>
        %add3A_217 = arith.addi %add3A_216, %shift_right_arithmetic3A_2 : vector<16xi32>
        %min3A = arith.constant 576 : i32
        %min3A_218 = vector.broadcast %min3A : i32 to vector<16xi32>
        %min3A_219 = arith.minsi %add3A_217, %min3A_218 : vector<16xi32>
        %gather3A = tpu.vector_load_idx %arg12[%and3A_4, %min3A_219] : memref<8x577xf32, #tpu.memory_space<vmem>>[vector<16xi32>, vector<16xi32>], vector<16xf32>,
        %mul3A_220 = arith.constant 16 : i32
        %mul3A_221 = arith.muli %scan3A_213, %mul3A_220 : i32
        %swap3A = arith.index_cast %mul3A_221 : i32 to index
        %swap3A_222 = tpu.vector_load %arg10[%swap3A] {strides = array<i32>} : memref<16384xf32, #tpu.memory_space<vmem>>, vector<16xf32>,
        tpu.vector_store %arg10[%swap3A], %gather3A {strides = array<i32>} : memref<16384xf32, #tpu.memory_space<vmem>>, vector<16xf32>,
      }
      %scan3A_212 = arith.constant 289 : i32
      "tpu.region"() ({
        %run_scoped3A = tpu.sem_alloc : memref<!tpu.dma_semaphore, #tpu.memory_space<semaphore_mem>>
        %dma_start3A_213 = arith.constant 0 : i32
        %dma_start3A_214 = tpu.memref_slice %arg10[%dma_start3A_213] : memref<16384xf32, #tpu.memory_space<vmem>> -> memref<4616xf32, #tpu.memory_space<vmem>>
        %dma_start3A_215 = arith.constant 7995392 : i32
        %dma_start3A_216 = tpu.memref_slice %arg5[%dma_start3A_215] : memref<8000008xf32, #tpu.memory_space<hbm>> -> memref<4616xf32, #tpu.memory_space<hbm>>
        %dma_start3A_217 = arith.constant 7995392 : i32
        %dma_start3A_218 = tpu.memref_slice %arg5[%dma_start3A_217] : memref<8000008xf32, #tpu.memory_space<hbm>> -> memref<4616xf32, #tpu.memory_space<hbm>>
        %dma_start3A_219 = arith.constant 0 : i32
        %dma_start3A_220 = tpu.memref_slice %arg10[%dma_start3A_219] : memref<16384xf32, #tpu.memory_space<vmem>> -> memref<4616xf32, #tpu.memory_space<vmem>>
        tpu.enqueue_dma source(%dma_start3A_220 : memref<4616xf32, #tpu.memory_space<vmem>>) target(%dma_start3A_218 : memref<4616xf32, #tpu.memory_space<hbm>>) target_semaphore(%run_scoped3A : memref<!tpu.dma_semaphore, #tpu.memory_space<semaphore_mem>>)
        %dma_wait3A_221 = arith.constant 0 : i32
        %dma_wait3A_222 = tpu.memref_slice %arg10[%dma_wait3A_221] : memref<16384xf32, #tpu.memory_space<vmem>> -> memref<4616xf32, #tpu.memory_space<vmem>>
        %dma_wait3A_223 = arith.constant 7995392 : i32
        %dma_wait3A_224 = tpu.memref_slice %arg5[%dma_wait3A_223] : memref<8000008xf32, #tpu.memory_space<hbm>> -> memref<4616xf32, #tpu.memory_space<hbm>>
        %dma_wait3A_225 = arith.constant 7995392 : i32
        %dma_wait3A_226 = tpu.memref_slice %arg5[%dma_wait3A_225] : memref<8000008xf32, #tpu.memory_space<hbm>> -> memref<4616xf32, #tpu.memory_space<hbm>>
        %dma_wait3A_227 = arith.constant 0 : i32
        %dma_wait3A_228 = tpu.memref_slice %arg10[%dma_wait3A_227] : memref<16384xf32, #tpu.memory_space<vmem>> -> memref<4616xf32, #tpu.memory_space<vmem>>
        tpu.wait_dma2 semaphore(%run_scoped3A : memref<!tpu.dma_semaphore, #tpu.memory_space<semaphore_mem>>) src(%dma_wait3A_228 : memref<4616xf32, #tpu.memory_space<vmem>>) dst(%dma_wait3A_226 : memref<4616xf32, #tpu.memory_space<hbm>>)
        tpu.yield
      }) : () -> ()
    } else {
    }
    %add3A_79 = arith.constant 0 : i32
    %add3A_80 = arith.addi %add3A, %add3A_79 : i32
    %mul3A_81 = arith.constant 2048 : i32
    %mul3A_82 = arith.muli %add3A_80, %mul3A_81 : i32
    %dma_start3A_83 = arith.constant 0 : i32
    %dma_start3A_84 = tpu.memref_slice %arg3[%dma_start3A_83, %mul3A_82] : memref<8x1000001xf32, #tpu.memory_space<hbm>> -> memref<8x2048xf32, #tpu.memory_space<hbm>>
    %dma_start3A_85 = arith.constant 0 : i32
    %dma_start3A_86 = tpu.memref_slice %arg3[%dma_start3A_85, %mul3A_82] : memref<8x1000001xf32, #tpu.memory_space<hbm>> -> memref<8x2048xf32, #tpu.memory_space<hbm>>
    tpu.enqueue_dma source(%dma_start3A_86 : memref<8x2048xf32, #tpu.memory_space<hbm>>) target(%arg8 : memref<8x2048xf32, #tpu.memory_space<vmem>>) target_semaphore(%arg14 : memref<!tpu.dma_semaphore, #tpu.memory_space<semaphore_mem>>)
    %add3A_87 = arith.constant 1 : i32
    %add3A_88 = arith.addi %add3A_25, %add3A_87 : i32
    %jit3A_89 = arith.constant 2 : i32
    %div3A_90 = arith.divsi %add3A_88, %jit3A_89 : i32
    %sign3A_91 = arith.constant 0 : i32
    %sign3A_92 = arith.cmpi sgt, %add3A_88, %sign3A_91 : i32
    %sign3A_93 = arith.extui %sign3A_92 : i1 to i32
    %sign3A_94 = arith.constant 0 : i32
    %sign3A_95 = arith.cmpi slt, %add3A_88, %sign3A_94 : i32
    %sign3A_96 = arith.extui %sign3A_95 : i1 to i32
    %sign3A_97 = arith.subi %sign3A_93, %sign3A_96 : i32
    %sign3A_98 = arith.constant 0 : i32
    %sign3A_99 = arith.cmpi sgt, %jit3A_89, %sign3A_98 : i32
    %sign3A_100 = arith.extui %sign3A_99 : i1 to i32
    %sign3A_101 = arith.constant 0 : i32
    %sign3A_102 = arith.cmpi slt, %jit3A_89, %sign3A_101 : i32
    %sign3A_103 = arith.extui %sign3A_102 : i1 to i32
    %sign3A_104 = arith.subi %sign3A_100, %sign3A_103 : i32
    %ne3A_105 = arith.cmpi ne, %sign3A_97, %sign3A_104 : i32
    %rem3A_106 = arith.remsi %add3A_88, %jit3A_89 : i32
    %ne3A_107 = arith.constant 0 : i32
    %ne3A_108 = arith.cmpi ne, %rem3A_106, %ne3A_107 : i32
    %and3A_109 = arith.andi %ne3A_105, %ne3A_108 : i1
    %sub3A_110 = arith.constant 1 : i32
    %sub3A_111 = arith.subi %div3A_90, %sub3A_110 : i32
    %select_n3A_112 = arith.select %and3A_109, %sub3A_111, %div3A_90 : i32
    %while3A_113 = arith.constant 0 : i32
    %while3A_114 = arith.constant 0 : i32
    %while3A_115 = arith.subi %select_n3A_112, %while3A_114 : i32
    %while3A_116 = arith.addi %while3A_114, %while3A_115 : i32
    %while3A_117 = arith.constant 1 : i32
    %while3A_118 = arith.divsi %while3A_115, %while3A_117 : i32
    %while3A_119 = arith.muli %while3A_118, %while3A_117 : i32
    %while3A_120 = arith.addi %while3A_114, %while3A_119 : i32
    %while3A_121 = arith.constant 1 : i32
    scf.for %while3A_197 = %while3A_114 to %while3A_120 step %while3A_121  : i32 {
      %mul3A_198 = arith.constant 2 : i32
      %mul3A_199 = arith.muli %mul3A_198, %while3A_197 : i32
      %add3A_200 = arith.constant 0 : i32
      %add3A_201 = arith.addi %mul3A_199, %add3A_200 : i32
      %lt3A = arith.cmpi slt, %add3A_201, %add3A_25 : i32
      %convert_element_type3A_202 = arith.extui %lt3A : i1 to i32
      %cond3A_203 = arith.constant 0 : i32
      %cond3A_204 = arith.cmpi ne, %convert_element_type3A_202, %cond3A_203 : i32
      scf.if %cond3A_204 {
        %mul3A_213 = arith.constant 2 : i32
        %mul3A_214 = arith.muli %mul3A_213, %while3A_197 : i32
        %add3A_215 = arith.constant 0 : i32
        %add3A_216 = arith.addi %mul3A_214, %add3A_215 : i32
        %mul3A_217 = arith.constant 32 : i32
        %mul3A_218 = arith.muli %add3A_216, %mul3A_217 : i32
        %add3A_219 = arith.addi %add3A, %mul3A_218 : i32
        %mul3A_220 = arith.constant 2048 : i32
        %mul3A_221 = arith.muli %add3A_219, %mul3A_220 : i32
        %dma_wait3A = arith.constant 0 : i32
        %dma_wait3A_222 = tpu.memref_slice %arg3[%dma_wait3A, %mul3A_221] : memref<8x1000001xf32, #tpu.memory_space<hbm>> -> memref<8x2048xf32, #tpu.memory_space<hbm>>
        %dma_wait3A_223 = arith.constant 0 : i32
        %dma_wait3A_224 = tpu.memref_slice %arg3[%dma_wait3A_223, %mul3A_221] : memref<8x1000001xf32, #tpu.memory_space<hbm>> -> memref<8x2048xf32, #tpu.memory_space<hbm>>
        tpu.wait_dma2 semaphore(%arg14 : memref<!tpu.dma_semaphore, #tpu.memory_space<semaphore_mem>>) src(%dma_wait3A_224 : memref<8x2048xf32, #tpu.memory_space<hbm>>) dst(%arg8 : memref<8x2048xf32, #tpu.memory_space<vmem>>)
        %add3A_225 = arith.constant 1 : i32
        %add3A_226 = arith.addi %add3A_216, %add3A_225 : i32
        %lt3A_227 = arith.cmpi slt, %add3A_226, %add3A_25 : i32
        %convert_element_type3A_228 = arith.extui %lt3A_227 : i1 to i32
        %cond3A_229 = arith.constant 0 : i32
        %cond3A_230 = arith.cmpi ne, %convert_element_type3A_228, %cond3A_229 : i32
        scf.if %cond3A_230 {
          %add3A_253 = arith.constant 1 : i32
          %add3A_254 = arith.addi %add3A_216, %add3A_253 : i32
          %mul3A_255 = arith.constant 32 : i32
          %mul3A_256 = arith.muli %add3A_254, %mul3A_255 : i32
          %add3A_257 = arith.addi %add3A, %mul3A_256 : i32
          %mul3A_258 = arith.constant 2048 : i32
          %mul3A_259 = arith.muli %add3A_257, %mul3A_258 : i32
          %dma_start3A_260 = arith.constant 0 : i32
          %dma_start3A_261 = tpu.memref_slice %arg3[%dma_start3A_260, %mul3A_259] : memref<8x1000001xf32, #tpu.memory_space<hbm>> -> memref<8x2048xf32, #tpu.memory_space<hbm>>
          %dma_start3A_262 = arith.constant 0 : i32
          %dma_start3A_263 = tpu.memref_slice %arg3[%dma_start3A_262, %mul3A_259] : memref<8x1000001xf32, #tpu.memory_space<hbm>> -> memref<8x2048xf32, #tpu.memory_space<hbm>>
          tpu.enqueue_dma source(%dma_start3A_263 : memref<8x2048xf32, #tpu.memory_space<hbm>>) target(%arg9 : memref<8x2048xf32, #tpu.memory_space<vmem>>) target_semaphore(%arg15 : memref<!tpu.dma_semaphore, #tpu.memory_space<semaphore_mem>>)
        } else {
        }
        %ge3A = arith.constant 2 : i32
        %ge3A_231 = arith.cmpi sge, %add3A_216, %ge3A : i32
        %convert_element_type3A_232 = arith.extui %ge3A_231 : i1 to i32
        %cond3A_233 = arith.constant 0 : i32
        %cond3A_234 = arith.cmpi ne, %convert_element_type3A_232, %cond3A_233 : i32
        scf.if %cond3A_234 {
          %sub3A_253 = arith.constant 2 : i32
          %sub3A_254 = arith.subi %add3A_216, %sub3A_253 : i32
          %mul3A_255 = arith.constant 32 : i32
          %mul3A_256 = arith.muli %sub3A_254, %mul3A_255 : i32
          %add3A_257 = arith.addi %add3A, %mul3A_256 : i32
          %mul3A_258 = arith.constant 2048 : i32
          %mul3A_259 = arith.muli %add3A_257, %mul3A_258 : i32
          %mul3A_260 = arith.constant 8 : i32
          %mul3A_261 = arith.muli %mul3A_259, %mul3A_260 : i32
          %dma_wait3A_262 = tpu.memref_slice %arg6[%mul3A_261] : memref<8000008xf32, #tpu.memory_space<hbm>> -> memref<16384xf32, #tpu.memory_space<hbm>>
          %dma_wait3A_263 = tpu.memref_slice %arg6[%mul3A_261] : memref<8000008xf32, #tpu.memory_space<hbm>> -> memref<16384xf32, #tpu.memory_space<hbm>>
          tpu.wait_dma2 semaphore(%arg16 : memref<!tpu.dma_semaphore, #tpu.memory_space<semaphore_mem>>) src(%arg10 : memref<16384xf32, #tpu.memory_space<vmem>>) dst(%dma_wait3A_263 : memref<16384xf32, #tpu.memory_space<hbm>>)
        } else {
        }
        %mul3A_235 = arith.constant 17 : i32
        %mul3A_236 = vector.broadcast %mul3A_235 : i32 to vector<16xi32>
        %mul3A_237 = arith.muli %and3A_4, %mul3A_236 : vector<16xi32>
        %add3A_238 = arith.addi %mul3A_237, %shift_right_arithmetic3A_2 : vector<16xi32>
        %scan3A = arith.constant 0 : i32
        %scan3A_239 = arith.constant 0 : i32
        %scan3A_240 = arith.constant 128 : i32
        %scan3A_241 = arith.addi %scan3A_239, %scan3A_240 : i32
        %scan3A_242 = arith.constant 1 : i32
        scf.for %scan3A_253 = %scan3A_239 to %scan3A_241 step %scan3A_242  : i32 {
          %mul3A_254 = arith.constant 16 : i32
          %mul3A_255 = arith.muli %scan3A_253, %mul3A_254 : i32
          %get3A = arith.constant 0 : i32
          %get3A_256 = arith.index_cast %get3A : i32 to index
          %get3A_257 = arith.index_cast %mul3A_255 : i32 to index
          %get3A_258 = tpu.vector_load %arg8[%get3A_256, %get3A_257] {strides = array<i32>} : memref<8x2048xf32, #tpu.memory_space<vmem>>, vector<16xf32>,
          %swap3A = arith.constant 0 : index
          %swap3A_259 = tpu.vector_load %arg13[%swap3A] {strides = array<i32>} : memref<136xf32, #tpu.memory_space<vmem>>, vector<16xf32>,
          tpu.vector_store %arg13[%swap3A], %get3A_258 {strides = array<i32>} : memref<136xf32, #tpu.memory_space<vmem>>, vector<16xf32>,
          %get3A_260 = arith.constant 1 : i32
          %get3A_261 = arith.index_cast %get3A_260 : i32 to index
          %get3A_262 = arith.index_cast %mul3A_255 : i32 to index
          %get3A_263 = tpu.vector_load %arg8[%get3A_261, %get3A_262] {strides = array<i32>} : memref<8x2048xf32, #tpu.memory_space<vmem>>, vector<16xf32>,
          %swap3A_264 = arith.constant 17 : index
          %swap3A_265 = tpu.vector_load %arg13[%swap3A_264] {strides = array<i32>} : memref<136xf32, #tpu.memory_space<vmem>>, vector<16xf32>,
          tpu.vector_store %arg13[%swap3A_264], %get3A_263 {strides = array<i32>} : memref<136xf32, #tpu.memory_space<vmem>>, vector<16xf32>,
          %get3A_266 = arith.constant 2 : i32
          %get3A_267 = arith.index_cast %get3A_266 : i32 to index
          %get3A_268 = arith.index_cast %mul3A_255 : i32 to index
          %get3A_269 = tpu.vector_load %arg8[%get3A_267, %get3A_268] {strides = array<i32>} : memref<8x2048xf32, #tpu.memory_space<vmem>>, vector<16xf32>,
          %swap3A_270 = arith.constant 34 : index
          %swap3A_271 = tpu.vector_load %arg13[%swap3A_270] {strides = array<i32>} : memref<136xf32, #tpu.memory_space<vmem>>, vector<16xf32>,
          tpu.vector_store %arg13[%swap3A_270], %get3A_269 {strides = array<i32>} : memref<136xf32, #tpu.memory_space<vmem>>, vector<16xf32>,
          %get3A_272 = arith.constant 3 : i32
          %get3A_273 = arith.index_cast %get3A_272 : i32 to index
          %get3A_274 = arith.index_cast %mul3A_255 : i32 to index
          %get3A_275 = tpu.vector_load %arg8[%get3A_273, %get3A_274] {strides = array<i32>} : memref<8x2048xf32, #tpu.memory_space<vmem>>, vector<16xf32>,
          %swap3A_276 = arith.constant 51 : index
          %swap3A_277 = tpu.vector_load %arg13[%swap3A_276] {strides = array<i32>} : memref<136xf32, #tpu.memory_space<vmem>>, vector<16xf32>,
          tpu.vector_store %arg13[%swap3A_276], %get3A_275 {strides = array<i32>} : memref<136xf32, #tpu.memory_space<vmem>>, vector<16xf32>,
          %get3A_278 = arith.constant 4 : i32
          %get3A_279 = arith.index_cast %get3A_278 : i32 to index
          %get3A_280 = arith.index_cast %mul3A_255 : i32 to index
          %get3A_281 = tpu.vector_load %arg8[%get3A_279, %get3A_280] {strides = array<i32>} : memref<8x2048xf32, #tpu.memory_space<vmem>>, vector<16xf32>,
          %swap3A_282 = arith.constant 68 : index
          %swap3A_283 = tpu.vector_load %arg13[%swap3A_282] {strides = array<i32>} : memref<136xf32, #tpu.memory_space<vmem>>, vector<16xf32>,
          tpu.vector_store %arg13[%swap3A_282], %get3A_281 {strides = array<i32>} : memref<136xf32, #tpu.memory_space<vmem>>, vector<16xf32>,
          %get3A_284 = arith.constant 5 : i32
          %get3A_285 = arith.index_cast %get3A_284 : i32 to index
          %get3A_286 = arith.index_cast %mul3A_255 : i32 to index
          %get3A_287 = tpu.vector_load %arg8[%get3A_285, %get3A_286] {strides = array<i32>} : memref<8x2048xf32, #tpu.memory_space<vmem>>, vector<16xf32>,
          %swap3A_288 = arith.constant 85 : index
          %swap3A_289 = tpu.vector_load %arg13[%swap3A_288] {strides = array<i32>} : memref<136xf32, #tpu.memory_space<vmem>>, vector<16xf32>,
          tpu.vector_store %arg13[%swap3A_288], %get3A_287 {strides = array<i32>} : memref<136xf32, #tpu.memory_space<vmem>>, vector<16xf32>,
          %get3A_290 = arith.constant 6 : i32
          %get3A_291 = arith.index_cast %get3A_290 : i32 to index
          %get3A_292 = arith.index_cast %mul3A_255 : i32 to index
          %get3A_293 = tpu.vector_load %arg8[%get3A_291, %get3A_292] {strides = array<i32>} : memref<8x2048xf32, #tpu.memory_space<vmem>>, vector<16xf32>,
          %swap3A_294 = arith.constant 102 : index
          %swap3A_295 = tpu.vector_load %arg13[%swap3A_294] {strides = array<i32>} : memref<136xf32, #tpu.memory_space<vmem>>, vector<16xf32>,
          tpu.vector_store %arg13[%swap3A_294], %get3A_293 {strides = array<i32>} : memref<136xf32, #tpu.memory_space<vmem>>, vector<16xf32>,
          %get3A_296 = arith.constant 7 : i32
          %get3A_297 = arith.index_cast %get3A_296 : i32 to index
          %get3A_298 = arith.index_cast %mul3A_255 : i32 to index
          %get3A_299 = tpu.vector_load %arg8[%get3A_297, %get3A_298] {strides = array<i32>} : memref<8x2048xf32, #tpu.memory_space<vmem>>, vector<16xf32>,
          %swap3A_300 = arith.constant 119 : index
          %swap3A_301 = tpu.vector_load %arg13[%swap3A_300] {strides = array<i32>} : memref<136xf32, #tpu.memory_space<vmem>>, vector<16xf32>,
          tpu.vector_store %arg13[%swap3A_300], %get3A_299 {strides = array<i32>} : memref<136xf32, #tpu.memory_space<vmem>>, vector<16xf32>,
          %add3A_302 = arith.constant 0 : i32
          %add3A_303 = vector.broadcast %add3A_302 : i32 to vector<16xi32>
          %add3A_304 = arith.addi %add3A_238, %add3A_303 : vector<16xi32>
          %gather3A = tpu.vector_load_idx %arg13[%add3A_304] : memref<136xf32, #tpu.memory_space<vmem>>[vector<16xi32>], vector<16xf32>,
          %mul3A_305 = arith.constant 8 : i32
          %mul3A_306 = arith.muli %mul3A_255, %mul3A_305 : i32
          %add3A_307 = arith.constant 0 : i32
          %add3A_308 = arith.addi %mul3A_306, %add3A_307 : i32
          %swap3A_309 = arith.index_cast %add3A_308 : i32 to index
          %swap3A_310 = tpu.vector_load %arg10[%swap3A_309] {strides = array<i32>} : memref<16384xf32, #tpu.memory_space<vmem>>, vector<16xf32>,
          tpu.vector_store %arg10[%swap3A_309], %gather3A {strides = array<i32>} : memref<16384xf32, #tpu.memory_space<vmem>>, vector<16xf32>,
          %add3A_311 = arith.constant 2 : i32
          %add3A_312 = vector.broadcast %add3A_311 : i32 to vector<16xi32>
          %add3A_313 = arith.addi %add3A_238, %add3A_312 : vector<16xi32>
          %gather3A_314 = tpu.vector_load_idx %arg13[%add3A_313] : memref<136xf32, #tpu.memory_space<vmem>>[vector<16xi32>], vector<16xf32>,
          %mul3A_315 = arith.constant 8 : i32
          %mul3A_316 = arith.muli %mul3A_255, %mul3A_315 : i32
          %add3A_317 = arith.constant 16 : i32
          %add3A_318 = arith.addi %mul3A_316, %add3A_317 : i32
          %swap3A_319 = arith.index_cast %add3A_318 : i32 to index
          %swap3A_320 = tpu.vector_load %arg10[%swap3A_319] {strides = array<i32>} : memref<16384xf32, #tpu.memory_space<vmem>>, vector<16xf32>,
          tpu.vector_store %arg10[%swap3A_319], %gather3A_314 {strides = array<i32>} : memref<16384xf32, #tpu.memory_space<vmem>>, vector<16xf32>,
          %add3A_321 = arith.constant 4 : i32
          %add3A_322 = vector.broadcast %add3A_321 : i32 to vector<16xi32>
          %add3A_323 = arith.addi %add3A_238, %add3A_322 : vector<16xi32>
          %gather3A_324 = tpu.vector_load_idx %arg13[%add3A_323] : memref<136xf32, #tpu.memory_space<vmem>>[vector<16xi32>], vector<16xf32>,
          %mul3A_325 = arith.constant 8 : i32
          %mul3A_326 = arith.muli %mul3A_255, %mul3A_325 : i32
          %add3A_327 = arith.constant 32 : i32
          %add3A_328 = arith.addi %mul3A_326, %add3A_327 : i32
          %swap3A_329 = arith.index_cast %add3A_328 : i32 to index
          %swap3A_330 = tpu.vector_load %arg10[%swap3A_329] {strides = array<i32>} : memref<16384xf32, #tpu.memory_space<vmem>>, vector<16xf32>,
          tpu.vector_store %arg10[%swap3A_329], %gather3A_324 {strides = array<i32>} : memref<16384xf32, #tpu.memory_space<vmem>>, vector<16xf32>,
          %add3A_331 = arith.constant 6 : i32
          %add3A_332 = vector.broadcast %add3A_331 : i32 to vector<16xi32>
          %add3A_333 = arith.addi %add3A_238, %add3A_332 : vector<16xi32>
          %gather3A_334 = tpu.vector_load_idx %arg13[%add3A_333] : memref<136xf32, #tpu.memory_space<vmem>>[vector<16xi32>], vector<16xf32>,
          %mul3A_335 = arith.constant 8 : i32
          %mul3A_336 = arith.muli %mul3A_255, %mul3A_335 : i32
          %add3A_337 = arith.constant 48 : i32
          %add3A_338 = arith.addi %mul3A_336, %add3A_337 : i32
          %swap3A_339 = arith.index_cast %add3A_338 : i32 to index
          %swap3A_340 = tpu.vector_load %arg10[%swap3A_339] {strides = array<i32>} : memref<16384xf32, #tpu.memory_space<vmem>>, vector<16xf32>,
          tpu.vector_store %arg10[%swap3A_339], %gather3A_334 {strides = array<i32>} : memref<16384xf32, #tpu.memory_space<vmem>>, vector<16xf32>,
          %add3A_341 = arith.constant 8 : i32
          %add3A_342 = vector.broadcast %add3A_341 : i32 to vector<16xi32>
          %add3A_343 = arith.addi %add3A_238, %add3A_342 : vector<16xi32>
          %gather3A_344 = tpu.vector_load_idx %arg13[%add3A_343] : memref<136xf32, #tpu.memory_space<vmem>>[vector<16xi32>], vector<16xf32>,
          %mul3A_345 = arith.constant 8 : i32
          %mul3A_346 = arith.muli %mul3A_255, %mul3A_345 : i32
          %add3A_347 = arith.constant 64 : i32
          %add3A_348 = arith.addi %mul3A_346, %add3A_347 : i32
          %swap3A_349 = arith.index_cast %add3A_348 : i32 to index
          %swap3A_350 = tpu.vector_load %arg10[%swap3A_349] {strides = array<i32>} : memref<16384xf32, #tpu.memory_space<vmem>>, vector<16xf32>,
          tpu.vector_store %arg10[%swap3A_349], %gather3A_344 {strides = array<i32>} : memref<16384xf32, #tpu.memory_space<vmem>>, vector<16xf32>,
          %add3A_351 = arith.constant 10 : i32
          %add3A_352 = vector.broadcast %add3A_351 : i32 to vector<16xi32>
          %add3A_353 = arith.addi %add3A_238, %add3A_352 : vector<16xi32>
          %gather3A_354 = tpu.vector_load_idx %arg13[%add3A_353] : memref<136xf32, #tpu.memory_space<vmem>>[vector<16xi32>], vector<16xf32>,
          %mul3A_355 = arith.constant 8 : i32
          %mul3A_356 = arith.muli %mul3A_255, %mul3A_355 : i32
          %add3A_357 = arith.constant 80 : i32
          %add3A_358 = arith.addi %mul3A_356, %add3A_357 : i32
          %swap3A_359 = arith.index_cast %add3A_358 : i32 to index
          %swap3A_360 = tpu.vector_load %arg10[%swap3A_359] {strides = array<i32>} : memref<16384xf32, #tpu.memory_space<vmem>>, vector<16xf32>,
          tpu.vector_store %arg10[%swap3A_359], %gather3A_354 {strides = array<i32>} : memref<16384xf32, #tpu.memory_space<vmem>>, vector<16xf32>,
          %add3A_361 = arith.constant 12 : i32
          %add3A_362 = vector.broadcast %add3A_361 : i32 to vector<16xi32>
          %add3A_363 = arith.addi %add3A_238, %add3A_362 : vector<16xi32>
          %gather3A_364 = tpu.vector_load_idx %arg13[%add3A_363] : memref<136xf32, #tpu.memory_space<vmem>>[vector<16xi32>], vector<16xf32>,
          %mul3A_365 = arith.constant 8 : i32
          %mul3A_366 = arith.muli %mul3A_255, %mul3A_365 : i32
          %add3A_367 = arith.constant 96 : i32
          %add3A_368 = arith.addi %mul3A_366, %add3A_367 : i32
          %swap3A_369 = arith.index_cast %add3A_368 : i32 to index
          %swap3A_370 = tpu.vector_load %arg10[%swap3A_369] {strides = array<i32>} : memref<16384xf32, #tpu.memory_space<vmem>>, vector<16xf32>,
          tpu.vector_store %arg10[%swap3A_369], %gather3A_364 {strides = array<i32>} : memref<16384xf32, #tpu.memory_space<vmem>>, vector<16xf32>,
          %add3A_371 = arith.constant 14 : i32
          %add3A_372 = vector.broadcast %add3A_371 : i32 to vector<16xi32>
          %add3A_373 = arith.addi %add3A_238, %add3A_372 : vector<16xi32>
          %gather3A_374 = tpu.vector_load_idx %arg13[%add3A_373] : memref<136xf32, #tpu.memory_space<vmem>>[vector<16xi32>], vector<16xf32>,
          %mul3A_375 = arith.constant 8 : i32
          %mul3A_376 = arith.muli %mul3A_255, %mul3A_375 : i32
          %add3A_377 = arith.constant 112 : i32
          %add3A_378 = arith.addi %mul3A_376, %add3A_377 : i32
          %swap3A_379 = arith.index_cast %add3A_378 : i32 to index
          %swap3A_380 = tpu.vector_load %arg10[%swap3A_379] {strides = array<i32>} : memref<16384xf32, #tpu.memory_space<vmem>>, vector<16xf32>,
          tpu.vector_store %arg10[%swap3A_379], %gather3A_374 {strides = array<i32>} : memref<16384xf32, #tpu.memory_space<vmem>>, vector<16xf32>,
        }
        %scan3A_243 = arith.constant 128 : i32
        %mul3A_244 = arith.constant 32 : i32
        %mul3A_245 = arith.muli %add3A_216, %mul3A_244 : i32
        %add3A_246 = arith.addi %add3A, %mul3A_245 : i32
        %mul3A_247 = arith.constant 2048 : i32
        %mul3A_248 = arith.muli %add3A_246, %mul3A_247 : i32
        %mul3A_249 = arith.constant 8 : i32
        %mul3A_250 = arith.muli %mul3A_248, %mul3A_249 : i32
        %dma_start3A_251 = tpu.memref_slice %arg6[%mul3A_250] : memref<8000008xf32, #tpu.memory_space<hbm>> -> memref<16384xf32, #tpu.memory_space<hbm>>
        %dma_start3A_252 = tpu.memref_slice %arg6[%mul3A_250] : memref<8000008xf32, #tpu.memory_space<hbm>> -> memref<16384xf32, #tpu.memory_space<hbm>>
        tpu.enqueue_dma source(%arg10 : memref<16384xf32, #tpu.memory_space<vmem>>) target(%dma_start3A_252 : memref<16384xf32, #tpu.memory_space<hbm>>) target_semaphore(%arg16 : memref<!tpu.dma_semaphore, #tpu.memory_space<semaphore_mem>>)
      } else {
      }
      %mul3A_205 = arith.constant 2 : i32
      %mul3A_206 = arith.muli %mul3A_205, %while3A_197 : i32
      %add3A_207 = arith.constant 1 : i32
      %add3A_208 = arith.addi %mul3A_206, %add3A_207 : i32
      %lt3A_209 = arith.cmpi slt, %add3A_208, %add3A_25 : i32
      %convert_element_type3A_210 = arith.extui %lt3A_209 : i1 to i32
      %cond3A_211 = arith.constant 0 : i32
      %cond3A_212 = arith.cmpi ne, %convert_element_type3A_210, %cond3A_211 : i32
      scf.if %cond3A_212 {
        %mul3A_213 = arith.constant 2 : i32
        %mul3A_214 = arith.muli %mul3A_213, %while3A_197 : i32
        %add3A_215 = arith.constant 1 : i32
        %add3A_216 = arith.addi %mul3A_214, %add3A_215 : i32
        %mul3A_217 = arith.constant 32 : i32
        %mul3A_218 = arith.muli %add3A_216, %mul3A_217 : i32
        %add3A_219 = arith.addi %add3A, %mul3A_218 : i32
        %mul3A_220 = arith.constant 2048 : i32
        %mul3A_221 = arith.muli %add3A_219, %mul3A_220 : i32
        %dma_wait3A = arith.constant 0 : i32
        %dma_wait3A_222 = tpu.memref_slice %arg3[%dma_wait3A, %mul3A_221] : memref<8x1000001xf32, #tpu.memory_space<hbm>> -> memref<8x2048xf32, #tpu.memory_space<hbm>>
        %dma_wait3A_223 = arith.constant 0 : i32
        %dma_wait3A_224 = tpu.memref_slice %arg3[%dma_wait3A_223, %mul3A_221] : memref<8x1000001xf32, #tpu.memory_space<hbm>> -> memref<8x2048xf32, #tpu.memory_space<hbm>>
        tpu.wait_dma2 semaphore(%arg15 : memref<!tpu.dma_semaphore, #tpu.memory_space<semaphore_mem>>) src(%dma_wait3A_224 : memref<8x2048xf32, #tpu.memory_space<hbm>>) dst(%arg9 : memref<8x2048xf32, #tpu.memory_space<vmem>>)
        %add3A_225 = arith.constant 1 : i32
        %add3A_226 = arith.addi %add3A_216, %add3A_225 : i32
        %lt3A_227 = arith.cmpi slt, %add3A_226, %add3A_25 : i32
        %convert_element_type3A_228 = arith.extui %lt3A_227 : i1 to i32
        %cond3A_229 = arith.constant 0 : i32
        %cond3A_230 = arith.cmpi ne, %convert_element_type3A_228, %cond3A_229 : i32
        scf.if %cond3A_230 {
          %add3A_253 = arith.constant 1 : i32
          %add3A_254 = arith.addi %add3A_216, %add3A_253 : i32
          %mul3A_255 = arith.constant 32 : i32
          %mul3A_256 = arith.muli %add3A_254, %mul3A_255 : i32
          %add3A_257 = arith.addi %add3A, %mul3A_256 : i32
          %mul3A_258 = arith.constant 2048 : i32
          %mul3A_259 = arith.muli %add3A_257, %mul3A_258 : i32
          %dma_start3A_260 = arith.constant 0 : i32
          %dma_start3A_261 = tpu.memref_slice %arg3[%dma_start3A_260, %mul3A_259] : memref<8x1000001xf32, #tpu.memory_space<hbm>> -> memref<8x2048xf32, #tpu.memory_space<hbm>>
          %dma_start3A_262 = arith.constant 0 : i32
          %dma_start3A_263 = tpu.memref_slice %arg3[%dma_start3A_262, %mul3A_259] : memref<8x1000001xf32, #tpu.memory_space<hbm>> -> memref<8x2048xf32, #tpu.memory_space<hbm>>
          tpu.enqueue_dma source(%dma_start3A_263 : memref<8x2048xf32, #tpu.memory_space<hbm>>) target(%arg8 : memref<8x2048xf32, #tpu.memory_space<vmem>>) target_semaphore(%arg14 : memref<!tpu.dma_semaphore, #tpu.memory_space<semaphore_mem>>)
        } else {
        }
        %ge3A = arith.constant 2 : i32
        %ge3A_231 = arith.cmpi sge, %add3A_216, %ge3A : i32
        %convert_element_type3A_232 = arith.extui %ge3A_231 : i1 to i32
        %cond3A_233 = arith.constant 0 : i32
        %cond3A_234 = arith.cmpi ne, %convert_element_type3A_232, %cond3A_233 : i32
        scf.if %cond3A_234 {
          %sub3A_253 = arith.constant 2 : i32
          %sub3A_254 = arith.subi %add3A_216, %sub3A_253 : i32
          %mul3A_255 = arith.constant 32 : i32
          %mul3A_256 = arith.muli %sub3A_254, %mul3A_255 : i32
          %add3A_257 = arith.addi %add3A, %mul3A_256 : i32
          %mul3A_258 = arith.constant 2048 : i32
          %mul3A_259 = arith.muli %add3A_257, %mul3A_258 : i32
          %mul3A_260 = arith.constant 8 : i32
          %mul3A_261 = arith.muli %mul3A_259, %mul3A_260 : i32
          %dma_wait3A_262 = tpu.memref_slice %arg6[%mul3A_261] : memref<8000008xf32, #tpu.memory_space<hbm>> -> memref<16384xf32, #tpu.memory_space<hbm>>
          %dma_wait3A_263 = tpu.memref_slice %arg6[%mul3A_261] : memref<8000008xf32, #tpu.memory_space<hbm>> -> memref<16384xf32, #tpu.memory_space<hbm>>
          tpu.wait_dma2 semaphore(%arg17 : memref<!tpu.dma_semaphore, #tpu.memory_space<semaphore_mem>>) src(%arg11 : memref<16384xf32, #tpu.memory_space<vmem>>) dst(%dma_wait3A_263 : memref<16384xf32, #tpu.memory_space<hbm>>)
        } else {
        }
        %mul3A_235 = arith.constant 17 : i32
        %mul3A_236 = vector.broadcast %mul3A_235 : i32 to vector<16xi32>
        %mul3A_237 = arith.muli %and3A_4, %mul3A_236 : vector<16xi32>
        %add3A_238 = arith.addi %mul3A_237, %shift_right_arithmetic3A_2 : vector<16xi32>
        %scan3A = arith.constant 0 : i32
        %scan3A_239 = arith.constant 0 : i32
        %scan3A_240 = arith.constant 128 : i32
        %scan3A_241 = arith.addi %scan3A_239, %scan3A_240 : i32
        %scan3A_242 = arith.constant 1 : i32
        scf.for %scan3A_253 = %scan3A_239 to %scan3A_241 step %scan3A_242  : i32 {
          %mul3A_254 = arith.constant 16 : i32
          %mul3A_255 = arith.muli %scan3A_253, %mul3A_254 : i32
          %get3A = arith.constant 0 : i32
          %get3A_256 = arith.index_cast %get3A : i32 to index
          %get3A_257 = arith.index_cast %mul3A_255 : i32 to index
          %get3A_258 = tpu.vector_load %arg9[%get3A_256, %get3A_257] {strides = array<i32>} : memref<8x2048xf32, #tpu.memory_space<vmem>>, vector<16xf32>,
          %swap3A = arith.constant 0 : index
          %swap3A_259 = tpu.vector_load %arg13[%swap3A] {strides = array<i32>} : memref<136xf32, #tpu.memory_space<vmem>>, vector<16xf32>,
          tpu.vector_store %arg13[%swap3A], %get3A_258 {strides = array<i32>} : memref<136xf32, #tpu.memory_space<vmem>>, vector<16xf32>,
          %get3A_260 = arith.constant 1 : i32
          %get3A_261 = arith.index_cast %get3A_260 : i32 to index
          %get3A_262 = arith.index_cast %mul3A_255 : i32 to index
          %get3A_263 = tpu.vector_load %arg9[%get3A_261, %get3A_262] {strides = array<i32>} : memref<8x2048xf32, #tpu.memory_space<vmem>>, vector<16xf32>,
          %swap3A_264 = arith.constant 17 : index
          %swap3A_265 = tpu.vector_load %arg13[%swap3A_264] {strides = array<i32>} : memref<136xf32, #tpu.memory_space<vmem>>, vector<16xf32>,
          tpu.vector_store %arg13[%swap3A_264], %get3A_263 {strides = array<i32>} : memref<136xf32, #tpu.memory_space<vmem>>, vector<16xf32>,
          %get3A_266 = arith.constant 2 : i32
          %get3A_267 = arith.index_cast %get3A_266 : i32 to index
          %get3A_268 = arith.index_cast %mul3A_255 : i32 to index
          %get3A_269 = tpu.vector_load %arg9[%get3A_267, %get3A_268] {strides = array<i32>} : memref<8x2048xf32, #tpu.memory_space<vmem>>, vector<16xf32>,
          %swap3A_270 = arith.constant 34 : index
          %swap3A_271 = tpu.vector_load %arg13[%swap3A_270] {strides = array<i32>} : memref<136xf32, #tpu.memory_space<vmem>>, vector<16xf32>,
          tpu.vector_store %arg13[%swap3A_270], %get3A_269 {strides = array<i32>} : memref<136xf32, #tpu.memory_space<vmem>>, vector<16xf32>,
          %get3A_272 = arith.constant 3 : i32
          %get3A_273 = arith.index_cast %get3A_272 : i32 to index
          %get3A_274 = arith.index_cast %mul3A_255 : i32 to index
          %get3A_275 = tpu.vector_load %arg9[%get3A_273, %get3A_274] {strides = array<i32>} : memref<8x2048xf32, #tpu.memory_space<vmem>>, vector<16xf32>,
          %swap3A_276 = arith.constant 51 : index
          %swap3A_277 = tpu.vector_load %arg13[%swap3A_276] {strides = array<i32>} : memref<136xf32, #tpu.memory_space<vmem>>, vector<16xf32>,
          tpu.vector_store %arg13[%swap3A_276], %get3A_275 {strides = array<i32>} : memref<136xf32, #tpu.memory_space<vmem>>, vector<16xf32>,
          %get3A_278 = arith.constant 4 : i32
          %get3A_279 = arith.index_cast %get3A_278 : i32 to index
          %get3A_280 = arith.index_cast %mul3A_255 : i32 to index
          %get3A_281 = tpu.vector_load %arg9[%get3A_279, %get3A_280] {strides = array<i32>} : memref<8x2048xf32, #tpu.memory_space<vmem>>, vector<16xf32>,
          %swap3A_282 = arith.constant 68 : index
          %swap3A_283 = tpu.vector_load %arg13[%swap3A_282] {strides = array<i32>} : memref<136xf32, #tpu.memory_space<vmem>>, vector<16xf32>,
          tpu.vector_store %arg13[%swap3A_282], %get3A_281 {strides = array<i32>} : memref<136xf32, #tpu.memory_space<vmem>>, vector<16xf32>,
          %get3A_284 = arith.constant 5 : i32
          %get3A_285 = arith.index_cast %get3A_284 : i32 to index
          %get3A_286 = arith.index_cast %mul3A_255 : i32 to index
          %get3A_287 = tpu.vector_load %arg9[%get3A_285, %get3A_286] {strides = array<i32>} : memref<8x2048xf32, #tpu.memory_space<vmem>>, vector<16xf32>,
          %swap3A_288 = arith.constant 85 : index
          %swap3A_289 = tpu.vector_load %arg13[%swap3A_288] {strides = array<i32>} : memref<136xf32, #tpu.memory_space<vmem>>, vector<16xf32>,
          tpu.vector_store %arg13[%swap3A_288], %get3A_287 {strides = array<i32>} : memref<136xf32, #tpu.memory_space<vmem>>, vector<16xf32>,
          %get3A_290 = arith.constant 6 : i32
          %get3A_291 = arith.index_cast %get3A_290 : i32 to index
          %get3A_292 = arith.index_cast %mul3A_255 : i32 to index
          %get3A_293 = tpu.vector_load %arg9[%get3A_291, %get3A_292] {strides = array<i32>} : memref<8x2048xf32, #tpu.memory_space<vmem>>, vector<16xf32>,
          %swap3A_294 = arith.constant 102 : index
          %swap3A_295 = tpu.vector_load %arg13[%swap3A_294] {strides = array<i32>} : memref<136xf32, #tpu.memory_space<vmem>>, vector<16xf32>,
          tpu.vector_store %arg13[%swap3A_294], %get3A_293 {strides = array<i32>} : memref<136xf32, #tpu.memory_space<vmem>>, vector<16xf32>,
          %get3A_296 = arith.constant 7 : i32
          %get3A_297 = arith.index_cast %get3A_296 : i32 to index
          %get3A_298 = arith.index_cast %mul3A_255 : i32 to index
          %get3A_299 = tpu.vector_load %arg9[%get3A_297, %get3A_298] {strides = array<i32>} : memref<8x2048xf32, #tpu.memory_space<vmem>>, vector<16xf32>,
          %swap3A_300 = arith.constant 119 : index
          %swap3A_301 = tpu.vector_load %arg13[%swap3A_300] {strides = array<i32>} : memref<136xf32, #tpu.memory_space<vmem>>, vector<16xf32>,
          tpu.vector_store %arg13[%swap3A_300], %get3A_299 {strides = array<i32>} : memref<136xf32, #tpu.memory_space<vmem>>, vector<16xf32>,
          %add3A_302 = arith.constant 0 : i32
          %add3A_303 = vector.broadcast %add3A_302 : i32 to vector<16xi32>
          %add3A_304 = arith.addi %add3A_238, %add3A_303 : vector<16xi32>
          %gather3A = tpu.vector_load_idx %arg13[%add3A_304] : memref<136xf32, #tpu.memory_space<vmem>>[vector<16xi32>], vector<16xf32>,
          %mul3A_305 = arith.constant 8 : i32
          %mul3A_306 = arith.muli %mul3A_255, %mul3A_305 : i32
          %add3A_307 = arith.constant 0 : i32
          %add3A_308 = arith.addi %mul3A_306, %add3A_307 : i32
          %swap3A_309 = arith.index_cast %add3A_308 : i32 to index
          %swap3A_310 = tpu.vector_load %arg11[%swap3A_309] {strides = array<i32>} : memref<16384xf32, #tpu.memory_space<vmem>>, vector<16xf32>,
          tpu.vector_store %arg11[%swap3A_309], %gather3A {strides = array<i32>} : memref<16384xf32, #tpu.memory_space<vmem>>, vector<16xf32>,
          %add3A_311 = arith.constant 2 : i32
          %add3A_312 = vector.broadcast %add3A_311 : i32 to vector<16xi32>
          %add3A_313 = arith.addi %add3A_238, %add3A_312 : vector<16xi32>
          %gather3A_314 = tpu.vector_load_idx %arg13[%add3A_313] : memref<136xf32, #tpu.memory_space<vmem>>[vector<16xi32>], vector<16xf32>,
          %mul3A_315 = arith.constant 8 : i32
          %mul3A_316 = arith.muli %mul3A_255, %mul3A_315 : i32
          %add3A_317 = arith.constant 16 : i32
          %add3A_318 = arith.addi %mul3A_316, %add3A_317 : i32
          %swap3A_319 = arith.index_cast %add3A_318 : i32 to index
          %swap3A_320 = tpu.vector_load %arg11[%swap3A_319] {strides = array<i32>} : memref<16384xf32, #tpu.memory_space<vmem>>, vector<16xf32>,
          tpu.vector_store %arg11[%swap3A_319], %gather3A_314 {strides = array<i32>} : memref<16384xf32, #tpu.memory_space<vmem>>, vector<16xf32>,
          %add3A_321 = arith.constant 4 : i32
          %add3A_322 = vector.broadcast %add3A_321 : i32 to vector<16xi32>
          %add3A_323 = arith.addi %add3A_238, %add3A_322 : vector<16xi32>
          %gather3A_324 = tpu.vector_load_idx %arg13[%add3A_323] : memref<136xf32, #tpu.memory_space<vmem>>[vector<16xi32>], vector<16xf32>,
          %mul3A_325 = arith.constant 8 : i32
          %mul3A_326 = arith.muli %mul3A_255, %mul3A_325 : i32
          %add3A_327 = arith.constant 32 : i32
          %add3A_328 = arith.addi %mul3A_326, %add3A_327 : i32
          %swap3A_329 = arith.index_cast %add3A_328 : i32 to index
          %swap3A_330 = tpu.vector_load %arg11[%swap3A_329] {strides = array<i32>} : memref<16384xf32, #tpu.memory_space<vmem>>, vector<16xf32>,
          tpu.vector_store %arg11[%swap3A_329], %gather3A_324 {strides = array<i32>} : memref<16384xf32, #tpu.memory_space<vmem>>, vector<16xf32>,
          %add3A_331 = arith.constant 6 : i32
          %add3A_332 = vector.broadcast %add3A_331 : i32 to vector<16xi32>
          %add3A_333 = arith.addi %add3A_238, %add3A_332 : vector<16xi32>
          %gather3A_334 = tpu.vector_load_idx %arg13[%add3A_333] : memref<136xf32, #tpu.memory_space<vmem>>[vector<16xi32>], vector<16xf32>,
          %mul3A_335 = arith.constant 8 : i32
          %mul3A_336 = arith.muli %mul3A_255, %mul3A_335 : i32
          %add3A_337 = arith.constant 48 : i32
          %add3A_338 = arith.addi %mul3A_336, %add3A_337 : i32
          %swap3A_339 = arith.index_cast %add3A_338 : i32 to index
          %swap3A_340 = tpu.vector_load %arg11[%swap3A_339] {strides = array<i32>} : memref<16384xf32, #tpu.memory_space<vmem>>, vector<16xf32>,
          tpu.vector_store %arg11[%swap3A_339], %gather3A_334 {strides = array<i32>} : memref<16384xf32, #tpu.memory_space<vmem>>, vector<16xf32>,
          %add3A_341 = arith.constant 8 : i32
          %add3A_342 = vector.broadcast %add3A_341 : i32 to vector<16xi32>
          %add3A_343 = arith.addi %add3A_238, %add3A_342 : vector<16xi32>
          %gather3A_344 = tpu.vector_load_idx %arg13[%add3A_343] : memref<136xf32, #tpu.memory_space<vmem>>[vector<16xi32>], vector<16xf32>,
          %mul3A_345 = arith.constant 8 : i32
          %mul3A_346 = arith.muli %mul3A_255, %mul3A_345 : i32
          %add3A_347 = arith.constant 64 : i32
          %add3A_348 = arith.addi %mul3A_346, %add3A_347 : i32
          %swap3A_349 = arith.index_cast %add3A_348 : i32 to index
          %swap3A_350 = tpu.vector_load %arg11[%swap3A_349] {strides = array<i32>} : memref<16384xf32, #tpu.memory_space<vmem>>, vector<16xf32>,
          tpu.vector_store %arg11[%swap3A_349], %gather3A_344 {strides = array<i32>} : memref<16384xf32, #tpu.memory_space<vmem>>, vector<16xf32>,
          %add3A_351 = arith.constant 10 : i32
          %add3A_352 = vector.broadcast %add3A_351 : i32 to vector<16xi32>
          %add3A_353 = arith.addi %add3A_238, %add3A_352 : vector<16xi32>
          %gather3A_354 = tpu.vector_load_idx %arg13[%add3A_353] : memref<136xf32, #tpu.memory_space<vmem>>[vector<16xi32>], vector<16xf32>,
          %mul3A_355 = arith.constant 8 : i32
          %mul3A_356 = arith.muli %mul3A_255, %mul3A_355 : i32
          %add3A_357 = arith.constant 80 : i32
          %add3A_358 = arith.addi %mul3A_356, %add3A_357 : i32
          %swap3A_359 = arith.index_cast %add3A_358 : i32 to index
          %swap3A_360 = tpu.vector_load %arg11[%swap3A_359] {strides = array<i32>} : memref<16384xf32, #tpu.memory_space<vmem>>, vector<16xf32>,
          tpu.vector_store %arg11[%swap3A_359], %gather3A_354 {strides = array<i32>} : memref<16384xf32, #tpu.memory_space<vmem>>, vector<16xf32>,
          %add3A_361 = arith.constant 12 : i32
          %add3A_362 = vector.broadcast %add3A_361 : i32 to vector<16xi32>
          %add3A_363 = arith.addi %add3A_238, %add3A_362 : vector<16xi32>
          %gather3A_364 = tpu.vector_load_idx %arg13[%add3A_363] : memref<136xf32, #tpu.memory_space<vmem>>[vector<16xi32>], vector<16xf32>,
          %mul3A_365 = arith.constant 8 : i32
          %mul3A_366 = arith.muli %mul3A_255, %mul3A_365 : i32
          %add3A_367 = arith.constant 96 : i32
          %add3A_368 = arith.addi %mul3A_366, %add3A_367 : i32
          %swap3A_369 = arith.index_cast %add3A_368 : i32 to index
          %swap3A_370 = tpu.vector_load %arg11[%swap3A_369] {strides = array<i32>} : memref<16384xf32, #tpu.memory_space<vmem>>, vector<16xf32>,
          tpu.vector_store %arg11[%swap3A_369], %gather3A_364 {strides = array<i32>} : memref<16384xf32, #tpu.memory_space<vmem>>, vector<16xf32>,
          %add3A_371 = arith.constant 14 : i32
          %add3A_372 = vector.broadcast %add3A_371 : i32 to vector<16xi32>
          %add3A_373 = arith.addi %add3A_238, %add3A_372 : vector<16xi32>
          %gather3A_374 = tpu.vector_load_idx %arg13[%add3A_373] : memref<136xf32, #tpu.memory_space<vmem>>[vector<16xi32>], vector<16xf32>,
          %mul3A_375 = arith.constant 8 : i32
          %mul3A_376 = arith.muli %mul3A_255, %mul3A_375 : i32
          %add3A_377 = arith.constant 112 : i32
          %add3A_378 = arith.addi %mul3A_376, %add3A_377 : i32
          %swap3A_379 = arith.index_cast %add3A_378 : i32 to index
          %swap3A_380 = tpu.vector_load %arg11[%swap3A_379] {strides = array<i32>} : memref<16384xf32, #tpu.memory_space<vmem>>, vector<16xf32>,
          tpu.vector_store %arg11[%swap3A_379], %gather3A_374 {strides = array<i32>} : memref<16384xf32, #tpu.memory_space<vmem>>, vector<16xf32>,
        }
        %scan3A_243 = arith.constant 128 : i32
        %mul3A_244 = arith.constant 32 : i32
        %mul3A_245 = arith.muli %add3A_216, %mul3A_244 : i32
        %add3A_246 = arith.addi %add3A, %mul3A_245 : i32
        %mul3A_247 = arith.constant 2048 : i32
        %mul3A_248 = arith.muli %add3A_246, %mul3A_247 : i32
        %mul3A_249 = arith.constant 8 : i32
        %mul3A_250 = arith.muli %mul3A_248, %mul3A_249 : i32
        %dma_start3A_251 = tpu.memref_slice %arg6[%mul3A_250] : memref<8000008xf32, #tpu.memory_space<hbm>> -> memref<16384xf32, #tpu.memory_space<hbm>>
        %dma_start3A_252 = tpu.memref_slice %arg6[%mul3A_250] : memref<8000008xf32, #tpu.memory_space<hbm>> -> memref<16384xf32, #tpu.memory_space<hbm>>
        tpu.enqueue_dma source(%arg11 : memref<16384xf32, #tpu.memory_space<vmem>>) target(%dma_start3A_252 : memref<16384xf32, #tpu.memory_space<hbm>>) target_semaphore(%arg17 : memref<!tpu.dma_semaphore, #tpu.memory_space<semaphore_mem>>)
      } else {
      }
    }
    %while3A_122 = arith.constant 1 : i32
    scf.for %while3A_197 = %while3A_120 to %while3A_116 step %while3A_122  : i32 {
      %mul3A_198 = arith.constant 2 : i32
      %mul3A_199 = arith.muli %mul3A_198, %while3A_197 : i32
      %add3A_200 = arith.constant 0 : i32
      %add3A_201 = arith.addi %mul3A_199, %add3A_200 : i32
      %lt3A = arith.cmpi slt, %add3A_201, %add3A_25 : i32
      %convert_element_type3A_202 = arith.extui %lt3A : i1 to i32
      %cond3A_203 = arith.constant 0 : i32
      %cond3A_204 = arith.cmpi ne, %convert_element_type3A_202, %cond3A_203 : i32
      scf.if %cond3A_204 {
        %mul3A_213 = arith.constant 2 : i32
        %mul3A_214 = arith.muli %mul3A_213, %while3A_197 : i32
        %add3A_215 = arith.constant 0 : i32
        %add3A_216 = arith.addi %mul3A_214, %add3A_215 : i32
        %mul3A_217 = arith.constant 32 : i32
        %mul3A_218 = arith.muli %add3A_216, %mul3A_217 : i32
        %add3A_219 = arith.addi %add3A, %mul3A_218 : i32
        %mul3A_220 = arith.constant 2048 : i32
        %mul3A_221 = arith.muli %add3A_219, %mul3A_220 : i32
        %dma_wait3A = arith.constant 0 : i32
        %dma_wait3A_222 = tpu.memref_slice %arg3[%dma_wait3A, %mul3A_221] : memref<8x1000001xf32, #tpu.memory_space<hbm>> -> memref<8x2048xf32, #tpu.memory_space<hbm>>
        %dma_wait3A_223 = arith.constant 0 : i32
        %dma_wait3A_224 = tpu.memref_slice %arg3[%dma_wait3A_223, %mul3A_221] : memref<8x1000001xf32, #tpu.memory_space<hbm>> -> memref<8x2048xf32, #tpu.memory_space<hbm>>
        tpu.wait_dma2 semaphore(%arg14 : memref<!tpu.dma_semaphore, #tpu.memory_space<semaphore_mem>>) src(%dma_wait3A_224 : memref<8x2048xf32, #tpu.memory_space<hbm>>) dst(%arg8 : memref<8x2048xf32, #tpu.memory_space<vmem>>)
        %add3A_225 = arith.constant 1 : i32
        %add3A_226 = arith.addi %add3A_216, %add3A_225 : i32
        %lt3A_227 = arith.cmpi slt, %add3A_226, %add3A_25 : i32
        %convert_element_type3A_228 = arith.extui %lt3A_227 : i1 to i32
        %cond3A_229 = arith.constant 0 : i32
        %cond3A_230 = arith.cmpi ne, %convert_element_type3A_228, %cond3A_229 : i32
        scf.if %cond3A_230 {
          %add3A_253 = arith.constant 1 : i32
          %add3A_254 = arith.addi %add3A_216, %add3A_253 : i32
          %mul3A_255 = arith.constant 32 : i32
          %mul3A_256 = arith.muli %add3A_254, %mul3A_255 : i32
          %add3A_257 = arith.addi %add3A, %mul3A_256 : i32
          %mul3A_258 = arith.constant 2048 : i32
          %mul3A_259 = arith.muli %add3A_257, %mul3A_258 : i32
          %dma_start3A_260 = arith.constant 0 : i32
          %dma_start3A_261 = tpu.memref_slice %arg3[%dma_start3A_260, %mul3A_259] : memref<8x1000001xf32, #tpu.memory_space<hbm>> -> memref<8x2048xf32, #tpu.memory_space<hbm>>
          %dma_start3A_262 = arith.constant 0 : i32
          %dma_start3A_263 = tpu.memref_slice %arg3[%dma_start3A_262, %mul3A_259] : memref<8x1000001xf32, #tpu.memory_space<hbm>> -> memref<8x2048xf32, #tpu.memory_space<hbm>>
          tpu.enqueue_dma source(%dma_start3A_263 : memref<8x2048xf32, #tpu.memory_space<hbm>>) target(%arg9 : memref<8x2048xf32, #tpu.memory_space<vmem>>) target_semaphore(%arg15 : memref<!tpu.dma_semaphore, #tpu.memory_space<semaphore_mem>>)
        } else {
        }
        %ge3A = arith.constant 2 : i32
        %ge3A_231 = arith.cmpi sge, %add3A_216, %ge3A : i32
        %convert_element_type3A_232 = arith.extui %ge3A_231 : i1 to i32
        %cond3A_233 = arith.constant 0 : i32
        %cond3A_234 = arith.cmpi ne, %convert_element_type3A_232, %cond3A_233 : i32
        scf.if %cond3A_234 {
          %sub3A_253 = arith.constant 2 : i32
          %sub3A_254 = arith.subi %add3A_216, %sub3A_253 : i32
          %mul3A_255 = arith.constant 32 : i32
          %mul3A_256 = arith.muli %sub3A_254, %mul3A_255 : i32
          %add3A_257 = arith.addi %add3A, %mul3A_256 : i32
          %mul3A_258 = arith.constant 2048 : i32
          %mul3A_259 = arith.muli %add3A_257, %mul3A_258 : i32
          %mul3A_260 = arith.constant 8 : i32
          %mul3A_261 = arith.muli %mul3A_259, %mul3A_260 : i32
          %dma_wait3A_262 = tpu.memref_slice %arg6[%mul3A_261] : memref<8000008xf32, #tpu.memory_space<hbm>> -> memref<16384xf32, #tpu.memory_space<hbm>>
          %dma_wait3A_263 = tpu.memref_slice %arg6[%mul3A_261] : memref<8000008xf32, #tpu.memory_space<hbm>> -> memref<16384xf32, #tpu.memory_space<hbm>>
          tpu.wait_dma2 semaphore(%arg16 : memref<!tpu.dma_semaphore, #tpu.memory_space<semaphore_mem>>) src(%arg10 : memref<16384xf32, #tpu.memory_space<vmem>>) dst(%dma_wait3A_263 : memref<16384xf32, #tpu.memory_space<hbm>>)
        } else {
        }
        %mul3A_235 = arith.constant 17 : i32
        %mul3A_236 = vector.broadcast %mul3A_235 : i32 to vector<16xi32>
        %mul3A_237 = arith.muli %and3A_4, %mul3A_236 : vector<16xi32>
        %add3A_238 = arith.addi %mul3A_237, %shift_right_arithmetic3A_2 : vector<16xi32>
        %scan3A = arith.constant 0 : i32
        %scan3A_239 = arith.constant 0 : i32
        %scan3A_240 = arith.constant 128 : i32
        %scan3A_241 = arith.addi %scan3A_239, %scan3A_240 : i32
        %scan3A_242 = arith.constant 1 : i32
        scf.for %scan3A_253 = %scan3A_239 to %scan3A_241 step %scan3A_242  : i32 {
          %mul3A_254 = arith.constant 16 : i32
          %mul3A_255 = arith.muli %scan3A_253, %mul3A_254 : i32
          %get3A = arith.constant 0 : i32
          %get3A_256 = arith.index_cast %get3A : i32 to index
          %get3A_257 = arith.index_cast %mul3A_255 : i32 to index
          %get3A_258 = tpu.vector_load %arg8[%get3A_256, %get3A_257] {strides = array<i32>} : memref<8x2048xf32, #tpu.memory_space<vmem>>, vector<16xf32>,
          %swap3A = arith.constant 0 : index
          %swap3A_259 = tpu.vector_load %arg13[%swap3A] {strides = array<i32>} : memref<136xf32, #tpu.memory_space<vmem>>, vector<16xf32>,
          tpu.vector_store %arg13[%swap3A], %get3A_258 {strides = array<i32>} : memref<136xf32, #tpu.memory_space<vmem>>, vector<16xf32>,
          %get3A_260 = arith.constant 1 : i32
          %get3A_261 = arith.index_cast %get3A_260 : i32 to index
          %get3A_262 = arith.index_cast %mul3A_255 : i32 to index
          %get3A_263 = tpu.vector_load %arg8[%get3A_261, %get3A_262] {strides = array<i32>} : memref<8x2048xf32, #tpu.memory_space<vmem>>, vector<16xf32>,
          %swap3A_264 = arith.constant 17 : index
          %swap3A_265 = tpu.vector_load %arg13[%swap3A_264] {strides = array<i32>} : memref<136xf32, #tpu.memory_space<vmem>>, vector<16xf32>,
          tpu.vector_store %arg13[%swap3A_264], %get3A_263 {strides = array<i32>} : memref<136xf32, #tpu.memory_space<vmem>>, vector<16xf32>,
          %get3A_266 = arith.constant 2 : i32
          %get3A_267 = arith.index_cast %get3A_266 : i32 to index
          %get3A_268 = arith.index_cast %mul3A_255 : i32 to index
          %get3A_269 = tpu.vector_load %arg8[%get3A_267, %get3A_268] {strides = array<i32>} : memref<8x2048xf32, #tpu.memory_space<vmem>>, vector<16xf32>,
          %swap3A_270 = arith.constant 34 : index
          %swap3A_271 = tpu.vector_load %arg13[%swap3A_270] {strides = array<i32>} : memref<136xf32, #tpu.memory_space<vmem>>, vector<16xf32>,
          tpu.vector_store %arg13[%swap3A_270], %get3A_269 {strides = array<i32>} : memref<136xf32, #tpu.memory_space<vmem>>, vector<16xf32>,
          %get3A_272 = arith.constant 3 : i32
          %get3A_273 = arith.index_cast %get3A_272 : i32 to index
          %get3A_274 = arith.index_cast %mul3A_255 : i32 to index
          %get3A_275 = tpu.vector_load %arg8[%get3A_273, %get3A_274] {strides = array<i32>} : memref<8x2048xf32, #tpu.memory_space<vmem>>, vector<16xf32>,
          %swap3A_276 = arith.constant 51 : index
          %swap3A_277 = tpu.vector_load %arg13[%swap3A_276] {strides = array<i32>} : memref<136xf32, #tpu.memory_space<vmem>>, vector<16xf32>,
          tpu.vector_store %arg13[%swap3A_276], %get3A_275 {strides = array<i32>} : memref<136xf32, #tpu.memory_space<vmem>>, vector<16xf32>,
          %get3A_278 = arith.constant 4 : i32
          %get3A_279 = arith.index_cast %get3A_278 : i32 to index
          %get3A_280 = arith.index_cast %mul3A_255 : i32 to index
          %get3A_281 = tpu.vector_load %arg8[%get3A_279, %get3A_280] {strides = array<i32>} : memref<8x2048xf32, #tpu.memory_space<vmem>>, vector<16xf32>,
          %swap3A_282 = arith.constant 68 : index
          %swap3A_283 = tpu.vector_load %arg13[%swap3A_282] {strides = array<i32>} : memref<136xf32, #tpu.memory_space<vmem>>, vector<16xf32>,
          tpu.vector_store %arg13[%swap3A_282], %get3A_281 {strides = array<i32>} : memref<136xf32, #tpu.memory_space<vmem>>, vector<16xf32>,
          %get3A_284 = arith.constant 5 : i32
          %get3A_285 = arith.index_cast %get3A_284 : i32 to index
          %get3A_286 = arith.index_cast %mul3A_255 : i32 to index
          %get3A_287 = tpu.vector_load %arg8[%get3A_285, %get3A_286] {strides = array<i32>} : memref<8x2048xf32, #tpu.memory_space<vmem>>, vector<16xf32>,
          %swap3A_288 = arith.constant 85 : index
          %swap3A_289 = tpu.vector_load %arg13[%swap3A_288] {strides = array<i32>} : memref<136xf32, #tpu.memory_space<vmem>>, vector<16xf32>,
          tpu.vector_store %arg13[%swap3A_288], %get3A_287 {strides = array<i32>} : memref<136xf32, #tpu.memory_space<vmem>>, vector<16xf32>,
          %get3A_290 = arith.constant 6 : i32
          %get3A_291 = arith.index_cast %get3A_290 : i32 to index
          %get3A_292 = arith.index_cast %mul3A_255 : i32 to index
          %get3A_293 = tpu.vector_load %arg8[%get3A_291, %get3A_292] {strides = array<i32>} : memref<8x2048xf32, #tpu.memory_space<vmem>>, vector<16xf32>,
          %swap3A_294 = arith.constant 102 : index
          %swap3A_295 = tpu.vector_load %arg13[%swap3A_294] {strides = array<i32>} : memref<136xf32, #tpu.memory_space<vmem>>, vector<16xf32>,
          tpu.vector_store %arg13[%swap3A_294], %get3A_293 {strides = array<i32>} : memref<136xf32, #tpu.memory_space<vmem>>, vector<16xf32>,
          %get3A_296 = arith.constant 7 : i32
          %get3A_297 = arith.index_cast %get3A_296 : i32 to index
          %get3A_298 = arith.index_cast %mul3A_255 : i32 to index
          %get3A_299 = tpu.vector_load %arg8[%get3A_297, %get3A_298] {strides = array<i32>} : memref<8x2048xf32, #tpu.memory_space<vmem>>, vector<16xf32>,
          %swap3A_300 = arith.constant 119 : index
          %swap3A_301 = tpu.vector_load %arg13[%swap3A_300] {strides = array<i32>} : memref<136xf32, #tpu.memory_space<vmem>>, vector<16xf32>,
          tpu.vector_store %arg13[%swap3A_300], %get3A_299 {strides = array<i32>} : memref<136xf32, #tpu.memory_space<vmem>>, vector<16xf32>,
          %add3A_302 = arith.constant 0 : i32
          %add3A_303 = vector.broadcast %add3A_302 : i32 to vector<16xi32>
          %add3A_304 = arith.addi %add3A_238, %add3A_303 : vector<16xi32>
          %gather3A = tpu.vector_load_idx %arg13[%add3A_304] : memref<136xf32, #tpu.memory_space<vmem>>[vector<16xi32>], vector<16xf32>,
          %mul3A_305 = arith.constant 8 : i32
          %mul3A_306 = arith.muli %mul3A_255, %mul3A_305 : i32
          %add3A_307 = arith.constant 0 : i32
          %add3A_308 = arith.addi %mul3A_306, %add3A_307 : i32
          %swap3A_309 = arith.index_cast %add3A_308 : i32 to index
          %swap3A_310 = tpu.vector_load %arg10[%swap3A_309] {strides = array<i32>} : memref<16384xf32, #tpu.memory_space<vmem>>, vector<16xf32>,
          tpu.vector_store %arg10[%swap3A_309], %gather3A {strides = array<i32>} : memref<16384xf32, #tpu.memory_space<vmem>>, vector<16xf32>,
          %add3A_311 = arith.constant 2 : i32
          %add3A_312 = vector.broadcast %add3A_311 : i32 to vector<16xi32>
          %add3A_313 = arith.addi %add3A_238, %add3A_312 : vector<16xi32>
          %gather3A_314 = tpu.vector_load_idx %arg13[%add3A_313] : memref<136xf32, #tpu.memory_space<vmem>>[vector<16xi32>], vector<16xf32>,
          %mul3A_315 = arith.constant 8 : i32
          %mul3A_316 = arith.muli %mul3A_255, %mul3A_315 : i32
          %add3A_317 = arith.constant 16 : i32
          %add3A_318 = arith.addi %mul3A_316, %add3A_317 : i32
          %swap3A_319 = arith.index_cast %add3A_318 : i32 to index
          %swap3A_320 = tpu.vector_load %arg10[%swap3A_319] {strides = array<i32>} : memref<16384xf32, #tpu.memory_space<vmem>>, vector<16xf32>,
          tpu.vector_store %arg10[%swap3A_319], %gather3A_314 {strides = array<i32>} : memref<16384xf32, #tpu.memory_space<vmem>>, vector<16xf32>,
          %add3A_321 = arith.constant 4 : i32
          %add3A_322 = vector.broadcast %add3A_321 : i32 to vector<16xi32>
          %add3A_323 = arith.addi %add3A_238, %add3A_322 : vector<16xi32>
          %gather3A_324 = tpu.vector_load_idx %arg13[%add3A_323] : memref<136xf32, #tpu.memory_space<vmem>>[vector<16xi32>], vector<16xf32>,
          %mul3A_325 = arith.constant 8 : i32
          %mul3A_326 = arith.muli %mul3A_255, %mul3A_325 : i32
          %add3A_327 = arith.constant 32 : i32
          %add3A_328 = arith.addi %mul3A_326, %add3A_327 : i32
          %swap3A_329 = arith.index_cast %add3A_328 : i32 to index
          %swap3A_330 = tpu.vector_load %arg10[%swap3A_329] {strides = array<i32>} : memref<16384xf32, #tpu.memory_space<vmem>>, vector<16xf32>,
          tpu.vector_store %arg10[%swap3A_329], %gather3A_324 {strides = array<i32>} : memref<16384xf32, #tpu.memory_space<vmem>>, vector<16xf32>,
          %add3A_331 = arith.constant 6 : i32
          %add3A_332 = vector.broadcast %add3A_331 : i32 to vector<16xi32>
          %add3A_333 = arith.addi %add3A_238, %add3A_332 : vector<16xi32>
          %gather3A_334 = tpu.vector_load_idx %arg13[%add3A_333] : memref<136xf32, #tpu.memory_space<vmem>>[vector<16xi32>], vector<16xf32>,
          %mul3A_335 = arith.constant 8 : i32
          %mul3A_336 = arith.muli %mul3A_255, %mul3A_335 : i32
          %add3A_337 = arith.constant 48 : i32
          %add3A_338 = arith.addi %mul3A_336, %add3A_337 : i32
          %swap3A_339 = arith.index_cast %add3A_338 : i32 to index
          %swap3A_340 = tpu.vector_load %arg10[%swap3A_339] {strides = array<i32>} : memref<16384xf32, #tpu.memory_space<vmem>>, vector<16xf32>,
          tpu.vector_store %arg10[%swap3A_339], %gather3A_334 {strides = array<i32>} : memref<16384xf32, #tpu.memory_space<vmem>>, vector<16xf32>,
          %add3A_341 = arith.constant 8 : i32
          %add3A_342 = vector.broadcast %add3A_341 : i32 to vector<16xi32>
          %add3A_343 = arith.addi %add3A_238, %add3A_342 : vector<16xi32>
          %gather3A_344 = tpu.vector_load_idx %arg13[%add3A_343] : memref<136xf32, #tpu.memory_space<vmem>>[vector<16xi32>], vector<16xf32>,
          %mul3A_345 = arith.constant 8 : i32
          %mul3A_346 = arith.muli %mul3A_255, %mul3A_345 : i32
          %add3A_347 = arith.constant 64 : i32
          %add3A_348 = arith.addi %mul3A_346, %add3A_347 : i32
          %swap3A_349 = arith.index_cast %add3A_348 : i32 to index
          %swap3A_350 = tpu.vector_load %arg10[%swap3A_349] {strides = array<i32>} : memref<16384xf32, #tpu.memory_space<vmem>>, vector<16xf32>,
          tpu.vector_store %arg10[%swap3A_349], %gather3A_344 {strides = array<i32>} : memref<16384xf32, #tpu.memory_space<vmem>>, vector<16xf32>,
          %add3A_351 = arith.constant 10 : i32
          %add3A_352 = vector.broadcast %add3A_351 : i32 to vector<16xi32>
          %add3A_353 = arith.addi %add3A_238, %add3A_352 : vector<16xi32>
          %gather3A_354 = tpu.vector_load_idx %arg13[%add3A_353] : memref<136xf32, #tpu.memory_space<vmem>>[vector<16xi32>], vector<16xf32>,
          %mul3A_355 = arith.constant 8 : i32
          %mul3A_356 = arith.muli %mul3A_255, %mul3A_355 : i32
          %add3A_357 = arith.constant 80 : i32
          %add3A_358 = arith.addi %mul3A_356, %add3A_357 : i32
          %swap3A_359 = arith.index_cast %add3A_358 : i32 to index
          %swap3A_360 = tpu.vector_load %arg10[%swap3A_359] {strides = array<i32>} : memref<16384xf32, #tpu.memory_space<vmem>>, vector<16xf32>,
          tpu.vector_store %arg10[%swap3A_359], %gather3A_354 {strides = array<i32>} : memref<16384xf32, #tpu.memory_space<vmem>>, vector<16xf32>,
          %add3A_361 = arith.constant 12 : i32
          %add3A_362 = vector.broadcast %add3A_361 : i32 to vector<16xi32>
          %add3A_363 = arith.addi %add3A_238, %add3A_362 : vector<16xi32>
          %gather3A_364 = tpu.vector_load_idx %arg13[%add3A_363] : memref<136xf32, #tpu.memory_space<vmem>>[vector<16xi32>], vector<16xf32>,
          %mul3A_365 = arith.constant 8 : i32
          %mul3A_366 = arith.muli %mul3A_255, %mul3A_365 : i32
          %add3A_367 = arith.constant 96 : i32
          %add3A_368 = arith.addi %mul3A_366, %add3A_367 : i32
          %swap3A_369 = arith.index_cast %add3A_368 : i32 to index
          %swap3A_370 = tpu.vector_load %arg10[%swap3A_369] {strides = array<i32>} : memref<16384xf32, #tpu.memory_space<vmem>>, vector<16xf32>,
          tpu.vector_store %arg10[%swap3A_369], %gather3A_364 {strides = array<i32>} : memref<16384xf32, #tpu.memory_space<vmem>>, vector<16xf32>,
          %add3A_371 = arith.constant 14 : i32
          %add3A_372 = vector.broadcast %add3A_371 : i32 to vector<16xi32>
          %add3A_373 = arith.addi %add3A_238, %add3A_372 : vector<16xi32>
          %gather3A_374 = tpu.vector_load_idx %arg13[%add3A_373] : memref<136xf32, #tpu.memory_space<vmem>>[vector<16xi32>], vector<16xf32>,
          %mul3A_375 = arith.constant 8 : i32
          %mul3A_376 = arith.muli %mul3A_255, %mul3A_375 : i32
          %add3A_377 = arith.constant 112 : i32
          %add3A_378 = arith.addi %mul3A_376, %add3A_377 : i32
          %swap3A_379 = arith.index_cast %add3A_378 : i32 to index
          %swap3A_380 = tpu.vector_load %arg10[%swap3A_379] {strides = array<i32>} : memref<16384xf32, #tpu.memory_space<vmem>>, vector<16xf32>,
          tpu.vector_store %arg10[%swap3A_379], %gather3A_374 {strides = array<i32>} : memref<16384xf32, #tpu.memory_space<vmem>>, vector<16xf32>,
        }
        %scan3A_243 = arith.constant 128 : i32
        %mul3A_244 = arith.constant 32 : i32
        %mul3A_245 = arith.muli %add3A_216, %mul3A_244 : i32
        %add3A_246 = arith.addi %add3A, %mul3A_245 : i32
        %mul3A_247 = arith.constant 2048 : i32
        %mul3A_248 = arith.muli %add3A_246, %mul3A_247 : i32
        %mul3A_249 = arith.constant 8 : i32
        %mul3A_250 = arith.muli %mul3A_248, %mul3A_249 : i32
        %dma_start3A_251 = tpu.memref_slice %arg6[%mul3A_250] : memref<8000008xf32, #tpu.memory_space<hbm>> -> memref<16384xf32, #tpu.memory_space<hbm>>
        %dma_start3A_252 = tpu.memref_slice %arg6[%mul3A_250] : memref<8000008xf32, #tpu.memory_space<hbm>> -> memref<16384xf32, #tpu.memory_space<hbm>>
        tpu.enqueue_dma source(%arg10 : memref<16384xf32, #tpu.memory_space<vmem>>) target(%dma_start3A_252 : memref<16384xf32, #tpu.memory_space<hbm>>) target_semaphore(%arg16 : memref<!tpu.dma_semaphore, #tpu.memory_space<semaphore_mem>>)
      } else {
      }
      %mul3A_205 = arith.constant 2 : i32
      %mul3A_206 = arith.muli %mul3A_205, %while3A_197 : i32
      %add3A_207 = arith.constant 1 : i32
      %add3A_208 = arith.addi %mul3A_206, %add3A_207 : i32
      %lt3A_209 = arith.cmpi slt, %add3A_208, %add3A_25 : i32
      %convert_element_type3A_210 = arith.extui %lt3A_209 : i1 to i32
      %cond3A_211 = arith.constant 0 : i32
      %cond3A_212 = arith.cmpi ne, %convert_element_type3A_210, %cond3A_211 : i32
      scf.if %cond3A_212 {
        %mul3A_213 = arith.constant 2 : i32
        %mul3A_214 = arith.muli %mul3A_213, %while3A_197 : i32
        %add3A_215 = arith.constant 1 : i32
        %add3A_216 = arith.addi %mul3A_214, %add3A_215 : i32
        %mul3A_217 = arith.constant 32 : i32
        %mul3A_218 = arith.muli %add3A_216, %mul3A_217 : i32
        %add3A_219 = arith.addi %add3A, %mul3A_218 : i32
        %mul3A_220 = arith.constant 2048 : i32
        %mul3A_221 = arith.muli %add3A_219, %mul3A_220 : i32
        %dma_wait3A = arith.constant 0 : i32
        %dma_wait3A_222 = tpu.memref_slice %arg3[%dma_wait3A, %mul3A_221] : memref<8x1000001xf32, #tpu.memory_space<hbm>> -> memref<8x2048xf32, #tpu.memory_space<hbm>>
        %dma_wait3A_223 = arith.constant 0 : i32
        %dma_wait3A_224 = tpu.memref_slice %arg3[%dma_wait3A_223, %mul3A_221] : memref<8x1000001xf32, #tpu.memory_space<hbm>> -> memref<8x2048xf32, #tpu.memory_space<hbm>>
        tpu.wait_dma2 semaphore(%arg15 : memref<!tpu.dma_semaphore, #tpu.memory_space<semaphore_mem>>) src(%dma_wait3A_224 : memref<8x2048xf32, #tpu.memory_space<hbm>>) dst(%arg9 : memref<8x2048xf32, #tpu.memory_space<vmem>>)
        %add3A_225 = arith.constant 1 : i32
        %add3A_226 = arith.addi %add3A_216, %add3A_225 : i32
        %lt3A_227 = arith.cmpi slt, %add3A_226, %add3A_25 : i32
        %convert_element_type3A_228 = arith.extui %lt3A_227 : i1 to i32
        %cond3A_229 = arith.constant 0 : i32
        %cond3A_230 = arith.cmpi ne, %convert_element_type3A_228, %cond3A_229 : i32
        scf.if %cond3A_230 {
          %add3A_253 = arith.constant 1 : i32
          %add3A_254 = arith.addi %add3A_216, %add3A_253 : i32
          %mul3A_255 = arith.constant 32 : i32
          %mul3A_256 = arith.muli %add3A_254, %mul3A_255 : i32
          %add3A_257 = arith.addi %add3A, %mul3A_256 : i32
          %mul3A_258 = arith.constant 2048 : i32
          %mul3A_259 = arith.muli %add3A_257, %mul3A_258 : i32
          %dma_start3A_260 = arith.constant 0 : i32
          %dma_start3A_261 = tpu.memref_slice %arg3[%dma_start3A_260, %mul3A_259] : memref<8x1000001xf32, #tpu.memory_space<hbm>> -> memref<8x2048xf32, #tpu.memory_space<hbm>>
          %dma_start3A_262 = arith.constant 0 : i32
          %dma_start3A_263 = tpu.memref_slice %arg3[%dma_start3A_262, %mul3A_259] : memref<8x1000001xf32, #tpu.memory_space<hbm>> -> memref<8x2048xf32, #tpu.memory_space<hbm>>
          tpu.enqueue_dma source(%dma_start3A_263 : memref<8x2048xf32, #tpu.memory_space<hbm>>) target(%arg8 : memref<8x2048xf32, #tpu.memory_space<vmem>>) target_semaphore(%arg14 : memref<!tpu.dma_semaphore, #tpu.memory_space<semaphore_mem>>)
        } else {
        }
        %ge3A = arith.constant 2 : i32
        %ge3A_231 = arith.cmpi sge, %add3A_216, %ge3A : i32
        %convert_element_type3A_232 = arith.extui %ge3A_231 : i1 to i32
        %cond3A_233 = arith.constant 0 : i32
        %cond3A_234 = arith.cmpi ne, %convert_element_type3A_232, %cond3A_233 : i32
        scf.if %cond3A_234 {
          %sub3A_253 = arith.constant 2 : i32
          %sub3A_254 = arith.subi %add3A_216, %sub3A_253 : i32
          %mul3A_255 = arith.constant 32 : i32
          %mul3A_256 = arith.muli %sub3A_254, %mul3A_255 : i32
          %add3A_257 = arith.addi %add3A, %mul3A_256 : i32
          %mul3A_258 = arith.constant 2048 : i32
          %mul3A_259 = arith.muli %add3A_257, %mul3A_258 : i32
          %mul3A_260 = arith.constant 8 : i32
          %mul3A_261 = arith.muli %mul3A_259, %mul3A_260 : i32
          %dma_wait3A_262 = tpu.memref_slice %arg6[%mul3A_261] : memref<8000008xf32, #tpu.memory_space<hbm>> -> memref<16384xf32, #tpu.memory_space<hbm>>
          %dma_wait3A_263 = tpu.memref_slice %arg6[%mul3A_261] : memref<8000008xf32, #tpu.memory_space<hbm>> -> memref<16384xf32, #tpu.memory_space<hbm>>
          tpu.wait_dma2 semaphore(%arg17 : memref<!tpu.dma_semaphore, #tpu.memory_space<semaphore_mem>>) src(%arg11 : memref<16384xf32, #tpu.memory_space<vmem>>) dst(%dma_wait3A_263 : memref<16384xf32, #tpu.memory_space<hbm>>)
        } else {
        }
        %mul3A_235 = arith.constant 17 : i32
        %mul3A_236 = vector.broadcast %mul3A_235 : i32 to vector<16xi32>
        %mul3A_237 = arith.muli %and3A_4, %mul3A_236 : vector<16xi32>
        %add3A_238 = arith.addi %mul3A_237, %shift_right_arithmetic3A_2 : vector<16xi32>
        %scan3A = arith.constant 0 : i32
        %scan3A_239 = arith.constant 0 : i32
        %scan3A_240 = arith.constant 128 : i32
        %scan3A_241 = arith.addi %scan3A_239, %scan3A_240 : i32
        %scan3A_242 = arith.constant 1 : i32
        scf.for %scan3A_253 = %scan3A_239 to %scan3A_241 step %scan3A_242  : i32 {
          %mul3A_254 = arith.constant 16 : i32
          %mul3A_255 = arith.muli %scan3A_253, %mul3A_254 : i32
          %get3A = arith.constant 0 : i32
          %get3A_256 = arith.index_cast %get3A : i32 to index
          %get3A_257 = arith.index_cast %mul3A_255 : i32 to index
          %get3A_258 = tpu.vector_load %arg9[%get3A_256, %get3A_257] {strides = array<i32>} : memref<8x2048xf32, #tpu.memory_space<vmem>>, vector<16xf32>,
          %swap3A = arith.constant 0 : index
          %swap3A_259 = tpu.vector_load %arg13[%swap3A] {strides = array<i32>} : memref<136xf32, #tpu.memory_space<vmem>>, vector<16xf32>,
          tpu.vector_store %arg13[%swap3A], %get3A_258 {strides = array<i32>} : memref<136xf32, #tpu.memory_space<vmem>>, vector<16xf32>,
          %get3A_260 = arith.constant 1 : i32
          %get3A_261 = arith.index_cast %get3A_260 : i32 to index
          %get3A_262 = arith.index_cast %mul3A_255 : i32 to index
          %get3A_263 = tpu.vector_load %arg9[%get3A_261, %get3A_262] {strides = array<i32>} : memref<8x2048xf32, #tpu.memory_space<vmem>>, vector<16xf32>,
          %swap3A_264 = arith.constant 17 : index
          %swap3A_265 = tpu.vector_load %arg13[%swap3A_264] {strides = array<i32>} : memref<136xf32, #tpu.memory_space<vmem>>, vector<16xf32>,
          tpu.vector_store %arg13[%swap3A_264], %get3A_263 {strides = array<i32>} : memref<136xf32, #tpu.memory_space<vmem>>, vector<16xf32>,
          %get3A_266 = arith.constant 2 : i32
          %get3A_267 = arith.index_cast %get3A_266 : i32 to index
          %get3A_268 = arith.index_cast %mul3A_255 : i32 to index
          %get3A_269 = tpu.vector_load %arg9[%get3A_267, %get3A_268] {strides = array<i32>} : memref<8x2048xf32, #tpu.memory_space<vmem>>, vector<16xf32>,
          %swap3A_270 = arith.constant 34 : index
          %swap3A_271 = tpu.vector_load %arg13[%swap3A_270] {strides = array<i32>} : memref<136xf32, #tpu.memory_space<vmem>>, vector<16xf32>,
          tpu.vector_store %arg13[%swap3A_270], %get3A_269 {strides = array<i32>} : memref<136xf32, #tpu.memory_space<vmem>>, vector<16xf32>,
          %get3A_272 = arith.constant 3 : i32
          %get3A_273 = arith.index_cast %get3A_272 : i32 to index
          %get3A_274 = arith.index_cast %mul3A_255 : i32 to index
          %get3A_275 = tpu.vector_load %arg9[%get3A_273, %get3A_274] {strides = array<i32>} : memref<8x2048xf32, #tpu.memory_space<vmem>>, vector<16xf32>,
          %swap3A_276 = arith.constant 51 : index
          %swap3A_277 = tpu.vector_load %arg13[%swap3A_276] {strides = array<i32>} : memref<136xf32, #tpu.memory_space<vmem>>, vector<16xf32>,
          tpu.vector_store %arg13[%swap3A_276], %get3A_275 {strides = array<i32>} : memref<136xf32, #tpu.memory_space<vmem>>, vector<16xf32>,
          %get3A_278 = arith.constant 4 : i32
          %get3A_279 = arith.index_cast %get3A_278 : i32 to index
          %get3A_280 = arith.index_cast %mul3A_255 : i32 to index
          %get3A_281 = tpu.vector_load %arg9[%get3A_279, %get3A_280] {strides = array<i32>} : memref<8x2048xf32, #tpu.memory_space<vmem>>, vector<16xf32>,
          %swap3A_282 = arith.constant 68 : index
          %swap3A_283 = tpu.vector_load %arg13[%swap3A_282] {strides = array<i32>} : memref<136xf32, #tpu.memory_space<vmem>>, vector<16xf32>,
          tpu.vector_store %arg13[%swap3A_282], %get3A_281 {strides = array<i32>} : memref<136xf32, #tpu.memory_space<vmem>>, vector<16xf32>,
          %get3A_284 = arith.constant 5 : i32
          %get3A_285 = arith.index_cast %get3A_284 : i32 to index
          %get3A_286 = arith.index_cast %mul3A_255 : i32 to index
          %get3A_287 = tpu.vector_load %arg9[%get3A_285, %get3A_286] {strides = array<i32>} : memref<8x2048xf32, #tpu.memory_space<vmem>>, vector<16xf32>,
          %swap3A_288 = arith.constant 85 : index
          %swap3A_289 = tpu.vector_load %arg13[%swap3A_288] {strides = array<i32>} : memref<136xf32, #tpu.memory_space<vmem>>, vector<16xf32>,
          tpu.vector_store %arg13[%swap3A_288], %get3A_287 {strides = array<i32>} : memref<136xf32, #tpu.memory_space<vmem>>, vector<16xf32>,
          %get3A_290 = arith.constant 6 : i32
          %get3A_291 = arith.index_cast %get3A_290 : i32 to index
          %get3A_292 = arith.index_cast %mul3A_255 : i32 to index
          %get3A_293 = tpu.vector_load %arg9[%get3A_291, %get3A_292] {strides = array<i32>} : memref<8x2048xf32, #tpu.memory_space<vmem>>, vector<16xf32>,
          %swap3A_294 = arith.constant 102 : index
          %swap3A_295 = tpu.vector_load %arg13[%swap3A_294] {strides = array<i32>} : memref<136xf32, #tpu.memory_space<vmem>>, vector<16xf32>,
          tpu.vector_store %arg13[%swap3A_294], %get3A_293 {strides = array<i32>} : memref<136xf32, #tpu.memory_space<vmem>>, vector<16xf32>,
          %get3A_296 = arith.constant 7 : i32
          %get3A_297 = arith.index_cast %get3A_296 : i32 to index
          %get3A_298 = arith.index_cast %mul3A_255 : i32 to index
          %get3A_299 = tpu.vector_load %arg9[%get3A_297, %get3A_298] {strides = array<i32>} : memref<8x2048xf32, #tpu.memory_space<vmem>>, vector<16xf32>,
          %swap3A_300 = arith.constant 119 : index
          %swap3A_301 = tpu.vector_load %arg13[%swap3A_300] {strides = array<i32>} : memref<136xf32, #tpu.memory_space<vmem>>, vector<16xf32>,
          tpu.vector_store %arg13[%swap3A_300], %get3A_299 {strides = array<i32>} : memref<136xf32, #tpu.memory_space<vmem>>, vector<16xf32>,
          %add3A_302 = arith.constant 0 : i32
          %add3A_303 = vector.broadcast %add3A_302 : i32 to vector<16xi32>
          %add3A_304 = arith.addi %add3A_238, %add3A_303 : vector<16xi32>
          %gather3A = tpu.vector_load_idx %arg13[%add3A_304] : memref<136xf32, #tpu.memory_space<vmem>>[vector<16xi32>], vector<16xf32>,
          %mul3A_305 = arith.constant 8 : i32
          %mul3A_306 = arith.muli %mul3A_255, %mul3A_305 : i32
          %add3A_307 = arith.constant 0 : i32
          %add3A_308 = arith.addi %mul3A_306, %add3A_307 : i32
          %swap3A_309 = arith.index_cast %add3A_308 : i32 to index
          %swap3A_310 = tpu.vector_load %arg11[%swap3A_309] {strides = array<i32>} : memref<16384xf32, #tpu.memory_space<vmem>>, vector<16xf32>,
          tpu.vector_store %arg11[%swap3A_309], %gather3A {strides = array<i32>} : memref<16384xf32, #tpu.memory_space<vmem>>, vector<16xf32>,
          %add3A_311 = arith.constant 2 : i32
          %add3A_312 = vector.broadcast %add3A_311 : i32 to vector<16xi32>
          %add3A_313 = arith.addi %add3A_238, %add3A_312 : vector<16xi32>
          %gather3A_314 = tpu.vector_load_idx %arg13[%add3A_313] : memref<136xf32, #tpu.memory_space<vmem>>[vector<16xi32>], vector<16xf32>,
          %mul3A_315 = arith.constant 8 : i32
          %mul3A_316 = arith.muli %mul3A_255, %mul3A_315 : i32
          %add3A_317 = arith.constant 16 : i32
          %add3A_318 = arith.addi %mul3A_316, %add3A_317 : i32
          %swap3A_319 = arith.index_cast %add3A_318 : i32 to index
          %swap3A_320 = tpu.vector_load %arg11[%swap3A_319] {strides = array<i32>} : memref<16384xf32, #tpu.memory_space<vmem>>, vector<16xf32>,
          tpu.vector_store %arg11[%swap3A_319], %gather3A_314 {strides = array<i32>} : memref<16384xf32, #tpu.memory_space<vmem>>, vector<16xf32>,
          %add3A_321 = arith.constant 4 : i32
          %add3A_322 = vector.broadcast %add3A_321 : i32 to vector<16xi32>
          %add3A_323 = arith.addi %add3A_238, %add3A_322 : vector<16xi32>
          %gather3A_324 = tpu.vector_load_idx %arg13[%add3A_323] : memref<136xf32, #tpu.memory_space<vmem>>[vector<16xi32>], vector<16xf32>,
          %mul3A_325 = arith.constant 8 : i32
          %mul3A_326 = arith.muli %mul3A_255, %mul3A_325 : i32
          %add3A_327 = arith.constant 32 : i32
          %add3A_328 = arith.addi %mul3A_326, %add3A_327 : i32
          %swap3A_329 = arith.index_cast %add3A_328 : i32 to index
          %swap3A_330 = tpu.vector_load %arg11[%swap3A_329] {strides = array<i32>} : memref<16384xf32, #tpu.memory_space<vmem>>, vector<16xf32>,
          tpu.vector_store %arg11[%swap3A_329], %gather3A_324 {strides = array<i32>} : memref<16384xf32, #tpu.memory_space<vmem>>, vector<16xf32>,
          %add3A_331 = arith.constant 6 : i32
          %add3A_332 = vector.broadcast %add3A_331 : i32 to vector<16xi32>
          %add3A_333 = arith.addi %add3A_238, %add3A_332 : vector<16xi32>
          %gather3A_334 = tpu.vector_load_idx %arg13[%add3A_333] : memref<136xf32, #tpu.memory_space<vmem>>[vector<16xi32>], vector<16xf32>,
          %mul3A_335 = arith.constant 8 : i32
          %mul3A_336 = arith.muli %mul3A_255, %mul3A_335 : i32
          %add3A_337 = arith.constant 48 : i32
          %add3A_338 = arith.addi %mul3A_336, %add3A_337 : i32
          %swap3A_339 = arith.index_cast %add3A_338 : i32 to index
          %swap3A_340 = tpu.vector_load %arg11[%swap3A_339] {strides = array<i32>} : memref<16384xf32, #tpu.memory_space<vmem>>, vector<16xf32>,
          tpu.vector_store %arg11[%swap3A_339], %gather3A_334 {strides = array<i32>} : memref<16384xf32, #tpu.memory_space<vmem>>, vector<16xf32>,
          %add3A_341 = arith.constant 8 : i32
          %add3A_342 = vector.broadcast %add3A_341 : i32 to vector<16xi32>
          %add3A_343 = arith.addi %add3A_238, %add3A_342 : vector<16xi32>
          %gather3A_344 = tpu.vector_load_idx %arg13[%add3A_343] : memref<136xf32, #tpu.memory_space<vmem>>[vector<16xi32>], vector<16xf32>,
          %mul3A_345 = arith.constant 8 : i32
          %mul3A_346 = arith.muli %mul3A_255, %mul3A_345 : i32
          %add3A_347 = arith.constant 64 : i32
          %add3A_348 = arith.addi %mul3A_346, %add3A_347 : i32
          %swap3A_349 = arith.index_cast %add3A_348 : i32 to index
          %swap3A_350 = tpu.vector_load %arg11[%swap3A_349] {strides = array<i32>} : memref<16384xf32, #tpu.memory_space<vmem>>, vector<16xf32>,
          tpu.vector_store %arg11[%swap3A_349], %gather3A_344 {strides = array<i32>} : memref<16384xf32, #tpu.memory_space<vmem>>, vector<16xf32>,
          %add3A_351 = arith.constant 10 : i32
          %add3A_352 = vector.broadcast %add3A_351 : i32 to vector<16xi32>
          %add3A_353 = arith.addi %add3A_238, %add3A_352 : vector<16xi32>
          %gather3A_354 = tpu.vector_load_idx %arg13[%add3A_353] : memref<136xf32, #tpu.memory_space<vmem>>[vector<16xi32>], vector<16xf32>,
          %mul3A_355 = arith.constant 8 : i32
          %mul3A_356 = arith.muli %mul3A_255, %mul3A_355 : i32
          %add3A_357 = arith.constant 80 : i32
          %add3A_358 = arith.addi %mul3A_356, %add3A_357 : i32
          %swap3A_359 = arith.index_cast %add3A_358 : i32 to index
          %swap3A_360 = tpu.vector_load %arg11[%swap3A_359] {strides = array<i32>} : memref<16384xf32, #tpu.memory_space<vmem>>, vector<16xf32>,
          tpu.vector_store %arg11[%swap3A_359], %gather3A_354 {strides = array<i32>} : memref<16384xf32, #tpu.memory_space<vmem>>, vector<16xf32>,
          %add3A_361 = arith.constant 12 : i32
          %add3A_362 = vector.broadcast %add3A_361 : i32 to vector<16xi32>
          %add3A_363 = arith.addi %add3A_238, %add3A_362 : vector<16xi32>
          %gather3A_364 = tpu.vector_load_idx %arg13[%add3A_363] : memref<136xf32, #tpu.memory_space<vmem>>[vector<16xi32>], vector<16xf32>,
          %mul3A_365 = arith.constant 8 : i32
          %mul3A_366 = arith.muli %mul3A_255, %mul3A_365 : i32
          %add3A_367 = arith.constant 96 : i32
          %add3A_368 = arith.addi %mul3A_366, %add3A_367 : i32
          %swap3A_369 = arith.index_cast %add3A_368 : i32 to index
          %swap3A_370 = tpu.vector_load %arg11[%swap3A_369] {strides = array<i32>} : memref<16384xf32, #tpu.memory_space<vmem>>, vector<16xf32>,
          tpu.vector_store %arg11[%swap3A_369], %gather3A_364 {strides = array<i32>} : memref<16384xf32, #tpu.memory_space<vmem>>, vector<16xf32>,
          %add3A_371 = arith.constant 14 : i32
          %add3A_372 = vector.broadcast %add3A_371 : i32 to vector<16xi32>
          %add3A_373 = arith.addi %add3A_238, %add3A_372 : vector<16xi32>
          %gather3A_374 = tpu.vector_load_idx %arg13[%add3A_373] : memref<136xf32, #tpu.memory_space<vmem>>[vector<16xi32>], vector<16xf32>,
          %mul3A_375 = arith.constant 8 : i32
          %mul3A_376 = arith.muli %mul3A_255, %mul3A_375 : i32
          %add3A_377 = arith.constant 112 : i32
          %add3A_378 = arith.addi %mul3A_376, %add3A_377 : i32
          %swap3A_379 = arith.index_cast %add3A_378 : i32 to index
          %swap3A_380 = tpu.vector_load %arg11[%swap3A_379] {strides = array<i32>} : memref<16384xf32, #tpu.memory_space<vmem>>, vector<16xf32>,
          tpu.vector_store %arg11[%swap3A_379], %gather3A_374 {strides = array<i32>} : memref<16384xf32, #tpu.memory_space<vmem>>, vector<16xf32>,
        }
        %scan3A_243 = arith.constant 128 : i32
        %mul3A_244 = arith.constant 32 : i32
        %mul3A_245 = arith.muli %add3A_216, %mul3A_244 : i32
        %add3A_246 = arith.addi %add3A, %mul3A_245 : i32
        %mul3A_247 = arith.constant 2048 : i32
        %mul3A_248 = arith.muli %add3A_246, %mul3A_247 : i32
        %mul3A_249 = arith.constant 8 : i32
        %mul3A_250 = arith.muli %mul3A_248, %mul3A_249 : i32
        %dma_start3A_251 = tpu.memref_slice %arg6[%mul3A_250] : memref<8000008xf32, #tpu.memory_space<hbm>> -> memref<16384xf32, #tpu.memory_space<hbm>>
        %dma_start3A_252 = tpu.memref_slice %arg6[%mul3A_250] : memref<8000008xf32, #tpu.memory_space<hbm>> -> memref<16384xf32, #tpu.memory_space<hbm>>
        tpu.enqueue_dma source(%arg11 : memref<16384xf32, #tpu.memory_space<vmem>>) target(%dma_start3A_252 : memref<16384xf32, #tpu.memory_space<hbm>>) target_semaphore(%arg17 : memref<!tpu.dma_semaphore, #tpu.memory_space<semaphore_mem>>)
      } else {
      }
    }
    %gt3A_123 = arith.constant 0 : i32
    %gt3A_124 = arith.cmpi sgt, %add3A_25, %gt3A_123 : i32
    %convert_element_type3A_125 = arith.extui %gt3A_124 : i1 to i32
    %cond3A_126 = arith.constant 0 : i32
    %cond3A_127 = arith.cmpi ne, %convert_element_type3A_125, %cond3A_126 : i32
    scf.if %cond3A_127 {
      %sub3A_197 = arith.constant 1 : i32
      %sub3A_198 = arith.subi %add3A_25, %sub3A_197 : i32
      %sub3A_199 = arith.constant 0 : i32
      %sub3A_200 = arith.subi %sub3A_198, %sub3A_199 : i32
      %jit3A_201 = arith.constant 2 : i32
      %div3A_202 = arith.divsi %sub3A_200, %jit3A_201 : i32
      %sign3A_203 = arith.constant 0 : i32
      %sign3A_204 = arith.cmpi sgt, %sub3A_200, %sign3A_203 : i32
      %sign3A_205 = arith.extui %sign3A_204 : i1 to i32
      %sign3A_206 = arith.constant 0 : i32
      %sign3A_207 = arith.cmpi slt, %sub3A_200, %sign3A_206 : i32
      %sign3A_208 = arith.extui %sign3A_207 : i1 to i32
      %sign3A_209 = arith.subi %sign3A_205, %sign3A_208 : i32
      %sign3A_210 = arith.constant 0 : i32
      %sign3A_211 = arith.cmpi sgt, %jit3A_201, %sign3A_210 : i32
      %sign3A_212 = arith.extui %sign3A_211 : i1 to i32
      %sign3A_213 = arith.constant 0 : i32
      %sign3A_214 = arith.cmpi slt, %jit3A_201, %sign3A_213 : i32
      %sign3A_215 = arith.extui %sign3A_214 : i1 to i32
      %sign3A_216 = arith.subi %sign3A_212, %sign3A_215 : i32
      %ne3A_217 = arith.cmpi ne, %sign3A_209, %sign3A_216 : i32
      %rem3A_218 = arith.remsi %sub3A_200, %jit3A_201 : i32
      %ne3A_219 = arith.constant 0 : i32
      %ne3A_220 = arith.cmpi ne, %rem3A_218, %ne3A_219 : i32
      %and3A_221 = arith.andi %ne3A_217, %ne3A_220 : i1
      %sub3A_222 = arith.constant 1 : i32
      %sub3A_223 = arith.subi %div3A_202, %sub3A_222 : i32
      %select_n3A_224 = arith.select %and3A_221, %sub3A_223, %div3A_202 : i32
      %mul3A_225 = arith.constant 2 : i32
      %mul3A_226 = arith.muli %select_n3A_224, %mul3A_225 : i32
      %add3A_227 = arith.constant 0 : i32
      %add3A_228 = arith.addi %mul3A_226, %add3A_227 : i32
      %mul3A_229 = arith.constant 32 : i32
      %mul3A_230 = arith.muli %add3A_228, %mul3A_229 : i32
      %add3A_231 = arith.addi %add3A, %mul3A_230 : i32
      %mul3A_232 = arith.constant 2048 : i32
      %mul3A_233 = arith.muli %add3A_231, %mul3A_232 : i32
      %mul3A_234 = arith.constant 8 : i32
      %mul3A_235 = arith.muli %mul3A_233, %mul3A_234 : i32
      %dma_wait3A = tpu.memref_slice %arg6[%mul3A_235] : memref<8000008xf32, #tpu.memory_space<hbm>> -> memref<16384xf32, #tpu.memory_space<hbm>>
      %dma_wait3A_236 = tpu.memref_slice %arg6[%mul3A_235] : memref<8000008xf32, #tpu.memory_space<hbm>> -> memref<16384xf32, #tpu.memory_space<hbm>>
      tpu.wait_dma2 semaphore(%arg16 : memref<!tpu.dma_semaphore, #tpu.memory_space<semaphore_mem>>) src(%arg10 : memref<16384xf32, #tpu.memory_space<vmem>>) dst(%dma_wait3A_236 : memref<16384xf32, #tpu.memory_space<hbm>>)
    } else {
    }
    %gt3A_128 = arith.constant 1 : i32
    %gt3A_129 = arith.cmpi sgt, %add3A_25, %gt3A_128 : i32
    %convert_element_type3A_130 = arith.extui %gt3A_129 : i1 to i32
    %cond3A_131 = arith.constant 0 : i32
    %cond3A_132 = arith.cmpi ne, %convert_element_type3A_130, %cond3A_131 : i32
    scf.if %cond3A_132 {
      %sub3A_197 = arith.constant 1 : i32
      %sub3A_198 = arith.subi %add3A_25, %sub3A_197 : i32
      %sub3A_199 = arith.constant 1 : i32
      %sub3A_200 = arith.subi %sub3A_198, %sub3A_199 : i32
      %jit3A_201 = arith.constant 2 : i32
      %div3A_202 = arith.divsi %sub3A_200, %jit3A_201 : i32
      %sign3A_203 = arith.constant 0 : i32
      %sign3A_204 = arith.cmpi sgt, %sub3A_200, %sign3A_203 : i32
      %sign3A_205 = arith.extui %sign3A_204 : i1 to i32
      %sign3A_206 = arith.constant 0 : i32
      %sign3A_207 = arith.cmpi slt, %sub3A_200, %sign3A_206 : i32
      %sign3A_208 = arith.extui %sign3A_207 : i1 to i32
      %sign3A_209 = arith.subi %sign3A_205, %sign3A_208 : i32
      %sign3A_210 = arith.constant 0 : i32
      %sign3A_211 = arith.cmpi sgt, %jit3A_201, %sign3A_210 : i32
      %sign3A_212 = arith.extui %sign3A_211 : i1 to i32
      %sign3A_213 = arith.constant 0 : i32
      %sign3A_214 = arith.cmpi slt, %jit3A_201, %sign3A_213 : i32
      %sign3A_215 = arith.extui %sign3A_214 : i1 to i32
      %sign3A_216 = arith.subi %sign3A_212, %sign3A_215 : i32
      %ne3A_217 = arith.cmpi ne, %sign3A_209, %sign3A_216 : i32
      %rem3A_218 = arith.remsi %sub3A_200, %jit3A_201 : i32
      %ne3A_219 = arith.constant 0 : i32
      %ne3A_220 = arith.cmpi ne, %rem3A_218, %ne3A_219 : i32
      %and3A_221 = arith.andi %ne3A_217, %ne3A_220 : i1
      %sub3A_222 = arith.constant 1 : i32
      %sub3A_223 = arith.subi %div3A_202, %sub3A_222 : i32
      %select_n3A_224 = arith.select %and3A_221, %sub3A_223, %div3A_202 : i32
      %mul3A_225 = arith.constant 2 : i32
      %mul3A_226 = arith.muli %select_n3A_224, %mul3A_225 : i32
      %add3A_227 = arith.constant 1 : i32
      %add3A_228 = arith.addi %mul3A_226, %add3A_227 : i32
      %mul3A_229 = arith.constant 32 : i32
      %mul3A_230 = arith.muli %add3A_228, %mul3A_229 : i32
      %add3A_231 = arith.addi %add3A, %mul3A_230 : i32
      %mul3A_232 = arith.constant 2048 : i32
      %mul3A_233 = arith.muli %add3A_231, %mul3A_232 : i32
      %mul3A_234 = arith.constant 8 : i32
      %mul3A_235 = arith.muli %mul3A_233, %mul3A_234 : i32
      %dma_wait3A = tpu.memref_slice %arg6[%mul3A_235] : memref<8000008xf32, #tpu.memory_space<hbm>> -> memref<16384xf32, #tpu.memory_space<hbm>>
      %dma_wait3A_236 = tpu.memref_slice %arg6[%mul3A_235] : memref<8000008xf32, #tpu.memory_space<hbm>> -> memref<16384xf32, #tpu.memory_space<hbm>>
      tpu.wait_dma2 semaphore(%arg17 : memref<!tpu.dma_semaphore, #tpu.memory_space<semaphore_mem>>) src(%arg11 : memref<16384xf32, #tpu.memory_space<vmem>>) dst(%dma_wait3A_236 : memref<16384xf32, #tpu.memory_space<hbm>>)
    } else {
    }
    %eq3A_133 = arith.constant 31 : i32
    %eq3A_134 = arith.cmpi eq, %add3A, %eq3A_133 : i32
    %convert_element_type3A_135 = arith.extui %eq3A_134 : i1 to i32
    %cond3A_136 = arith.constant 0 : i32
    %cond3A_137 = arith.cmpi ne, %convert_element_type3A_135, %cond3A_136 : i32
    scf.if %cond3A_137 {
      %dma_start3A_197 = arith.constant 0 : i32
      %dma_start3A_198 = arith.constant 999424 : i32
      %dma_start3A_199 = tpu.memref_slice %arg3[%dma_start3A_197, %dma_start3A_198] : memref<8x1000001xf32, #tpu.memory_space<hbm>> -> memref<8x577xf32, #tpu.memory_space<hbm>>
      %dma_start3A_200 = arith.constant 0 : i32
      %dma_start3A_201 = arith.constant 999424 : i32
      %dma_start3A_202 = tpu.memref_slice %arg3[%dma_start3A_200, %dma_start3A_201] : memref<8x1000001xf32, #tpu.memory_space<hbm>> -> memref<8x577xf32, #tpu.memory_space<hbm>>
      tpu.enqueue_dma source(%dma_start3A_202 : memref<8x577xf32, #tpu.memory_space<hbm>>) target(%arg12 : memref<8x577xf32, #tpu.memory_space<vmem>>) target_semaphore(%arg14 : memref<!tpu.dma_semaphore, #tpu.memory_space<semaphore_mem>>)
      %dma_wait3A = arith.constant 0 : i32
      %dma_wait3A_203 = arith.constant 999424 : i32
      %dma_wait3A_204 = tpu.memref_slice %arg3[%dma_wait3A, %dma_wait3A_203] : memref<8x1000001xf32, #tpu.memory_space<hbm>> -> memref<8x577xf32, #tpu.memory_space<hbm>>
      %dma_wait3A_205 = arith.constant 0 : i32
      %dma_wait3A_206 = arith.constant 999424 : i32
      %dma_wait3A_207 = tpu.memref_slice %arg3[%dma_wait3A_205, %dma_wait3A_206] : memref<8x1000001xf32, #tpu.memory_space<hbm>> -> memref<8x577xf32, #tpu.memory_space<hbm>>
      tpu.wait_dma2 semaphore(%arg14 : memref<!tpu.dma_semaphore, #tpu.memory_space<semaphore_mem>>) src(%dma_wait3A_207 : memref<8x577xf32, #tpu.memory_space<hbm>>) dst(%arg12 : memref<8x577xf32, #tpu.memory_space<vmem>>)
      %scan3A = arith.constant 0 : i32
      %scan3A_208 = arith.constant 0 : i32
      %scan3A_209 = arith.constant 289 : i32
      %scan3A_210 = arith.addi %scan3A_208, %scan3A_209 : i32
      %scan3A_211 = arith.constant 1 : i32
      scf.for %scan3A_213 = %scan3A_208 to %scan3A_210 step %scan3A_211  : i32 {
        %mul3A_214 = arith.constant 2 : i32
        %mul3A_215 = arith.muli %mul3A_214, %scan3A_213 : i32
        %add3A_216 = vector.broadcast %mul3A_215 : i32 to vector<16xi32>
        %add3A_217 = arith.addi %add3A_216, %shift_right_arithmetic3A_2 : vector<16xi32>
        %min3A = arith.constant 576 : i32
        %min3A_218 = vector.broadcast %min3A : i32 to vector<16xi32>
        %min3A_219 = arith.minsi %add3A_217, %min3A_218 : vector<16xi32>
        %gather3A = tpu.vector_load_idx %arg12[%and3A_4, %min3A_219] : memref<8x577xf32, #tpu.memory_space<vmem>>[vector<16xi32>, vector<16xi32>], vector<16xf32>,
        %mul3A_220 = arith.constant 16 : i32
        %mul3A_221 = arith.muli %scan3A_213, %mul3A_220 : i32
        %swap3A = arith.index_cast %mul3A_221 : i32 to index
        %swap3A_222 = tpu.vector_load %arg10[%swap3A] {strides = array<i32>} : memref<16384xf32, #tpu.memory_space<vmem>>, vector<16xf32>,
        tpu.vector_store %arg10[%swap3A], %gather3A {strides = array<i32>} : memref<16384xf32, #tpu.memory_space<vmem>>, vector<16xf32>,
      }
      %scan3A_212 = arith.constant 289 : i32
      "tpu.region"() ({
        %run_scoped3A = tpu.sem_alloc : memref<!tpu.dma_semaphore, #tpu.memory_space<semaphore_mem>>
        %dma_start3A_213 = arith.constant 0 : i32
        %dma_start3A_214 = tpu.memref_slice %arg10[%dma_start3A_213] : memref<16384xf32, #tpu.memory_space<vmem>> -> memref<4616xf32, #tpu.memory_space<vmem>>
        %dma_start3A_215 = arith.constant 7995392 : i32
        %dma_start3A_216 = tpu.memref_slice %arg6[%dma_start3A_215] : memref<8000008xf32, #tpu.memory_space<hbm>> -> memref<4616xf32, #tpu.memory_space<hbm>>
        %dma_start3A_217 = arith.constant 7995392 : i32
        %dma_start3A_218 = tpu.memref_slice %arg6[%dma_start3A_217] : memref<8000008xf32, #tpu.memory_space<hbm>> -> memref<4616xf32, #tpu.memory_space<hbm>>
        %dma_start3A_219 = arith.constant 0 : i32
        %dma_start3A_220 = tpu.memref_slice %arg10[%dma_start3A_219] : memref<16384xf32, #tpu.memory_space<vmem>> -> memref<4616xf32, #tpu.memory_space<vmem>>
        tpu.enqueue_dma source(%dma_start3A_220 : memref<4616xf32, #tpu.memory_space<vmem>>) target(%dma_start3A_218 : memref<4616xf32, #tpu.memory_space<hbm>>) target_semaphore(%run_scoped3A : memref<!tpu.dma_semaphore, #tpu.memory_space<semaphore_mem>>)
        %dma_wait3A_221 = arith.constant 0 : i32
        %dma_wait3A_222 = tpu.memref_slice %arg10[%dma_wait3A_221] : memref<16384xf32, #tpu.memory_space<vmem>> -> memref<4616xf32, #tpu.memory_space<vmem>>
        %dma_wait3A_223 = arith.constant 7995392 : i32
        %dma_wait3A_224 = tpu.memref_slice %arg6[%dma_wait3A_223] : memref<8000008xf32, #tpu.memory_space<hbm>> -> memref<4616xf32, #tpu.memory_space<hbm>>
        %dma_wait3A_225 = arith.constant 7995392 : i32
        %dma_wait3A_226 = tpu.memref_slice %arg6[%dma_wait3A_225] : memref<8000008xf32, #tpu.memory_space<hbm>> -> memref<4616xf32, #tpu.memory_space<hbm>>
        %dma_wait3A_227 = arith.constant 0 : i32
        %dma_wait3A_228 = tpu.memref_slice %arg10[%dma_wait3A_227] : memref<16384xf32, #tpu.memory_space<vmem>> -> memref<4616xf32, #tpu.memory_space<vmem>>
        tpu.wait_dma2 semaphore(%run_scoped3A : memref<!tpu.dma_semaphore, #tpu.memory_space<semaphore_mem>>) src(%dma_wait3A_228 : memref<4616xf32, #tpu.memory_space<vmem>>) dst(%dma_wait3A_226 : memref<4616xf32, #tpu.memory_space<hbm>>)
        tpu.yield
      }) : () -> ()
    } else {
    }
    %add3A_138 = arith.constant 0 : i32
    %add3A_139 = arith.addi %add3A, %add3A_138 : i32
    %mul3A_140 = arith.constant 2048 : i32
    %mul3A_141 = arith.muli %add3A_139, %mul3A_140 : i32
    %dma_start3A_142 = arith.constant 0 : i32
    %dma_start3A_143 = tpu.memref_slice %arg4[%dma_start3A_142, %mul3A_141] : memref<8x1000001xf32, #tpu.memory_space<hbm>> -> memref<8x2048xf32, #tpu.memory_space<hbm>>
    %dma_start3A_144 = arith.constant 0 : i32
    %dma_start3A_145 = tpu.memref_slice %arg4[%dma_start3A_144, %mul3A_141] : memref<8x1000001xf32, #tpu.memory_space<hbm>> -> memref<8x2048xf32, #tpu.memory_space<hbm>>
    tpu.enqueue_dma source(%dma_start3A_145 : memref<8x2048xf32, #tpu.memory_space<hbm>>) target(%arg8 : memref<8x2048xf32, #tpu.memory_space<vmem>>) target_semaphore(%arg14 : memref<!tpu.dma_semaphore, #tpu.memory_space<semaphore_mem>>)
    %add3A_146 = arith.constant 1 : i32
    %add3A_147 = arith.addi %add3A_25, %add3A_146 : i32
    %jit3A_148 = arith.constant 2 : i32
    %div3A_149 = arith.divsi %add3A_147, %jit3A_148 : i32
    %sign3A_150 = arith.constant 0 : i32
    %sign3A_151 = arith.cmpi sgt, %add3A_147, %sign3A_150 : i32
    %sign3A_152 = arith.extui %sign3A_151 : i1 to i32
    %sign3A_153 = arith.constant 0 : i32
    %sign3A_154 = arith.cmpi slt, %add3A_147, %sign3A_153 : i32
    %sign3A_155 = arith.extui %sign3A_154 : i1 to i32
    %sign3A_156 = arith.subi %sign3A_152, %sign3A_155 : i32
    %sign3A_157 = arith.constant 0 : i32
    %sign3A_158 = arith.cmpi sgt, %jit3A_148, %sign3A_157 : i32
    %sign3A_159 = arith.extui %sign3A_158 : i1 to i32
    %sign3A_160 = arith.constant 0 : i32
    %sign3A_161 = arith.cmpi slt, %jit3A_148, %sign3A_160 : i32
    %sign3A_162 = arith.extui %sign3A_161 : i1 to i32
    %sign3A_163 = arith.subi %sign3A_159, %sign3A_162 : i32
    %ne3A_164 = arith.cmpi ne, %sign3A_156, %sign3A_163 : i32
    %rem3A_165 = arith.remsi %add3A_147, %jit3A_148 : i32
    %ne3A_166 = arith.constant 0 : i32
    %ne3A_167 = arith.cmpi ne, %rem3A_165, %ne3A_166 : i32
    %and3A_168 = arith.andi %ne3A_164, %ne3A_167 : i1
    %sub3A_169 = arith.constant 1 : i32
    %sub3A_170 = arith.subi %div3A_149, %sub3A_169 : i32
    %select_n3A_171 = arith.select %and3A_168, %sub3A_170, %div3A_149 : i32
    %while3A_172 = arith.constant 0 : i32
    %while3A_173 = arith.constant 0 : i32
    %while3A_174 = arith.subi %select_n3A_171, %while3A_173 : i32
    %while3A_175 = arith.addi %while3A_173, %while3A_174 : i32
    %while3A_176 = arith.constant 1 : i32
    %while3A_177 = arith.divsi %while3A_174, %while3A_176 : i32
    %while3A_178 = arith.muli %while3A_177, %while3A_176 : i32
    %while3A_179 = arith.addi %while3A_173, %while3A_178 : i32
    %while3A_180 = arith.constant 1 : i32
    scf.for %while3A_197 = %while3A_173 to %while3A_179 step %while3A_180  : i32 {
      %mul3A_198 = arith.constant 2 : i32
      %mul3A_199 = arith.muli %mul3A_198, %while3A_197 : i32
      %add3A_200 = arith.constant 0 : i32
      %add3A_201 = arith.addi %mul3A_199, %add3A_200 : i32
      %lt3A = arith.cmpi slt, %add3A_201, %add3A_25 : i32
      %convert_element_type3A_202 = arith.extui %lt3A : i1 to i32
      %cond3A_203 = arith.constant 0 : i32
      %cond3A_204 = arith.cmpi ne, %convert_element_type3A_202, %cond3A_203 : i32
      scf.if %cond3A_204 {
        %mul3A_213 = arith.constant 2 : i32
        %mul3A_214 = arith.muli %mul3A_213, %while3A_197 : i32
        %add3A_215 = arith.constant 0 : i32
        %add3A_216 = arith.addi %mul3A_214, %add3A_215 : i32
        %mul3A_217 = arith.constant 32 : i32
        %mul3A_218 = arith.muli %add3A_216, %mul3A_217 : i32
        %add3A_219 = arith.addi %add3A, %mul3A_218 : i32
        %mul3A_220 = arith.constant 2048 : i32
        %mul3A_221 = arith.muli %add3A_219, %mul3A_220 : i32
        %dma_wait3A = arith.constant 0 : i32
        %dma_wait3A_222 = tpu.memref_slice %arg4[%dma_wait3A, %mul3A_221] : memref<8x1000001xf32, #tpu.memory_space<hbm>> -> memref<8x2048xf32, #tpu.memory_space<hbm>>
        %dma_wait3A_223 = arith.constant 0 : i32
        %dma_wait3A_224 = tpu.memref_slice %arg4[%dma_wait3A_223, %mul3A_221] : memref<8x1000001xf32, #tpu.memory_space<hbm>> -> memref<8x2048xf32, #tpu.memory_space<hbm>>
        tpu.wait_dma2 semaphore(%arg14 : memref<!tpu.dma_semaphore, #tpu.memory_space<semaphore_mem>>) src(%dma_wait3A_224 : memref<8x2048xf32, #tpu.memory_space<hbm>>) dst(%arg8 : memref<8x2048xf32, #tpu.memory_space<vmem>>)
        %add3A_225 = arith.constant 1 : i32
        %add3A_226 = arith.addi %add3A_216, %add3A_225 : i32
        %lt3A_227 = arith.cmpi slt, %add3A_226, %add3A_25 : i32
        %convert_element_type3A_228 = arith.extui %lt3A_227 : i1 to i32
        %cond3A_229 = arith.constant 0 : i32
        %cond3A_230 = arith.cmpi ne, %convert_element_type3A_228, %cond3A_229 : i32
        scf.if %cond3A_230 {
          %add3A_253 = arith.constant 1 : i32
          %add3A_254 = arith.addi %add3A_216, %add3A_253 : i32
          %mul3A_255 = arith.constant 32 : i32
          %mul3A_256 = arith.muli %add3A_254, %mul3A_255 : i32
          %add3A_257 = arith.addi %add3A, %mul3A_256 : i32
          %mul3A_258 = arith.constant 2048 : i32
          %mul3A_259 = arith.muli %add3A_257, %mul3A_258 : i32
          %dma_start3A_260 = arith.constant 0 : i32
          %dma_start3A_261 = tpu.memref_slice %arg4[%dma_start3A_260, %mul3A_259] : memref<8x1000001xf32, #tpu.memory_space<hbm>> -> memref<8x2048xf32, #tpu.memory_space<hbm>>
          %dma_start3A_262 = arith.constant 0 : i32
          %dma_start3A_263 = tpu.memref_slice %arg4[%dma_start3A_262, %mul3A_259] : memref<8x1000001xf32, #tpu.memory_space<hbm>> -> memref<8x2048xf32, #tpu.memory_space<hbm>>
          tpu.enqueue_dma source(%dma_start3A_263 : memref<8x2048xf32, #tpu.memory_space<hbm>>) target(%arg9 : memref<8x2048xf32, #tpu.memory_space<vmem>>) target_semaphore(%arg15 : memref<!tpu.dma_semaphore, #tpu.memory_space<semaphore_mem>>)
        } else {
        }
        %ge3A = arith.constant 2 : i32
        %ge3A_231 = arith.cmpi sge, %add3A_216, %ge3A : i32
        %convert_element_type3A_232 = arith.extui %ge3A_231 : i1 to i32
        %cond3A_233 = arith.constant 0 : i32
        %cond3A_234 = arith.cmpi ne, %convert_element_type3A_232, %cond3A_233 : i32
        scf.if %cond3A_234 {
          %sub3A_253 = arith.constant 2 : i32
          %sub3A_254 = arith.subi %add3A_216, %sub3A_253 : i32
          %mul3A_255 = arith.constant 32 : i32
          %mul3A_256 = arith.muli %sub3A_254, %mul3A_255 : i32
          %add3A_257 = arith.addi %add3A, %mul3A_256 : i32
          %mul3A_258 = arith.constant 2048 : i32
          %mul3A_259 = arith.muli %add3A_257, %mul3A_258 : i32
          %mul3A_260 = arith.constant 8 : i32
          %mul3A_261 = arith.muli %mul3A_259, %mul3A_260 : i32
          %dma_wait3A_262 = tpu.memref_slice %arg7[%mul3A_261] : memref<8000008xf32, #tpu.memory_space<hbm>> -> memref<16384xf32, #tpu.memory_space<hbm>>
          %dma_wait3A_263 = tpu.memref_slice %arg7[%mul3A_261] : memref<8000008xf32, #tpu.memory_space<hbm>> -> memref<16384xf32, #tpu.memory_space<hbm>>
          tpu.wait_dma2 semaphore(%arg16 : memref<!tpu.dma_semaphore, #tpu.memory_space<semaphore_mem>>) src(%arg10 : memref<16384xf32, #tpu.memory_space<vmem>>) dst(%dma_wait3A_263 : memref<16384xf32, #tpu.memory_space<hbm>>)
        } else {
        }
        %mul3A_235 = arith.constant 17 : i32
        %mul3A_236 = vector.broadcast %mul3A_235 : i32 to vector<16xi32>
        %mul3A_237 = arith.muli %and3A_4, %mul3A_236 : vector<16xi32>
        %add3A_238 = arith.addi %mul3A_237, %shift_right_arithmetic3A_2 : vector<16xi32>
        %scan3A = arith.constant 0 : i32
        %scan3A_239 = arith.constant 0 : i32
        %scan3A_240 = arith.constant 128 : i32
        %scan3A_241 = arith.addi %scan3A_239, %scan3A_240 : i32
        %scan3A_242 = arith.constant 1 : i32
        scf.for %scan3A_253 = %scan3A_239 to %scan3A_241 step %scan3A_242  : i32 {
          %mul3A_254 = arith.constant 16 : i32
          %mul3A_255 = arith.muli %scan3A_253, %mul3A_254 : i32
          %get3A = arith.constant 0 : i32
          %get3A_256 = arith.index_cast %get3A : i32 to index
          %get3A_257 = arith.index_cast %mul3A_255 : i32 to index
          %get3A_258 = tpu.vector_load %arg8[%get3A_256, %get3A_257] {strides = array<i32>} : memref<8x2048xf32, #tpu.memory_space<vmem>>, vector<16xf32>,
          %swap3A = arith.constant 0 : index
          %swap3A_259 = tpu.vector_load %arg13[%swap3A] {strides = array<i32>} : memref<136xf32, #tpu.memory_space<vmem>>, vector<16xf32>,
          tpu.vector_store %arg13[%swap3A], %get3A_258 {strides = array<i32>} : memref<136xf32, #tpu.memory_space<vmem>>, vector<16xf32>,
          %get3A_260 = arith.constant 1 : i32
          %get3A_261 = arith.index_cast %get3A_260 : i32 to index
          %get3A_262 = arith.index_cast %mul3A_255 : i32 to index
          %get3A_263 = tpu.vector_load %arg8[%get3A_261, %get3A_262] {strides = array<i32>} : memref<8x2048xf32, #tpu.memory_space<vmem>>, vector<16xf32>,
          %swap3A_264 = arith.constant 17 : index
          %swap3A_265 = tpu.vector_load %arg13[%swap3A_264] {strides = array<i32>} : memref<136xf32, #tpu.memory_space<vmem>>, vector<16xf32>,
          tpu.vector_store %arg13[%swap3A_264], %get3A_263 {strides = array<i32>} : memref<136xf32, #tpu.memory_space<vmem>>, vector<16xf32>,
          %get3A_266 = arith.constant 2 : i32
          %get3A_267 = arith.index_cast %get3A_266 : i32 to index
          %get3A_268 = arith.index_cast %mul3A_255 : i32 to index
          %get3A_269 = tpu.vector_load %arg8[%get3A_267, %get3A_268] {strides = array<i32>} : memref<8x2048xf32, #tpu.memory_space<vmem>>, vector<16xf32>,
          %swap3A_270 = arith.constant 34 : index
          %swap3A_271 = tpu.vector_load %arg13[%swap3A_270] {strides = array<i32>} : memref<136xf32, #tpu.memory_space<vmem>>, vector<16xf32>,
          tpu.vector_store %arg13[%swap3A_270], %get3A_269 {strides = array<i32>} : memref<136xf32, #tpu.memory_space<vmem>>, vector<16xf32>,
          %get3A_272 = arith.constant 3 : i32
          %get3A_273 = arith.index_cast %get3A_272 : i32 to index
          %get3A_274 = arith.index_cast %mul3A_255 : i32 to index
          %get3A_275 = tpu.vector_load %arg8[%get3A_273, %get3A_274] {strides = array<i32>} : memref<8x2048xf32, #tpu.memory_space<vmem>>, vector<16xf32>,
          %swap3A_276 = arith.constant 51 : index
          %swap3A_277 = tpu.vector_load %arg13[%swap3A_276] {strides = array<i32>} : memref<136xf32, #tpu.memory_space<vmem>>, vector<16xf32>,
          tpu.vector_store %arg13[%swap3A_276], %get3A_275 {strides = array<i32>} : memref<136xf32, #tpu.memory_space<vmem>>, vector<16xf32>,
          %get3A_278 = arith.constant 4 : i32
          %get3A_279 = arith.index_cast %get3A_278 : i32 to index
          %get3A_280 = arith.index_cast %mul3A_255 : i32 to index
          %get3A_281 = tpu.vector_load %arg8[%get3A_279, %get3A_280] {strides = array<i32>} : memref<8x2048xf32, #tpu.memory_space<vmem>>, vector<16xf32>,
          %swap3A_282 = arith.constant 68 : index
          %swap3A_283 = tpu.vector_load %arg13[%swap3A_282] {strides = array<i32>} : memref<136xf32, #tpu.memory_space<vmem>>, vector<16xf32>,
          tpu.vector_store %arg13[%swap3A_282], %get3A_281 {strides = array<i32>} : memref<136xf32, #tpu.memory_space<vmem>>, vector<16xf32>,
          %get3A_284 = arith.constant 5 : i32
          %get3A_285 = arith.index_cast %get3A_284 : i32 to index
          %get3A_286 = arith.index_cast %mul3A_255 : i32 to index
          %get3A_287 = tpu.vector_load %arg8[%get3A_285, %get3A_286] {strides = array<i32>} : memref<8x2048xf32, #tpu.memory_space<vmem>>, vector<16xf32>,
          %swap3A_288 = arith.constant 85 : index
          %swap3A_289 = tpu.vector_load %arg13[%swap3A_288] {strides = array<i32>} : memref<136xf32, #tpu.memory_space<vmem>>, vector<16xf32>,
          tpu.vector_store %arg13[%swap3A_288], %get3A_287 {strides = array<i32>} : memref<136xf32, #tpu.memory_space<vmem>>, vector<16xf32>,
          %get3A_290 = arith.constant 6 : i32
          %get3A_291 = arith.index_cast %get3A_290 : i32 to index
          %get3A_292 = arith.index_cast %mul3A_255 : i32 to index
          %get3A_293 = tpu.vector_load %arg8[%get3A_291, %get3A_292] {strides = array<i32>} : memref<8x2048xf32, #tpu.memory_space<vmem>>, vector<16xf32>,
          %swap3A_294 = arith.constant 102 : index
          %swap3A_295 = tpu.vector_load %arg13[%swap3A_294] {strides = array<i32>} : memref<136xf32, #tpu.memory_space<vmem>>, vector<16xf32>,
          tpu.vector_store %arg13[%swap3A_294], %get3A_293 {strides = array<i32>} : memref<136xf32, #tpu.memory_space<vmem>>, vector<16xf32>,
          %get3A_296 = arith.constant 7 : i32
          %get3A_297 = arith.index_cast %get3A_296 : i32 to index
          %get3A_298 = arith.index_cast %mul3A_255 : i32 to index
          %get3A_299 = tpu.vector_load %arg8[%get3A_297, %get3A_298] {strides = array<i32>} : memref<8x2048xf32, #tpu.memory_space<vmem>>, vector<16xf32>,
          %swap3A_300 = arith.constant 119 : index
          %swap3A_301 = tpu.vector_load %arg13[%swap3A_300] {strides = array<i32>} : memref<136xf32, #tpu.memory_space<vmem>>, vector<16xf32>,
          tpu.vector_store %arg13[%swap3A_300], %get3A_299 {strides = array<i32>} : memref<136xf32, #tpu.memory_space<vmem>>, vector<16xf32>,
          %add3A_302 = arith.constant 0 : i32
          %add3A_303 = vector.broadcast %add3A_302 : i32 to vector<16xi32>
          %add3A_304 = arith.addi %add3A_238, %add3A_303 : vector<16xi32>
          %gather3A = tpu.vector_load_idx %arg13[%add3A_304] : memref<136xf32, #tpu.memory_space<vmem>>[vector<16xi32>], vector<16xf32>,
          %mul3A_305 = arith.constant 8 : i32
          %mul3A_306 = arith.muli %mul3A_255, %mul3A_305 : i32
          %add3A_307 = arith.constant 0 : i32
          %add3A_308 = arith.addi %mul3A_306, %add3A_307 : i32
          %swap3A_309 = arith.index_cast %add3A_308 : i32 to index
          %swap3A_310 = tpu.vector_load %arg10[%swap3A_309] {strides = array<i32>} : memref<16384xf32, #tpu.memory_space<vmem>>, vector<16xf32>,
          tpu.vector_store %arg10[%swap3A_309], %gather3A {strides = array<i32>} : memref<16384xf32, #tpu.memory_space<vmem>>, vector<16xf32>,
          %add3A_311 = arith.constant 2 : i32
          %add3A_312 = vector.broadcast %add3A_311 : i32 to vector<16xi32>
          %add3A_313 = arith.addi %add3A_238, %add3A_312 : vector<16xi32>
          %gather3A_314 = tpu.vector_load_idx %arg13[%add3A_313] : memref<136xf32, #tpu.memory_space<vmem>>[vector<16xi32>], vector<16xf32>,
          %mul3A_315 = arith.constant 8 : i32
          %mul3A_316 = arith.muli %mul3A_255, %mul3A_315 : i32
          %add3A_317 = arith.constant 16 : i32
          %add3A_318 = arith.addi %mul3A_316, %add3A_317 : i32
          %swap3A_319 = arith.index_cast %add3A_318 : i32 to index
          %swap3A_320 = tpu.vector_load %arg10[%swap3A_319] {strides = array<i32>} : memref<16384xf32, #tpu.memory_space<vmem>>, vector<16xf32>,
          tpu.vector_store %arg10[%swap3A_319], %gather3A_314 {strides = array<i32>} : memref<16384xf32, #tpu.memory_space<vmem>>, vector<16xf32>,
          %add3A_321 = arith.constant 4 : i32
          %add3A_322 = vector.broadcast %add3A_321 : i32 to vector<16xi32>
          %add3A_323 = arith.addi %add3A_238, %add3A_322 : vector<16xi32>
          %gather3A_324 = tpu.vector_load_idx %arg13[%add3A_323] : memref<136xf32, #tpu.memory_space<vmem>>[vector<16xi32>], vector<16xf32>,
          %mul3A_325 = arith.constant 8 : i32
          %mul3A_326 = arith.muli %mul3A_255, %mul3A_325 : i32
          %add3A_327 = arith.constant 32 : i32
          %add3A_328 = arith.addi %mul3A_326, %add3A_327 : i32
          %swap3A_329 = arith.index_cast %add3A_328 : i32 to index
          %swap3A_330 = tpu.vector_load %arg10[%swap3A_329] {strides = array<i32>} : memref<16384xf32, #tpu.memory_space<vmem>>, vector<16xf32>,
          tpu.vector_store %arg10[%swap3A_329], %gather3A_324 {strides = array<i32>} : memref<16384xf32, #tpu.memory_space<vmem>>, vector<16xf32>,
          %add3A_331 = arith.constant 6 : i32
          %add3A_332 = vector.broadcast %add3A_331 : i32 to vector<16xi32>
          %add3A_333 = arith.addi %add3A_238, %add3A_332 : vector<16xi32>
          %gather3A_334 = tpu.vector_load_idx %arg13[%add3A_333] : memref<136xf32, #tpu.memory_space<vmem>>[vector<16xi32>], vector<16xf32>,
          %mul3A_335 = arith.constant 8 : i32
          %mul3A_336 = arith.muli %mul3A_255, %mul3A_335 : i32
          %add3A_337 = arith.constant 48 : i32
          %add3A_338 = arith.addi %mul3A_336, %add3A_337 : i32
          %swap3A_339 = arith.index_cast %add3A_338 : i32 to index
          %swap3A_340 = tpu.vector_load %arg10[%swap3A_339] {strides = array<i32>} : memref<16384xf32, #tpu.memory_space<vmem>>, vector<16xf32>,
          tpu.vector_store %arg10[%swap3A_339], %gather3A_334 {strides = array<i32>} : memref<16384xf32, #tpu.memory_space<vmem>>, vector<16xf32>,
          %add3A_341 = arith.constant 8 : i32
          %add3A_342 = vector.broadcast %add3A_341 : i32 to vector<16xi32>
          %add3A_343 = arith.addi %add3A_238, %add3A_342 : vector<16xi32>
          %gather3A_344 = tpu.vector_load_idx %arg13[%add3A_343] : memref<136xf32, #tpu.memory_space<vmem>>[vector<16xi32>], vector<16xf32>,
          %mul3A_345 = arith.constant 8 : i32
          %mul3A_346 = arith.muli %mul3A_255, %mul3A_345 : i32
          %add3A_347 = arith.constant 64 : i32
          %add3A_348 = arith.addi %mul3A_346, %add3A_347 : i32
          %swap3A_349 = arith.index_cast %add3A_348 : i32 to index
          %swap3A_350 = tpu.vector_load %arg10[%swap3A_349] {strides = array<i32>} : memref<16384xf32, #tpu.memory_space<vmem>>, vector<16xf32>,
          tpu.vector_store %arg10[%swap3A_349], %gather3A_344 {strides = array<i32>} : memref<16384xf32, #tpu.memory_space<vmem>>, vector<16xf32>,
          %add3A_351 = arith.constant 10 : i32
          %add3A_352 = vector.broadcast %add3A_351 : i32 to vector<16xi32>
          %add3A_353 = arith.addi %add3A_238, %add3A_352 : vector<16xi32>
          %gather3A_354 = tpu.vector_load_idx %arg13[%add3A_353] : memref<136xf32, #tpu.memory_space<vmem>>[vector<16xi32>], vector<16xf32>,
          %mul3A_355 = arith.constant 8 : i32
          %mul3A_356 = arith.muli %mul3A_255, %mul3A_355 : i32
          %add3A_357 = arith.constant 80 : i32
          %add3A_358 = arith.addi %mul3A_356, %add3A_357 : i32
          %swap3A_359 = arith.index_cast %add3A_358 : i32 to index
          %swap3A_360 = tpu.vector_load %arg10[%swap3A_359] {strides = array<i32>} : memref<16384xf32, #tpu.memory_space<vmem>>, vector<16xf32>,
          tpu.vector_store %arg10[%swap3A_359], %gather3A_354 {strides = array<i32>} : memref<16384xf32, #tpu.memory_space<vmem>>, vector<16xf32>,
          %add3A_361 = arith.constant 12 : i32
          %add3A_362 = vector.broadcast %add3A_361 : i32 to vector<16xi32>
          %add3A_363 = arith.addi %add3A_238, %add3A_362 : vector<16xi32>
          %gather3A_364 = tpu.vector_load_idx %arg13[%add3A_363] : memref<136xf32, #tpu.memory_space<vmem>>[vector<16xi32>], vector<16xf32>,
          %mul3A_365 = arith.constant 8 : i32
          %mul3A_366 = arith.muli %mul3A_255, %mul3A_365 : i32
          %add3A_367 = arith.constant 96 : i32
          %add3A_368 = arith.addi %mul3A_366, %add3A_367 : i32
          %swap3A_369 = arith.index_cast %add3A_368 : i32 to index
          %swap3A_370 = tpu.vector_load %arg10[%swap3A_369] {strides = array<i32>} : memref<16384xf32, #tpu.memory_space<vmem>>, vector<16xf32>,
          tpu.vector_store %arg10[%swap3A_369], %gather3A_364 {strides = array<i32>} : memref<16384xf32, #tpu.memory_space<vmem>>, vector<16xf32>,
          %add3A_371 = arith.constant 14 : i32
          %add3A_372 = vector.broadcast %add3A_371 : i32 to vector<16xi32>
          %add3A_373 = arith.addi %add3A_238, %add3A_372 : vector<16xi32>
          %gather3A_374 = tpu.vector_load_idx %arg13[%add3A_373] : memref<136xf32, #tpu.memory_space<vmem>>[vector<16xi32>], vector<16xf32>,
          %mul3A_375 = arith.constant 8 : i32
          %mul3A_376 = arith.muli %mul3A_255, %mul3A_375 : i32
          %add3A_377 = arith.constant 112 : i32
          %add3A_378 = arith.addi %mul3A_376, %add3A_377 : i32
          %swap3A_379 = arith.index_cast %add3A_378 : i32 to index
          %swap3A_380 = tpu.vector_load %arg10[%swap3A_379] {strides = array<i32>} : memref<16384xf32, #tpu.memory_space<vmem>>, vector<16xf32>,
          tpu.vector_store %arg10[%swap3A_379], %gather3A_374 {strides = array<i32>} : memref<16384xf32, #tpu.memory_space<vmem>>, vector<16xf32>,
        }
        %scan3A_243 = arith.constant 128 : i32
        %mul3A_244 = arith.constant 32 : i32
        %mul3A_245 = arith.muli %add3A_216, %mul3A_244 : i32
        %add3A_246 = arith.addi %add3A, %mul3A_245 : i32
        %mul3A_247 = arith.constant 2048 : i32
        %mul3A_248 = arith.muli %add3A_246, %mul3A_247 : i32
        %mul3A_249 = arith.constant 8 : i32
        %mul3A_250 = arith.muli %mul3A_248, %mul3A_249 : i32
        %dma_start3A_251 = tpu.memref_slice %arg7[%mul3A_250] : memref<8000008xf32, #tpu.memory_space<hbm>> -> memref<16384xf32, #tpu.memory_space<hbm>>
        %dma_start3A_252 = tpu.memref_slice %arg7[%mul3A_250] : memref<8000008xf32, #tpu.memory_space<hbm>> -> memref<16384xf32, #tpu.memory_space<hbm>>
        tpu.enqueue_dma source(%arg10 : memref<16384xf32, #tpu.memory_space<vmem>>) target(%dma_start3A_252 : memref<16384xf32, #tpu.memory_space<hbm>>) target_semaphore(%arg16 : memref<!tpu.dma_semaphore, #tpu.memory_space<semaphore_mem>>)
      } else {
      }
      %mul3A_205 = arith.constant 2 : i32
      %mul3A_206 = arith.muli %mul3A_205, %while3A_197 : i32
      %add3A_207 = arith.constant 1 : i32
      %add3A_208 = arith.addi %mul3A_206, %add3A_207 : i32
      %lt3A_209 = arith.cmpi slt, %add3A_208, %add3A_25 : i32
      %convert_element_type3A_210 = arith.extui %lt3A_209 : i1 to i32
      %cond3A_211 = arith.constant 0 : i32
      %cond3A_212 = arith.cmpi ne, %convert_element_type3A_210, %cond3A_211 : i32
      scf.if %cond3A_212 {
        %mul3A_213 = arith.constant 2 : i32
        %mul3A_214 = arith.muli %mul3A_213, %while3A_197 : i32
        %add3A_215 = arith.constant 1 : i32
        %add3A_216 = arith.addi %mul3A_214, %add3A_215 : i32
        %mul3A_217 = arith.constant 32 : i32
        %mul3A_218 = arith.muli %add3A_216, %mul3A_217 : i32
        %add3A_219 = arith.addi %add3A, %mul3A_218 : i32
        %mul3A_220 = arith.constant 2048 : i32
        %mul3A_221 = arith.muli %add3A_219, %mul3A_220 : i32
        %dma_wait3A = arith.constant 0 : i32
        %dma_wait3A_222 = tpu.memref_slice %arg4[%dma_wait3A, %mul3A_221] : memref<8x1000001xf32, #tpu.memory_space<hbm>> -> memref<8x2048xf32, #tpu.memory_space<hbm>>
        %dma_wait3A_223 = arith.constant 0 : i32
        %dma_wait3A_224 = tpu.memref_slice %arg4[%dma_wait3A_223, %mul3A_221] : memref<8x1000001xf32, #tpu.memory_space<hbm>> -> memref<8x2048xf32, #tpu.memory_space<hbm>>
        tpu.wait_dma2 semaphore(%arg15 : memref<!tpu.dma_semaphore, #tpu.memory_space<semaphore_mem>>) src(%dma_wait3A_224 : memref<8x2048xf32, #tpu.memory_space<hbm>>) dst(%arg9 : memref<8x2048xf32, #tpu.memory_space<vmem>>)
        %add3A_225 = arith.constant 1 : i32
        %add3A_226 = arith.addi %add3A_216, %add3A_225 : i32
        %lt3A_227 = arith.cmpi slt, %add3A_226, %add3A_25 : i32
        %convert_element_type3A_228 = arith.extui %lt3A_227 : i1 to i32
        %cond3A_229 = arith.constant 0 : i32
        %cond3A_230 = arith.cmpi ne, %convert_element_type3A_228, %cond3A_229 : i32
        scf.if %cond3A_230 {
          %add3A_253 = arith.constant 1 : i32
          %add3A_254 = arith.addi %add3A_216, %add3A_253 : i32
          %mul3A_255 = arith.constant 32 : i32
          %mul3A_256 = arith.muli %add3A_254, %mul3A_255 : i32
          %add3A_257 = arith.addi %add3A, %mul3A_256 : i32
          %mul3A_258 = arith.constant 2048 : i32
          %mul3A_259 = arith.muli %add3A_257, %mul3A_258 : i32
          %dma_start3A_260 = arith.constant 0 : i32
          %dma_start3A_261 = tpu.memref_slice %arg4[%dma_start3A_260, %mul3A_259] : memref<8x1000001xf32, #tpu.memory_space<hbm>> -> memref<8x2048xf32, #tpu.memory_space<hbm>>
          %dma_start3A_262 = arith.constant 0 : i32
          %dma_start3A_263 = tpu.memref_slice %arg4[%dma_start3A_262, %mul3A_259] : memref<8x1000001xf32, #tpu.memory_space<hbm>> -> memref<8x2048xf32, #tpu.memory_space<hbm>>
          tpu.enqueue_dma source(%dma_start3A_263 : memref<8x2048xf32, #tpu.memory_space<hbm>>) target(%arg8 : memref<8x2048xf32, #tpu.memory_space<vmem>>) target_semaphore(%arg14 : memref<!tpu.dma_semaphore, #tpu.memory_space<semaphore_mem>>)
        } else {
        }
        %ge3A = arith.constant 2 : i32
        %ge3A_231 = arith.cmpi sge, %add3A_216, %ge3A : i32
        %convert_element_type3A_232 = arith.extui %ge3A_231 : i1 to i32
        %cond3A_233 = arith.constant 0 : i32
        %cond3A_234 = arith.cmpi ne, %convert_element_type3A_232, %cond3A_233 : i32
        scf.if %cond3A_234 {
          %sub3A_253 = arith.constant 2 : i32
          %sub3A_254 = arith.subi %add3A_216, %sub3A_253 : i32
          %mul3A_255 = arith.constant 32 : i32
          %mul3A_256 = arith.muli %sub3A_254, %mul3A_255 : i32
          %add3A_257 = arith.addi %add3A, %mul3A_256 : i32
          %mul3A_258 = arith.constant 2048 : i32
          %mul3A_259 = arith.muli %add3A_257, %mul3A_258 : i32
          %mul3A_260 = arith.constant 8 : i32
          %mul3A_261 = arith.muli %mul3A_259, %mul3A_260 : i32
          %dma_wait3A_262 = tpu.memref_slice %arg7[%mul3A_261] : memref<8000008xf32, #tpu.memory_space<hbm>> -> memref<16384xf32, #tpu.memory_space<hbm>>
          %dma_wait3A_263 = tpu.memref_slice %arg7[%mul3A_261] : memref<8000008xf32, #tpu.memory_space<hbm>> -> memref<16384xf32, #tpu.memory_space<hbm>>
          tpu.wait_dma2 semaphore(%arg17 : memref<!tpu.dma_semaphore, #tpu.memory_space<semaphore_mem>>) src(%arg11 : memref<16384xf32, #tpu.memory_space<vmem>>) dst(%dma_wait3A_263 : memref<16384xf32, #tpu.memory_space<hbm>>)
        } else {
        }
        %mul3A_235 = arith.constant 17 : i32
        %mul3A_236 = vector.broadcast %mul3A_235 : i32 to vector<16xi32>
        %mul3A_237 = arith.muli %and3A_4, %mul3A_236 : vector<16xi32>
        %add3A_238 = arith.addi %mul3A_237, %shift_right_arithmetic3A_2 : vector<16xi32>
        %scan3A = arith.constant 0 : i32
        %scan3A_239 = arith.constant 0 : i32
        %scan3A_240 = arith.constant 128 : i32
        %scan3A_241 = arith.addi %scan3A_239, %scan3A_240 : i32
        %scan3A_242 = arith.constant 1 : i32
        scf.for %scan3A_253 = %scan3A_239 to %scan3A_241 step %scan3A_242  : i32 {
          %mul3A_254 = arith.constant 16 : i32
          %mul3A_255 = arith.muli %scan3A_253, %mul3A_254 : i32
          %get3A = arith.constant 0 : i32
          %get3A_256 = arith.index_cast %get3A : i32 to index
          %get3A_257 = arith.index_cast %mul3A_255 : i32 to index
          %get3A_258 = tpu.vector_load %arg9[%get3A_256, %get3A_257] {strides = array<i32>} : memref<8x2048xf32, #tpu.memory_space<vmem>>, vector<16xf32>,
          %swap3A = arith.constant 0 : index
          %swap3A_259 = tpu.vector_load %arg13[%swap3A] {strides = array<i32>} : memref<136xf32, #tpu.memory_space<vmem>>, vector<16xf32>,
          tpu.vector_store %arg13[%swap3A], %get3A_258 {strides = array<i32>} : memref<136xf32, #tpu.memory_space<vmem>>, vector<16xf32>,
          %get3A_260 = arith.constant 1 : i32
          %get3A_261 = arith.index_cast %get3A_260 : i32 to index
          %get3A_262 = arith.index_cast %mul3A_255 : i32 to index
          %get3A_263 = tpu.vector_load %arg9[%get3A_261, %get3A_262] {strides = array<i32>} : memref<8x2048xf32, #tpu.memory_space<vmem>>, vector<16xf32>,
          %swap3A_264 = arith.constant 17 : index
          %swap3A_265 = tpu.vector_load %arg13[%swap3A_264] {strides = array<i32>} : memref<136xf32, #tpu.memory_space<vmem>>, vector<16xf32>,
          tpu.vector_store %arg13[%swap3A_264], %get3A_263 {strides = array<i32>} : memref<136xf32, #tpu.memory_space<vmem>>, vector<16xf32>,
          %get3A_266 = arith.constant 2 : i32
          %get3A_267 = arith.index_cast %get3A_266 : i32 to index
          %get3A_268 = arith.index_cast %mul3A_255 : i32 to index
          %get3A_269 = tpu.vector_load %arg9[%get3A_267, %get3A_268] {strides = array<i32>} : memref<8x2048xf32, #tpu.memory_space<vmem>>, vector<16xf32>,
          %swap3A_270 = arith.constant 34 : index
          %swap3A_271 = tpu.vector_load %arg13[%swap3A_270] {strides = array<i32>} : memref<136xf32, #tpu.memory_space<vmem>>, vector<16xf32>,
          tpu.vector_store %arg13[%swap3A_270], %get3A_269 {strides = array<i32>} : memref<136xf32, #tpu.memory_space<vmem>>, vector<16xf32>,
          %get3A_272 = arith.constant 3 : i32
          %get3A_273 = arith.index_cast %get3A_272 : i32 to index
          %get3A_274 = arith.index_cast %mul3A_255 : i32 to index
          %get3A_275 = tpu.vector_load %arg9[%get3A_273, %get3A_274] {strides = array<i32>} : memref<8x2048xf32, #tpu.memory_space<vmem>>, vector<16xf32>,
          %swap3A_276 = arith.constant 51 : index
          %swap3A_277 = tpu.vector_load %arg13[%swap3A_276] {strides = array<i32>} : memref<136xf32, #tpu.memory_space<vmem>>, vector<16xf32>,
          tpu.vector_store %arg13[%swap3A_276], %get3A_275 {strides = array<i32>} : memref<136xf32, #tpu.memory_space<vmem>>, vector<16xf32>,
          %get3A_278 = arith.constant 4 : i32
          %get3A_279 = arith.index_cast %get3A_278 : i32 to index
          %get3A_280 = arith.index_cast %mul3A_255 : i32 to index
          %get3A_281 = tpu.vector_load %arg9[%get3A_279, %get3A_280] {strides = array<i32>} : memref<8x2048xf32, #tpu.memory_space<vmem>>, vector<16xf32>,
          %swap3A_282 = arith.constant 68 : index
          %swap3A_283 = tpu.vector_load %arg13[%swap3A_282] {strides = array<i32>} : memref<136xf32, #tpu.memory_space<vmem>>, vector<16xf32>,
          tpu.vector_store %arg13[%swap3A_282], %get3A_281 {strides = array<i32>} : memref<136xf32, #tpu.memory_space<vmem>>, vector<16xf32>,
          %get3A_284 = arith.constant 5 : i32
          %get3A_285 = arith.index_cast %get3A_284 : i32 to index
          %get3A_286 = arith.index_cast %mul3A_255 : i32 to index
          %get3A_287 = tpu.vector_load %arg9[%get3A_285, %get3A_286] {strides = array<i32>} : memref<8x2048xf32, #tpu.memory_space<vmem>>, vector<16xf32>,
          %swap3A_288 = arith.constant 85 : index
          %swap3A_289 = tpu.vector_load %arg13[%swap3A_288] {strides = array<i32>} : memref<136xf32, #tpu.memory_space<vmem>>, vector<16xf32>,
          tpu.vector_store %arg13[%swap3A_288], %get3A_287 {strides = array<i32>} : memref<136xf32, #tpu.memory_space<vmem>>, vector<16xf32>,
          %get3A_290 = arith.constant 6 : i32
          %get3A_291 = arith.index_cast %get3A_290 : i32 to index
          %get3A_292 = arith.index_cast %mul3A_255 : i32 to index
          %get3A_293 = tpu.vector_load %arg9[%get3A_291, %get3A_292] {strides = array<i32>} : memref<8x2048xf32, #tpu.memory_space<vmem>>, vector<16xf32>,
          %swap3A_294 = arith.constant 102 : index
          %swap3A_295 = tpu.vector_load %arg13[%swap3A_294] {strides = array<i32>} : memref<136xf32, #tpu.memory_space<vmem>>, vector<16xf32>,
          tpu.vector_store %arg13[%swap3A_294], %get3A_293 {strides = array<i32>} : memref<136xf32, #tpu.memory_space<vmem>>, vector<16xf32>,
          %get3A_296 = arith.constant 7 : i32
          %get3A_297 = arith.index_cast %get3A_296 : i32 to index
          %get3A_298 = arith.index_cast %mul3A_255 : i32 to index
          %get3A_299 = tpu.vector_load %arg9[%get3A_297, %get3A_298] {strides = array<i32>} : memref<8x2048xf32, #tpu.memory_space<vmem>>, vector<16xf32>,
          %swap3A_300 = arith.constant 119 : index
          %swap3A_301 = tpu.vector_load %arg13[%swap3A_300] {strides = array<i32>} : memref<136xf32, #tpu.memory_space<vmem>>, vector<16xf32>,
          tpu.vector_store %arg13[%swap3A_300], %get3A_299 {strides = array<i32>} : memref<136xf32, #tpu.memory_space<vmem>>, vector<16xf32>,
          %add3A_302 = arith.constant 0 : i32
          %add3A_303 = vector.broadcast %add3A_302 : i32 to vector<16xi32>
          %add3A_304 = arith.addi %add3A_238, %add3A_303 : vector<16xi32>
          %gather3A = tpu.vector_load_idx %arg13[%add3A_304] : memref<136xf32, #tpu.memory_space<vmem>>[vector<16xi32>], vector<16xf32>,
          %mul3A_305 = arith.constant 8 : i32
          %mul3A_306 = arith.muli %mul3A_255, %mul3A_305 : i32
          %add3A_307 = arith.constant 0 : i32
          %add3A_308 = arith.addi %mul3A_306, %add3A_307 : i32
          %swap3A_309 = arith.index_cast %add3A_308 : i32 to index
          %swap3A_310 = tpu.vector_load %arg11[%swap3A_309] {strides = array<i32>} : memref<16384xf32, #tpu.memory_space<vmem>>, vector<16xf32>,
          tpu.vector_store %arg11[%swap3A_309], %gather3A {strides = array<i32>} : memref<16384xf32, #tpu.memory_space<vmem>>, vector<16xf32>,
          %add3A_311 = arith.constant 2 : i32
          %add3A_312 = vector.broadcast %add3A_311 : i32 to vector<16xi32>
          %add3A_313 = arith.addi %add3A_238, %add3A_312 : vector<16xi32>
          %gather3A_314 = tpu.vector_load_idx %arg13[%add3A_313] : memref<136xf32, #tpu.memory_space<vmem>>[vector<16xi32>], vector<16xf32>,
          %mul3A_315 = arith.constant 8 : i32
          %mul3A_316 = arith.muli %mul3A_255, %mul3A_315 : i32
          %add3A_317 = arith.constant 16 : i32
          %add3A_318 = arith.addi %mul3A_316, %add3A_317 : i32
          %swap3A_319 = arith.index_cast %add3A_318 : i32 to index
          %swap3A_320 = tpu.vector_load %arg11[%swap3A_319] {strides = array<i32>} : memref<16384xf32, #tpu.memory_space<vmem>>, vector<16xf32>,
          tpu.vector_store %arg11[%swap3A_319], %gather3A_314 {strides = array<i32>} : memref<16384xf32, #tpu.memory_space<vmem>>, vector<16xf32>,
          %add3A_321 = arith.constant 4 : i32
          %add3A_322 = vector.broadcast %add3A_321 : i32 to vector<16xi32>
          %add3A_323 = arith.addi %add3A_238, %add3A_322 : vector<16xi32>
          %gather3A_324 = tpu.vector_load_idx %arg13[%add3A_323] : memref<136xf32, #tpu.memory_space<vmem>>[vector<16xi32>], vector<16xf32>,
          %mul3A_325 = arith.constant 8 : i32
          %mul3A_326 = arith.muli %mul3A_255, %mul3A_325 : i32
          %add3A_327 = arith.constant 32 : i32
          %add3A_328 = arith.addi %mul3A_326, %add3A_327 : i32
          %swap3A_329 = arith.index_cast %add3A_328 : i32 to index
          %swap3A_330 = tpu.vector_load %arg11[%swap3A_329] {strides = array<i32>} : memref<16384xf32, #tpu.memory_space<vmem>>, vector<16xf32>,
          tpu.vector_store %arg11[%swap3A_329], %gather3A_324 {strides = array<i32>} : memref<16384xf32, #tpu.memory_space<vmem>>, vector<16xf32>,
          %add3A_331 = arith.constant 6 : i32
          %add3A_332 = vector.broadcast %add3A_331 : i32 to vector<16xi32>
          %add3A_333 = arith.addi %add3A_238, %add3A_332 : vector<16xi32>
          %gather3A_334 = tpu.vector_load_idx %arg13[%add3A_333] : memref<136xf32, #tpu.memory_space<vmem>>[vector<16xi32>], vector<16xf32>,
          %mul3A_335 = arith.constant 8 : i32
          %mul3A_336 = arith.muli %mul3A_255, %mul3A_335 : i32
          %add3A_337 = arith.constant 48 : i32
          %add3A_338 = arith.addi %mul3A_336, %add3A_337 : i32
          %swap3A_339 = arith.index_cast %add3A_338 : i32 to index
          %swap3A_340 = tpu.vector_load %arg11[%swap3A_339] {strides = array<i32>} : memref<16384xf32, #tpu.memory_space<vmem>>, vector<16xf32>,
          tpu.vector_store %arg11[%swap3A_339], %gather3A_334 {strides = array<i32>} : memref<16384xf32, #tpu.memory_space<vmem>>, vector<16xf32>,
          %add3A_341 = arith.constant 8 : i32
          %add3A_342 = vector.broadcast %add3A_341 : i32 to vector<16xi32>
          %add3A_343 = arith.addi %add3A_238, %add3A_342 : vector<16xi32>
          %gather3A_344 = tpu.vector_load_idx %arg13[%add3A_343] : memref<136xf32, #tpu.memory_space<vmem>>[vector<16xi32>], vector<16xf32>,
          %mul3A_345 = arith.constant 8 : i32
          %mul3A_346 = arith.muli %mul3A_255, %mul3A_345 : i32
          %add3A_347 = arith.constant 64 : i32
          %add3A_348 = arith.addi %mul3A_346, %add3A_347 : i32
          %swap3A_349 = arith.index_cast %add3A_348 : i32 to index
          %swap3A_350 = tpu.vector_load %arg11[%swap3A_349] {strides = array<i32>} : memref<16384xf32, #tpu.memory_space<vmem>>, vector<16xf32>,
          tpu.vector_store %arg11[%swap3A_349], %gather3A_344 {strides = array<i32>} : memref<16384xf32, #tpu.memory_space<vmem>>, vector<16xf32>,
          %add3A_351 = arith.constant 10 : i32
          %add3A_352 = vector.broadcast %add3A_351 : i32 to vector<16xi32>
          %add3A_353 = arith.addi %add3A_238, %add3A_352 : vector<16xi32>
          %gather3A_354 = tpu.vector_load_idx %arg13[%add3A_353] : memref<136xf32, #tpu.memory_space<vmem>>[vector<16xi32>], vector<16xf32>,
          %mul3A_355 = arith.constant 8 : i32
          %mul3A_356 = arith.muli %mul3A_255, %mul3A_355 : i32
          %add3A_357 = arith.constant 80 : i32
          %add3A_358 = arith.addi %mul3A_356, %add3A_357 : i32
          %swap3A_359 = arith.index_cast %add3A_358 : i32 to index
          %swap3A_360 = tpu.vector_load %arg11[%swap3A_359] {strides = array<i32>} : memref<16384xf32, #tpu.memory_space<vmem>>, vector<16xf32>,
          tpu.vector_store %arg11[%swap3A_359], %gather3A_354 {strides = array<i32>} : memref<16384xf32, #tpu.memory_space<vmem>>, vector<16xf32>,
          %add3A_361 = arith.constant 12 : i32
          %add3A_362 = vector.broadcast %add3A_361 : i32 to vector<16xi32>
          %add3A_363 = arith.addi %add3A_238, %add3A_362 : vector<16xi32>
          %gather3A_364 = tpu.vector_load_idx %arg13[%add3A_363] : memref<136xf32, #tpu.memory_space<vmem>>[vector<16xi32>], vector<16xf32>,
          %mul3A_365 = arith.constant 8 : i32
          %mul3A_366 = arith.muli %mul3A_255, %mul3A_365 : i32
          %add3A_367 = arith.constant 96 : i32
          %add3A_368 = arith.addi %mul3A_366, %add3A_367 : i32
          %swap3A_369 = arith.index_cast %add3A_368 : i32 to index
          %swap3A_370 = tpu.vector_load %arg11[%swap3A_369] {strides = array<i32>} : memref<16384xf32, #tpu.memory_space<vmem>>, vector<16xf32>,
          tpu.vector_store %arg11[%swap3A_369], %gather3A_364 {strides = array<i32>} : memref<16384xf32, #tpu.memory_space<vmem>>, vector<16xf32>,
          %add3A_371 = arith.constant 14 : i32
          %add3A_372 = vector.broadcast %add3A_371 : i32 to vector<16xi32>
          %add3A_373 = arith.addi %add3A_238, %add3A_372 : vector<16xi32>
          %gather3A_374 = tpu.vector_load_idx %arg13[%add3A_373] : memref<136xf32, #tpu.memory_space<vmem>>[vector<16xi32>], vector<16xf32>,
          %mul3A_375 = arith.constant 8 : i32
          %mul3A_376 = arith.muli %mul3A_255, %mul3A_375 : i32
          %add3A_377 = arith.constant 112 : i32
          %add3A_378 = arith.addi %mul3A_376, %add3A_377 : i32
          %swap3A_379 = arith.index_cast %add3A_378 : i32 to index
          %swap3A_380 = tpu.vector_load %arg11[%swap3A_379] {strides = array<i32>} : memref<16384xf32, #tpu.memory_space<vmem>>, vector<16xf32>,
          tpu.vector_store %arg11[%swap3A_379], %gather3A_374 {strides = array<i32>} : memref<16384xf32, #tpu.memory_space<vmem>>, vector<16xf32>,
        }
        %scan3A_243 = arith.constant 128 : i32
        %mul3A_244 = arith.constant 32 : i32
        %mul3A_245 = arith.muli %add3A_216, %mul3A_244 : i32
        %add3A_246 = arith.addi %add3A, %mul3A_245 : i32
        %mul3A_247 = arith.constant 2048 : i32
        %mul3A_248 = arith.muli %add3A_246, %mul3A_247 : i32
        %mul3A_249 = arith.constant 8 : i32
        %mul3A_250 = arith.muli %mul3A_248, %mul3A_249 : i32
        %dma_start3A_251 = tpu.memref_slice %arg7[%mul3A_250] : memref<8000008xf32, #tpu.memory_space<hbm>> -> memref<16384xf32, #tpu.memory_space<hbm>>
        %dma_start3A_252 = tpu.memref_slice %arg7[%mul3A_250] : memref<8000008xf32, #tpu.memory_space<hbm>> -> memref<16384xf32, #tpu.memory_space<hbm>>
        tpu.enqueue_dma source(%arg11 : memref<16384xf32, #tpu.memory_space<vmem>>) target(%dma_start3A_252 : memref<16384xf32, #tpu.memory_space<hbm>>) target_semaphore(%arg17 : memref<!tpu.dma_semaphore, #tpu.memory_space<semaphore_mem>>)
      } else {
      }
    }
    %while3A_181 = arith.constant 1 : i32
    scf.for %while3A_197 = %while3A_179 to %while3A_175 step %while3A_181  : i32 {
      %mul3A_198 = arith.constant 2 : i32
      %mul3A_199 = arith.muli %mul3A_198, %while3A_197 : i32
      %add3A_200 = arith.constant 0 : i32
      %add3A_201 = arith.addi %mul3A_199, %add3A_200 : i32
      %lt3A = arith.cmpi slt, %add3A_201, %add3A_25 : i32
      %convert_element_type3A_202 = arith.extui %lt3A : i1 to i32
      %cond3A_203 = arith.constant 0 : i32
      %cond3A_204 = arith.cmpi ne, %convert_element_type3A_202, %cond3A_203 : i32
      scf.if %cond3A_204 {
        %mul3A_213 = arith.constant 2 : i32
        %mul3A_214 = arith.muli %mul3A_213, %while3A_197 : i32
        %add3A_215 = arith.constant 0 : i32
        %add3A_216 = arith.addi %mul3A_214, %add3A_215 : i32
        %mul3A_217 = arith.constant 32 : i32
        %mul3A_218 = arith.muli %add3A_216, %mul3A_217 : i32
        %add3A_219 = arith.addi %add3A, %mul3A_218 : i32
        %mul3A_220 = arith.constant 2048 : i32
        %mul3A_221 = arith.muli %add3A_219, %mul3A_220 : i32
        %dma_wait3A = arith.constant 0 : i32
        %dma_wait3A_222 = tpu.memref_slice %arg4[%dma_wait3A, %mul3A_221] : memref<8x1000001xf32, #tpu.memory_space<hbm>> -> memref<8x2048xf32, #tpu.memory_space<hbm>>
        %dma_wait3A_223 = arith.constant 0 : i32
        %dma_wait3A_224 = tpu.memref_slice %arg4[%dma_wait3A_223, %mul3A_221] : memref<8x1000001xf32, #tpu.memory_space<hbm>> -> memref<8x2048xf32, #tpu.memory_space<hbm>>
        tpu.wait_dma2 semaphore(%arg14 : memref<!tpu.dma_semaphore, #tpu.memory_space<semaphore_mem>>) src(%dma_wait3A_224 : memref<8x2048xf32, #tpu.memory_space<hbm>>) dst(%arg8 : memref<8x2048xf32, #tpu.memory_space<vmem>>)
        %add3A_225 = arith.constant 1 : i32
        %add3A_226 = arith.addi %add3A_216, %add3A_225 : i32
        %lt3A_227 = arith.cmpi slt, %add3A_226, %add3A_25 : i32
        %convert_element_type3A_228 = arith.extui %lt3A_227 : i1 to i32
        %cond3A_229 = arith.constant 0 : i32
        %cond3A_230 = arith.cmpi ne, %convert_element_type3A_228, %cond3A_229 : i32
        scf.if %cond3A_230 {
          %add3A_253 = arith.constant 1 : i32
          %add3A_254 = arith.addi %add3A_216, %add3A_253 : i32
          %mul3A_255 = arith.constant 32 : i32
          %mul3A_256 = arith.muli %add3A_254, %mul3A_255 : i32
          %add3A_257 = arith.addi %add3A, %mul3A_256 : i32
          %mul3A_258 = arith.constant 2048 : i32
          %mul3A_259 = arith.muli %add3A_257, %mul3A_258 : i32
          %dma_start3A_260 = arith.constant 0 : i32
          %dma_start3A_261 = tpu.memref_slice %arg4[%dma_start3A_260, %mul3A_259] : memref<8x1000001xf32, #tpu.memory_space<hbm>> -> memref<8x2048xf32, #tpu.memory_space<hbm>>
          %dma_start3A_262 = arith.constant 0 : i32
          %dma_start3A_263 = tpu.memref_slice %arg4[%dma_start3A_262, %mul3A_259] : memref<8x1000001xf32, #tpu.memory_space<hbm>> -> memref<8x2048xf32, #tpu.memory_space<hbm>>
          tpu.enqueue_dma source(%dma_start3A_263 : memref<8x2048xf32, #tpu.memory_space<hbm>>) target(%arg9 : memref<8x2048xf32, #tpu.memory_space<vmem>>) target_semaphore(%arg15 : memref<!tpu.dma_semaphore, #tpu.memory_space<semaphore_mem>>)
        } else {
        }
        %ge3A = arith.constant 2 : i32
        %ge3A_231 = arith.cmpi sge, %add3A_216, %ge3A : i32
        %convert_element_type3A_232 = arith.extui %ge3A_231 : i1 to i32
        %cond3A_233 = arith.constant 0 : i32
        %cond3A_234 = arith.cmpi ne, %convert_element_type3A_232, %cond3A_233 : i32
        scf.if %cond3A_234 {
          %sub3A_253 = arith.constant 2 : i32
          %sub3A_254 = arith.subi %add3A_216, %sub3A_253 : i32
          %mul3A_255 = arith.constant 32 : i32
          %mul3A_256 = arith.muli %sub3A_254, %mul3A_255 : i32
          %add3A_257 = arith.addi %add3A, %mul3A_256 : i32
          %mul3A_258 = arith.constant 2048 : i32
          %mul3A_259 = arith.muli %add3A_257, %mul3A_258 : i32
          %mul3A_260 = arith.constant 8 : i32
          %mul3A_261 = arith.muli %mul3A_259, %mul3A_260 : i32
          %dma_wait3A_262 = tpu.memref_slice %arg7[%mul3A_261] : memref<8000008xf32, #tpu.memory_space<hbm>> -> memref<16384xf32, #tpu.memory_space<hbm>>
          %dma_wait3A_263 = tpu.memref_slice %arg7[%mul3A_261] : memref<8000008xf32, #tpu.memory_space<hbm>> -> memref<16384xf32, #tpu.memory_space<hbm>>
          tpu.wait_dma2 semaphore(%arg16 : memref<!tpu.dma_semaphore, #tpu.memory_space<semaphore_mem>>) src(%arg10 : memref<16384xf32, #tpu.memory_space<vmem>>) dst(%dma_wait3A_263 : memref<16384xf32, #tpu.memory_space<hbm>>)
        } else {
        }
        %mul3A_235 = arith.constant 17 : i32
        %mul3A_236 = vector.broadcast %mul3A_235 : i32 to vector<16xi32>
        %mul3A_237 = arith.muli %and3A_4, %mul3A_236 : vector<16xi32>
        %add3A_238 = arith.addi %mul3A_237, %shift_right_arithmetic3A_2 : vector<16xi32>
        %scan3A = arith.constant 0 : i32
        %scan3A_239 = arith.constant 0 : i32
        %scan3A_240 = arith.constant 128 : i32
        %scan3A_241 = arith.addi %scan3A_239, %scan3A_240 : i32
        %scan3A_242 = arith.constant 1 : i32
        scf.for %scan3A_253 = %scan3A_239 to %scan3A_241 step %scan3A_242  : i32 {
          %mul3A_254 = arith.constant 16 : i32
          %mul3A_255 = arith.muli %scan3A_253, %mul3A_254 : i32
          %get3A = arith.constant 0 : i32
          %get3A_256 = arith.index_cast %get3A : i32 to index
          %get3A_257 = arith.index_cast %mul3A_255 : i32 to index
          %get3A_258 = tpu.vector_load %arg8[%get3A_256, %get3A_257] {strides = array<i32>} : memref<8x2048xf32, #tpu.memory_space<vmem>>, vector<16xf32>,
          %swap3A = arith.constant 0 : index
          %swap3A_259 = tpu.vector_load %arg13[%swap3A] {strides = array<i32>} : memref<136xf32, #tpu.memory_space<vmem>>, vector<16xf32>,
          tpu.vector_store %arg13[%swap3A], %get3A_258 {strides = array<i32>} : memref<136xf32, #tpu.memory_space<vmem>>, vector<16xf32>,
          %get3A_260 = arith.constant 1 : i32
          %get3A_261 = arith.index_cast %get3A_260 : i32 to index
          %get3A_262 = arith.index_cast %mul3A_255 : i32 to index
          %get3A_263 = tpu.vector_load %arg8[%get3A_261, %get3A_262] {strides = array<i32>} : memref<8x2048xf32, #tpu.memory_space<vmem>>, vector<16xf32>,
          %swap3A_264 = arith.constant 17 : index
          %swap3A_265 = tpu.vector_load %arg13[%swap3A_264] {strides = array<i32>} : memref<136xf32, #tpu.memory_space<vmem>>, vector<16xf32>,
          tpu.vector_store %arg13[%swap3A_264], %get3A_263 {strides = array<i32>} : memref<136xf32, #tpu.memory_space<vmem>>, vector<16xf32>,
          %get3A_266 = arith.constant 2 : i32
          %get3A_267 = arith.index_cast %get3A_266 : i32 to index
          %get3A_268 = arith.index_cast %mul3A_255 : i32 to index
          %get3A_269 = tpu.vector_load %arg8[%get3A_267, %get3A_268] {strides = array<i32>} : memref<8x2048xf32, #tpu.memory_space<vmem>>, vector<16xf32>,
          %swap3A_270 = arith.constant 34 : index
          %swap3A_271 = tpu.vector_load %arg13[%swap3A_270] {strides = array<i32>} : memref<136xf32, #tpu.memory_space<vmem>>, vector<16xf32>,
          tpu.vector_store %arg13[%swap3A_270], %get3A_269 {strides = array<i32>} : memref<136xf32, #tpu.memory_space<vmem>>, vector<16xf32>,
          %get3A_272 = arith.constant 3 : i32
          %get3A_273 = arith.index_cast %get3A_272 : i32 to index
          %get3A_274 = arith.index_cast %mul3A_255 : i32 to index
          %get3A_275 = tpu.vector_load %arg8[%get3A_273, %get3A_274] {strides = array<i32>} : memref<8x2048xf32, #tpu.memory_space<vmem>>, vector<16xf32>,
          %swap3A_276 = arith.constant 51 : index
          %swap3A_277 = tpu.vector_load %arg13[%swap3A_276] {strides = array<i32>} : memref<136xf32, #tpu.memory_space<vmem>>, vector<16xf32>,
          tpu.vector_store %arg13[%swap3A_276], %get3A_275 {strides = array<i32>} : memref<136xf32, #tpu.memory_space<vmem>>, vector<16xf32>,
          %get3A_278 = arith.constant 4 : i32
          %get3A_279 = arith.index_cast %get3A_278 : i32 to index
          %get3A_280 = arith.index_cast %mul3A_255 : i32 to index
          %get3A_281 = tpu.vector_load %arg8[%get3A_279, %get3A_280] {strides = array<i32>} : memref<8x2048xf32, #tpu.memory_space<vmem>>, vector<16xf32>,
          %swap3A_282 = arith.constant 68 : index
          %swap3A_283 = tpu.vector_load %arg13[%swap3A_282] {strides = array<i32>} : memref<136xf32, #tpu.memory_space<vmem>>, vector<16xf32>,
          tpu.vector_store %arg13[%swap3A_282], %get3A_281 {strides = array<i32>} : memref<136xf32, #tpu.memory_space<vmem>>, vector<16xf32>,
          %get3A_284 = arith.constant 5 : i32
          %get3A_285 = arith.index_cast %get3A_284 : i32 to index
          %get3A_286 = arith.index_cast %mul3A_255 : i32 to index
          %get3A_287 = tpu.vector_load %arg8[%get3A_285, %get3A_286] {strides = array<i32>} : memref<8x2048xf32, #tpu.memory_space<vmem>>, vector<16xf32>,
          %swap3A_288 = arith.constant 85 : index
          %swap3A_289 = tpu.vector_load %arg13[%swap3A_288] {strides = array<i32>} : memref<136xf32, #tpu.memory_space<vmem>>, vector<16xf32>,
          tpu.vector_store %arg13[%swap3A_288], %get3A_287 {strides = array<i32>} : memref<136xf32, #tpu.memory_space<vmem>>, vector<16xf32>,
          %get3A_290 = arith.constant 6 : i32
          %get3A_291 = arith.index_cast %get3A_290 : i32 to index
          %get3A_292 = arith.index_cast %mul3A_255 : i32 to index
          %get3A_293 = tpu.vector_load %arg8[%get3A_291, %get3A_292] {strides = array<i32>} : memref<8x2048xf32, #tpu.memory_space<vmem>>, vector<16xf32>,
          %swap3A_294 = arith.constant 102 : index
          %swap3A_295 = tpu.vector_load %arg13[%swap3A_294] {strides = array<i32>} : memref<136xf32, #tpu.memory_space<vmem>>, vector<16xf32>,
          tpu.vector_store %arg13[%swap3A_294], %get3A_293 {strides = array<i32>} : memref<136xf32, #tpu.memory_space<vmem>>, vector<16xf32>,
          %get3A_296 = arith.constant 7 : i32
          %get3A_297 = arith.index_cast %get3A_296 : i32 to index
          %get3A_298 = arith.index_cast %mul3A_255 : i32 to index
          %get3A_299 = tpu.vector_load %arg8[%get3A_297, %get3A_298] {strides = array<i32>} : memref<8x2048xf32, #tpu.memory_space<vmem>>, vector<16xf32>,
          %swap3A_300 = arith.constant 119 : index
          %swap3A_301 = tpu.vector_load %arg13[%swap3A_300] {strides = array<i32>} : memref<136xf32, #tpu.memory_space<vmem>>, vector<16xf32>,
          tpu.vector_store %arg13[%swap3A_300], %get3A_299 {strides = array<i32>} : memref<136xf32, #tpu.memory_space<vmem>>, vector<16xf32>,
          %add3A_302 = arith.constant 0 : i32
          %add3A_303 = vector.broadcast %add3A_302 : i32 to vector<16xi32>
          %add3A_304 = arith.addi %add3A_238, %add3A_303 : vector<16xi32>
          %gather3A = tpu.vector_load_idx %arg13[%add3A_304] : memref<136xf32, #tpu.memory_space<vmem>>[vector<16xi32>], vector<16xf32>,
          %mul3A_305 = arith.constant 8 : i32
          %mul3A_306 = arith.muli %mul3A_255, %mul3A_305 : i32
          %add3A_307 = arith.constant 0 : i32
          %add3A_308 = arith.addi %mul3A_306, %add3A_307 : i32
          %swap3A_309 = arith.index_cast %add3A_308 : i32 to index
          %swap3A_310 = tpu.vector_load %arg10[%swap3A_309] {strides = array<i32>} : memref<16384xf32, #tpu.memory_space<vmem>>, vector<16xf32>,
          tpu.vector_store %arg10[%swap3A_309], %gather3A {strides = array<i32>} : memref<16384xf32, #tpu.memory_space<vmem>>, vector<16xf32>,
          %add3A_311 = arith.constant 2 : i32
          %add3A_312 = vector.broadcast %add3A_311 : i32 to vector<16xi32>
          %add3A_313 = arith.addi %add3A_238, %add3A_312 : vector<16xi32>
          %gather3A_314 = tpu.vector_load_idx %arg13[%add3A_313] : memref<136xf32, #tpu.memory_space<vmem>>[vector<16xi32>], vector<16xf32>,
          %mul3A_315 = arith.constant 8 : i32
          %mul3A_316 = arith.muli %mul3A_255, %mul3A_315 : i32
          %add3A_317 = arith.constant 16 : i32
          %add3A_318 = arith.addi %mul3A_316, %add3A_317 : i32
          %swap3A_319 = arith.index_cast %add3A_318 : i32 to index
          %swap3A_320 = tpu.vector_load %arg10[%swap3A_319] {strides = array<i32>} : memref<16384xf32, #tpu.memory_space<vmem>>, vector<16xf32>,
          tpu.vector_store %arg10[%swap3A_319], %gather3A_314 {strides = array<i32>} : memref<16384xf32, #tpu.memory_space<vmem>>, vector<16xf32>,
          %add3A_321 = arith.constant 4 : i32
          %add3A_322 = vector.broadcast %add3A_321 : i32 to vector<16xi32>
          %add3A_323 = arith.addi %add3A_238, %add3A_322 : vector<16xi32>
          %gather3A_324 = tpu.vector_load_idx %arg13[%add3A_323] : memref<136xf32, #tpu.memory_space<vmem>>[vector<16xi32>], vector<16xf32>,
          %mul3A_325 = arith.constant 8 : i32
          %mul3A_326 = arith.muli %mul3A_255, %mul3A_325 : i32
          %add3A_327 = arith.constant 32 : i32
          %add3A_328 = arith.addi %mul3A_326, %add3A_327 : i32
          %swap3A_329 = arith.index_cast %add3A_328 : i32 to index
          %swap3A_330 = tpu.vector_load %arg10[%swap3A_329] {strides = array<i32>} : memref<16384xf32, #tpu.memory_space<vmem>>, vector<16xf32>,
          tpu.vector_store %arg10[%swap3A_329], %gather3A_324 {strides = array<i32>} : memref<16384xf32, #tpu.memory_space<vmem>>, vector<16xf32>,
          %add3A_331 = arith.constant 6 : i32
          %add3A_332 = vector.broadcast %add3A_331 : i32 to vector<16xi32>
          %add3A_333 = arith.addi %add3A_238, %add3A_332 : vector<16xi32>
          %gather3A_334 = tpu.vector_load_idx %arg13[%add3A_333] : memref<136xf32, #tpu.memory_space<vmem>>[vector<16xi32>], vector<16xf32>,
          %mul3A_335 = arith.constant 8 : i32
          %mul3A_336 = arith.muli %mul3A_255, %mul3A_335 : i32
          %add3A_337 = arith.constant 48 : i32
          %add3A_338 = arith.addi %mul3A_336, %add3A_337 : i32
          %swap3A_339 = arith.index_cast %add3A_338 : i32 to index
          %swap3A_340 = tpu.vector_load %arg10[%swap3A_339] {strides = array<i32>} : memref<16384xf32, #tpu.memory_space<vmem>>, vector<16xf32>,
          tpu.vector_store %arg10[%swap3A_339], %gather3A_334 {strides = array<i32>} : memref<16384xf32, #tpu.memory_space<vmem>>, vector<16xf32>,
          %add3A_341 = arith.constant 8 : i32
          %add3A_342 = vector.broadcast %add3A_341 : i32 to vector<16xi32>
          %add3A_343 = arith.addi %add3A_238, %add3A_342 : vector<16xi32>
          %gather3A_344 = tpu.vector_load_idx %arg13[%add3A_343] : memref<136xf32, #tpu.memory_space<vmem>>[vector<16xi32>], vector<16xf32>,
          %mul3A_345 = arith.constant 8 : i32
          %mul3A_346 = arith.muli %mul3A_255, %mul3A_345 : i32
          %add3A_347 = arith.constant 64 : i32
          %add3A_348 = arith.addi %mul3A_346, %add3A_347 : i32
          %swap3A_349 = arith.index_cast %add3A_348 : i32 to index
          %swap3A_350 = tpu.vector_load %arg10[%swap3A_349] {strides = array<i32>} : memref<16384xf32, #tpu.memory_space<vmem>>, vector<16xf32>,
          tpu.vector_store %arg10[%swap3A_349], %gather3A_344 {strides = array<i32>} : memref<16384xf32, #tpu.memory_space<vmem>>, vector<16xf32>,
          %add3A_351 = arith.constant 10 : i32
          %add3A_352 = vector.broadcast %add3A_351 : i32 to vector<16xi32>
          %add3A_353 = arith.addi %add3A_238, %add3A_352 : vector<16xi32>
          %gather3A_354 = tpu.vector_load_idx %arg13[%add3A_353] : memref<136xf32, #tpu.memory_space<vmem>>[vector<16xi32>], vector<16xf32>,
          %mul3A_355 = arith.constant 8 : i32
          %mul3A_356 = arith.muli %mul3A_255, %mul3A_355 : i32
          %add3A_357 = arith.constant 80 : i32
          %add3A_358 = arith.addi %mul3A_356, %add3A_357 : i32
          %swap3A_359 = arith.index_cast %add3A_358 : i32 to index
          %swap3A_360 = tpu.vector_load %arg10[%swap3A_359] {strides = array<i32>} : memref<16384xf32, #tpu.memory_space<vmem>>, vector<16xf32>,
          tpu.vector_store %arg10[%swap3A_359], %gather3A_354 {strides = array<i32>} : memref<16384xf32, #tpu.memory_space<vmem>>, vector<16xf32>,
          %add3A_361 = arith.constant 12 : i32
          %add3A_362 = vector.broadcast %add3A_361 : i32 to vector<16xi32>
          %add3A_363 = arith.addi %add3A_238, %add3A_362 : vector<16xi32>
          %gather3A_364 = tpu.vector_load_idx %arg13[%add3A_363] : memref<136xf32, #tpu.memory_space<vmem>>[vector<16xi32>], vector<16xf32>,
          %mul3A_365 = arith.constant 8 : i32
          %mul3A_366 = arith.muli %mul3A_255, %mul3A_365 : i32
          %add3A_367 = arith.constant 96 : i32
          %add3A_368 = arith.addi %mul3A_366, %add3A_367 : i32
          %swap3A_369 = arith.index_cast %add3A_368 : i32 to index
          %swap3A_370 = tpu.vector_load %arg10[%swap3A_369] {strides = array<i32>} : memref<16384xf32, #tpu.memory_space<vmem>>, vector<16xf32>,
          tpu.vector_store %arg10[%swap3A_369], %gather3A_364 {strides = array<i32>} : memref<16384xf32, #tpu.memory_space<vmem>>, vector<16xf32>,
          %add3A_371 = arith.constant 14 : i32
          %add3A_372 = vector.broadcast %add3A_371 : i32 to vector<16xi32>
          %add3A_373 = arith.addi %add3A_238, %add3A_372 : vector<16xi32>
          %gather3A_374 = tpu.vector_load_idx %arg13[%add3A_373] : memref<136xf32, #tpu.memory_space<vmem>>[vector<16xi32>], vector<16xf32>,
          %mul3A_375 = arith.constant 8 : i32
          %mul3A_376 = arith.muli %mul3A_255, %mul3A_375 : i32
          %add3A_377 = arith.constant 112 : i32
          %add3A_378 = arith.addi %mul3A_376, %add3A_377 : i32
          %swap3A_379 = arith.index_cast %add3A_378 : i32 to index
          %swap3A_380 = tpu.vector_load %arg10[%swap3A_379] {strides = array<i32>} : memref<16384xf32, #tpu.memory_space<vmem>>, vector<16xf32>,
          tpu.vector_store %arg10[%swap3A_379], %gather3A_374 {strides = array<i32>} : memref<16384xf32, #tpu.memory_space<vmem>>, vector<16xf32>,
        }
        %scan3A_243 = arith.constant 128 : i32
        %mul3A_244 = arith.constant 32 : i32
        %mul3A_245 = arith.muli %add3A_216, %mul3A_244 : i32
        %add3A_246 = arith.addi %add3A, %mul3A_245 : i32
        %mul3A_247 = arith.constant 2048 : i32
        %mul3A_248 = arith.muli %add3A_246, %mul3A_247 : i32
        %mul3A_249 = arith.constant 8 : i32
        %mul3A_250 = arith.muli %mul3A_248, %mul3A_249 : i32
        %dma_start3A_251 = tpu.memref_slice %arg7[%mul3A_250] : memref<8000008xf32, #tpu.memory_space<hbm>> -> memref<16384xf32, #tpu.memory_space<hbm>>
        %dma_start3A_252 = tpu.memref_slice %arg7[%mul3A_250] : memref<8000008xf32, #tpu.memory_space<hbm>> -> memref<16384xf32, #tpu.memory_space<hbm>>
        tpu.enqueue_dma source(%arg10 : memref<16384xf32, #tpu.memory_space<vmem>>) target(%dma_start3A_252 : memref<16384xf32, #tpu.memory_space<hbm>>) target_semaphore(%arg16 : memref<!tpu.dma_semaphore, #tpu.memory_space<semaphore_mem>>)
      } else {
      }
      %mul3A_205 = arith.constant 2 : i32
      %mul3A_206 = arith.muli %mul3A_205, %while3A_197 : i32
      %add3A_207 = arith.constant 1 : i32
      %add3A_208 = arith.addi %mul3A_206, %add3A_207 : i32
      %lt3A_209 = arith.cmpi slt, %add3A_208, %add3A_25 : i32
      %convert_element_type3A_210 = arith.extui %lt3A_209 : i1 to i32
      %cond3A_211 = arith.constant 0 : i32
      %cond3A_212 = arith.cmpi ne, %convert_element_type3A_210, %cond3A_211 : i32
      scf.if %cond3A_212 {
        %mul3A_213 = arith.constant 2 : i32
        %mul3A_214 = arith.muli %mul3A_213, %while3A_197 : i32
        %add3A_215 = arith.constant 1 : i32
        %add3A_216 = arith.addi %mul3A_214, %add3A_215 : i32
        %mul3A_217 = arith.constant 32 : i32
        %mul3A_218 = arith.muli %add3A_216, %mul3A_217 : i32
        %add3A_219 = arith.addi %add3A, %mul3A_218 : i32
        %mul3A_220 = arith.constant 2048 : i32
        %mul3A_221 = arith.muli %add3A_219, %mul3A_220 : i32
        %dma_wait3A = arith.constant 0 : i32
        %dma_wait3A_222 = tpu.memref_slice %arg4[%dma_wait3A, %mul3A_221] : memref<8x1000001xf32, #tpu.memory_space<hbm>> -> memref<8x2048xf32, #tpu.memory_space<hbm>>
        %dma_wait3A_223 = arith.constant 0 : i32
        %dma_wait3A_224 = tpu.memref_slice %arg4[%dma_wait3A_223, %mul3A_221] : memref<8x1000001xf32, #tpu.memory_space<hbm>> -> memref<8x2048xf32, #tpu.memory_space<hbm>>
        tpu.wait_dma2 semaphore(%arg15 : memref<!tpu.dma_semaphore, #tpu.memory_space<semaphore_mem>>) src(%dma_wait3A_224 : memref<8x2048xf32, #tpu.memory_space<hbm>>) dst(%arg9 : memref<8x2048xf32, #tpu.memory_space<vmem>>)
        %add3A_225 = arith.constant 1 : i32
        %add3A_226 = arith.addi %add3A_216, %add3A_225 : i32
        %lt3A_227 = arith.cmpi slt, %add3A_226, %add3A_25 : i32
        %convert_element_type3A_228 = arith.extui %lt3A_227 : i1 to i32
        %cond3A_229 = arith.constant 0 : i32
        %cond3A_230 = arith.cmpi ne, %convert_element_type3A_228, %cond3A_229 : i32
        scf.if %cond3A_230 {
          %add3A_253 = arith.constant 1 : i32
          %add3A_254 = arith.addi %add3A_216, %add3A_253 : i32
          %mul3A_255 = arith.constant 32 : i32
          %mul3A_256 = arith.muli %add3A_254, %mul3A_255 : i32
          %add3A_257 = arith.addi %add3A, %mul3A_256 : i32
          %mul3A_258 = arith.constant 2048 : i32
          %mul3A_259 = arith.muli %add3A_257, %mul3A_258 : i32
          %dma_start3A_260 = arith.constant 0 : i32
          %dma_start3A_261 = tpu.memref_slice %arg4[%dma_start3A_260, %mul3A_259] : memref<8x1000001xf32, #tpu.memory_space<hbm>> -> memref<8x2048xf32, #tpu.memory_space<hbm>>
          %dma_start3A_262 = arith.constant 0 : i32
          %dma_start3A_263 = tpu.memref_slice %arg4[%dma_start3A_262, %mul3A_259] : memref<8x1000001xf32, #tpu.memory_space<hbm>> -> memref<8x2048xf32, #tpu.memory_space<hbm>>
          tpu.enqueue_dma source(%dma_start3A_263 : memref<8x2048xf32, #tpu.memory_space<hbm>>) target(%arg8 : memref<8x2048xf32, #tpu.memory_space<vmem>>) target_semaphore(%arg14 : memref<!tpu.dma_semaphore, #tpu.memory_space<semaphore_mem>>)
        } else {
        }
        %ge3A = arith.constant 2 : i32
        %ge3A_231 = arith.cmpi sge, %add3A_216, %ge3A : i32
        %convert_element_type3A_232 = arith.extui %ge3A_231 : i1 to i32
        %cond3A_233 = arith.constant 0 : i32
        %cond3A_234 = arith.cmpi ne, %convert_element_type3A_232, %cond3A_233 : i32
        scf.if %cond3A_234 {
          %sub3A_253 = arith.constant 2 : i32
          %sub3A_254 = arith.subi %add3A_216, %sub3A_253 : i32
          %mul3A_255 = arith.constant 32 : i32
          %mul3A_256 = arith.muli %sub3A_254, %mul3A_255 : i32
          %add3A_257 = arith.addi %add3A, %mul3A_256 : i32
          %mul3A_258 = arith.constant 2048 : i32
          %mul3A_259 = arith.muli %add3A_257, %mul3A_258 : i32
          %mul3A_260 = arith.constant 8 : i32
          %mul3A_261 = arith.muli %mul3A_259, %mul3A_260 : i32
          %dma_wait3A_262 = tpu.memref_slice %arg7[%mul3A_261] : memref<8000008xf32, #tpu.memory_space<hbm>> -> memref<16384xf32, #tpu.memory_space<hbm>>
          %dma_wait3A_263 = tpu.memref_slice %arg7[%mul3A_261] : memref<8000008xf32, #tpu.memory_space<hbm>> -> memref<16384xf32, #tpu.memory_space<hbm>>
          tpu.wait_dma2 semaphore(%arg17 : memref<!tpu.dma_semaphore, #tpu.memory_space<semaphore_mem>>) src(%arg11 : memref<16384xf32, #tpu.memory_space<vmem>>) dst(%dma_wait3A_263 : memref<16384xf32, #tpu.memory_space<hbm>>)
        } else {
        }
        %mul3A_235 = arith.constant 17 : i32
        %mul3A_236 = vector.broadcast %mul3A_235 : i32 to vector<16xi32>
        %mul3A_237 = arith.muli %and3A_4, %mul3A_236 : vector<16xi32>
        %add3A_238 = arith.addi %mul3A_237, %shift_right_arithmetic3A_2 : vector<16xi32>
        %scan3A = arith.constant 0 : i32
        %scan3A_239 = arith.constant 0 : i32
        %scan3A_240 = arith.constant 128 : i32
        %scan3A_241 = arith.addi %scan3A_239, %scan3A_240 : i32
        %scan3A_242 = arith.constant 1 : i32
        scf.for %scan3A_253 = %scan3A_239 to %scan3A_241 step %scan3A_242  : i32 {
          %mul3A_254 = arith.constant 16 : i32
          %mul3A_255 = arith.muli %scan3A_253, %mul3A_254 : i32
          %get3A = arith.constant 0 : i32
          %get3A_256 = arith.index_cast %get3A : i32 to index
          %get3A_257 = arith.index_cast %mul3A_255 : i32 to index
          %get3A_258 = tpu.vector_load %arg9[%get3A_256, %get3A_257] {strides = array<i32>} : memref<8x2048xf32, #tpu.memory_space<vmem>>, vector<16xf32>,
          %swap3A = arith.constant 0 : index
          %swap3A_259 = tpu.vector_load %arg13[%swap3A] {strides = array<i32>} : memref<136xf32, #tpu.memory_space<vmem>>, vector<16xf32>,
          tpu.vector_store %arg13[%swap3A], %get3A_258 {strides = array<i32>} : memref<136xf32, #tpu.memory_space<vmem>>, vector<16xf32>,
          %get3A_260 = arith.constant 1 : i32
          %get3A_261 = arith.index_cast %get3A_260 : i32 to index
          %get3A_262 = arith.index_cast %mul3A_255 : i32 to index
          %get3A_263 = tpu.vector_load %arg9[%get3A_261, %get3A_262] {strides = array<i32>} : memref<8x2048xf32, #tpu.memory_space<vmem>>, vector<16xf32>,
          %swap3A_264 = arith.constant 17 : index
          %swap3A_265 = tpu.vector_load %arg13[%swap3A_264] {strides = array<i32>} : memref<136xf32, #tpu.memory_space<vmem>>, vector<16xf32>,
          tpu.vector_store %arg13[%swap3A_264], %get3A_263 {strides = array<i32>} : memref<136xf32, #tpu.memory_space<vmem>>, vector<16xf32>,
          %get3A_266 = arith.constant 2 : i32
          %get3A_267 = arith.index_cast %get3A_266 : i32 to index
          %get3A_268 = arith.index_cast %mul3A_255 : i32 to index
          %get3A_269 = tpu.vector_load %arg9[%get3A_267, %get3A_268] {strides = array<i32>} : memref<8x2048xf32, #tpu.memory_space<vmem>>, vector<16xf32>,
          %swap3A_270 = arith.constant 34 : index
          %swap3A_271 = tpu.vector_load %arg13[%swap3A_270] {strides = array<i32>} : memref<136xf32, #tpu.memory_space<vmem>>, vector<16xf32>,
          tpu.vector_store %arg13[%swap3A_270], %get3A_269 {strides = array<i32>} : memref<136xf32, #tpu.memory_space<vmem>>, vector<16xf32>,
          %get3A_272 = arith.constant 3 : i32
          %get3A_273 = arith.index_cast %get3A_272 : i32 to index
          %get3A_274 = arith.index_cast %mul3A_255 : i32 to index
          %get3A_275 = tpu.vector_load %arg9[%get3A_273, %get3A_274] {strides = array<i32>} : memref<8x2048xf32, #tpu.memory_space<vmem>>, vector<16xf32>,
          %swap3A_276 = arith.constant 51 : index
          %swap3A_277 = tpu.vector_load %arg13[%swap3A_276] {strides = array<i32>} : memref<136xf32, #tpu.memory_space<vmem>>, vector<16xf32>,
          tpu.vector_store %arg13[%swap3A_276], %get3A_275 {strides = array<i32>} : memref<136xf32, #tpu.memory_space<vmem>>, vector<16xf32>,
          %get3A_278 = arith.constant 4 : i32
          %get3A_279 = arith.index_cast %get3A_278 : i32 to index
          %get3A_280 = arith.index_cast %mul3A_255 : i32 to index
          %get3A_281 = tpu.vector_load %arg9[%get3A_279, %get3A_280] {strides = array<i32>} : memref<8x2048xf32, #tpu.memory_space<vmem>>, vector<16xf32>,
          %swap3A_282 = arith.constant 68 : index
          %swap3A_283 = tpu.vector_load %arg13[%swap3A_282] {strides = array<i32>} : memref<136xf32, #tpu.memory_space<vmem>>, vector<16xf32>,
          tpu.vector_store %arg13[%swap3A_282], %get3A_281 {strides = array<i32>} : memref<136xf32, #tpu.memory_space<vmem>>, vector<16xf32>,
          %get3A_284 = arith.constant 5 : i32
          %get3A_285 = arith.index_cast %get3A_284 : i32 to index
          %get3A_286 = arith.index_cast %mul3A_255 : i32 to index
          %get3A_287 = tpu.vector_load %arg9[%get3A_285, %get3A_286] {strides = array<i32>} : memref<8x2048xf32, #tpu.memory_space<vmem>>, vector<16xf32>,
          %swap3A_288 = arith.constant 85 : index
          %swap3A_289 = tpu.vector_load %arg13[%swap3A_288] {strides = array<i32>} : memref<136xf32, #tpu.memory_space<vmem>>, vector<16xf32>,
          tpu.vector_store %arg13[%swap3A_288], %get3A_287 {strides = array<i32>} : memref<136xf32, #tpu.memory_space<vmem>>, vector<16xf32>,
          %get3A_290 = arith.constant 6 : i32
          %get3A_291 = arith.index_cast %get3A_290 : i32 to index
          %get3A_292 = arith.index_cast %mul3A_255 : i32 to index
          %get3A_293 = tpu.vector_load %arg9[%get3A_291, %get3A_292] {strides = array<i32>} : memref<8x2048xf32, #tpu.memory_space<vmem>>, vector<16xf32>,
          %swap3A_294 = arith.constant 102 : index
          %swap3A_295 = tpu.vector_load %arg13[%swap3A_294] {strides = array<i32>} : memref<136xf32, #tpu.memory_space<vmem>>, vector<16xf32>,
          tpu.vector_store %arg13[%swap3A_294], %get3A_293 {strides = array<i32>} : memref<136xf32, #tpu.memory_space<vmem>>, vector<16xf32>,
          %get3A_296 = arith.constant 7 : i32
          %get3A_297 = arith.index_cast %get3A_296 : i32 to index
          %get3A_298 = arith.index_cast %mul3A_255 : i32 to index
          %get3A_299 = tpu.vector_load %arg9[%get3A_297, %get3A_298] {strides = array<i32>} : memref<8x2048xf32, #tpu.memory_space<vmem>>, vector<16xf32>,
          %swap3A_300 = arith.constant 119 : index
          %swap3A_301 = tpu.vector_load %arg13[%swap3A_300] {strides = array<i32>} : memref<136xf32, #tpu.memory_space<vmem>>, vector<16xf32>,
          tpu.vector_store %arg13[%swap3A_300], %get3A_299 {strides = array<i32>} : memref<136xf32, #tpu.memory_space<vmem>>, vector<16xf32>,
          %add3A_302 = arith.constant 0 : i32
          %add3A_303 = vector.broadcast %add3A_302 : i32 to vector<16xi32>
          %add3A_304 = arith.addi %add3A_238, %add3A_303 : vector<16xi32>
          %gather3A = tpu.vector_load_idx %arg13[%add3A_304] : memref<136xf32, #tpu.memory_space<vmem>>[vector<16xi32>], vector<16xf32>,
          %mul3A_305 = arith.constant 8 : i32
          %mul3A_306 = arith.muli %mul3A_255, %mul3A_305 : i32
          %add3A_307 = arith.constant 0 : i32
          %add3A_308 = arith.addi %mul3A_306, %add3A_307 : i32
          %swap3A_309 = arith.index_cast %add3A_308 : i32 to index
          %swap3A_310 = tpu.vector_load %arg11[%swap3A_309] {strides = array<i32>} : memref<16384xf32, #tpu.memory_space<vmem>>, vector<16xf32>,
          tpu.vector_store %arg11[%swap3A_309], %gather3A {strides = array<i32>} : memref<16384xf32, #tpu.memory_space<vmem>>, vector<16xf32>,
          %add3A_311 = arith.constant 2 : i32
          %add3A_312 = vector.broadcast %add3A_311 : i32 to vector<16xi32>
          %add3A_313 = arith.addi %add3A_238, %add3A_312 : vector<16xi32>
          %gather3A_314 = tpu.vector_load_idx %arg13[%add3A_313] : memref<136xf32, #tpu.memory_space<vmem>>[vector<16xi32>], vector<16xf32>,
          %mul3A_315 = arith.constant 8 : i32
          %mul3A_316 = arith.muli %mul3A_255, %mul3A_315 : i32
          %add3A_317 = arith.constant 16 : i32
          %add3A_318 = arith.addi %mul3A_316, %add3A_317 : i32
          %swap3A_319 = arith.index_cast %add3A_318 : i32 to index
          %swap3A_320 = tpu.vector_load %arg11[%swap3A_319] {strides = array<i32>} : memref<16384xf32, #tpu.memory_space<vmem>>, vector<16xf32>,
          tpu.vector_store %arg11[%swap3A_319], %gather3A_314 {strides = array<i32>} : memref<16384xf32, #tpu.memory_space<vmem>>, vector<16xf32>,
          %add3A_321 = arith.constant 4 : i32
          %add3A_322 = vector.broadcast %add3A_321 : i32 to vector<16xi32>
          %add3A_323 = arith.addi %add3A_238, %add3A_322 : vector<16xi32>
          %gather3A_324 = tpu.vector_load_idx %arg13[%add3A_323] : memref<136xf32, #tpu.memory_space<vmem>>[vector<16xi32>], vector<16xf32>,
          %mul3A_325 = arith.constant 8 : i32
          %mul3A_326 = arith.muli %mul3A_255, %mul3A_325 : i32
          %add3A_327 = arith.constant 32 : i32
          %add3A_328 = arith.addi %mul3A_326, %add3A_327 : i32
          %swap3A_329 = arith.index_cast %add3A_328 : i32 to index
          %swap3A_330 = tpu.vector_load %arg11[%swap3A_329] {strides = array<i32>} : memref<16384xf32, #tpu.memory_space<vmem>>, vector<16xf32>,
          tpu.vector_store %arg11[%swap3A_329], %gather3A_324 {strides = array<i32>} : memref<16384xf32, #tpu.memory_space<vmem>>, vector<16xf32>,
          %add3A_331 = arith.constant 6 : i32
          %add3A_332 = vector.broadcast %add3A_331 : i32 to vector<16xi32>
          %add3A_333 = arith.addi %add3A_238, %add3A_332 : vector<16xi32>
          %gather3A_334 = tpu.vector_load_idx %arg13[%add3A_333] : memref<136xf32, #tpu.memory_space<vmem>>[vector<16xi32>], vector<16xf32>,
          %mul3A_335 = arith.constant 8 : i32
          %mul3A_336 = arith.muli %mul3A_255, %mul3A_335 : i32
          %add3A_337 = arith.constant 48 : i32
          %add3A_338 = arith.addi %mul3A_336, %add3A_337 : i32
          %swap3A_339 = arith.index_cast %add3A_338 : i32 to index
          %swap3A_340 = tpu.vector_load %arg11[%swap3A_339] {strides = array<i32>} : memref<16384xf32, #tpu.memory_space<vmem>>, vector<16xf32>,
          tpu.vector_store %arg11[%swap3A_339], %gather3A_334 {strides = array<i32>} : memref<16384xf32, #tpu.memory_space<vmem>>, vector<16xf32>,
          %add3A_341 = arith.constant 8 : i32
          %add3A_342 = vector.broadcast %add3A_341 : i32 to vector<16xi32>
          %add3A_343 = arith.addi %add3A_238, %add3A_342 : vector<16xi32>
          %gather3A_344 = tpu.vector_load_idx %arg13[%add3A_343] : memref<136xf32, #tpu.memory_space<vmem>>[vector<16xi32>], vector<16xf32>,
          %mul3A_345 = arith.constant 8 : i32
          %mul3A_346 = arith.muli %mul3A_255, %mul3A_345 : i32
          %add3A_347 = arith.constant 64 : i32
          %add3A_348 = arith.addi %mul3A_346, %add3A_347 : i32
          %swap3A_349 = arith.index_cast %add3A_348 : i32 to index
          %swap3A_350 = tpu.vector_load %arg11[%swap3A_349] {strides = array<i32>} : memref<16384xf32, #tpu.memory_space<vmem>>, vector<16xf32>,
          tpu.vector_store %arg11[%swap3A_349], %gather3A_344 {strides = array<i32>} : memref<16384xf32, #tpu.memory_space<vmem>>, vector<16xf32>,
          %add3A_351 = arith.constant 10 : i32
          %add3A_352 = vector.broadcast %add3A_351 : i32 to vector<16xi32>
          %add3A_353 = arith.addi %add3A_238, %add3A_352 : vector<16xi32>
          %gather3A_354 = tpu.vector_load_idx %arg13[%add3A_353] : memref<136xf32, #tpu.memory_space<vmem>>[vector<16xi32>], vector<16xf32>,
          %mul3A_355 = arith.constant 8 : i32
          %mul3A_356 = arith.muli %mul3A_255, %mul3A_355 : i32
          %add3A_357 = arith.constant 80 : i32
          %add3A_358 = arith.addi %mul3A_356, %add3A_357 : i32
          %swap3A_359 = arith.index_cast %add3A_358 : i32 to index
          %swap3A_360 = tpu.vector_load %arg11[%swap3A_359] {strides = array<i32>} : memref<16384xf32, #tpu.memory_space<vmem>>, vector<16xf32>,
          tpu.vector_store %arg11[%swap3A_359], %gather3A_354 {strides = array<i32>} : memref<16384xf32, #tpu.memory_space<vmem>>, vector<16xf32>,
          %add3A_361 = arith.constant 12 : i32
          %add3A_362 = vector.broadcast %add3A_361 : i32 to vector<16xi32>
          %add3A_363 = arith.addi %add3A_238, %add3A_362 : vector<16xi32>
          %gather3A_364 = tpu.vector_load_idx %arg13[%add3A_363] : memref<136xf32, #tpu.memory_space<vmem>>[vector<16xi32>], vector<16xf32>,
          %mul3A_365 = arith.constant 8 : i32
          %mul3A_366 = arith.muli %mul3A_255, %mul3A_365 : i32
          %add3A_367 = arith.constant 96 : i32
          %add3A_368 = arith.addi %mul3A_366, %add3A_367 : i32
          %swap3A_369 = arith.index_cast %add3A_368 : i32 to index
          %swap3A_370 = tpu.vector_load %arg11[%swap3A_369] {strides = array<i32>} : memref<16384xf32, #tpu.memory_space<vmem>>, vector<16xf32>,
          tpu.vector_store %arg11[%swap3A_369], %gather3A_364 {strides = array<i32>} : memref<16384xf32, #tpu.memory_space<vmem>>, vector<16xf32>,
          %add3A_371 = arith.constant 14 : i32
          %add3A_372 = vector.broadcast %add3A_371 : i32 to vector<16xi32>
          %add3A_373 = arith.addi %add3A_238, %add3A_372 : vector<16xi32>
          %gather3A_374 = tpu.vector_load_idx %arg13[%add3A_373] : memref<136xf32, #tpu.memory_space<vmem>>[vector<16xi32>], vector<16xf32>,
          %mul3A_375 = arith.constant 8 : i32
          %mul3A_376 = arith.muli %mul3A_255, %mul3A_375 : i32
          %add3A_377 = arith.constant 112 : i32
          %add3A_378 = arith.addi %mul3A_376, %add3A_377 : i32
          %swap3A_379 = arith.index_cast %add3A_378 : i32 to index
          %swap3A_380 = tpu.vector_load %arg11[%swap3A_379] {strides = array<i32>} : memref<16384xf32, #tpu.memory_space<vmem>>, vector<16xf32>,
          tpu.vector_store %arg11[%swap3A_379], %gather3A_374 {strides = array<i32>} : memref<16384xf32, #tpu.memory_space<vmem>>, vector<16xf32>,
        }
        %scan3A_243 = arith.constant 128 : i32
        %mul3A_244 = arith.constant 32 : i32
        %mul3A_245 = arith.muli %add3A_216, %mul3A_244 : i32
        %add3A_246 = arith.addi %add3A, %mul3A_245 : i32
        %mul3A_247 = arith.constant 2048 : i32
        %mul3A_248 = arith.muli %add3A_246, %mul3A_247 : i32
        %mul3A_249 = arith.constant 8 : i32
        %mul3A_250 = arith.muli %mul3A_248, %mul3A_249 : i32
        %dma_start3A_251 = tpu.memref_slice %arg7[%mul3A_250] : memref<8000008xf32, #tpu.memory_space<hbm>> -> memref<16384xf32, #tpu.memory_space<hbm>>
        %dma_start3A_252 = tpu.memref_slice %arg7[%mul3A_250] : memref<8000008xf32, #tpu.memory_space<hbm>> -> memref<16384xf32, #tpu.memory_space<hbm>>
        tpu.enqueue_dma source(%arg11 : memref<16384xf32, #tpu.memory_space<vmem>>) target(%dma_start3A_252 : memref<16384xf32, #tpu.memory_space<hbm>>) target_semaphore(%arg17 : memref<!tpu.dma_semaphore, #tpu.memory_space<semaphore_mem>>)
      } else {
      }
    }
    %gt3A_182 = arith.constant 0 : i32
    %gt3A_183 = arith.cmpi sgt, %add3A_25, %gt3A_182 : i32
    %convert_element_type3A_184 = arith.extui %gt3A_183 : i1 to i32
    %cond3A_185 = arith.constant 0 : i32
    %cond3A_186 = arith.cmpi ne, %convert_element_type3A_184, %cond3A_185 : i32
    scf.if %cond3A_186 {
      %sub3A_197 = arith.constant 1 : i32
      %sub3A_198 = arith.subi %add3A_25, %sub3A_197 : i32
      %sub3A_199 = arith.constant 0 : i32
      %sub3A_200 = arith.subi %sub3A_198, %sub3A_199 : i32
      %jit3A_201 = arith.constant 2 : i32
      %div3A_202 = arith.divsi %sub3A_200, %jit3A_201 : i32
      %sign3A_203 = arith.constant 0 : i32
      %sign3A_204 = arith.cmpi sgt, %sub3A_200, %sign3A_203 : i32
      %sign3A_205 = arith.extui %sign3A_204 : i1 to i32
      %sign3A_206 = arith.constant 0 : i32
      %sign3A_207 = arith.cmpi slt, %sub3A_200, %sign3A_206 : i32
      %sign3A_208 = arith.extui %sign3A_207 : i1 to i32
      %sign3A_209 = arith.subi %sign3A_205, %sign3A_208 : i32
      %sign3A_210 = arith.constant 0 : i32
      %sign3A_211 = arith.cmpi sgt, %jit3A_201, %sign3A_210 : i32
      %sign3A_212 = arith.extui %sign3A_211 : i1 to i32
      %sign3A_213 = arith.constant 0 : i32
      %sign3A_214 = arith.cmpi slt, %jit3A_201, %sign3A_213 : i32
      %sign3A_215 = arith.extui %sign3A_214 : i1 to i32
      %sign3A_216 = arith.subi %sign3A_212, %sign3A_215 : i32
      %ne3A_217 = arith.cmpi ne, %sign3A_209, %sign3A_216 : i32
      %rem3A_218 = arith.remsi %sub3A_200, %jit3A_201 : i32
      %ne3A_219 = arith.constant 0 : i32
      %ne3A_220 = arith.cmpi ne, %rem3A_218, %ne3A_219 : i32
      %and3A_221 = arith.andi %ne3A_217, %ne3A_220 : i1
      %sub3A_222 = arith.constant 1 : i32
      %sub3A_223 = arith.subi %div3A_202, %sub3A_222 : i32
      %select_n3A_224 = arith.select %and3A_221, %sub3A_223, %div3A_202 : i32
      %mul3A_225 = arith.constant 2 : i32
      %mul3A_226 = arith.muli %select_n3A_224, %mul3A_225 : i32
      %add3A_227 = arith.constant 0 : i32
      %add3A_228 = arith.addi %mul3A_226, %add3A_227 : i32
      %mul3A_229 = arith.constant 32 : i32
      %mul3A_230 = arith.muli %add3A_228, %mul3A_229 : i32
      %add3A_231 = arith.addi %add3A, %mul3A_230 : i32
      %mul3A_232 = arith.constant 2048 : i32
      %mul3A_233 = arith.muli %add3A_231, %mul3A_232 : i32
      %mul3A_234 = arith.constant 8 : i32
      %mul3A_235 = arith.muli %mul3A_233, %mul3A_234 : i32
      %dma_wait3A = tpu.memref_slice %arg7[%mul3A_235] : memref<8000008xf32, #tpu.memory_space<hbm>> -> memref<16384xf32, #tpu.memory_space<hbm>>
      %dma_wait3A_236 = tpu.memref_slice %arg7[%mul3A_235] : memref<8000008xf32, #tpu.memory_space<hbm>> -> memref<16384xf32, #tpu.memory_space<hbm>>
      tpu.wait_dma2 semaphore(%arg16 : memref<!tpu.dma_semaphore, #tpu.memory_space<semaphore_mem>>) src(%arg10 : memref<16384xf32, #tpu.memory_space<vmem>>) dst(%dma_wait3A_236 : memref<16384xf32, #tpu.memory_space<hbm>>)
    } else {
    }
    %gt3A_187 = arith.constant 1 : i32
    %gt3A_188 = arith.cmpi sgt, %add3A_25, %gt3A_187 : i32
    %convert_element_type3A_189 = arith.extui %gt3A_188 : i1 to i32
    %cond3A_190 = arith.constant 0 : i32
    %cond3A_191 = arith.cmpi ne, %convert_element_type3A_189, %cond3A_190 : i32
    scf.if %cond3A_191 {
      %sub3A_197 = arith.constant 1 : i32
      %sub3A_198 = arith.subi %add3A_25, %sub3A_197 : i32
      %sub3A_199 = arith.constant 1 : i32
      %sub3A_200 = arith.subi %sub3A_198, %sub3A_199 : i32
      %jit3A_201 = arith.constant 2 : i32
      %div3A_202 = arith.divsi %sub3A_200, %jit3A_201 : i32
      %sign3A_203 = arith.constant 0 : i32
      %sign3A_204 = arith.cmpi sgt, %sub3A_200, %sign3A_203 : i32
      %sign3A_205 = arith.extui %sign3A_204 : i1 to i32
      %sign3A_206 = arith.constant 0 : i32
      %sign3A_207 = arith.cmpi slt, %sub3A_200, %sign3A_206 : i32
      %sign3A_208 = arith.extui %sign3A_207 : i1 to i32
      %sign3A_209 = arith.subi %sign3A_205, %sign3A_208 : i32
      %sign3A_210 = arith.constant 0 : i32
      %sign3A_211 = arith.cmpi sgt, %jit3A_201, %sign3A_210 : i32
      %sign3A_212 = arith.extui %sign3A_211 : i1 to i32
      %sign3A_213 = arith.constant 0 : i32
      %sign3A_214 = arith.cmpi slt, %jit3A_201, %sign3A_213 : i32
      %sign3A_215 = arith.extui %sign3A_214 : i1 to i32
      %sign3A_216 = arith.subi %sign3A_212, %sign3A_215 : i32
      %ne3A_217 = arith.cmpi ne, %sign3A_209, %sign3A_216 : i32
      %rem3A_218 = arith.remsi %sub3A_200, %jit3A_201 : i32
      %ne3A_219 = arith.constant 0 : i32
      %ne3A_220 = arith.cmpi ne, %rem3A_218, %ne3A_219 : i32
      %and3A_221 = arith.andi %ne3A_217, %ne3A_220 : i1
      %sub3A_222 = arith.constant 1 : i32
      %sub3A_223 = arith.subi %div3A_202, %sub3A_222 : i32
      %select_n3A_224 = arith.select %and3A_221, %sub3A_223, %div3A_202 : i32
      %mul3A_225 = arith.constant 2 : i32
      %mul3A_226 = arith.muli %select_n3A_224, %mul3A_225 : i32
      %add3A_227 = arith.constant 1 : i32
      %add3A_228 = arith.addi %mul3A_226, %add3A_227 : i32
      %mul3A_229 = arith.constant 32 : i32
      %mul3A_230 = arith.muli %add3A_228, %mul3A_229 : i32
      %add3A_231 = arith.addi %add3A, %mul3A_230 : i32
      %mul3A_232 = arith.constant 2048 : i32
      %mul3A_233 = arith.muli %add3A_231, %mul3A_232 : i32
      %mul3A_234 = arith.constant 8 : i32
      %mul3A_235 = arith.muli %mul3A_233, %mul3A_234 : i32
      %dma_wait3A = tpu.memref_slice %arg7[%mul3A_235] : memref<8000008xf32, #tpu.memory_space<hbm>> -> memref<16384xf32, #tpu.memory_space<hbm>>
      %dma_wait3A_236 = tpu.memref_slice %arg7[%mul3A_235] : memref<8000008xf32, #tpu.memory_space<hbm>> -> memref<16384xf32, #tpu.memory_space<hbm>>
      tpu.wait_dma2 semaphore(%arg17 : memref<!tpu.dma_semaphore, #tpu.memory_space<semaphore_mem>>) src(%arg11 : memref<16384xf32, #tpu.memory_space<vmem>>) dst(%dma_wait3A_236 : memref<16384xf32, #tpu.memory_space<hbm>>)
    } else {
    }
    %eq3A_192 = arith.constant 31 : i32
    %eq3A_193 = arith.cmpi eq, %add3A, %eq3A_192 : i32
    %convert_element_type3A_194 = arith.extui %eq3A_193 : i1 to i32
    %cond3A_195 = arith.constant 0 : i32
    %cond3A_196 = arith.cmpi ne, %convert_element_type3A_194, %cond3A_195 : i32
    scf.if %cond3A_196 {
      %dma_start3A_197 = arith.constant 0 : i32
      %dma_start3A_198 = arith.constant 999424 : i32
      %dma_start3A_199 = tpu.memref_slice %arg4[%dma_start3A_197, %dma_start3A_198] : memref<8x1000001xf32, #tpu.memory_space<hbm>> -> memref<8x577xf32, #tpu.memory_space<hbm>>
      %dma_start3A_200 = arith.constant 0 : i32
      %dma_start3A_201 = arith.constant 999424 : i32
      %dma_start3A_202 = tpu.memref_slice %arg4[%dma_start3A_200, %dma_start3A_201] : memref<8x1000001xf32, #tpu.memory_space<hbm>> -> memref<8x577xf32, #tpu.memory_space<hbm>>
      tpu.enqueue_dma source(%dma_start3A_202 : memref<8x577xf32, #tpu.memory_space<hbm>>) target(%arg12 : memref<8x577xf32, #tpu.memory_space<vmem>>) target_semaphore(%arg14 : memref<!tpu.dma_semaphore, #tpu.memory_space<semaphore_mem>>)
      %dma_wait3A = arith.constant 0 : i32
      %dma_wait3A_203 = arith.constant 999424 : i32
      %dma_wait3A_204 = tpu.memref_slice %arg4[%dma_wait3A, %dma_wait3A_203] : memref<8x1000001xf32, #tpu.memory_space<hbm>> -> memref<8x577xf32, #tpu.memory_space<hbm>>
      %dma_wait3A_205 = arith.constant 0 : i32
      %dma_wait3A_206 = arith.constant 999424 : i32
      %dma_wait3A_207 = tpu.memref_slice %arg4[%dma_wait3A_205, %dma_wait3A_206] : memref<8x1000001xf32, #tpu.memory_space<hbm>> -> memref<8x577xf32, #tpu.memory_space<hbm>>
      tpu.wait_dma2 semaphore(%arg14 : memref<!tpu.dma_semaphore, #tpu.memory_space<semaphore_mem>>) src(%dma_wait3A_207 : memref<8x577xf32, #tpu.memory_space<hbm>>) dst(%arg12 : memref<8x577xf32, #tpu.memory_space<vmem>>)
      %scan3A = arith.constant 0 : i32
      %scan3A_208 = arith.constant 0 : i32
      %scan3A_209 = arith.constant 289 : i32
      %scan3A_210 = arith.addi %scan3A_208, %scan3A_209 : i32
      %scan3A_211 = arith.constant 1 : i32
      scf.for %scan3A_213 = %scan3A_208 to %scan3A_210 step %scan3A_211  : i32 {
        %mul3A_214 = arith.constant 2 : i32
        %mul3A_215 = arith.muli %mul3A_214, %scan3A_213 : i32
        %add3A_216 = vector.broadcast %mul3A_215 : i32 to vector<16xi32>
        %add3A_217 = arith.addi %add3A_216, %shift_right_arithmetic3A_2 : vector<16xi32>
        %min3A = arith.constant 576 : i32
        %min3A_218 = vector.broadcast %min3A : i32 to vector<16xi32>
        %min3A_219 = arith.minsi %add3A_217, %min3A_218 : vector<16xi32>
        %gather3A = tpu.vector_load_idx %arg12[%and3A_4, %min3A_219] : memref<8x577xf32, #tpu.memory_space<vmem>>[vector<16xi32>, vector<16xi32>], vector<16xf32>,
        %mul3A_220 = arith.constant 16 : i32
        %mul3A_221 = arith.muli %scan3A_213, %mul3A_220 : i32
        %swap3A = arith.index_cast %mul3A_221 : i32 to index
        %swap3A_222 = tpu.vector_load %arg10[%swap3A] {strides = array<i32>} : memref<16384xf32, #tpu.memory_space<vmem>>, vector<16xf32>,
        tpu.vector_store %arg10[%swap3A], %gather3A {strides = array<i32>} : memref<16384xf32, #tpu.memory_space<vmem>>, vector<16xf32>,
      }
      %scan3A_212 = arith.constant 289 : i32
      "tpu.region"() ({
        %run_scoped3A = tpu.sem_alloc : memref<!tpu.dma_semaphore, #tpu.memory_space<semaphore_mem>>
        %dma_start3A_213 = arith.constant 0 : i32
        %dma_start3A_214 = tpu.memref_slice %arg10[%dma_start3A_213] : memref<16384xf32, #tpu.memory_space<vmem>> -> memref<4616xf32, #tpu.memory_space<vmem>>
        %dma_start3A_215 = arith.constant 7995392 : i32
        %dma_start3A_216 = tpu.memref_slice %arg7[%dma_start3A_215] : memref<8000008xf32, #tpu.memory_space<hbm>> -> memref<4616xf32, #tpu.memory_space<hbm>>
        %dma_start3A_217 = arith.constant 7995392 : i32
        %dma_start3A_218 = tpu.memref_slice %arg7[%dma_start3A_217] : memref<8000008xf32, #tpu.memory_space<hbm>> -> memref<4616xf32, #tpu.memory_space<hbm>>
        %dma_start3A_219 = arith.constant 0 : i32
        %dma_start3A_220 = tpu.memref_slice %arg10[%dma_start3A_219] : memref<16384xf32, #tpu.memory_space<vmem>> -> memref<4616xf32, #tpu.memory_space<vmem>>
        tpu.enqueue_dma source(%dma_start3A_220 : memref<4616xf32, #tpu.memory_space<vmem>>) target(%dma_start3A_218 : memref<4616xf32, #tpu.memory_space<hbm>>) target_semaphore(%run_scoped3A : memref<!tpu.dma_semaphore, #tpu.memory_space<semaphore_mem>>)
        %dma_wait3A_221 = arith.constant 0 : i32
        %dma_wait3A_222 = tpu.memref_slice %arg10[%dma_wait3A_221] : memref<16384xf32, #tpu.memory_space<vmem>> -> memref<4616xf32, #tpu.memory_space<vmem>>
        %dma_wait3A_223 = arith.constant 7995392 : i32
        %dma_wait3A_224 = tpu.memref_slice %arg7[%dma_wait3A_223] : memref<8000008xf32, #tpu.memory_space<hbm>> -> memref<4616xf32, #tpu.memory_space<hbm>>
        %dma_wait3A_225 = arith.constant 7995392 : i32
        %dma_wait3A_226 = tpu.memref_slice %arg7[%dma_wait3A_225] : memref<8000008xf32, #tpu.memory_space<hbm>> -> memref<4616xf32, #tpu.memory_space<hbm>>
        %dma_wait3A_227 = arith.constant 0 : i32
        %dma_wait3A_228 = tpu.memref_slice %arg10[%dma_wait3A_227] : memref<16384xf32, #tpu.memory_space<vmem>> -> memref<4616xf32, #tpu.memory_space<vmem>>
        tpu.wait_dma2 semaphore(%run_scoped3A : memref<!tpu.dma_semaphore, #tpu.memory_space<semaphore_mem>>) src(%dma_wait3A_228 : memref<4616xf32, #tpu.memory_space<vmem>>) dst(%dma_wait3A_226 : memref<4616xf32, #tpu.memory_space<hbm>>)
        tpu.yield
      }) : () -> ()
    } else {
    }
    return
  }
}

module attributes {stable_mosaic.version = 14 : i64} {
  func.func @_mlp_body(%arg0: i32, %arg1: memref<48x512xf32, #tpu.memory_space<vmem>>, %arg2: memref<200x512xf32, #tpu.memory_space<vmem>>, %arg3: memref<64x48xf32, #tpu.memory_space<vmem>>, %arg4: memref<64x1xf32, #tpu.memory_space<vmem>>, %arg5: memref<1000x64xf32, #tpu.memory_space<vmem>>, %arg6: memref<1000x1xf32, #tpu.memory_space<vmem>>, %arg7: memref<1000x512xf32, #tpu.memory_space<vmem>>) attributes {dimension_semantics = [#tpu.dimension_semantics<arbitrary>], iteration_bounds = array<i64: 32>, scalar_prefetch = 0 : i64, scratch_operands = 0 : i64, tpu.core_type = #tpu.core_type<tc>, window_params = [{transform_indices = @transform_0, window_bounds = array<i64: 48, 512>}, {transform_indices = @transform_1, window_bounds = array<i64: 200, 512>}, {pipeline_mode = #tpu.pipeline_mode<synchronous>, transform_indices = @transform_2, window_bounds = array<i64: 64, 48>}, {pipeline_mode = #tpu.pipeline_mode<synchronous>, transform_indices = @transform_3, window_bounds = array<i64: 64, 1>}, {pipeline_mode = #tpu.pipeline_mode<synchronous>, transform_indices = @transform_4, window_bounds = array<i64: 1000, 64>}, {pipeline_mode = #tpu.pipeline_mode<synchronous>, transform_indices = @transform_5, window_bounds = array<i64: 1000, 1>}, {transform_indices = @transform_6, window_bounds = array<i64: 1000, 512>}]} {
    %get3A = arith.constant 0 : index
    %get3A_0 = arith.constant 0 : index
    %get3A_1 = vector.load %arg1[%get3A, %get3A_0] : memref<48x512xf32, #tpu.memory_space<vmem>>, vector<48x512xf32>
    %get3A_2 = arith.constant 0 : index
    %get3A_3 = arith.constant 0 : index
    %get3A_4 = vector.load %arg3[%get3A_2, %get3A_3] : memref<64x48xf32, #tpu.memory_space<vmem>>, vector<64x48xf32>
    %dot_general3A = arith.constant dense<0.000000e+00> : vector<64x512xf32>
    %dot_general3A_5 = tpu.matmul %get3A_4, %get3A_1, %dot_general3A {dimension_numbers = #tpu.dot_dimension_numbers<[1], [0], [0], [1], [0, 0, 1, 1], [], []>, transpose_lhs_hint = false} : vector<64x48xf32>, vector<48x512xf32>, vector<64x512xf32> -> vector<64x512xf32>
    %get3A_6 = arith.constant 0 : index
    %get3A_7 = arith.constant 0 : index
    %get3A_8 = vector.load %arg2[%get3A_6, %get3A_7] : memref<200x512xf32, #tpu.memory_space<vmem>>, vector<200x512xf32>
    %reduce_sum3A = arith.constant dense<0.000000e+00> : vector<512xf32>
    %reduce_sum3A_9 = vector.multi_reduction <add>, %get3A_8, %reduce_sum3A [0] : vector<200x512xf32> to vector<512xf32>
    %broadcast_in_dim3A = vector.shape_cast %reduce_sum3A_9 : vector<512xf32> to vector<1x512xf32>
    %div3A = vector.broadcast %broadcast_in_dim3A : vector<1x512xf32> to vector<64x512xf32>
    %div3A_10 = arith.divf %dot_general3A_5, %div3A : vector<64x512xf32>
    %get3A_11 = arith.constant 0 : index
    %get3A_12 = arith.constant 0 : index
    %get3A_13 = vector.load %arg4[%get3A_11, %get3A_12] : memref<64x1xf32, #tpu.memory_space<vmem>>, vector<64x1xf32>
    %add3A = vector.broadcast %get3A_13 : vector<64x1xf32> to vector<64x512xf32>
    %add3A_14 = arith.addf %div3A_10, %add3A : vector<64x512xf32>
    %max3A = arith.constant 0.000000e+00 : f32
    %max3A_15 = vector.broadcast %max3A : f32 to vector<64x512xf32>
    %max3A_16 = arith.maximumf %add3A_14, %max3A_15 : vector<64x512xf32>
    %get3A_17 = arith.constant 0 : index
    %get3A_18 = arith.constant 0 : index
    %get3A_19 = vector.load %arg5[%get3A_17, %get3A_18] : memref<1000x64xf32, #tpu.memory_space<vmem>>, vector<1000x64xf32>
    %dot_general3A_20 = arith.constant dense<0.000000e+00> : vector<1000x512xf32>
    %dot_general3A_21 = tpu.matmul %get3A_19, %max3A_16, %dot_general3A_20 {dimension_numbers = #tpu.dot_dimension_numbers<[1], [0], [0], [1], [0, 0, 1, 1], [], []>, transpose_lhs_hint = false} : vector<1000x64xf32>, vector<64x512xf32>, vector<1000x512xf32> -> vector<1000x512xf32>
    %get3A_22 = arith.constant 0 : index
    %get3A_23 = arith.constant 0 : index
    %get3A_24 = vector.load %arg6[%get3A_22, %get3A_23] : memref<1000x1xf32, #tpu.memory_space<vmem>>, vector<1000x1xf32>
    %add3A_25 = vector.broadcast %get3A_24 : vector<1000x1xf32> to vector<1000x512xf32>
    %add3A_26 = arith.addf %dot_general3A_21, %add3A_25 : vector<1000x512xf32>
    %swap3A = arith.constant 0 : index
    %swap3A_27 = arith.constant 0 : index
    %swap3A_28 = vector.load %arg7[%swap3A, %swap3A_27] : memref<1000x512xf32, #tpu.memory_space<vmem>>, vector<1000x512xf32>
    tpu.vector_store %arg7[%swap3A, %swap3A_27], %add3A_26 {strides = array<i32>} : memref<1000x512xf32, #tpu.memory_space<vmem>>, vector<1000x512xf32>,
    return
  }
  func.func @transform_0(%arg0: i32) -> (i32, i32) {
    %c0_i32 = arith.constant 0 : i32
    %c0_i32_0 = arith.constant 0 : i32
    return %c0_i32, %arg0 : i32, i32
  }
  func.func @transform_1(%arg0: i32) -> (i32, i32) {
    %c0_i32 = arith.constant 0 : i32
    %c0_i32_0 = arith.constant 0 : i32
    return %c0_i32, %arg0 : i32, i32
  }
  func.func @transform_2(%arg0: i32) -> (i32, i32) {
    %c0_i32 = arith.constant 0 : i32
    %c0_i32_0 = arith.constant 0 : i32
    %c0_i32_1 = arith.constant 0 : i32
    return %c0_i32, %c0_i32_0 : i32, i32
  }
  func.func @transform_3(%arg0: i32) -> (i32, i32) {
    %c0_i32 = arith.constant 0 : i32
    %c0_i32_0 = arith.constant 0 : i32
    %c0_i32_1 = arith.constant 0 : i32
    return %c0_i32, %c0_i32_0 : i32, i32
  }
  func.func @transform_4(%arg0: i32) -> (i32, i32) {
    %c0_i32 = arith.constant 0 : i32
    %c0_i32_0 = arith.constant 0 : i32
    %c0_i32_1 = arith.constant 0 : i32
    return %c0_i32, %c0_i32_0 : i32, i32
  }
  func.func @transform_5(%arg0: i32) -> (i32, i32) {
    %c0_i32 = arith.constant 0 : i32
    %c0_i32_0 = arith.constant 0 : i32
    %c0_i32_1 = arith.constant 0 : i32
    return %c0_i32, %c0_i32_0 : i32, i32
  }
  func.func @transform_6(%arg0: i32) -> (i32, i32) {
    %c0_i32 = arith.constant 0 : i32
    %c0_i32_0 = arith.constant 0 : i32
    return %c0_i32, %arg0 : i32, i32
  }
}

</mosaic_0001>

<sc_bundles>
// kernel: kernel.5.cloned.1.call-start
scs
__scs_entry_jumppad:
0x0: {  	(pc) =	sbr.rel $0x88, $3  }
0x1: {  	(tag) =	ssettag $0x0;
	lr =	simm.s32 $0x1  }
0x2: {  	[smem:$0x3F96] =	sst lr;
	_ =	strace $0xD0000000  }
0x3: {  	_ = 	snop  }
0x4: {  	_ = 	snop  }
0x5: {  	_ = 	snop  }
0x6: {  	_ = 	snop  }
0x7: {  	_ = 	snop  }
__scs_overlays_trampoline_lowered:
0x8: {  	[smem:$0x3FA5] =	sst s0  }
0x9: {  	[smem:$0x3FA6] =	sst s1  }
0xa: {  	[smem:$0x3FA7] =	sst s2  }
0xb: {  	[smem:$0x3FA8] =	sst s3  }
0xc: {  	[smem:$0x3FA9] =	sst s4  }
0xd: {  	[smem:$0x3FAA] =	sst s5  }
0xe: {  	[smem:$0x3FAB] =	sst s6  }
0xf: {  	[smem:$0x3FAC] =	sst s7  }
0x10: {  	[smem:$0x3FAD] =	sst s8  }
0x11: {  	[smem:$0x3FAE] =	sst s9;
	s0 =	simm.s32 @!p0 $0x0  }
0x12: {  	s1 =	sld [smem:$0x3F94];
	s0 =	simm.s32 @p0 $0x1  }
0x13: {  	[smem:$0x3FAF] =	sst s0;
	s0 =	simm.s32 @!p1 $0x0  }
0x14: {  	s2 =	sld [smem:$0x3F93];
	s0 =	simm.s32 @p1 $0x1  }
0x15: {  	[smem:$0x3FB0] =	sst s0;
	s0 =	simm.s32 @!p2 $0x0  }
0x16: {  	s3 =	sld [smem:$0x3FDB];
	s0 =	simm.s32 @p2 $0x1  }
0x17: {  	s4 =	simm.s32 $0x1BF5;
	[smem:$0x3FB2] =	sst s0  }
0x18: {  	s0 =	sld [smem:$0x3F95];
	_ =	swait.ge [sflag:s4], $0x0  }
0x19: {  	s7 =	sld [smem:$0x3F96]  }
0x1a: {  	s8 =	sadd.s32 $0xFFFFE003, lr  }
0x1b: {  	s9 =	sadd.s32 $0xFFFFFEF7, lr;
	s5 =	simm.s32 $0xFFFFFFFF;
	p2 =	slt.u32 s8, $0xFFFFF086  }
0x1c: {  	p1 =	slt.u32 s9, $0xF7A;
	s5 =	simm.s32 @!p2 $0x0  }
0x1d: {  	s5 =	simm.s32 @p1 $0x1;
	p0 =	seq.s32 s7, s2  }
0x1e: {  	s7 =	smul.u32 @!p0 $0xF7A, s2;
	p2 =	seq.s32 @!p0 s5, $0x0  }
0x1f: {  	s9 =	smul.u32 $0xF7A, s1;
	s8 =	simm.s32 @!p0 $0x1BF5;
	p2 =	por !p2, p0  }
0x20: {  	[sflag:s8] =	ssyncset.s32 @!p0 $0xFFFFF086;
	s6 =	sadd.s32 @!p0 s3, s7;
	s7 =	simm.s32 @!p0 $0x108  }
0x21: {  	s3 =	sadd.s32 s3, s9;
	s6 =	sadd.s32 @!p0 $0x88, s6;
	s7 =	simm.s32 @p2 $0x1082  }
0x22: {  	[simem:s7], [sflag:s8] =	dma.local @!p0 [hbm:s6], $0xF7A  }
0x23: {  	s9 =	sor.u32 $0xD0000000, s2;
	s6 =	simm.s32 $0x108;
	_ =	swait.ge @!p0 [sflag:s8], $0x0  }
0x24: {  	s3 =	sadd.s32 $0x88, s3;
	s6 =	simm.s32 @!p1 $0x1082;
	[sflag:s4] =	ssyncset.s32 $0xFFFFF086  }
0x25: {  	[simem:s6], [sflag:s4] =	dma.local [hbm:s3], $0xF7A  }
0x26: {  	[smem:$0x3F96] =	sst s1;
	(tag) =	ssettag s2;
	_ =	strace s9  }
0x27: {  	s1 =	sld [smem:$0x3FA6]  }
0x28: {  	s2 =	sld [smem:$0x3FA7]  }
0x29: {  	s4 =	sld [smem:$0x3FA9]  }
0x2a: {  	p0 =	seq.s32 s5, $0x0;
	s5 =	sld [smem:$0x3FAA]  }
0x2b: {  	s6 =	sld [smem:$0x3FAB]  }
0x2c: {  	s7 =	sld [smem:$0x3FAC]  }
0x2d: {  	s3 =	simm.s32 $0x108;
	s8 =	sld [smem:$0x3FAD]  }
0x2e: {  	s3 =	simm.s32 @!p0 $0x1082;
	s9 =	sld [smem:$0x3FAE]  }
0x2f: {  	lr =	sadd.s32 s0, s3;
	s0 =	sld [smem:$0x3FA5]  }
0x30: {  	s3 =	sld [smem:$0x3FA8]  }
0x31: {  	[smem:$0x3FB1] =	sst s10  }
0x32: {  	s10 =	sld [smem:$0x3FAF];
	_ =	sdelay $0x3  }
0x33: {  	p0 =	seq.s32 s10, $0x1;
	s10 =	sld [smem:$0x3FB1];
	_ =	sdelay $0x3  }
0x34: {  	[smem:$0x3FB1] =	sst s10  }
0x35: {  	s10 =	sld [smem:$0x3FB0];
	_ =	sdelay $0x3  }
0x36: {  	p1 =	seq.s32 s10, $0x1;
	s10 =	sld [smem:$0x3FB1];
	_ =	sdelay $0x3  }
0x37: {  	[smem:$0x3FB1] =	sst s10  }
0x38: {  	s10 =	sld [smem:$0x3FB2]  }
0x39: {  	_ = 	snop;
	(pc) =	sbr.ind lr, $3  }
0x3a: {  	_ = 	snop  }
0x3b: {  	_ = 	snop  }
0x3c: {  	p2 =	seq.s32 s10, $0x1;
	s10 =	sld [smem:$0x3FB1]  }
0x3d: {  	_ =	shalt  }
0x3e: {  	_ =	shalt  }
0x3f: {  	_ =	shalt  }
0x40: {  	_ =	shalt  }
0x41: {  	_ =	shalt  }
0x42: {  	_ =	shalt  }
0x43: {  	_ =	shalt  }
0x44: {  	_ =	shalt  }
0x45: {  	_ =	shalt  }
0x46: {  	_ =	shalt  }
0x47: {  	_ =	shalt  }
0x48: {  	_ =	shalt  }
0x49: {  	_ =	shalt  }
0x4a: {  	_ =	shalt  }
0x4b: {  	_ =	shalt  }
0x4c: {  	_ =	shalt  }
0x4d: {  	_ =	shalt  }
0x4e: {  	_ =	shalt  }
0x4f: {  	_ =	shalt  }
0x50: {  	_ =	shalt  }
0x51: {  	_ =	shalt  }
0x52: {  	_ =	shalt  }
0x53: {  	_ =	shalt  }
0x54: {  	_ =	shalt  }
0x55: {  	_ =	shalt  }
0x56: {  	_ =	shalt  }
0x57: {  	_ =	shalt  }
0x58: {  	_ =	shalt  }
0x59: {  	_ =	shalt  }
0x5a: {  	_ =	shalt  }
0x5b: {  	_ =	shalt  }
0x5c: {  	_ =	shalt  }
0x5d: {  	_ =	shalt  }
0x5e: {  	_ =	shalt  }
0x5f: {  	_ =	shalt  }
0x60: {  	_ =	shalt  }
0x61: {  	_ =	shalt  }
0x62: {  	_ =	shalt  }
0x63: {  	_ =	shalt  }
0x64: {  	_ =	shalt  }
0x65: {  	_ =	shalt  }
0x66: {  	_ =	shalt  }
0x67: {  	_ =	shalt  }
0x68: {  	_ =	shalt  }
0x69: {  	_ =	shalt  }
0x6a: {  	_ =	shalt  }
0x6b: {  	_ =	shalt  }
0x6c: {  	_ =	shalt  }
0x6d: {  	_ =	shalt  }
0x6e: {  	_ =	shalt  }
0x6f: {  	_ =	shalt  }
0x70: {  	_ =	shalt  }
0x71: {  	_ =	shalt  }
0x72: {  	_ =	shalt  }
0x73: {  	_ =	shalt  }
0x74: {  	_ =	shalt  }
0x75: {  	_ =	shalt  }
0x76: {  	_ =	shalt  }
0x77: {  	_ =	shalt  }
0x78: {  	_ =	shalt  }
0x79: {  	_ =	shalt  }
0x7a: {  	_ =	shalt  }
0x7b: {  	_ =	shalt  }
0x7c: {  	_ =	shalt  }
0x7d: {  	_ =	shalt  }
0x7e: {  	_ =	shalt  }
0x7f: {  	_ =	shalt  }
0x80: {  	_ =	shalt  }
0x81: {  	_ =	shalt  }
0x82: {  	_ =	shalt  }
0x83: {  	_ =	shalt  }
0x84: {  	_ =	shalt  }
0x85: {  	_ =	shalt  }
0x86: {  	_ =	shalt  }
0x87: {  	_ =	shalt  }
.Lfunc_end0:
.L_simem_size_0:
called_computation_lowered:
.L_overlay_start_0:
0x88: {  	s2 =	sld [smem:$0x3FD9]  }
0x89: {  	s3 =	sld [smem:$0x3FFE];
	_ =	sdelay $0x1  }
0x8a: {  	s1 =	srdreg.scid  }
0x8b: {  	s0 =	sand.u32 $0x1, s1  }
0x8c: {  	s17 =	sshll.u32 s0, $0xA;
	s2 =	sadd.s32 s3, s2  }
0x8d: {  	s2 =	sadd.s32 s2, s17  }
0x8e: {  	[smem:$0x3FBD] =	sst s2  }
0x8f: {  	_ = 	snop  }
0x90: {  	s2 =	sld [smem:$0x3FC5]  }
0x91: {  	s18 =	sld [smem:$0x3FC4]  }
0x92: {  	s4 =	sld [smem:$0x3FC3]  }
0x93: {  	s5 =	sld [smem:$0x3FD0];
	(tm) =	ssettm $0x1  }
0x94: {  	s6 =	sld [smem:$0x3FFB];
	_ =	sdelay $0x3  }
0x95: {  	_ =	strace s6  }
0x96: {  	s6 =	sld [smem:$0x3FFC];
	_ =	sdelay $0x3  }
0x97: {  	_ =	strace s6  }
0x98: {  	s6 =	sld [smem:$0x3FFD];
	_ =	sdelay $0x3  }
0x99: {  	_ =	strace s6  }
0x9a: {  	_ =	strace $0x8FFFFFFF  }
0x9b: {  	s19 =	sld [smem:$0x3FDB];
	_ =	sdelay $0x1  }
0x9c: {  	s7 =	simm.s32 $_scs_section_size  }
0x9d: {  	s8 =	simm.s32 $_size__tile_overlayer_lowered;
	s9 =	simm.s32 $_tile_overlayer_lowered  }
0x9e: {  	s22 =	simm.s32 $0x1BFF;
	s21 =	sshll.u32 s9, $0x1;
	s6 =	sadd.s32 s7, s19  }
0x9f: {  	s10 =	simm.s32 $0x0;
	s20 =	sshll.u32 s8, $0x1;
	s8 =	sadd.s32 s21, s6  }
0xa0: {  	[timem:s10], [sflag:s22] =	dma.local [hbm:s8], s20  }
0xa1: {  	_ =	swait.ge [sflag:s22], s20  }
0xa2: {  	s7 =	ssub.s32 $0x0, s20;
	[sflag:s22] =	ssyncset.done $0x0  }
0xa3: {  	[sflag:s22] =	ssyncadd.s32 s7;
	_ =	sdelay $0x1  }
0xa4: {  	s23 =	simm.s32 $0x1B8B  }
0xa5: {  	_ =	swait.ge [sflag:s23], $0x1  }
0xa6: {  	[sflag:s23] =	ssyncset.done $0x0  }
0xa7: {  	s25 =	simm.s32 $0x1B8E;
	s24 =	sld [smem:$0x3FFE];
	[sflag:s23] =	ssyncadd.s32 $0xFFFFFFFF  }
0xa8: {  	s26 =	simm.s32 $execute0_lowered;
	[smem:$0x3FD2] =	sst s25  }
0xa9: {  	s8 =	sshll.u32 s26, $0x1;
	_ =	strace $0x80000046;
	[dreg:$0x1] =	wrdreg $0xFFFFFFFF  }
0xaa: {  	s28 =	simm.s32 $_size_execute0_lowered;
	s6 =	sadd.s32 s6, s8;
	[dreg:$0x0] =	wrdreg $0x0  }
0xab: {  	s8 =	sshll.u32 s28, $0x1;
	[dreg:$0x2] =	wrdreg s6  }
0xac: {  	[dreg:$0x3] =	wrdreg s8  }
0xad: {  	[dreg:$0x4] =	wrdreg $0xC0  }
0xae: {  	_ =	task [dreg:s10], $0x5FFFF  }
0xaf: {  	[dreg:$0x1] =	wrdreg $0xFFFFFFFF  }
0xb0: {  	[dreg:$0x0] =	wrdreg $0x60  }
0xb1: {  	[dreg:$0x2] =	wrdreg s2  }
0xb2: {  	[dreg:$0x3] =	wrdreg s18  }
0xb3: {  	[dreg:$0x4] =	wrdreg s4  }
0xb4: {  	[dreg:$0x5] =	wrdreg s5  }
0xb5: {  	[dreg:$0x6] =	wrdreg s24  }
0xb6: {  	[dreg:$0x7] =	wrdreg $0x9  }
0xb7: {  	_ =	task.clear_ibuf [dreg:s10], $0x8FFFF;
	_ =	strace $0x90000046  }
0xb8: {  	s29 =	simm.s32 $0x9;
	_ =	strace $0x80000048  }
0xb9: {  	_ =	swait.ge [sflag:s29], $0x1  }
0xba: {  	[sflag:s29] =	ssyncadd.s32 $0xFFFFFFFF  }
0xbb: {  	_ =	strace $0x90000048  }
0xbc: {  	_ =	sfence  }
0xbd: {  	s30 =	sld [smem:$0x0];
	_ =	sdelay $0x2  }
0xbe: {  	s31 =	sshll.u32 s1, $0xD;
	s1 =	sshrl.u32 s1, $0x2  }
0xbf: {  	s3 =	sand.u32 $0x4000, s31;
	s1 =	sadd.s32 s1, s30  }
0xc0: {  	s0 =	sor.u32 s3, s0;
	s1 =	sshll.u32 s1, $0x11  }
0xc1: {  	s0 =	sor.u32 s1, s0  }
0xc2: {  	s0 =	sadd.s32 $0x8F2B, s0  }
0xc3: {  	[sflag:s0] =	ssyncadd.remote.s32 $0x1  }
0xc4: {  	_ =	sfence.sel $0xFFFF  }
0xc5: {  	[dreg:$0x0] =	wrdreg $0xFFFFFFFF;
	(pc) =	sbr.abs _section_cstart, $3  }
0xc6: {  	[dreg:$0x1] =	wrdreg $0xFFFFFFFF  }
0xc7: {  	_ =	task.clear_ibuf [dreg:s10], $0x2FFFF;
	_ =	strace $0x9FFFFFFF  }
0xc8: {  	(tm) =	ssettm $0x7FFFFFFF  }
0xc9: {  	_ =	shalt  }
tec
execute0_lowered:
.L_overlay_start_1:
0x0: {  	(tag) =	ssettag $0x1  }
0x1: {  	v0 =	vimm.s32 $0x34231201  }
0x2: {  	v1 =	vimm.s32 $0x78675645;
	v2 =	vimm.s32 $0x33221100;
	v3 =	vimm.s32 $0x77665544  }
0x3: {  	vm0 =	vcmask $0x1F10;
	v4 =	vimm.s32 $0x35241302;
	v5 =	vimm.s32 $0x79685746  }
0x4: {  	v6 =	vimm.s32 $0x38271605;
	v7 =	vimm.s32 $0x7C6B5A49;
	v8 =	vimm.s32 $0x39281706  }
0x5: {  	v9 =	vimm.s32 $0x7D6C5B4A;
	v10 =	vimm.s32 $0x81705F4E;
	v11 =	vimm.s32 $0x83726150  }
0x6: {  	v12 =	vimm.s32 $0x4231200F;
	v0 =	vunpack.c.0.s8.s32 v0;
	v1 =	vunpack.c.0.s8.s32 v1  }
0x7: {  	v13 =	vimm.s32 $0x86756453;
	v2 =	vunpack.c.0.s8.s32 v2;
	v3 =	vunpack.c.0.s8.s32 v3  }
0x8: {  	v14 =	vimm.s32 $0x41301F0E;
	v4 =	vunpack.c.0.s8.s32 v4;
	v0 =	vsel vm0, v1, v0  }
0x9: {  	v1 =	vsel vm0, v3, v2;
	v2 =	vimm.s32 $0x36251403;
	v3 =	vimm.s32 $0x7A695847  }
0xa: {  	v5 =	vunpack.c.0.s8.s32 v5;
	v2 =	vunpack.c.0.s8.s32 v2;
	v3 =	vunpack.c.0.s8.s32 v3  }
0xb: {  	v15 =	vimm.s32 $0x85746352;
	v6 =	vunpack.c.0.s8.s32 v6;
	v7 =	vunpack.c.0.s8.s32 v7  }
0xc: {  	v0 =	vcombine.low v1, v0;
	v1 =	vsel vm0, v3, v2;
	v2 =	vsel vm0, v5, v4  }
0xd: {  	v3 =	vsel vm0, v7, v6;
	v4 =	vimm.s32 $0x37261504;
	v5 =	vimm.s32 $0x7B6A5948  }
0xe: {  	s0 =	rddreg [dreg:$0x0];
	v6 =	vimm.s32 $0x3A291807;
	v4 =	vunpack.c.0.s8.s32 v4;
	v5 =	vunpack.c.0.s8.s32 v5  }
0xf: {  	s1 =	rddreg [dreg:$0x1];
	v11 =	vunpack.c.0.s8.s32 v11;
	v7 =	vimm.s32 $0x7E6D5C4B;
	v6 =	vunpack.c.0.s8.s32 v6  }
0x10: {  	s2 =	rddreg [dreg:$0x2];
	v7 =	vunpack.c.0.s8.s32 v7;
	v1 =	vcombine.low v2, v1;
	v4 =	vsel vm0, v5, v4  }
0x11: {  	s3 =	rddreg [dreg:$0x3];
	v5 =	vunpack.c.0.s8.s32 v8;
	v8 =	vunpack.c.0.s8.s32 v9;
	v9 =	vimm.s32 $0x3D2C1B0A  }
0x12: {  	s4 =	rddreg [dreg:$0x4];
	s5 =	simm.s32 $0x0;
	v2 =	vcombine.low v4, v3;
	v3 =	vsel vm0, v7, v6;
	v6 =	vimm.s32 $0x7F6E5D4C  }
0x13: {  	s6 =	srdreg.scid;
	s8 =	stileid.u32;
	s29 =	simm.s32 $0xC000;
	v7 =	vimm.s32 $0x806F5E4D;
	v4 =	vsel vm0, v8, v5;
	v5 =	vimm.s32 $0x3B2A1908  }
0x14: {  	[smem:$0x7FF] =	sst s5;
	s23 =	sadd.s32 $0xF4000, s0;
	s24 =	sadd.s32 $0xF4000, s3;
	v6 =	vunpack.c.0.s8.s32 v6;
	v7 =	vunpack.c.0.s8.s32 v7;
	v5 =	vunpack.c.0.s8.s32 v5  }
0x15: {  	s28 =	simm.s32 $0x2;
	_ =	strace $0x80000047;
	[dreg:$0x6] =	wrdreg s23;
	v8 =	vimm.s32 $0x8271604F;
	v3 =	vcombine.low v4, v3;
	v4 =	vimm.s32 $0x3C2B1A09  }
0x16: {  	s7 =	sadd.s32 $0x2800, s4;
	s25 =	sadd.s32 $0xF4000, s1;
	[dreg:$0x7] =	wrdreg s24;
	v4 =	vunpack.c.0.s8.s32 v4;
	v5 =	vsel vm0, v6, v5;
	v6 =	vimm.s32 $0x3E2D1C0B  }
0x17: {  	s9 =	sshll.u32 s8, $0x1;
	s26 =	sadd.s32 $0xF6800, s4;
	[dreg:$0x8] =	wrdreg s25;
	v8 =	vunpack.c.0.s8.s32 v8;
	v7 =	vand.u32 $0xFF, v7;
	v6 =	vunpack.c.0.s8.s32 v6  }
0x18: {  	s8 =	sadd.s32 $0xF6C00, s4;
	s30 =	sadd.s32 $0xF4000, s2;
	[dreg:$0x9] =	wrdreg s26;
	v4 =	vsel vm0, v7, v4;
	v7 =	vunpack.c.0.s8.s32 v9;
	v9 =	vunpack.c.0.s8.s32 v10  }
0x19: {  	s6 =	sand.u32 $0x1, s6;
	s4 =	sadd.s32 $0x1EAC00, s4;
	[dreg:$0xa] =	wrdreg s30;
	v10 =	vimm.s32 $0x84736251;
	v6 =	vsel vm0, v8, v6;
	v8 =	vimm.s32 $0x402F1E0D  }
0x1a: {  	s10 =	ssub.s32 $0x2, s6;
	s6 =	sor.u32 s6, s9;
	[dreg:$0xb] =	wrdreg s4;
	v7 =	vsel vm0, v9, v7;
	v9 =	vunpack.c.0.s8.s32 v10;
	v10 =	vimm.s32 $0x3F2E1D0C  }
0x1b: {  	v12 =	vunpack.c.0.s8.s32 v12;
	s24 =	simm.s32 $0x1;
	s25 =	simm.s32 $0x11400;
	s26 =	simm.s32 $0x8000;
	v8 =	vunpack.c.0.s8.s32 v8;
	v10 =	vunpack.c.0.s8.s32 v10  }
0x1c: {  	v13 =	vunpack.c.0.s8.s32 v13;
	v14 =	vunpack.c.0.s8.s32 v14;
	v15 =	vunpack.c.0.s8.s32 v15;
	s4 =	simm.s32 $0x10000;
	s22 =	sshrl.u32 s10, $0x1;
	s11 =	ssub.s32 $0x1E7, s6  }
.Ltmp0:
0x1d: {  	s12 =	sshll.u32 s6, $0xB;
	p0 =	sne.s32 s6, $0x1F;
	v6 =	vcombine.low v7, v6;
	v7 =	vsel vm0, v9, v8;
	v8 =	vsel vm0, v11, v10;
	(pc) =	sbr.rel .LBB2_1-.Ltmp0, $4  }
0x1e: {  	s13 =	ssub.s32 s10, s22;
	s9 =	sshrl.u32 s11, $0x5;
	s10 =	sadd.s32 s0, s12;
	v9 =	vsel vm0, v15, v14;
	v7 =	vcombine.low v8, v7;
	v8 =	vsel vm0, v13, v12  }
0x1f: {  	s14 =	sadd.s32 s3, s12;
	s15 =	sadd.s32 s1, s12;
	s16 =	sadd.s32 s7, s12;
	v4 =	vcombine.low v5, v4;
	v8 =	vcombine.low v9, v8;
	v9 =	vlaneseq.u32  }
0x20: {  	s18 =	sadd.s32 s2, s12;
	s19 =	sadd.s32 s8, s12;
	s31 =	smax.u32 s13, $0x1;
	v5 =	vand.u32 $0xFF, v6;
	v6 =	vand.u32 $0xFF, v7;
	v10 =	vand.u32 $0x7, v9  }
0x21: {  	s23 =	sor.u32 $0x10000, s12;
	s11 =	simm.s32 $0x0;
	[dreg:$0xc] =	wrdreg s31;
	v7 =	vand.u32 $0xFF, v8;
	v8 =	vshrl.u32 v9, $0x3;
	v9 =	vmul.u32 $0x80, v10  }
.LBB2_37:
0x22: {  	s11 =	sadd.s32 $0x1, s11;
	s6 =	rddreg [dreg:$0xc]  }
0x23: {  	p1 =	sne.s32 s11, s6  }
.Ltmp1:
0x24: {  	_ = 	snop;
	(pc) =	sbr.rel @!p1 .LBB2_38-.Ltmp1, $1  }
0x25: {  	_ =	sdelay $0x3  }
.LBB2_1:
.Ltmp2:
0x26: {  	(pc) =	sbr.rel .LBB2_2-.Ltmp2, $3  }
0x27: {  	_ =	sdelay $0x1  }
0x28: {  	[tilespmem:s5], [sflag:$0x1] =	stream.linear.gather [hbm4b:s10+s5], $0x4000, $0x38;
	[tilespmem:$0x11500] =	vst v63  }
0x29: {  	s12 =	simm.s32 $0x0  }
.LBB2_8:
0x2a: {  	s12 =	sadd.s32 $0x1, s12  }
0x2b: {  	p1 =	sne.s32 s12, $0x8  }
.Ltmp3:
0x2c: {  	_ = 	snop;
	(pc) =	sbr.rel @!p1 .LBB2_9-.Ltmp3, $1  }
0x2d: {  	_ =	sdelay $0x3  }
.LBB2_2:
0x2e: {  	s13 =	sshll.u32 s12, $0x1  }
0x2f: {  	_ =	swait.ge [sflag:s24], $0x4000;
	p2 =	sge.u32 s13, s9  }
0x30: {  	[sflag:s24] =	ssyncset.done $0x0;
	s6 =	sshll.u32 @!p2 s12, $0x11  }
0x31: {  	p1 =	seq.s32 s12, $0x0;
	[sflag:s24] =	ssyncadd.s32 $0xFFFFC000;
	s6 =	sor.u32 @!p2 s23, s6  }
0x32: {  	s17 =	simm.s32 @!p2 $0x0;
	s20 =	simm.s32 @!p2 $0x4000;
	s6 =	sadd.s32 @!p2 s0, s6  }
0x33: {  	[tilespmem:s20], [sflag:$0x2] =	stream.linear.gather @!p2 [hbm4b:s6+s17], $0x4000, $0x38;
	[tilespmem:$0x11500] =	vst v63  }
0x34: {  	s6 =	simm.s32 @!p1 $0x3  }
0x35: {  	s17 =	simm.s32 $0x0;
	_ =	swait.ge @!p1 [sflag:s6], $0x4000  }
0x36: {  	s31 =	sand.u32 $0x70, s17;
	s21 =	sand.u32 $0x3C00, s17;
	[sflag:s6] =	ssyncset.done @!p1 $0x0  }
0x37: {  	s21 =	sor.u32 s31, s21;
	[sflag:s6] =	ssyncadd.s32 @!p1 $0xFFFFC000  }
0x38: {  	v10 =	vld [tilespmem:s21+$0x0];
	_ =	sdelay $0x4  }
0x39: {  	[tilespmem:$0x11400] =	vst v10  }
0x3a: {  	v10 =	vld [tilespmem:s21+$0x80];
	_ =	sdelay $0x4  }
0x3b: {  	[tilespmem:$0x11411] =	vst v10  }
0x3c: {  	v10 =	vld [tilespmem:s21+$0x100];
	_ =	sdelay $0x4  }
0x3d: {  	[tilespmem:$0x11422] =	vst v10  }
0x3e: {  	v10 =	vld [tilespmem:s21+$0x180];
	_ =	sdelay $0x4  }
0x3f: {  	[tilespmem:$0x11433] =	vst v10  }
0x40: {  	v10 =	vld [tilespmem:s21+$0x200];
	_ =	sdelay $0x4  }
0x41: {  	[tilespmem:$0x11444] =	vst v10  }
0x42: {  	v10 =	vld [tilespmem:s21+$0x280];
	_ =	sdelay $0x4  }
0x43: {  	[tilespmem:$0x11455] =	vst v10  }
0x44: {  	v10 =	vld [tilespmem:s21+$0x300];
	_ =	sdelay $0x1  }
0x45: {  	s22 =	sand.u32 $0x7, s17  }
0x46: {  	s6 =	sshll.u32 s22, $0x4  }
0x47: {  	s6 =	sadd.s32 $0x0, s6  }
0x48: {  	s6 =	sor.u32 $0x380, s6;
	[tilespmem:$0x11466] =	vst v10  }
0x49: {  	v10 =	vld [tilespmem:s6+$0x0];
	_ =	sdelay $0x4  }
0x4a: {  	[tilespmem:$0x11477] =	vst v10  }
0x4b: {  	v10 =	vld.idx.msk [tilespmem:v0+s25+$0x0], $0xffff;
	_ =	sdelay $0x3  }
0x4c: {  	s20 =	simm.s32 $0x8040  }
0x4d: {  	[tilespmem:s20+$0xFFFFFFC0] =	vst v10  }
0x4e: {  	v10 =	vld.idx.msk [tilespmem:v1+s25+$0x0], $0xffff;
	_ =	sdelay $0x4  }
0x4f: {  	[tilespmem:s20+$0xFFFFFFD0] =	vst v10  }
0x50: {  	v10 =	vld.idx.msk [tilespmem:v2+s25+$0x0], $0xffff;
	_ =	sdelay $0x4  }
0x51: {  	[tilespmem:s20+$0xFFFFFFE0] =	vst v10  }
0x52: {  	v10 =	vld.idx.msk [tilespmem:v3+s25+$0x0], $0xffff;
	_ =	sdelay $0x4  }
0x53: {  	[tilespmem:s20+$0xFFFFFFF0] =	vst v10  }
0x54: {  	v10 =	vld.idx.msk [tilespmem:v4+s25+$0x0], $0xffff;
	_ =	sdelay $0x4  }
0x55: {  	[tilespmem:s20+$0x0] =	vst v10  }
0x56: {  	v10 =	vld.idx.msk [tilespmem:v5+s25+$0x0], $0xffff;
	_ =	sdelay $0x4  }
0x57: {  	[tilespmem:s20+$0x10] =	vst v10  }
0x58: {  	v10 =	vld.idx.msk [tilespmem:v6+s25+$0x0], $0xffff;
	_ =	sdelay $0x4  }
0x59: {  	[tilespmem:s20+$0x20] =	vst v10  }
0x5a: {  	v10 =	vld.idx.msk [tilespmem:v7+s25+$0x0], $0xffff;
	_ =	sdelay $0x2  }
0x5b: {  	s31 =	simm.s32 $0x10;
	s21 =	simm.s32 $0x80  }
0x5c: {  	s22 =	sand.u32 $0x70, s31;
	s30 =	sand.u32 $0x3C00, s21;
	s6 =	simm.s32 $0x20  }
.LBB2_3:
0x5d: {  	p3 =	sne.s32 s6, $0x7F0;
	s22 =	sor.u32 s22, s30;
	[tilespmem:s20+$0x30] =	vst v10  }
0x5e: {  	v10 =	vld [tilespmem:s22+$0x0];
	_ =	sdelay $0x4  }
0x5f: {  	[tilespmem:$0x11400] =	vst v10  }
0x60: {  	v10 =	vld [tilespmem:s22+$0x80];
	_ =	sdelay $0x4  }
0x61: {  	[tilespmem:$0x11411] =	vst v10  }
0x62: {  	v10 =	vld [tilespmem:s22+$0x100];
	_ =	sdelay $0x4  }
0x63: {  	[tilespmem:$0x11422] =	vst v10  }
0x64: {  	v10 =	vld [tilespmem:s22+$0x180];
	_ =	sdelay $0x4  }
0x65: {  	[tilespmem:$0x11433] =	vst v10  }
0x66: {  	v10 =	vld [tilespmem:s22+$0x200];
	_ =	sdelay $0x4  }
0x67: {  	[tilespmem:$0x11444] =	vst v10  }
0x68: {  	v10 =	vld [tilespmem:s22+$0x280];
	_ =	sdelay $0x4  }
0x69: {  	[tilespmem:$0x11455] =	vst v10  }
0x6a: {  	v10 =	vld [tilespmem:s22+$0x300]  }
0x6b: {  	s17 =	sadd.s32 $0x1, s17  }
0x6c: {  	s22 =	sand.u32 $0x7, s17  }
0x6d: {  	s22 =	sshll.u32 s22, $0x4  }
0x6e: {  	s22 =	sadd.s32 s22, s21  }
0x6f: {  	s22 =	sor.u32 $0x380, s22;
	[tilespmem:$0x11466] =	vst v10  }
0x70: {  	v10 =	vld [tilespmem:s22+$0x0];
	_ =	sdelay $0x4  }
0x71: {  	[tilespmem:$0x11477] =	vst v10  }
0x72: {  	v10 =	vld.idx.msk [tilespmem:v0+s25+$0x0], $0xffff;
	_ =	sdelay $0x4  }
0x73: {  	s20 =	sadd.s32 $0x80, s20  }
0x74: {  	[tilespmem:s20+$0xFFFFFFC0] =	vst v10  }
0x75: {  	v10 =	vld.idx.msk [tilespmem:v1+s25+$0x0], $0xffff;
	_ =	sdelay $0x5  }
0x76: {  	[tilespmem:s20+$0xFFFFFFD0] =	vst v10  }
0x77: {  	v10 =	vld.idx.msk [tilespmem:v2+s25+$0x0], $0xffff;
	_ =	sdelay $0x5  }
0x78: {  	[tilespmem:s20+$0xFFFFFFE0] =	vst v10  }
0x79: {  	v10 =	vld.idx.msk [tilespmem:v3+s25+$0x0], $0xffff;
	_ =	sdelay $0x5  }
0x7a: {  	[tilespmem:s20+$0xFFFFFFF0] =	vst v10  }
0x7b: {  	v10 =	vld.idx.msk [tilespmem:v4+s25+$0x0], $0xffff;
	_ =	sdelay $0x5  }
0x7c: {  	[tilespmem:s20+$0x0] =	vst v10  }
0x7d: {  	v10 =	vld.idx.msk [tilespmem:v5+s25+$0x0], $0xffff;
	_ =	sdelay $0x5  }
0x7e: {  	[tilespmem:s20+$0x10] =	vst v10  }
0x7f: {  	v10 =	vld.idx.msk [tilespmem:v6+s25+$0x0], $0xffff;
	_ =	sdelay $0x5  }
0x80: {  	[tilespmem:s20+$0x20] =	vst v10  }
0x81: {  	v10 =	vld.idx.msk [tilespmem:v7+s25+$0x0], $0xffff  }
.Ltmp4:
0x82: {  	(pc) =	sbr.rel @p3 .LBB2_3-.Ltmp4, $3  }
0x83: {  	_ =	sdelay $0x1  }
0x84: {  	s21 =	sadd.s32 $0x80, s21  }
0x85: {  	s30 =	sand.u32 $0x3C00, s21;
	s22 =	sand.u32 $0x70, s6;
	s6 =	sadd.s32 $0x10, s6  }
0x86: {  	s6 =	sor.u32 s22, s30;
	[tilespmem:s20+$0x30] =	vst v10  }
0x87: {  	v10 =	vld [tilespmem:s6+$0x0];
	_ =	sdelay $0x4  }
0x88: {  	[tilespmem:$0x11400] =	vst v10  }
0x89: {  	v10 =	vld [tilespmem:s6+$0x80];
	_ =	sdelay $0x4  }
0x8a: {  	[tilespmem:$0x11411] =	vst v10  }
0x8b: {  	v10 =	vld [tilespmem:s6+$0x100];
	_ =	sdelay $0x4  }
0x8c: {  	[tilespmem:$0x11422] =	vst v10  }
0x8d: {  	v10 =	vld [tilespmem:s6+$0x180];
	_ =	sdelay $0x4  }
0x8e: {  	[tilespmem:$0x11433] =	vst v10  }
0x8f: {  	v10 =	vld [tilespmem:s6+$0x200];
	_ =	sdelay $0x4  }
0x90: {  	[tilespmem:$0x11444] =	vst v10  }
0x91: {  	v10 =	vld [tilespmem:s6+$0x280];
	_ =	sdelay $0x4  }
0x92: {  	[tilespmem:$0x11455] =	vst v10  }
0x93: {  	v10 =	vld [tilespmem:s6+$0x300]  }
0x94: {  	s22 =	sadd.s32 $0x1, s17  }
0x95: {  	s6 =	sand.u32 $0x7, s22  }
0x96: {  	s6 =	sshll.u32 s6, $0x4  }
0x97: {  	s6 =	sadd.s32 s6, s21  }
0x98: {  	s6 =	sor.u32 $0x380, s6;
	[tilespmem:$0x11466] =	vst v10  }
0x99: {  	v10 =	vld [tilespmem:s6+$0x0];
	_ =	sdelay $0x4  }
0x9a: {  	[tilespmem:$0x11477] =	vst v10  }
0x9b: {  	v10 =	vld.idx.msk [tilespmem:v0+s25+$0x0], $0xffff;
	_ =	sdelay $0x3  }
0x9c: {  	s30 =	sadd.s32 $0x80, s20  }
0x9d: {  	[tilespmem:s30+$0xFFFFFFC0] =	vst v10  }
0x9e: {  	v10 =	vld.idx.msk [tilespmem:v1+s25+$0x0], $0xffff;
	_ =	sdelay $0x4  }
0x9f: {  	[tilespmem:s30+$0xFFFFFFD0] =	vst v10  }
0xa0: {  	v10 =	vld.idx.msk [tilespmem:v2+s25+$0x0], $0xffff;
	_ =	sdelay $0x4  }
0xa1: {  	[tilespmem:s30+$0xFFFFFFE0] =	vst v10  }
0xa2: {  	v10 =	vld.idx.msk [tilespmem:v3+s25+$0x0], $0xffff;
	_ =	sdelay $0x4  }
0xa3: {  	[tilespmem:s30+$0xFFFFFFF0] =	vst v10  }
0xa4: {  	v10 =	vld.idx.msk [tilespmem:v4+s25+$0x0], $0xffff;
	_ =	sdelay $0x4  }
0xa5: {  	[tilespmem:s30+$0x0] =	vst v10  }
0xa6: {  	v10 =	vld.idx.msk [tilespmem:v5+s25+$0x0], $0xffff;
	_ =	sdelay $0x4  }
0xa7: {  	[tilespmem:s30+$0x10] =	vst v10  }
0xa8: {  	v10 =	vld.idx.msk [tilespmem:v6+s25+$0x0], $0xffff;
	_ =	sdelay $0x4  }
0xa9: {  	[tilespmem:s30+$0x20] =	vst v10  }
0xaa: {  	v10 =	vld.idx.msk [tilespmem:v7+s25+$0x0], $0xffff;
	_ =	sdelay $0x1  }
.Ltmp5:
0xab: {  	_ = 	snop;
	(pc) =	sbr.rel @p2 .LBB2_8-.Ltmp5, $4  }
0xac: {  	_ = 	snop  }
0xad: {  	s17 =	sshll.u32 s12, $0x11  }
0xae: {  	s31 =	sadd.s32 s17, s14;
	[tilespmem:s30+$0x30] =	vst v10  }
0xaf: {  	[hbm4b:s31+s5] =	stream.linear.scatter [tilespmem:s26], [sflag:$0x3], $0x4000, $0x38;
	[tilespmem:$0x11500] =	vst v63  }
0xb0: {  	s6 =	sadd.s32 $0x2, s13  }
0xb1: {  	_ =	swait.ge [sflag:s28], $0x4000;
	p2 =	sgt.u32 s6, s9  }
0xb2: {  	[sflag:s28] =	ssyncset.done $0x0;
	s6 =	sshll.u32 @!p2 s6, $0x10  }
0xb3: {  	[sflag:s28] =	ssyncadd.s32 $0xFFFFC000;
	s13 =	simm.s32 @!p2 $0x0;
	s6 =	sadd.s32 @!p2 s6, s10  }
0xb4: {  	[tilespmem:s13], [sflag:$0x1] =	stream.linear.gather @!p2 [hbm4b:s6+s13], $0x4000, $0x38;
	[tilespmem:$0x11500] =	vst v63  }
0xb5: {  	s6 =	simm.s32 @!p1 $0x4  }
0xb6: {  	s13 =	simm.s32 $0x0;
	_ =	swait.ge @!p1 [sflag:s6], $0x4000  }
0xb7: {  	s20 =	sand.u32 $0x70, s13;
	s21 =	sand.u32 $0x3C00, s13;
	[sflag:s6] =	ssyncset.done @!p1 $0x0  }
0xb8: {  	s21 =	sor.u32 s20, s21;
	[sflag:s6] =	ssyncadd.s32 @!p1 $0xFFFFC000  }
0xb9: {  	v10 =	vld [tilespmem:s21+$0x4000];
	_ =	sdelay $0x4  }
0xba: {  	[tilespmem:$0x11400] =	vst v10  }
0xbb: {  	v10 =	vld [tilespmem:s21+$0x4080];
	_ =	sdelay $0x4  }
0xbc: {  	[tilespmem:$0x11411] =	vst v10  }
0xbd: {  	v10 =	vld [tilespmem:s21+$0x4100];
	_ =	sdelay $0x4  }
0xbe: {  	[tilespmem:$0x11422] =	vst v10  }
0xbf: {  	v10 =	vld [tilespmem:s21+$0x4180];
	_ =	sdelay $0x4  }
0xc0: {  	[tilespmem:$0x11433] =	vst v10  }
0xc1: {  	v10 =	vld [tilespmem:s21+$0x4200];
	_ =	sdelay $0x4  }
0xc2: {  	[tilespmem:$0x11444] =	vst v10  }
0xc3: {  	v10 =	vld [tilespmem:s21+$0x4280];
	_ =	sdelay $0x4  }
0xc4: {  	[tilespmem:$0x11455] =	vst v10  }
0xc5: {  	v10 =	vld [tilespmem:s21+$0x4300];
	_ =	sdelay $0x1  }
0xc6: {  	s22 =	sand.u32 $0x7, s13  }
0xc7: {  	s6 =	sshll.u32 s22, $0x4  }
0xc8: {  	s6 =	sadd.s32 $0x0, s6  }
0xc9: {  	s6 =	sor.u32 $0x380, s6;
	[tilespmem:$0x11466] =	vst v10  }
0xca: {  	v10 =	vld [tilespmem:s6+$0x4000];
	_ =	sdelay $0x4  }
0xcb: {  	[tilespmem:$0x11477] =	vst v10  }
0xcc: {  	v10 =	vld.idx.msk [tilespmem:v0+s25+$0x0], $0xffff;
	_ =	sdelay $0x3  }
0xcd: {  	s20 =	simm.s32 $0xC040  }
0xce: {  	[tilespmem:s20+$0xFFFFFFC0] =	vst v10  }
0xcf: {  	v10 =	vld.idx.msk [tilespmem:v1+s25+$0x0], $0xffff;
	_ =	sdelay $0x4  }
0xd0: {  	[tilespmem:s20+$0xFFFFFFD0] =	vst v10  }
0xd1: {  	v10 =	vld.idx.msk [tilespmem:v2+s25+$0x0], $0xffff;
	_ =	sdelay $0x4  }
0xd2: {  	[tilespmem:s20+$0xFFFFFFE0] =	vst v10  }
0xd3: {  	v10 =	vld.idx.msk [tilespmem:v3+s25+$0x0], $0xffff;
	_ =	sdelay $0x4  }
0xd4: {  	[tilespmem:s20+$0xFFFFFFF0] =	vst v10  }
0xd5: {  	v10 =	vld.idx.msk [tilespmem:v4+s25+$0x0], $0xffff;
	_ =	sdelay $0x4  }
0xd6: {  	[tilespmem:s20+$0x0] =	vst v10  }
0xd7: {  	v10 =	vld.idx.msk [tilespmem:v5+s25+$0x0], $0xffff;
	_ =	sdelay $0x4  }
0xd8: {  	[tilespmem:s20+$0x10] =	vst v10  }
0xd9: {  	v10 =	vld.idx.msk [tilespmem:v6+s25+$0x0], $0xffff;
	_ =	sdelay $0x4  }
0xda: {  	[tilespmem:s20+$0x20] =	vst v10  }
0xdb: {  	v10 =	vld.idx.msk [tilespmem:v7+s25+$0x0], $0xffff;
	_ =	sdelay $0x2  }
0xdc: {  	s31 =	simm.s32 $0x10;
	s21 =	simm.s32 $0x80  }
0xdd: {  	s22 =	sand.u32 $0x70, s31;
	s30 =	sand.u32 $0x3C00, s21;
	s6 =	simm.s32 $0x20  }
.LBB2_6:
0xde: {  	p1 =	sne.s32 s6, $0x7F0;
	s22 =	sor.u32 s22, s30;
	[tilespmem:s20+$0x30] =	vst v10  }
0xdf: {  	v10 =	vld [tilespmem:s22+$0x4000];
	_ =	sdelay $0x4  }
0xe0: {  	[tilespmem:$0x11400] =	vst v10  }
0xe1: {  	v10 =	vld [tilespmem:s22+$0x4080];
	_ =	sdelay $0x4  }
0xe2: {  	[tilespmem:$0x11411] =	vst v10  }
0xe3: {  	v10 =	vld [tilespmem:s22+$0x4100];
	_ =	sdelay $0x4  }
0xe4: {  	[tilespmem:$0x11422] =	vst v10  }
0xe5: {  	v10 =	vld [tilespmem:s22+$0x4180];
	_ =	sdelay $0x4  }
0xe6: {  	[tilespmem:$0x11433] =	vst v10  }
0xe7: {  	v10 =	vld [tilespmem:s22+$0x4200];
	_ =	sdelay $0x4  }
0xe8: {  	[tilespmem:$0x11444] =	vst v10  }
0xe9: {  	v10 =	vld [tilespmem:s22+$0x4280];
	_ =	sdelay $0x4  }
0xea: {  	[tilespmem:$0x11455] =	vst v10  }
0xeb: {  	v10 =	vld [tilespmem:s22+$0x4300]  }
0xec: {  	s13 =	sadd.s32 $0x1, s13  }
0xed: {  	s22 =	sand.u32 $0x7, s13  }
0xee: {  	s22 =	sshll.u32 s22, $0x4  }
0xef: {  	s22 =	sadd.s32 s22, s21  }
0xf0: {  	s22 =	sor.u32 $0x380, s22;
	[tilespmem:$0x11466] =	vst v10  }
0xf1: {  	v10 =	vld [tilespmem:s22+$0x4000];
	_ =	sdelay $0x4  }
0xf2: {  	[tilespmem:$0x11477] =	vst v10  }
0xf3: {  	v10 =	vld.idx.msk [tilespmem:v0+s25+$0x0], $0xffff;
	_ =	sdelay $0x4  }
0xf4: {  	s20 =	sadd.s32 $0x80, s20  }
0xf5: {  	[tilespmem:s20+$0xFFFFFFC0] =	vst v10  }
0xf6: {  	v10 =	vld.idx.msk [tilespmem:v1+s25+$0x0], $0xffff;
	_ =	sdelay $0x5  }
0xf7: {  	[tilespmem:s20+$0xFFFFFFD0] =	vst v10  }
0xf8: {  	v10 =	vld.idx.msk [tilespmem:v2+s25+$0x0], $0xffff;
	_ =	sdelay $0x5  }
0xf9: {  	[tilespmem:s20+$0xFFFFFFE0] =	vst v10  }
0xfa: {  	v10 =	vld.idx.msk [tilespmem:v3+s25+$0x0], $0xffff;
	_ =	sdelay $0x5  }
0xfb: {  	[tilespmem:s20+$0xFFFFFFF0] =	vst v10  }
0xfc: {  	v10 =	vld.idx.msk [tilespmem:v4+s25+$0x0], $0xffff;
	_ =	sdelay $0x5  }
0xfd: {  	[tilespmem:s20+$0x0] =	vst v10  }
0xfe: {  	v10 =	vld.idx.msk [tilespmem:v5+s25+$0x0], $0xffff;
	_ =	sdelay $0x5  }
0xff: {  	[tilespmem:s20+$0x10] =	vst v10  }
0x100: {  	v10 =	vld.idx.msk [tilespmem:v6+s25+$0x0], $0xffff;
	_ =	sdelay $0x5  }
0x101: {  	[tilespmem:s20+$0x20] =	vst v10  }
0x102: {  	v10 =	vld.idx.msk [tilespmem:v7+s25+$0x0], $0xffff  }
.Ltmp6:
0x103: {  	(pc) =	sbr.rel @p1 .LBB2_6-.Ltmp6, $3  }
0x104: {  	_ =	sdelay $0x1  }
0x105: {  	s21 =	sadd.s32 $0x80, s21  }
0x106: {  	s30 =	sand.u32 $0x3C00, s21;
	s22 =	sand.u32 $0x70, s6;
	s6 =	sadd.s32 $0x10, s6  }
0x107: {  	s6 =	sor.u32 s22, s30;
	[tilespmem:s20+$0x30] =	vst v10  }
0x108: {  	v10 =	vld [tilespmem:s6+$0x4000];
	_ =	sdelay $0x4  }
0x109: {  	[tilespmem:$0x11400] =	vst v10  }
0x10a: {  	v10 =	vld [tilespmem:s6+$0x4080];
	_ =	sdelay $0x4  }
0x10b: {  	[tilespmem:$0x11411] =	vst v10  }
0x10c: {  	v10 =	vld [tilespmem:s6+$0x4100];
	_ =	sdelay $0x4  }
0x10d: {  	[tilespmem:$0x11422] =	vst v10  }
0x10e: {  	v10 =	vld [tilespmem:s6+$0x4180];
	_ =	sdelay $0x4  }
0x10f: {  	[tilespmem:$0x11433] =	vst v10  }
0x110: {  	v10 =	vld [tilespmem:s6+$0x4200];
	_ =	sdelay $0x4  }
0x111: {  	[tilespmem:$0x11444] =	vst v10  }
0x112: {  	v10 =	vld [tilespmem:s6+$0x4280];
	_ =	sdelay $0x4  }
0x113: {  	[tilespmem:$0x11455] =	vst v10  }
0x114: {  	v10 =	vld [tilespmem:s6+$0x4300]  }
0x115: {  	s13 =	sadd.s32 $0x1, s13  }
0x116: {  	s6 =	sand.u32 $0x7, s13  }
0x117: {  	s6 =	sshll.u32 s6, $0x4  }
0x118: {  	s6 =	sadd.s32 s6, s21  }
0x119: {  	s6 =	sor.u32 $0x380, s6;
	[tilespmem:$0x11466] =	vst v10  }
0x11a: {  	v10 =	vld [tilespmem:s6+$0x4000];
	_ =	sdelay $0x4  }
0x11b: {  	[tilespmem:$0x11477] =	vst v10  }
0x11c: {  	v10 =	vld.idx.msk [tilespmem:v0+s25+$0x0], $0xffff;
	_ =	sdelay $0x3  }
0x11d: {  	s22 =	sadd.s32 $0x80, s20  }
0x11e: {  	[tilespmem:s22+$0xFFFFFFC0] =	vst v10  }
0x11f: {  	v10 =	vld.idx.msk [tilespmem:v1+s25+$0x0], $0xffff;
	_ =	sdelay $0x4  }
0x120: {  	[tilespmem:s22+$0xFFFFFFD0] =	vst v10  }
0x121: {  	v10 =	vld.idx.msk [tilespmem:v2+s25+$0x0], $0xffff;
	_ =	sdelay $0x4  }
0x122: {  	[tilespmem:s22+$0xFFFFFFE0] =	vst v10  }
0x123: {  	v10 =	vld.idx.msk [tilespmem:v3+s25+$0x0], $0xffff;
	_ =	sdelay $0x4  }
0x124: {  	[tilespmem:s22+$0xFFFFFFF0] =	vst v10  }
0x125: {  	v10 =	vld.idx.msk [tilespmem:v4+s25+$0x0], $0xffff;
	_ =	sdelay $0x4  }
0x126: {  	[tilespmem:s22+$0x0] =	vst v10  }
0x127: {  	v10 =	vld.idx.msk [tilespmem:v5+s25+$0x0], $0xffff;
	_ =	sdelay $0x4  }
0x128: {  	[tilespmem:s22+$0x10] =	vst v10  }
0x129: {  	v10 =	vld.idx.msk [tilespmem:v6+s25+$0x0], $0xffff;
	_ =	sdelay $0x4  }
0x12a: {  	[tilespmem:s22+$0x20] =	vst v10  }
0x12b: {  	v10 =	vld.idx.msk [tilespmem:v7+s25+$0x0], $0xffff;
	_ =	sdelay $0x1  }
.Ltmp7:
0x12c: {  	_ = 	snop;
	(pc) =	sbr.rel .LBB2_8-.Ltmp7, $4  }
0x12d: {  	_ = 	snop  }
0x12e: {  	s30 =	sor.u32 s23, s17  }
0x12f: {  	s31 =	sadd.s32 s3, s30;
	[tilespmem:s22+$0x30] =	vst v10  }
0x130: {  	[hbm4b:s31+s5] =	stream.linear.scatter [tilespmem:s29], [sflag:$0x4], $0x4000, $0x38;
	[tilespmem:$0x11500] =	vst v63  }
.LBB2_9:
0x131: {  	s6 =	simm.s32 $0x3  }
0x132: {  	_ =	swait.ge [sflag:s6], $0x4000  }
.Ltmp8:
0x133: {  	[sflag:s6] =	ssyncset.done $0x0;
	(pc) =	sbr.rel @p0 .LBB2_13-.Ltmp8, $4  }
0x134: {  	s31 =	simm.s32 $0x4;
	[sflag:s6] =	ssyncadd.s32 $0xFFFFC000  }
0x135: {  	_ =	swait.ge [sflag:s31], $0x4000  }
0x136: {  	[sflag:s31] =	ssyncset.done $0x0  }
0x137: {  	[sflag:s31] =	ssyncadd.s32 $0xFFFFC000  }
0x138: {  	s6 =	simm.s32 $0x0  }
0x139: {  	v10 =	vor.u32 s6, v8  }
0x13a: {  	vm0 =	vlt.s32 v10, $0x240  }
0x13b: {  	v10 =	vnsel vm0, $0x240, v10  }
0x13c: {  	v11 =	vshll.u32 v10, $0x3  }
0x13d: {  	v10 =	vand.u32 $0x7F, v10;
	v11 =	vand.u32 $0x1C00, v11  }
0x13e: {  	s12 =	simm.s32 $0x2;
	v10 =	vor.u32 v11, v10  }
0x13f: {  	s22 =	rddreg [dreg:$0x6];
	v11 =	vor.u32 s12, v8;
	v10 =	vor.u32 v9, v10  }
0x140: {  	[tilespmem:s4], [sflag:$0x1] =	stream.linear.gather [hbm4b:s22+s6], $0x1400, $0x38;
	vm14 =	vlt.s32 v11, $0x240;
	[tilespmem:$0x11500] =	vst v63  }
0x141: {  	_ =	swait.ge [sflag:s24], $0x1400;
	v11 =	vnsel vm14, $0x240, v11  }
0x142: {  	[sflag:s24] =	ssyncset.done $0x0;
	v12 =	vshll.u32 v11, $0x3  }
0x143: {  	[sflag:s24] =	ssyncadd.s32 $0xFFFFEC00;
	v11 =	vand.u32 $0x7F, v11;
	v12 =	vand.u32 $0x1C00, v12  }
0x144: {  	s30 =	simm.s32 $0x4;
	v11 =	vor.u32 v12, v11;
	v10 =	vld.idx.msk [tilespmem:v10+s4+$0x0], $0xffff  }
0x145: {  	v12 =	vor.u32 s30, v8;
	v11 =	vor.u32 v9, v11  }
0x146: {  	vm15 =	vlt.s32 v12, $0x240  }
0x147: {  	v12 =	vnsel vm15, $0x240, v12  }
0x148: {  	s6 =	simm.s32 $0x8000;
	v13 =	vshll.u32 v12, $0x3  }
0x149: {  	v12 =	vand.u32 $0x7F, v12;
	v13 =	vand.u32 $0x1C00, v13;
	[tilespmem:s6+$0x0] =	vst v10  }
0x14a: {  	v10 =	vor.u32 v13, v12;
	v11 =	vld.idx.msk [tilespmem:v11+s4+$0x0], $0xffff  }
0x14b: {  	s31 =	simm.s32 $0x6;
	v10 =	vor.u32 v9, v10  }
0x14c: {  	s12 =	simm.s32 $0x8;
	v12 =	vor.u32 s31, v8  }
.LBB2_11:
0x14d: {  	p1 =	sne.s32 s12, $0x240;
	vm0 =	vlt.s32 v12, $0x240  }
0x14e: {  	s6 =	sadd.s32 $0x10, s6;
	v12 =	vnsel vm0, $0x240, v12  }
.Ltmp9:
0x14f: {  	v13 =	vshll.u32 v12, $0x3;
	[tilespmem:s6+$0x0] =	vst v11;
	(pc) =	sbr.rel @p1 .LBB2_11-.Ltmp9, $4  }
0x150: {  	v12 =	vand.u32 $0x7F, v12;
	v13 =	vand.u32 $0x1C00, v13;
	v11 =	vld.idx.msk [tilespmem:v10+s4+$0x0], $0xffff  }
0x151: {  	v10 =	vor.u32 v13, v12  }
0x152: {  	v10 =	vor.u32 v9, v10  }
0x153: {  	v12 =	vor.u32 s12, v8;
	s12 =	sadd.s32 $0x2, s12  }
0x154: {  	vm0 =	vlt.s32 v12, $0x240  }
0x155: {  	v12 =	vnsel vm0, $0x240, v12  }
0x156: {  	s6 =	sadd.s32 $0x10, s6;
	v13 =	vshll.u32 v12, $0x3  }
0x157: {  	[tilespmem:s6+$0x0] =	vst v11;
	v11 =	vand.u32 $0x7F, v12;
	v63 =	vand.u32 $0x1C00, v13  }
0x158: {  	v10 =	vld.idx.msk [tilespmem:v10+s4+$0x0], $0xffff;
	v11 =	vor.u32 v63, v11  }
0x159: {  	v11 =	vor.u32 v9, v11;
	_ =	sdelay $0x2  }
0x15a: {  	s6 =	sadd.s32 $0x10, s6  }
0x15b: {  	[tilespmem:s6+$0x0] =	vst v10  }
0x15c: {  	v10 =	vld.idx.msk [tilespmem:v11+s4+$0x0], $0xffff;
	_ =	sdelay $0x3  }
0x15d: {  	s6 =	sadd.s32 $0x10, s6  }
0x15e: {  	s30 =	rddreg [dreg:$0x7];
	s31 =	simm.s32 $0x5;
	[tilespmem:s6+$0x0] =	vst v10  }
0x15f: {  	[hbm4b:s30+s5] =	stream.linear.scatter [tilespmem:s26], [sflag:$0x5], $0x1208, $0x38;
	[tilespmem:$0x11500] =	vst v63  }
0x160: {  	_ =	swait.ge [sflag:s31], $0x1208  }
0x161: {  	[sflag:s31] =	ssyncset.done $0x0  }
0x162: {  	[sflag:s31] =	ssyncadd.s32 $0xFFFFEDF8  }
.LBB2_13:
.Ltmp10:
0x163: {  	(pc) =	sbr.rel .LBB2_14-.Ltmp10, $3  }
0x164: {  	_ =	sdelay $0x1  }
0x165: {  	s12 =	simm.s32 $0x0;
	s13 =	simm.s32 $0x0  }
0x166: {  	[tilespmem:s12], [sflag:$0x1] =	stream.linear.gather [hbm4b:s15+s12], $0x4000, $0x38;
	[tilespmem:$0x11500] =	vst v63  }
.LBB2_20:
0x167: {  	s13 =	sadd.s32 $0x1, s13  }
0x168: {  	p1 =	sne.s32 s13, $0x8  }
.Ltmp11:
0x169: {  	_ = 	snop;
	(pc) =	sbr.rel @!p1 .LBB2_21-.Ltmp11, $1  }
0x16a: {  	_ =	sdelay $0x3  }
.LBB2_14:
0x16b: {  	s17 =	sshll.u32 s13, $0x1  }
0x16c: {  	_ =	swait.ge [sflag:s24], $0x4000;
	p2 =	sge.u32 s17, s9  }
0x16d: {  	[sflag:s24] =	ssyncset.done $0x0;
	s6 =	sshll.u32 @!p2 s13, $0x11  }
0x16e: {  	p1 =	seq.s32 s13, $0x0;
	[sflag:s24] =	ssyncadd.s32 $0xFFFFC000;
	s6 =	sor.u32 @!p2 s23, s6  }
0x16f: {  	s20 =	simm.s32 @!p2 $0x0;
	s21 =	simm.s32 @!p2 $0x4000;
	s6 =	sadd.s32 @!p2 s1, s6  }
0x170: {  	[tilespmem:s21], [sflag:$0x2] =	stream.linear.gather @!p2 [hbm4b:s6+s20], $0x4000, $0x38;
	[tilespmem:$0x11500] =	vst v63  }
0x171: {  	s6 =	simm.s32 @!p1 $0x3  }
0x172: {  	_ =	swait.ge @!p1 [sflag:s6], $0x4000  }
0x173: {  	s22 =	sand.u32 $0x3C00, s12;
	s21 =	sand.u32 $0x70, s12;
	[sflag:s6] =	ssyncset.done @!p1 $0x0  }
0x174: {  	s20 =	sor.u32 s21, s22;
	[sflag:s6] =	ssyncadd.s32 @!p1 $0xFFFFC000  }
0x175: {  	v10 =	vld [tilespmem:s20+$0x0];
	_ =	sdelay $0x4  }
0x176: {  	[tilespmem:$0x11400] =	vst v10  }
0x177: {  	v10 =	vld [tilespmem:s20+$0x80];
	_ =	sdelay $0x4  }
0x178: {  	[tilespmem:$0x11411] =	vst v10  }
0x179: {  	v10 =	vld [tilespmem:s20+$0x100];
	_ =	sdelay $0x4  }
0x17a: {  	[tilespmem:$0x11422] =	vst v10  }
0x17b: {  	v10 =	vld [tilespmem:s20+$0x180];
	_ =	sdelay $0x4  }
0x17c: {  	[tilespmem:$0x11433] =	vst v10  }
0x17d: {  	v10 =	vld [tilespmem:s20+$0x200];
	_ =	sdelay $0x4  }
0x17e: {  	[tilespmem:$0x11444] =	vst v10  }
0x17f: {  	v10 =	vld [tilespmem:s20+$0x280];
	_ =	sdelay $0x4  }
0x180: {  	[tilespmem:$0x11455] =	vst v10  }
0x181: {  	v10 =	vld [tilespmem:s20+$0x300];
	_ =	sdelay $0x1  }
0x182: {  	s21 =	sand.u32 $0x7, s12  }
0x183: {  	s6 =	sshll.u32 s21, $0x4  }
0x184: {  	s6 =	sadd.s32 $0x0, s6  }
0x185: {  	s6 =	sor.u32 $0x380, s6;
	[tilespmem:$0x11466] =	vst v10  }
0x186: {  	v10 =	vld [tilespmem:s6+$0x0];
	_ =	sdelay $0x4  }
0x187: {  	[tilespmem:$0x11477] =	vst v10  }
0x188: {  	v10 =	vld.idx.msk [tilespmem:v0+s25+$0x0], $0xffff;
	_ =	sdelay $0x3  }
0x189: {  	s20 =	simm.s32 $0x8040  }
0x18a: {  	[tilespmem:s20+$0xFFFFFFC0] =	vst v10  }
0x18b: {  	v10 =	vld.idx.msk [tilespmem:v1+s25+$0x0], $0xffff;
	_ =	sdelay $0x4  }
0x18c: {  	[tilespmem:s20+$0xFFFFFFD0] =	vst v10  }
0x18d: {  	v10 =	vld.idx.msk [tilespmem:v2+s25+$0x0], $0xffff;
	_ =	sdelay $0x4  }
0x18e: {  	[tilespmem:s20+$0xFFFFFFE0] =	vst v10  }
0x18f: {  	v10 =	vld.idx.msk [tilespmem:v3+s25+$0x0], $0xffff;
	_ =	sdelay $0x4  }
0x190: {  	[tilespmem:s20+$0xFFFFFFF0] =	vst v10  }
0x191: {  	v10 =	vld.idx.msk [tilespmem:v4+s25+$0x0], $0xffff;
	_ =	sdelay $0x4  }
0x192: {  	[tilespmem:s20+$0x0] =	vst v10  }
0x193: {  	v10 =	vld.idx.msk [tilespmem:v5+s25+$0x0], $0xffff;
	_ =	sdelay $0x4  }
0x194: {  	[tilespmem:s20+$0x10] =	vst v10  }
0x195: {  	v10 =	vld.idx.msk [tilespmem:v6+s25+$0x0], $0xffff;
	_ =	sdelay $0x4  }
0x196: {  	[tilespmem:s20+$0x20] =	vst v10  }
0x197: {  	v10 =	vld.idx.msk [tilespmem:v7+s25+$0x0], $0xffff;
	_ =	sdelay $0x1  }
0x198: {  	s22 =	simm.s32 $0x10  }
0x199: {  	s30 =	sand.u32 $0x70, s22;
	s21 =	simm.s32 $0x80  }
0x19a: {  	s22 =	simm.s32 $0x0;
	s31 =	sand.u32 $0x3C00, s21;
	s6 =	simm.s32 $0x20  }
.LBB2_15:
0x19b: {  	p3 =	sne.s32 s6, $0x7F0;
	s30 =	sor.u32 s30, s31;
	[tilespmem:s20+$0x30] =	vst v10  }
0x19c: {  	v10 =	vld [tilespmem:s30+$0x0];
	_ =	sdelay $0x4  }
0x19d: {  	[tilespmem:$0x11400] =	vst v10  }
0x19e: {  	v10 =	vld [tilespmem:s30+$0x80];
	_ =	sdelay $0x4  }
0x19f: {  	[tilespmem:$0x11411] =	vst v10  }
0x1a0: {  	v10 =	vld [tilespmem:s30+$0x100];
	_ =	sdelay $0x4  }
0x1a1: {  	[tilespmem:$0x11422] =	vst v10  }
0x1a2: {  	v10 =	vld [tilespmem:s30+$0x180];
	_ =	sdelay $0x4  }
0x1a3: {  	[tilespmem:$0x11433] =	vst v10  }
0x1a4: {  	v10 =	vld [tilespmem:s30+$0x200];
	_ =	sdelay $0x4  }
0x1a5: {  	[tilespmem:$0x11444] =	vst v10  }
0x1a6: {  	v10 =	vld [tilespmem:s30+$0x280];
	_ =	sdelay $0x4  }
0x1a7: {  	[tilespmem:$0x11455] =	vst v10  }
0x1a8: {  	v10 =	vld [tilespmem:s30+$0x300]  }
0x1a9: {  	s22 =	sadd.s32 $0x1, s22  }
0x1aa: {  	s30 =	sand.u32 $0x7, s22  }
0x1ab: {  	s30 =	sshll.u32 s30, $0x4  }
0x1ac: {  	s30 =	sadd.s32 s30, s21  }
0x1ad: {  	s30 =	sor.u32 $0x380, s30;
	[tilespmem:$0x11466] =	vst v10  }
0x1ae: {  	v10 =	vld [tilespmem:s30+$0x0];
	_ =	sdelay $0x4  }
0x1af: {  	[tilespmem:$0x11477] =	vst v10  }
0x1b0: {  	v10 =	vld.idx.msk [tilespmem:v0+s25+$0x0], $0xffff;
	_ =	sdelay $0x4  }
0x1b1: {  	s20 =	sadd.s32 $0x80, s20  }
0x1b2: {  	[tilespmem:s20+$0xFFFFFFC0] =	vst v10  }
0x1b3: {  	v10 =	vld.idx.msk [tilespmem:v1+s25+$0x0], $0xffff;
	_ =	sdelay $0x5  }
0x1b4: {  	[tilespmem:s20+$0xFFFFFFD0] =	vst v10  }
0x1b5: {  	v10 =	vld.idx.msk [tilespmem:v2+s25+$0x0], $0xffff;
	_ =	sdelay $0x5  }
0x1b6: {  	[tilespmem:s20+$0xFFFFFFE0] =	vst v10  }
0x1b7: {  	v10 =	vld.idx.msk [tilespmem:v3+s25+$0x0], $0xffff;
	_ =	sdelay $0x5  }
0x1b8: {  	[tilespmem:s20+$0xFFFFFFF0] =	vst v10  }
0x1b9: {  	v10 =	vld.idx.msk [tilespmem:v4+s25+$0x0], $0xffff;
	_ =	sdelay $0x5  }
0x1ba: {  	[tilespmem:s20+$0x0] =	vst v10  }
0x1bb: {  	v10 =	vld.idx.msk [tilespmem:v5+s25+$0x0], $0xffff;
	_ =	sdelay $0x5  }
0x1bc: {  	[tilespmem:s20+$0x10] =	vst v10  }
0x1bd: {  	v10 =	vld.idx.msk [tilespmem:v6+s25+$0x0], $0xffff;
	_ =	sdelay $0x5  }
0x1be: {  	[tilespmem:s20+$0x20] =	vst v10  }
0x1bf: {  	v10 =	vld.idx.msk [tilespmem:v7+s25+$0x0], $0xffff  }
.Ltmp12:
0x1c0: {  	(pc) =	sbr.rel @p3 .LBB2_15-.Ltmp12, $3  }
0x1c1: {  	_ =	sdelay $0x1  }
0x1c2: {  	s21 =	sadd.s32 $0x80, s21  }
0x1c3: {  	s31 =	sand.u32 $0x3C00, s21;
	s30 =	sand.u32 $0x70, s6;
	s6 =	sadd.s32 $0x10, s6  }
0x1c4: {  	s6 =	sor.u32 s30, s31;
	[tilespmem:s20+$0x30] =	vst v10  }
0x1c5: {  	v10 =	vld [tilespmem:s6+$0x0];
	_ =	sdelay $0x4  }
0x1c6: {  	[tilespmem:$0x11400] =	vst v10  }
0x1c7: {  	v10 =	vld [tilespmem:s6+$0x80];
	_ =	sdelay $0x4  }
0x1c8: {  	[tilespmem:$0x11411] =	vst v10  }
0x1c9: {  	v10 =	vld [tilespmem:s6+$0x100];
	_ =	sdelay $0x4  }
0x1ca: {  	[tilespmem:$0x11422] =	vst v10  }
0x1cb: {  	v10 =	vld [tilespmem:s6+$0x180];
	_ =	sdelay $0x4  }
0x1cc: {  	[tilespmem:$0x11433] =	vst v10  }
0x1cd: {  	v10 =	vld [tilespmem:s6+$0x200];
	_ =	sdelay $0x4  }
0x1ce: {  	[tilespmem:$0x11444] =	vst v10  }
0x1cf: {  	v10 =	vld [tilespmem:s6+$0x280];
	_ =	sdelay $0x4  }
0x1d0: {  	[tilespmem:$0x11455] =	vst v10  }
0x1d1: {  	v10 =	vld [tilespmem:s6+$0x300]  }
0x1d2: {  	s22 =	sadd.s32 $0x1, s22  }
0x1d3: {  	s6 =	sand.u32 $0x7, s22  }
0x1d4: {  	s6 =	sshll.u32 s6, $0x4  }
0x1d5: {  	s6 =	sadd.s32 s6, s21  }
0x1d6: {  	s6 =	sor.u32 $0x380, s6;
	[tilespmem:$0x11466] =	vst v10  }
0x1d7: {  	v10 =	vld [tilespmem:s6+$0x0];
	_ =	sdelay $0x4  }
0x1d8: {  	[tilespmem:$0x11477] =	vst v10  }
0x1d9: {  	v10 =	vld.idx.msk [tilespmem:v0+s25+$0x0], $0xffff;
	_ =	sdelay $0x3  }
0x1da: {  	s30 =	sadd.s32 $0x80, s20  }
0x1db: {  	[tilespmem:s30+$0xFFFFFFC0] =	vst v10  }
0x1dc: {  	v10 =	vld.idx.msk [tilespmem:v1+s25+$0x0], $0xffff;
	_ =	sdelay $0x4  }
0x1dd: {  	[tilespmem:s30+$0xFFFFFFD0] =	vst v10  }
0x1de: {  	v10 =	vld.idx.msk [tilespmem:v2+s25+$0x0], $0xffff;
	_ =	sdelay $0x4  }
0x1df: {  	[tilespmem:s30+$0xFFFFFFE0] =	vst v10  }
0x1e0: {  	v10 =	vld.idx.msk [tilespmem:v3+s25+$0x0], $0xffff;
	_ =	sdelay $0x4  }
0x1e1: {  	[tilespmem:s30+$0xFFFFFFF0] =	vst v10  }
0x1e2: {  	v10 =	vld.idx.msk [tilespmem:v4+s25+$0x0], $0xffff;
	_ =	sdelay $0x4  }
0x1e3: {  	[tilespmem:s30+$0x0] =	vst v10  }
0x1e4: {  	v10 =	vld.idx.msk [tilespmem:v5+s25+$0x0], $0xffff;
	_ =	sdelay $0x4  }
0x1e5: {  	[tilespmem:s30+$0x10] =	vst v10  }
0x1e6: {  	v10 =	vld.idx.msk [tilespmem:v6+s25+$0x0], $0xffff;
	_ =	sdelay $0x4  }
0x1e7: {  	[tilespmem:s30+$0x20] =	vst v10  }
0x1e8: {  	v10 =	vld.idx.msk [tilespmem:v7+s25+$0x0], $0xffff;
	_ =	sdelay $0x1  }
.Ltmp13:
0x1e9: {  	_ = 	snop;
	(pc) =	sbr.rel @p2 .LBB2_20-.Ltmp13, $4  }
0x1ea: {  	_ = 	snop  }
0x1eb: {  	s20 =	sshll.u32 s13, $0x11  }
0x1ec: {  	s31 =	sadd.s32 s20, s16;
	[tilespmem:s30+$0x30] =	vst v10  }
0x1ed: {  	[hbm4b:s31+s5] =	stream.linear.scatter [tilespmem:s26], [sflag:$0x3], $0x4000, $0x38;
	[tilespmem:$0x11500] =	vst v63  }
0x1ee: {  	s6 =	sadd.s32 $0x2, s17  }
0x1ef: {  	_ =	swait.ge [sflag:s28], $0x4000;
	p2 =	sgt.u32 s6, s9  }
0x1f0: {  	[sflag:s28] =	ssyncset.done $0x0;
	s6 =	sshll.u32 @!p2 s6, $0x10  }
0x1f1: {  	[sflag:s28] =	ssyncadd.s32 $0xFFFFC000;
	s17 =	simm.s32 @!p2 $0x0;
	s6 =	sadd.s32 @!p2 s6, s15  }
0x1f2: {  	[tilespmem:s17], [sflag:$0x1] =	stream.linear.gather @!p2 [hbm4b:s6+s17], $0x4000, $0x38;
	[tilespmem:$0x11500] =	vst v63  }
0x1f3: {  	s6 =	simm.s32 @!p1 $0x4  }
0x1f4: {  	s17 =	simm.s32 $0x0;
	_ =	swait.ge @!p1 [sflag:s6], $0x4000  }
0x1f5: {  	s21 =	sand.u32 $0x70, s17;
	s22 =	sand.u32 $0x3C00, s17;
	[sflag:s6] =	ssyncset.done @!p1 $0x0  }
0x1f6: {  	s21 =	sor.u32 s21, s22;
	[sflag:s6] =	ssyncadd.s32 @!p1 $0xFFFFC000  }
0x1f7: {  	v10 =	vld [tilespmem:s21+$0x4000];
	_ =	sdelay $0x4  }
0x1f8: {  	[tilespmem:$0x11400] =	vst v10  }
0x1f9: {  	v10 =	vld [tilespmem:s21+$0x4080];
	_ =	sdelay $0x4  }
0x1fa: {  	[tilespmem:$0x11411] =	vst v10  }
0x1fb: {  	v10 =	vld [tilespmem:s21+$0x4100];
	_ =	sdelay $0x4  }
0x1fc: {  	[tilespmem:$0x11422] =	vst v10  }
0x1fd: {  	v10 =	vld [tilespmem:s21+$0x4180];
	_ =	sdelay $0x4  }
0x1fe: {  	[tilespmem:$0x11433] =	vst v10  }
0x1ff: {  	v10 =	vld [tilespmem:s21+$0x4200];
	_ =	sdelay $0x4  }
0x200: {  	[tilespmem:$0x11444] =	vst v10  }
0x201: {  	v10 =	vld [tilespmem:s21+$0x4280];
	_ =	sdelay $0x4  }
0x202: {  	[tilespmem:$0x11455] =	vst v10  }
0x203: {  	v10 =	vld [tilespmem:s21+$0x4300];
	_ =	sdelay $0x1  }
0x204: {  	s22 =	sand.u32 $0x7, s17  }
0x205: {  	s6 =	sshll.u32 s22, $0x4  }
0x206: {  	s6 =	sadd.s32 $0x0, s6  }
0x207: {  	s6 =	sor.u32 $0x380, s6;
	[tilespmem:$0x11466] =	vst v10  }
0x208: {  	v10 =	vld [tilespmem:s6+$0x4000];
	_ =	sdelay $0x4  }
0x209: {  	[tilespmem:$0x11477] =	vst v10  }
0x20a: {  	v10 =	vld.idx.msk [tilespmem:v0+s25+$0x0], $0xffff;
	_ =	sdelay $0x3  }
0x20b: {  	s21 =	simm.s32 $0xC040  }
0x20c: {  	[tilespmem:s21+$0xFFFFFFC0] =	vst v10  }
0x20d: {  	v10 =	vld.idx.msk [tilespmem:v1+s25+$0x0], $0xffff;
	_ =	sdelay $0x4  }
0x20e: {  	[tilespmem:s21+$0xFFFFFFD0] =	vst v10  }
0x20f: {  	v10 =	vld.idx.msk [tilespmem:v2+s25+$0x0], $0xffff;
	_ =	sdelay $0x4  }
0x210: {  	[tilespmem:s21+$0xFFFFFFE0] =	vst v10  }
0x211: {  	v10 =	vld.idx.msk [tilespmem:v3+s25+$0x0], $0xffff;
	_ =	sdelay $0x4  }
0x212: {  	[tilespmem:s21+$0xFFFFFFF0] =	vst v10  }
0x213: {  	v10 =	vld.idx.msk [tilespmem:v4+s25+$0x0], $0xffff;
	_ =	sdelay $0x4  }
0x214: {  	[tilespmem:s21+$0x0] =	vst v10  }
0x215: {  	v10 =	vld.idx.msk [tilespmem:v5+s25+$0x0], $0xffff;
	_ =	sdelay $0x4  }
0x216: {  	[tilespmem:s21+$0x10] =	vst v10  }
0x217: {  	v10 =	vld.idx.msk [tilespmem:v6+s25+$0x0], $0xffff;
	_ =	sdelay $0x4  }
0x218: {  	[tilespmem:s21+$0x20] =	vst v10  }
0x219: {  	v10 =	vld.idx.msk [tilespmem:v7+s25+$0x0], $0xffff;
	_ =	sdelay $0x2  }
0x21a: {  	s22 =	simm.s32 $0x80;
	s6 =	simm.s32 $0x10  }
0x21b: {  	s31 =	sand.u32 $0x3C00, s22;
	s30 =	sand.u32 $0x70, s6;
	s6 =	simm.s32 $0x20  }
.LBB2_18:
0x21c: {  	p1 =	sne.s32 s6, $0x7F0;
	s30 =	sor.u32 s30, s31;
	[tilespmem:s21+$0x30] =	vst v10  }
0x21d: {  	v10 =	vld [tilespmem:s30+$0x4000];
	_ =	sdelay $0x4  }
0x21e: {  	[tilespmem:$0x11400] =	vst v10  }
0x21f: {  	v10 =	vld [tilespmem:s30+$0x4080];
	_ =	sdelay $0x4  }
0x220: {  	[tilespmem:$0x11411] =	vst v10  }
0x221: {  	v10 =	vld [tilespmem:s30+$0x4100];
	_ =	sdelay $0x4  }
0x222: {  	[tilespmem:$0x11422] =	vst v10  }
0x223: {  	v10 =	vld [tilespmem:s30+$0x4180];
	_ =	sdelay $0x4  }
0x224: {  	[tilespmem:$0x11433] =	vst v10  }
0x225: {  	v10 =	vld [tilespmem:s30+$0x4200];
	_ =	sdelay $0x4  }
0x226: {  	[tilespmem:$0x11444] =	vst v10  }
0x227: {  	v10 =	vld [tilespmem:s30+$0x4280];
	_ =	sdelay $0x4  }
0x228: {  	[tilespmem:$0x11455] =	vst v10  }
0x229: {  	v10 =	vld [tilespmem:s30+$0x4300]  }
0x22a: {  	s17 =	sadd.s32 $0x1, s17  }
0x22b: {  	s30 =	sand.u32 $0x7, s17  }
0x22c: {  	s30 =	sshll.u32 s30, $0x4  }
0x22d: {  	s30 =	sadd.s32 s30, s22  }
0x22e: {  	s30 =	sor.u32 $0x380, s30;
	[tilespmem:$0x11466] =	vst v10  }
0x22f: {  	v10 =	vld [tilespmem:s30+$0x4000];
	_ =	sdelay $0x4  }
0x230: {  	[tilespmem:$0x11477] =	vst v10  }
0x231: {  	v10 =	vld.idx.msk [tilespmem:v0+s25+$0x0], $0xffff;
	_ =	sdelay $0x4  }
0x232: {  	s21 =	sadd.s32 $0x80, s21  }
0x233: {  	[tilespmem:s21+$0xFFFFFFC0] =	vst v10  }
0x234: {  	v10 =	vld.idx.msk [tilespmem:v1+s25+$0x0], $0xffff;
	_ =	sdelay $0x5  }
0x235: {  	[tilespmem:s21+$0xFFFFFFD0] =	vst v10  }
0x236: {  	v10 =	vld.idx.msk [tilespmem:v2+s25+$0x0], $0xffff;
	_ =	sdelay $0x5  }
0x237: {  	[tilespmem:s21+$0xFFFFFFE0] =	vst v10  }
0x238: {  	v10 =	vld.idx.msk [tilespmem:v3+s25+$0x0], $0xffff;
	_ =	sdelay $0x5  }
0x239: {  	[tilespmem:s21+$0xFFFFFFF0] =	vst v10  }
0x23a: {  	v10 =	vld.idx.msk [tilespmem:v4+s25+$0x0], $0xffff;
	_ =	sdelay $0x5  }
0x23b: {  	[tilespmem:s21+$0x0] =	vst v10  }
0x23c: {  	v10 =	vld.idx.msk [tilespmem:v5+s25+$0x0], $0xffff;
	_ =	sdelay $0x5  }
0x23d: {  	[tilespmem:s21+$0x10] =	vst v10  }
0x23e: {  	v10 =	vld.idx.msk [tilespmem:v6+s25+$0x0], $0xffff;
	_ =	sdelay $0x5  }
0x23f: {  	[tilespmem:s21+$0x20] =	vst v10  }
0x240: {  	v10 =	vld.idx.msk [tilespmem:v7+s25+$0x0], $0xffff  }
.Ltmp14:
0x241: {  	(pc) =	sbr.rel @p1 .LBB2_18-.Ltmp14, $3  }
0x242: {  	_ =	sdelay $0x1  }
0x243: {  	s22 =	sadd.s32 $0x80, s22  }
0x244: {  	s31 =	sand.u32 $0x3C00, s22;
	s30 =	sand.u32 $0x70, s6;
	s6 =	sadd.s32 $0x10, s6  }
0x245: {  	s6 =	sor.u32 s30, s31;
	[tilespmem:s21+$0x30] =	vst v10  }
0x246: {  	v10 =	vld [tilespmem:s6+$0x4000];
	_ =	sdelay $0x4  }
0x247: {  	[tilespmem:$0x11400] =	vst v10  }
0x248: {  	v10 =	vld [tilespmem:s6+$0x4080];
	_ =	sdelay $0x4  }
0x249: {  	[tilespmem:$0x11411] =	vst v10  }
0x24a: {  	v10 =	vld [tilespmem:s6+$0x4100];
	_ =	sdelay $0x4  }
0x24b: {  	[tilespmem:$0x11422] =	vst v10  }
0x24c: {  	v10 =	vld [tilespmem:s6+$0x4180];
	_ =	sdelay $0x4  }
0x24d: {  	[tilespmem:$0x11433] =	vst v10  }
0x24e: {  	v10 =	vld [tilespmem:s6+$0x4200];
	_ =	sdelay $0x4  }
0x24f: {  	[tilespmem:$0x11444] =	vst v10  }
0x250: {  	v10 =	vld [tilespmem:s6+$0x4280];
	_ =	sdelay $0x4  }
0x251: {  	[tilespmem:$0x11455] =	vst v10  }
0x252: {  	v10 =	vld [tilespmem:s6+$0x4300]  }
0x253: {  	s17 =	sadd.s32 $0x1, s17  }
0x254: {  	s6 =	sand.u32 $0x7, s17  }
0x255: {  	s6 =	sshll.u32 s6, $0x4  }
0x256: {  	s6 =	sadd.s32 s6, s22  }
0x257: {  	s6 =	sor.u32 $0x380, s6;
	[tilespmem:$0x11466] =	vst v10  }
0x258: {  	v10 =	vld [tilespmem:s6+$0x4000];
	_ =	sdelay $0x4  }
0x259: {  	[tilespmem:$0x11477] =	vst v10  }
0x25a: {  	v10 =	vld.idx.msk [tilespmem:v0+s25+$0x0], $0xffff;
	_ =	sdelay $0x3  }
0x25b: {  	s22 =	sadd.s32 $0x80, s21  }
0x25c: {  	[tilespmem:s22+$0xFFFFFFC0] =	vst v10  }
0x25d: {  	v10 =	vld.idx.msk [tilespmem:v1+s25+$0x0], $0xffff;
	_ =	sdelay $0x4  }
0x25e: {  	[tilespmem:s22+$0xFFFFFFD0] =	vst v10  }
0x25f: {  	v10 =	vld.idx.msk [tilespmem:v2+s25+$0x0], $0xffff;
	_ =	sdelay $0x4  }
0x260: {  	[tilespmem:s22+$0xFFFFFFE0] =	vst v10  }
0x261: {  	v10 =	vld.idx.msk [tilespmem:v3+s25+$0x0], $0xffff;
	_ =	sdelay $0x4  }
0x262: {  	[tilespmem:s22+$0xFFFFFFF0] =	vst v10  }
0x263: {  	v10 =	vld.idx.msk [tilespmem:v4+s25+$0x0], $0xffff;
	_ =	sdelay $0x4  }
0x264: {  	[tilespmem:s22+$0x0] =	vst v10  }
0x265: {  	v10 =	vld.idx.msk [tilespmem:v5+s25+$0x0], $0xffff;
	_ =	sdelay $0x4  }
0x266: {  	[tilespmem:s22+$0x10] =	vst v10  }
0x267: {  	v10 =	vld.idx.msk [tilespmem:v6+s25+$0x0], $0xffff;
	_ =	sdelay $0x4  }
0x268: {  	[tilespmem:s22+$0x20] =	vst v10  }
0x269: {  	v10 =	vld.idx.msk [tilespmem:v7+s25+$0x0], $0xffff;
	_ =	sdelay $0x1  }
.Ltmp15:
0x26a: {  	_ = 	snop;
	(pc) =	sbr.rel .LBB2_20-.Ltmp15, $4  }
0x26b: {  	_ = 	snop  }
0x26c: {  	s30 =	sor.u32 s23, s20  }
0x26d: {  	s31 =	sadd.s32 s7, s30;
	[tilespmem:s22+$0x30] =	vst v10  }
0x26e: {  	[hbm4b:s31+s5] =	stream.linear.scatter [tilespmem:s29], [sflag:$0x4], $0x4000, $0x38;
	[tilespmem:$0x11500] =	vst v63  }
.LBB2_21:
0x26f: {  	s6 =	simm.s32 $0x3  }
0x270: {  	_ =	swait.ge [sflag:s6], $0x4000  }
.Ltmp16:
0x271: {  	[sflag:s6] =	ssyncset.done $0x0;
	(pc) =	sbr.rel @p0 .LBB2_25-.Ltmp16, $4  }
0x272: {  	s31 =	simm.s32 $0x4;
	[sflag:s6] =	ssyncadd.s32 $0xFFFFC000  }
0x273: {  	_ =	swait.ge [sflag:s31], $0x4000  }
0x274: {  	[sflag:s31] =	ssyncset.done $0x0  }
0x275: {  	[sflag:s31] =	ssyncadd.s32 $0xFFFFC000  }
0x276: {  	s6 =	simm.s32 $0x0  }
0x277: {  	v10 =	vor.u32 s6, v8  }
0x278: {  	vm0 =	vlt.s32 v10, $0x240  }
0x279: {  	v10 =	vnsel vm0, $0x240, v10  }
0x27a: {  	v11 =	vshll.u32 v10, $0x3  }
0x27b: {  	v10 =	vand.u32 $0x7F, v10;
	v11 =	vand.u32 $0x1C00, v11  }
0x27c: {  	s12 =	simm.s32 $0x2;
	v10 =	vor.u32 v11, v10  }
0x27d: {  	s22 =	rddreg [dreg:$0x8];
	v11 =	vor.u32 s12, v8;
	v10 =	vor.u32 v9, v10  }
0x27e: {  	[tilespmem:s4], [sflag:$0x1] =	stream.linear.gather [hbm4b:s22+s6], $0x1400, $0x38;
	vm14 =	vlt.s32 v11, $0x240;
	[tilespmem:$0x11500] =	vst v63  }
0x27f: {  	_ =	swait.ge [sflag:s24], $0x1400;
	v11 =	vnsel vm14, $0x240, v11  }
0x280: {  	[sflag:s24] =	ssyncset.done $0x0;
	v12 =	vshll.u32 v11, $0x3  }
0x281: {  	[sflag:s24] =	ssyncadd.s32 $0xFFFFEC00;
	v11 =	vand.u32 $0x7F, v11;
	v12 =	vand.u32 $0x1C00, v12  }
0x282: {  	s30 =	simm.s32 $0x4;
	v11 =	vor.u32 v12, v11;
	v10 =	vld.idx.msk [tilespmem:v10+s4+$0x0], $0xffff  }
0x283: {  	v12 =	vor.u32 s30, v8;
	v11 =	vor.u32 v9, v11  }
0x284: {  	vm15 =	vlt.s32 v12, $0x240  }
0x285: {  	v12 =	vnsel vm15, $0x240, v12  }
0x286: {  	s6 =	simm.s32 $0x8000;
	v13 =	vshll.u32 v12, $0x3  }
0x287: {  	v12 =	vand.u32 $0x7F, v12;
	v13 =	vand.u32 $0x1C00, v13;
	[tilespmem:s6+$0x0] =	vst v10  }
0x288: {  	v10 =	vor.u32 v13, v12;
	v11 =	vld.idx.msk [tilespmem:v11+s4+$0x0], $0xffff  }
0x289: {  	s31 =	simm.s32 $0x6;
	v10 =	vor.u32 v9, v10  }
0x28a: {  	s12 =	simm.s32 $0x8;
	v12 =	vor.u32 s31, v8  }
.LBB2_23:
0x28b: {  	p1 =	sne.s32 s12, $0x240;
	vm0 =	vlt.s32 v12, $0x240  }
0x28c: {  	s6 =	sadd.s32 $0x10, s6;
	v12 =	vnsel vm0, $0x240, v12  }
.Ltmp17:
0x28d: {  	v13 =	vshll.u32 v12, $0x3;
	[tilespmem:s6+$0x0] =	vst v11;
	(pc) =	sbr.rel @p1 .LBB2_23-.Ltmp17, $4  }
0x28e: {  	v12 =	vand.u32 $0x7F, v12;
	v13 =	vand.u32 $0x1C00, v13;
	v11 =	vld.idx.msk [tilespmem:v10+s4+$0x0], $0xffff  }
0x28f: {  	v10 =	vor.u32 v13, v12  }
0x290: {  	v10 =	vor.u32 v9, v10  }
0x291: {  	v12 =	vor.u32 s12, v8;
	s12 =	sadd.s32 $0x2, s12  }
0x292: {  	vm0 =	vlt.s32 v12, $0x240  }
0x293: {  	v12 =	vnsel vm0, $0x240, v12  }
0x294: {  	s6 =	sadd.s32 $0x10, s6;
	v13 =	vshll.u32 v12, $0x3  }
0x295: {  	[tilespmem:s6+$0x0] =	vst v11;
	v11 =	vand.u32 $0x7F, v12;
	v63 =	vand.u32 $0x1C00, v13  }
0x296: {  	v10 =	vld.idx.msk [tilespmem:v10+s4+$0x0], $0xffff;
	v11 =	vor.u32 v63, v11  }
0x297: {  	v11 =	vor.u32 v9, v11;
	_ =	sdelay $0x2  }
0x298: {  	s6 =	sadd.s32 $0x10, s6  }
0x299: {  	[tilespmem:s6+$0x0] =	vst v10  }
0x29a: {  	v10 =	vld.idx.msk [tilespmem:v11+s4+$0x0], $0xffff;
	_ =	sdelay $0x3  }
0x29b: {  	s6 =	sadd.s32 $0x10, s6  }
0x29c: {  	s30 =	rddreg [dreg:$0x9];
	s31 =	simm.s32 $0x5;
	[tilespmem:s6+$0x0] =	vst v10  }
0x29d: {  	[hbm4b:s30+s5] =	stream.linear.scatter [tilespmem:s26], [sflag:$0x5], $0x1208, $0x38;
	[tilespmem:$0x11500] =	vst v63  }
0x29e: {  	_ =	swait.ge [sflag:s31], $0x1208  }
0x29f: {  	[sflag:s31] =	ssyncset.done $0x0  }
0x2a0: {  	[sflag:s31] =	ssyncadd.s32 $0xFFFFEDF8  }
.LBB2_25:
.Ltmp18:
0x2a1: {  	(pc) =	sbr.rel .LBB2_26-.Ltmp18, $3  }
0x2a2: {  	_ =	sdelay $0x1  }
0x2a3: {  	s12 =	simm.s32 $0x0;
	s13 =	simm.s32 $0x0  }
0x2a4: {  	[tilespmem:s12], [sflag:$0x1] =	stream.linear.gather [hbm4b:s18+s12], $0x4000, $0x38;
	[tilespmem:$0x11500] =	vst v63  }
.LBB2_32:
0x2a5: {  	s13 =	sadd.s32 $0x1, s13  }
0x2a6: {  	p1 =	sne.s32 s13, $0x8  }
.Ltmp19:
0x2a7: {  	_ = 	snop;
	(pc) =	sbr.rel @!p1 .LBB2_33-.Ltmp19, $1  }
0x2a8: {  	_ =	sdelay $0x3  }
.LBB2_26:
0x2a9: {  	s17 =	sshll.u32 s13, $0x1  }
0x2aa: {  	_ =	swait.ge [sflag:s24], $0x4000;
	p2 =	sge.u32 s17, s9  }
0x2ab: {  	[sflag:s24] =	ssyncset.done $0x0;
	s6 =	sshll.u32 @!p2 s13, $0x11  }
0x2ac: {  	p1 =	seq.s32 s13, $0x0;
	[sflag:s24] =	ssyncadd.s32 $0xFFFFC000;
	s6 =	sor.u32 @!p2 s23, s6  }
0x2ad: {  	s20 =	simm.s32 @!p2 $0x0;
	s21 =	simm.s32 @!p2 $0x4000;
	s6 =	sadd.s32 @!p2 s2, s6  }
0x2ae: {  	[tilespmem:s21], [sflag:$0x2] =	stream.linear.gather @!p2 [hbm4b:s6+s20], $0x4000, $0x38;
	[tilespmem:$0x11500] =	vst v63  }
0x2af: {  	s6 =	simm.s32 @!p1 $0x3  }
0x2b0: {  	_ =	swait.ge @!p1 [sflag:s6], $0x4000  }
0x2b1: {  	s22 =	sand.u32 $0x3C00, s12;
	s21 =	sand.u32 $0x70, s12;
	[sflag:s6] =	ssyncset.done @!p1 $0x0  }
0x2b2: {  	s20 =	sor.u32 s21, s22;
	[sflag:s6] =	ssyncadd.s32 @!p1 $0xFFFFC000  }
0x2b3: {  	v10 =	vld [tilespmem:s20+$0x0];
	_ =	sdelay $0x4  }
0x2b4: {  	[tilespmem:$0x11400] =	vst v10  }
0x2b5: {  	v10 =	vld [tilespmem:s20+$0x80];
	_ =	sdelay $0x4  }
0x2b6: {  	[tilespmem:$0x11411] =	vst v10  }
0x2b7: {  	v10 =	vld [tilespmem:s20+$0x100];
	_ =	sdelay $0x4  }
0x2b8: {  	[tilespmem:$0x11422] =	vst v10  }
0x2b9: {  	v10 =	vld [tilespmem:s20+$0x180];
	_ =	sdelay $0x4  }
0x2ba: {  	[tilespmem:$0x11433] =	vst v10  }
0x2bb: {  	v10 =	vld [tilespmem:s20+$0x200];
	_ =	sdelay $0x4  }
0x2bc: {  	[tilespmem:$0x11444] =	vst v10  }
0x2bd: {  	v10 =	vld [tilespmem:s20+$0x280];
	_ =	sdelay $0x4  }
0x2be: {  	[tilespmem:$0x11455] =	vst v10  }
0x2bf: {  	v10 =	vld [tilespmem:s20+$0x300];
	_ =	sdelay $0x1  }
0x2c0: {  	s21 =	sand.u32 $0x7, s12  }
0x2c1: {  	s6 =	sshll.u32 s21, $0x4  }
0x2c2: {  	s6 =	sadd.s32 $0x0, s6  }
0x2c3: {  	s6 =	sor.u32 $0x380, s6;
	[tilespmem:$0x11466] =	vst v10  }
0x2c4: {  	v10 =	vld [tilespmem:s6+$0x0];
	_ =	sdelay $0x4  }
0x2c5: {  	[tilespmem:$0x11477] =	vst v10  }
0x2c6: {  	v10 =	vld.idx.msk [tilespmem:v0+s25+$0x0], $0xffff;
	_ =	sdelay $0x3  }
0x2c7: {  	s20 =	simm.s32 $0x8040  }
0x2c8: {  	[tilespmem:s20+$0xFFFFFFC0] =	vst v10  }
0x2c9: {  	v10 =	vld.idx.msk [tilespmem:v1+s25+$0x0], $0xffff;
	_ =	sdelay $0x4  }
0x2ca: {  	[tilespmem:s20+$0xFFFFFFD0] =	vst v10  }
0x2cb: {  	v10 =	vld.idx.msk [tilespmem:v2+s25+$0x0], $0xffff;
	_ =	sdelay $0x4  }
0x2cc: {  	[tilespmem:s20+$0xFFFFFFE0] =	vst v10  }
0x2cd: {  	v10 =	vld.idx.msk [tilespmem:v3+s25+$0x0], $0xffff;
	_ =	sdelay $0x4  }
0x2ce: {  	[tilespmem:s20+$0xFFFFFFF0] =	vst v10  }
0x2cf: {  	v10 =	vld.idx.msk [tilespmem:v4+s25+$0x0], $0xffff;
	_ =	sdelay $0x4  }
0x2d0: {  	[tilespmem:s20+$0x0] =	vst v10  }
0x2d1: {  	v10 =	vld.idx.msk [tilespmem:v5+s25+$0x0], $0xffff;
	_ =	sdelay $0x4  }
0x2d2: {  	[tilespmem:s20+$0x10] =	vst v10  }
0x2d3: {  	v10 =	vld.idx.msk [tilespmem:v6+s25+$0x0], $0xffff;
	_ =	sdelay $0x4  }
0x2d4: {  	[tilespmem:s20+$0x20] =	vst v10  }
0x2d5: {  	v10 =	vld.idx.msk [tilespmem:v7+s25+$0x0], $0xffff;
	_ =	sdelay $0x1  }
0x2d6: {  	s22 =	simm.s32 $0x10  }
0x2d7: {  	s30 =	sand.u32 $0x70, s22;
	s21 =	simm.s32 $0x80  }
0x2d8: {  	s22 =	simm.s32 $0x0;
	s31 =	sand.u32 $0x3C00, s21;
	s6 =	simm.s32 $0x20  }
.LBB2_27:
0x2d9: {  	p3 =	sne.s32 s6, $0x7F0;
	s30 =	sor.u32 s30, s31;
	[tilespmem:s20+$0x30] =	vst v10  }
0x2da: {  	v10 =	vld [tilespmem:s30+$0x0];
	_ =	sdelay $0x4  }
0x2db: {  	[tilespmem:$0x11400] =	vst v10  }
0x2dc: {  	v10 =	vld [tilespmem:s30+$0x80];
	_ =	sdelay $0x4  }
0x2dd: {  	[tilespmem:$0x11411] =	vst v10  }
0x2de: {  	v10 =	vld [tilespmem:s30+$0x100];
	_ =	sdelay $0x4  }
0x2df: {  	[tilespmem:$0x11422] =	vst v10  }
0x2e0: {  	v10 =	vld [tilespmem:s30+$0x180];
	_ =	sdelay $0x4  }
0x2e1: {  	[tilespmem:$0x11433] =	vst v10  }
0x2e2: {  	v10 =	vld [tilespmem:s30+$0x200];
	_ =	sdelay $0x4  }
0x2e3: {  	[tilespmem:$0x11444] =	vst v10  }
0x2e4: {  	v10 =	vld [tilespmem:s30+$0x280];
	_ =	sdelay $0x4  }
0x2e5: {  	[tilespmem:$0x11455] =	vst v10  }
0x2e6: {  	v10 =	vld [tilespmem:s30+$0x300]  }
0x2e7: {  	s22 =	sadd.s32 $0x1, s22  }
0x2e8: {  	s30 =	sand.u32 $0x7, s22  }
0x2e9: {  	s30 =	sshll.u32 s30, $0x4  }
0x2ea: {  	s30 =	sadd.s32 s30, s21  }
0x2eb: {  	s30 =	sor.u32 $0x380, s30;
	[tilespmem:$0x11466] =	vst v10  }
0x2ec: {  	v10 =	vld [tilespmem:s30+$0x0];
	_ =	sdelay $0x4  }
0x2ed: {  	[tilespmem:$0x11477] =	vst v10  }
0x2ee: {  	v10 =	vld.idx.msk [tilespmem:v0+s25+$0x0], $0xffff;
	_ =	sdelay $0x4  }
0x2ef: {  	s20 =	sadd.s32 $0x80, s20  }
0x2f0: {  	[tilespmem:s20+$0xFFFFFFC0] =	vst v10  }
0x2f1: {  	v10 =	vld.idx.msk [tilespmem:v1+s25+$0x0], $0xffff;
	_ =	sdelay $0x5  }
0x2f2: {  	[tilespmem:s20+$0xFFFFFFD0] =	vst v10  }
0x2f3: {  	v10 =	vld.idx.msk [tilespmem:v2+s25+$0x0], $0xffff;
	_ =	sdelay $0x5  }
0x2f4: {  	[tilespmem:s20+$0xFFFFFFE0] =	vst v10  }
0x2f5: {  	v10 =	vld.idx.msk [tilespmem:v3+s25+$0x0], $0xffff;
	_ =	sdelay $0x5  }
0x2f6: {  	[tilespmem:s20+$0xFFFFFFF0] =	vst v10  }
0x2f7: {  	v10 =	vld.idx.msk [tilespmem:v4+s25+$0x0], $0xffff;
	_ =	sdelay $0x5  }
0x2f8: {  	[tilespmem:s20+$0x0] =	vst v10  }
0x2f9: {  	v10 =	vld.idx.msk [tilespmem:v5+s25+$0x0], $0xffff;
	_ =	sdelay $0x5  }
0x2fa: {  	[tilespmem:s20+$0x10] =	vst v10  }
0x2fb: {  	v10 =	vld.idx.msk [tilespmem:v6+s25+$0x0], $0xffff;
	_ =	sdelay $0x5  }
0x2fc: {  	[tilespmem:s20+$0x20] =	vst v10  }
0x2fd: {  	v10 =	vld.idx.msk [tilespmem:v7+s25+$0x0], $0xffff  }
.Ltmp20:
0x2fe: {  	(pc) =	sbr.rel @p3 .LBB2_27-.Ltmp20, $3  }
0x2ff: {  	_ =	sdelay $0x1  }
0x300: {  	s21 =	sadd.s32 $0x80, s21  }
0x301: {  	s31 =	sand.u32 $0x3C00, s21;
	s30 =	sand.u32 $0x70, s6;
	s6 =	sadd.s32 $0x10, s6  }
0x302: {  	s6 =	sor.u32 s30, s31;
	[tilespmem:s20+$0x30] =	vst v10  }
0x303: {  	v10 =	vld [tilespmem:s6+$0x0];
	_ =	sdelay $0x4  }
0x304: {  	[tilespmem:$0x11400] =	vst v10  }
0x305: {  	v10 =	vld [tilespmem:s6+$0x80];
	_ =	sdelay $0x4  }
0x306: {  	[tilespmem:$0x11411] =	vst v10  }
0x307: {  	v10 =	vld [tilespmem:s6+$0x100];
	_ =	sdelay $0x4  }
0x308: {  	[tilespmem:$0x11422] =	vst v10  }
0x309: {  	v10 =	vld [tilespmem:s6+$0x180];
	_ =	sdelay $0x4  }
0x30a: {  	[tilespmem:$0x11433] =	vst v10  }
0x30b: {  	v10 =	vld [tilespmem:s6+$0x200];
	_ =	sdelay $0x4  }
0x30c: {  	[tilespmem:$0x11444] =	vst v10  }
0x30d: {  	v10 =	vld [tilespmem:s6+$0x280];
	_ =	sdelay $0x4  }
0x30e: {  	[tilespmem:$0x11455] =	vst v10  }
0x30f: {  	v10 =	vld [tilespmem:s6+$0x300]  }
0x310: {  	s22 =	sadd.s32 $0x1, s22  }
0x311: {  	s6 =	sand.u32 $0x7, s22  }
0x312: {  	s6 =	sshll.u32 s6, $0x4  }
0x313: {  	s6 =	sadd.s32 s6, s21  }
0x314: {  	s6 =	sor.u32 $0x380, s6;
	[tilespmem:$0x11466] =	vst v10  }
0x315: {  	v10 =	vld [tilespmem:s6+$0x0];
	_ =	sdelay $0x4  }
0x316: {  	[tilespmem:$0x11477] =	vst v10  }
0x317: {  	v10 =	vld.idx.msk [tilespmem:v0+s25+$0x0], $0xffff;
	_ =	sdelay $0x3  }
0x318: {  	s30 =	sadd.s32 $0x80, s20  }
0x319: {  	[tilespmem:s30+$0xFFFFFFC0] =	vst v10  }
0x31a: {  	v10 =	vld.idx.msk [tilespmem:v1+s25+$0x0], $0xffff;
	_ =	sdelay $0x4  }
0x31b: {  	[tilespmem:s30+$0xFFFFFFD0] =	vst v10  }
0x31c: {  	v10 =	vld.idx.msk [tilespmem:v2+s25+$0x0], $0xffff;
	_ =	sdelay $0x4  }
0x31d: {  	[tilespmem:s30+$0xFFFFFFE0] =	vst v10  }
0x31e: {  	v10 =	vld.idx.msk [tilespmem:v3+s25+$0x0], $0xffff;
	_ =	sdelay $0x4  }
0x31f: {  	[tilespmem:s30+$0xFFFFFFF0] =	vst v10  }
0x320: {  	v10 =	vld.idx.msk [tilespmem:v4+s25+$0x0], $0xffff;
	_ =	sdelay $0x4  }
0x321: {  	[tilespmem:s30+$0x0] =	vst v10  }
0x322: {  	v10 =	vld.idx.msk [tilespmem:v5+s25+$0x0], $0xffff;
	_ =	sdelay $0x4  }
0x323: {  	[tilespmem:s30+$0x10] =	vst v10  }
0x324: {  	v10 =	vld.idx.msk [tilespmem:v6+s25+$0x0], $0xffff;
	_ =	sdelay $0x4  }
0x325: {  	[tilespmem:s30+$0x20] =	vst v10  }
0x326: {  	v10 =	vld.idx.msk [tilespmem:v7+s25+$0x0], $0xffff;
	_ =	sdelay $0x1  }
.Ltmp21:
0x327: {  	_ = 	snop;
	(pc) =	sbr.rel @p2 .LBB2_32-.Ltmp21, $4  }
0x328: {  	_ = 	snop  }
0x329: {  	s20 =	sshll.u32 s13, $0x11  }
0x32a: {  	s31 =	sadd.s32 s20, s19;
	[tilespmem:s30+$0x30] =	vst v10  }
0x32b: {  	[hbm4b:s31+s5] =	stream.linear.scatter [tilespmem:s26], [sflag:$0x3], $0x4000, $0x38;
	[tilespmem:$0x11500] =	vst v63  }
0x32c: {  	s6 =	sadd.s32 $0x2, s17  }
0x32d: {  	_ =	swait.ge [sflag:s28], $0x4000;
	p2 =	sgt.u32 s6, s9  }
0x32e: {  	[sflag:s28] =	ssyncset.done $0x0;
	s6 =	sshll.u32 @!p2 s6, $0x10  }
0x32f: {  	[sflag:s28] =	ssyncadd.s32 $0xFFFFC000;
	s17 =	simm.s32 @!p2 $0x0;
	s6 =	sadd.s32 @!p2 s6, s18  }
0x330: {  	[tilespmem:s17], [sflag:$0x1] =	stream.linear.gather @!p2 [hbm4b:s6+s17], $0x4000, $0x38;
	[tilespmem:$0x11500] =	vst v63  }
0x331: {  	s6 =	simm.s32 @!p1 $0x4  }
0x332: {  	s17 =	simm.s32 $0x0;
	_ =	swait.ge @!p1 [sflag:s6], $0x4000  }
0x333: {  	s21 =	sand.u32 $0x70, s17;
	s22 =	sand.u32 $0x3C00, s17;
	[sflag:s6] =	ssyncset.done @!p1 $0x0  }
0x334: {  	s21 =	sor.u32 s21, s22;
	[sflag:s6] =	ssyncadd.s32 @!p1 $0xFFFFC000  }
0x335: {  	v10 =	vld [tilespmem:s21+$0x4000];
	_ =	sdelay $0x4  }
0x336: {  	[tilespmem:$0x11400] =	vst v10  }
0x337: {  	v10 =	vld [tilespmem:s21+$0x4080];
	_ =	sdelay $0x4  }
0x338: {  	[tilespmem:$0x11411] =	vst v10  }
0x339: {  	v10 =	vld [tilespmem:s21+$0x4100];
	_ =	sdelay $0x4  }
0x33a: {  	[tilespmem:$0x11422] =	vst v10  }
0x33b: {  	v10 =	vld [tilespmem:s21+$0x4180];
	_ =	sdelay $0x4  }
0x33c: {  	[tilespmem:$0x11433] =	vst v10  }
0x33d: {  	v10 =	vld [tilespmem:s21+$0x4200];
	_ =	sdelay $0x4  }
0x33e: {  	[tilespmem:$0x11444] =	vst v10  }
0x33f: {  	v10 =	vld [tilespmem:s21+$0x4280];
	_ =	sdelay $0x4  }
0x340: {  	[tilespmem:$0x11455] =	vst v10  }
0x341: {  	v10 =	vld [tilespmem:s21+$0x4300];
	_ =	sdelay $0x1  }
0x342: {  	s22 =	sand.u32 $0x7, s17  }
0x343: {  	s6 =	sshll.u32 s22, $0x4  }
0x344: {  	s6 =	sadd.s32 $0x0, s6  }
0x345: {  	s6 =	sor.u32 $0x380, s6;
	[tilespmem:$0x11466] =	vst v10  }
0x346: {  	v10 =	vld [tilespmem:s6+$0x4000];
	_ =	sdelay $0x4  }
0x347: {  	[tilespmem:$0x11477] =	vst v10  }
0x348: {  	v10 =	vld.idx.msk [tilespmem:v0+s25+$0x0], $0xffff;
	_ =	sdelay $0x3  }
0x349: {  	s21 =	simm.s32 $0xC040  }
0x34a: {  	[tilespmem:s21+$0xFFFFFFC0] =	vst v10  }
0x34b: {  	v10 =	vld.idx.msk [tilespmem:v1+s25+$0x0], $0xffff;
	_ =	sdelay $0x4  }
0x34c: {  	[tilespmem:s21+$0xFFFFFFD0] =	vst v10  }
0x34d: {  	v10 =	vld.idx.msk [tilespmem:v2+s25+$0x0], $0xffff;
	_ =	sdelay $0x4  }
0x34e: {  	[tilespmem:s21+$0xFFFFFFE0] =	vst v10  }
0x34f: {  	v10 =	vld.idx.msk [tilespmem:v3+s25+$0x0], $0xffff;
	_ =	sdelay $0x4  }
0x350: {  	[tilespmem:s21+$0xFFFFFFF0] =	vst v10  }
0x351: {  	v10 =	vld.idx.msk [tilespmem:v4+s25+$0x0], $0xffff;
	_ =	sdelay $0x4  }
0x352: {  	[tilespmem:s21+$0x0] =	vst v10  }
0x353: {  	v10 =	vld.idx.msk [tilespmem:v5+s25+$0x0], $0xffff;
	_ =	sdelay $0x4  }
0x354: {  	[tilespmem:s21+$0x10] =	vst v10  }
0x355: {  	v10 =	vld.idx.msk [tilespmem:v6+s25+$0x0], $0xffff;
	_ =	sdelay $0x4  }
0x356: {  	[tilespmem:s21+$0x20] =	vst v10  }
0x357: {  	v10 =	vld.idx.msk [tilespmem:v7+s25+$0x0], $0xffff;
	_ =	sdelay $0x2  }
0x358: {  	s22 =	simm.s32 $0x80;
	s6 =	simm.s32 $0x10  }
0x359: {  	s31 =	sand.u32 $0x3C00, s22;
	s30 =	sand.u32 $0x70, s6;
	s6 =	simm.s32 $0x20  }
.LBB2_30:
0x35a: {  	p1 =	sne.s32 s6, $0x7F0;
	s30 =	sor.u32 s30, s31;
	[tilespmem:s21+$0x30] =	vst v10  }
0x35b: {  	v10 =	vld [tilespmem:s30+$0x4000];
	_ =	sdelay $0x4  }
0x35c: {  	[tilespmem:$0x11400] =	vst v10  }
0x35d: {  	v10 =	vld [tilespmem:s30+$0x4080];
	_ =	sdelay $0x4  }
0x35e: {  	[tilespmem:$0x11411] =	vst v10  }
0x35f: {  	v10 =	vld [tilespmem:s30+$0x4100];
	_ =	sdelay $0x4  }
0x360: {  	[tilespmem:$0x11422] =	vst v10  }
0x361: {  	v10 =	vld [tilespmem:s30+$0x4180];
	_ =	sdelay $0x4  }
0x362: {  	[tilespmem:$0x11433] =	vst v10  }
0x363: {  	v10 =	vld [tilespmem:s30+$0x4200];
	_ =	sdelay $0x4  }
0x364: {  	[tilespmem:$0x11444] =	vst v10  }
0x365: {  	v10 =	vld [tilespmem:s30+$0x4280];
	_ =	sdelay $0x4  }
0x366: {  	[tilespmem:$0x11455] =	vst v10  }
0x367: {  	v10 =	vld [tilespmem:s30+$0x4300]  }
0x368: {  	s17 =	sadd.s32 $0x1, s17  }
0x369: {  	s30 =	sand.u32 $0x7, s17  }
0x36a: {  	s30 =	sshll.u32 s30, $0x4  }
0x36b: {  	s30 =	sadd.s32 s30, s22  }
0x36c: {  	s30 =	sor.u32 $0x380, s30;
	[tilespmem:$0x11466] =	vst v10  }
0x36d: {  	v10 =	vld [tilespmem:s30+$0x4000];
	_ =	sdelay $0x4  }
0x36e: {  	[tilespmem:$0x11477] =	vst v10  }
0x36f: {  	v10 =	vld.idx.msk [tilespmem:v0+s25+$0x0], $0xffff;
	_ =	sdelay $0x4  }
0x370: {  	s21 =	sadd.s32 $0x80, s21  }
0x371: {  	[tilespmem:s21+$0xFFFFFFC0] =	vst v10  }
0x372: {  	v10 =	vld.idx.msk [tilespmem:v1+s25+$0x0], $0xffff;
	_ =	sdelay $0x5  }
0x373: {  	[tilespmem:s21+$0xFFFFFFD0] =	vst v10  }
0x374: {  	v10 =	vld.idx.msk [tilespmem:v2+s25+$0x0], $0xffff;
	_ =	sdelay $0x5  }
0x375: {  	[tilespmem:s21+$0xFFFFFFE0] =	vst v10  }
0x376: {  	v10 =	vld.idx.msk [tilespmem:v3+s25+$0x0], $0xffff;
	_ =	sdelay $0x5  }
0x377: {  	[tilespmem:s21+$0xFFFFFFF0] =	vst v10  }
0x378: {  	v10 =	vld.idx.msk [tilespmem:v4+s25+$0x0], $0xffff;
	_ =	sdelay $0x5  }
0x379: {  	[tilespmem:s21+$0x0] =	vst v10  }
0x37a: {  	v10 =	vld.idx.msk [tilespmem:v5+s25+$0x0], $0xffff;
	_ =	sdelay $0x5  }
0x37b: {  	[tilespmem:s21+$0x10] =	vst v10  }
0x37c: {  	v10 =	vld.idx.msk [tilespmem:v6+s25+$0x0], $0xffff;
	_ =	sdelay $0x5  }
0x37d: {  	[tilespmem:s21+$0x20] =	vst v10  }
0x37e: {  	v10 =	vld.idx.msk [tilespmem:v7+s25+$0x0], $0xffff  }
.Ltmp22:
0x37f: {  	(pc) =	sbr.rel @p1 .LBB2_30-.Ltmp22, $3  }
0x380: {  	_ =	sdelay $0x1  }
0x381: {  	s22 =	sadd.s32 $0x80, s22  }
0x382: {  	s31 =	sand.u32 $0x3C00, s22;
	s30 =	sand.u32 $0x70, s6;
	s6 =	sadd.s32 $0x10, s6  }
0x383: {  	s6 =	sor.u32 s30, s31;
	[tilespmem:s21+$0x30] =	vst v10  }
0x384: {  	v10 =	vld [tilespmem:s6+$0x4000];
	_ =	sdelay $0x4  }
0x385: {  	[tilespmem:$0x11400] =	vst v10  }
0x386: {  	v10 =	vld [tilespmem:s6+$0x4080];
	_ =	sdelay $0x4  }
0x387: {  	[tilespmem:$0x11411] =	vst v10  }
0x388: {  	v10 =	vld [tilespmem:s6+$0x4100];
	_ =	sdelay $0x4  }
0x389: {  	[tilespmem:$0x11422] =	vst v10  }
0x38a: {  	v10 =	vld [tilespmem:s6+$0x4180];
	_ =	sdelay $0x4  }
0x38b: {  	[tilespmem:$0x11433] =	vst v10  }
0x38c: {  	v10 =	vld [tilespmem:s6+$0x4200];
	_ =	sdelay $0x4  }
0x38d: {  	[tilespmem:$0x11444] =	vst v10  }
0x38e: {  	v10 =	vld [tilespmem:s6+$0x4280];
	_ =	sdelay $0x4  }
0x38f: {  	[tilespmem:$0x11455] =	vst v10  }
0x390: {  	v10 =	vld [tilespmem:s6+$0x4300]  }
0x391: {  	s17 =	sadd.s32 $0x1, s17  }
0x392: {  	s6 =	sand.u32 $0x7, s17  }
0x393: {  	s6 =	sshll.u32 s6, $0x4  }
0x394: {  	s6 =	sadd.s32 s6, s22  }
0x395: {  	s6 =	sor.u32 $0x380, s6;
	[tilespmem:$0x11466] =	vst v10  }
0x396: {  	v10 =	vld [tilespmem:s6+$0x4000];
	_ =	sdelay $0x4  }
0x397: {  	[tilespmem:$0x11477] =	vst v10  }
0x398: {  	v10 =	vld.idx.msk [tilespmem:v0+s25+$0x0], $0xffff;
	_ =	sdelay $0x3  }
0x399: {  	s22 =	sadd.s32 $0x80, s21  }
0x39a: {  	[tilespmem:s22+$0xFFFFFFC0] =	vst v10  }
0x39b: {  	v10 =	vld.idx.msk [tilespmem:v1+s25+$0x0], $0xffff;
	_ =	sdelay $0x4  }
0x39c: {  	[tilespmem:s22+$0xFFFFFFD0] =	vst v10  }
0x39d: {  	v10 =	vld.idx.msk [tilespmem:v2+s25+$0x0], $0xffff;
	_ =	sdelay $0x4  }
0x39e: {  	[tilespmem:s22+$0xFFFFFFE0] =	vst v10  }
0x39f: {  	v10 =	vld.idx.msk [tilespmem:v3+s25+$0x0], $0xffff;
	_ =	sdelay $0x4  }
0x3a0: {  	[tilespmem:s22+$0xFFFFFFF0] =	vst v10  }
0x3a1: {  	v10 =	vld.idx.msk [tilespmem:v4+s25+$0x0], $0xffff;
	_ =	sdelay $0x4  }
0x3a2: {  	[tilespmem:s22+$0x0] =	vst v10  }
0x3a3: {  	v10 =	vld.idx.msk [tilespmem:v5+s25+$0x0], $0xffff;
	_ =	sdelay $0x4  }
0x3a4: {  	[tilespmem:s22+$0x10] =	vst v10  }
0x3a5: {  	v10 =	vld.idx.msk [tilespmem:v6+s25+$0x0], $0xffff;
	_ =	sdelay $0x4  }
0x3a6: {  	[tilespmem:s22+$0x20] =	vst v10  }
0x3a7: {  	v10 =	vld.idx.msk [tilespmem:v7+s25+$0x0], $0xffff;
	_ =	sdelay $0x1  }
.Ltmp23:
0x3a8: {  	_ = 	snop;
	(pc) =	sbr.rel .LBB2_32-.Ltmp23, $4  }
0x3a9: {  	_ = 	snop  }
0x3aa: {  	s30 =	sor.u32 s23, s20  }
0x3ab: {  	s31 =	sadd.s32 s8, s30;
	[tilespmem:s22+$0x30] =	vst v10  }
0x3ac: {  	[hbm4b:s31+s5] =	stream.linear.scatter [tilespmem:s29], [sflag:$0x4], $0x4000, $0x38;
	[tilespmem:$0x11500] =	vst v63  }
.LBB2_33:
0x3ad: {  	s6 =	simm.s32 $0x3  }
0x3ae: {  	_ =	swait.ge [sflag:s6], $0x4000  }
.Ltmp24:
0x3af: {  	[sflag:s6] =	ssyncset.done $0x0;
	(pc) =	sbr.rel @p0 .LBB2_37-.Ltmp24, $4  }
0x3b0: {  	s31 =	simm.s32 $0x4;
	[sflag:s6] =	ssyncadd.s32 $0xFFFFC000  }
0x3b1: {  	_ =	swait.ge [sflag:s31], $0x4000  }
0x3b2: {  	[sflag:s31] =	ssyncset.done $0x0  }
0x3b3: {  	[sflag:s31] =	ssyncadd.s32 $0xFFFFC000  }
0x3b4: {  	s6 =	simm.s32 $0x0  }
0x3b5: {  	v10 =	vor.u32 s6, v8  }
0x3b6: {  	vm0 =	vlt.s32 v10, $0x240  }
0x3b7: {  	v10 =	vnsel vm0, $0x240, v10  }
0x3b8: {  	v11 =	vshll.u32 v10, $0x3  }
0x3b9: {  	v10 =	vand.u32 $0x7F, v10;
	v11 =	vand.u32 $0x1C00, v11  }
0x3ba: {  	s12 =	simm.s32 $0x2;
	v10 =	vor.u32 v11, v10  }
0x3bb: {  	s22 =	rddreg [dreg:$0xa];
	v11 =	vor.u32 s12, v8;
	v10 =	vor.u32 v9, v10  }
0x3bc: {  	[tilespmem:s4], [sflag:$0x1] =	stream.linear.gather [hbm4b:s22+s6], $0x1400, $0x38;
	vm14 =	vlt.s32 v11, $0x240;
	[tilespmem:$0x11500] =	vst v63  }
0x3bd: {  	_ =	swait.ge [sflag:s24], $0x1400;
	v11 =	vnsel vm14, $0x240, v11  }
0x3be: {  	[sflag:s24] =	ssyncset.done $0x0;
	v12 =	vshll.u32 v11, $0x3  }
0x3bf: {  	[sflag:s24] =	ssyncadd.s32 $0xFFFFEC00;
	v11 =	vand.u32 $0x7F, v11;
	v12 =	vand.u32 $0x1C00, v12  }
0x3c0: {  	s30 =	simm.s32 $0x4;
	v11 =	vor.u32 v12, v11;
	v10 =	vld.idx.msk [tilespmem:v10+s4+$0x0], $0xffff  }
0x3c1: {  	v12 =	vor.u32 s30, v8;
	v11 =	vor.u32 v9, v11  }
0x3c2: {  	vm15 =	vlt.s32 v12, $0x240  }
0x3c3: {  	v12 =	vnsel vm15, $0x240, v12  }
0x3c4: {  	s6 =	simm.s32 $0x8000;
	v13 =	vshll.u32 v12, $0x3  }
0x3c5: {  	v12 =	vand.u32 $0x7F, v12;
	v13 =	vand.u32 $0x1C00, v13;
	[tilespmem:s6+$0x0] =	vst v10  }
0x3c6: {  	v10 =	vor.u32 v13, v12;
	v11 =	vld.idx.msk [tilespmem:v11+s4+$0x0], $0xffff  }
0x3c7: {  	s31 =	simm.s32 $0x6;
	v10 =	vor.u32 v9, v10  }
0x3c8: {  	s12 =	simm.s32 $0x8;
	v12 =	vor.u32 s31, v8  }
.LBB2_35:
0x3c9: {  	p1 =	sne.s32 s12, $0x240;
	vm0 =	vlt.s32 v12, $0x240  }
0x3ca: {  	s6 =	sadd.s32 $0x10, s6;
	v12 =	vnsel vm0, $0x240, v12  }
.Ltmp25:
0x3cb: {  	v13 =	vshll.u32 v12, $0x3;
	[tilespmem:s6+$0x0] =	vst v11;
	(pc) =	sbr.rel @p1 .LBB2_35-.Ltmp25, $4  }
0x3cc: {  	v12 =	vand.u32 $0x7F, v12;
	v13 =	vand.u32 $0x1C00, v13;
	v11 =	vld.idx.msk [tilespmem:v10+s4+$0x0], $0xffff  }
0x3cd: {  	v10 =	vor.u32 v13, v12  }
0x3ce: {  	v10 =	vor.u32 v9, v10  }
0x3cf: {  	v12 =	vor.u32 s12, v8;
	s12 =	sadd.s32 $0x2, s12  }
0x3d0: {  	vm0 =	vlt.s32 v12, $0x240  }
0x3d1: {  	v12 =	vnsel vm0, $0x240, v12  }
0x3d2: {  	s6 =	sadd.s32 $0x10, s6;
	v13 =	vshll.u32 v12, $0x3  }
0x3d3: {  	[tilespmem:s6+$0x0] =	vst v11;
	v11 =	vand.u32 $0x7F, v12;
	v63 =	vand.u32 $0x1C00, v13  }
0x3d4: {  	v10 =	vld.idx.msk [tilespmem:v10+s4+$0x0], $0xffff;
	v11 =	vor.u32 v63, v11  }
0x3d5: {  	v11 =	vor.u32 v9, v11;
	_ =	sdelay $0x2  }
0x3d6: {  	s6 =	sadd.s32 $0x10, s6  }
0x3d7: {  	[tilespmem:s6+$0x0] =	vst v10  }
0x3d8: {  	v10 =	vld.idx.msk [tilespmem:v11+s4+$0x0], $0xffff;
	_ =	sdelay $0x3  }
0x3d9: {  	s6 =	sadd.s32 $0x10, s6  }
.Ltmp26:
0x3da: {  	s30 =	rddreg [dreg:$0xb];
	s31 =	simm.s32 $0x5;
	[tilespmem:s6+$0x0] =	vst v10;
	(pc) =	sbr.rel .LBB2_37-.Ltmp26, $4  }
0x3db: {  	[hbm4b:s30+s5] =	stream.linear.scatter [tilespmem:s26], [sflag:$0x5], $0x1208, $0x38;
	[tilespmem:$0x11500] =	vst v63  }
0x3dc: {  	_ =	swait.ge [sflag:s31], $0x1208  }
0x3dd: {  	[sflag:s31] =	ssyncset.done $0x0  }
0x3de: {  	[sflag:s31] =	ssyncadd.s32 $0xFFFFEDF8  }
.LBB2_38:
0x3df: {  	_ =	sfence.sel $0x180000  }
0x3e0: {  	[bflag:$0x0] =	sbarrier.arrive $0xFFFF  }
0x3e1: {  	_ =	strace $0x90000047  }
0x3e2: {  	s0 =	stileid.u32;
	[bflag:$0x2] =	sbarrier.arrive $0xFFFF  }
0x3e3: {  	p0 =	sne.s32 s0, $0x0;
	s0 =	rddreg [dreg:$0x5]  }
0x3e4: {  	s0 =	sadd.s32 @!p0 $0x100000, s0  }
0x3e5: {  	[sflag:s0] =	ssyncadd.tile.s32 @!p0 $0x1;
	_ =	shalt  }
.Lfunc_end2:
_tile_overlayer_lowered:
.L_overlay_start_2:
0x3e6: {  	(tag) =	ssettag $0x2  }
0x3e7: {  	s0 =	rddreg [dreg:$0x0];
	s2 =	stileid.u32  }
0x3e8: {  	s1 =	rddreg [dreg:$0x1];
	p0 =	sne.s32 s2, $0x0  }
0x3e9: {  	s3 =	rddreg [dreg:$0x2];
	[bflag:$0x3] =	sbarrier.arrive $0xFFFF;
	s2 =	simm.s32 @!p0 $0x1C05  }
0x3ea: {  	[timem:s3], [sflag:s2] =	dma.local @!p0 [hbm:s0], s1  }
0x3eb: {  	s0 =	simm.s32 @!p0 $0x5  }
0x3ec: {  	_ =	swait.ge @!p0 [sflag:s0], s1  }
0x3ed: {  	s1 =	ssub.s32 @!p0 $0x0, s1;
	[sflag:s0] =	ssyncset.done @!p0 $0x0  }
0x3ee: {  	[sflag:s0] =	ssyncadd.s32 @!p0 s1  }
0x3ef: {  	[bflag:$0x3] =	sbarrier.arrive $0xFFFF  }
0x3f0: {  	_ =	shalt  }

// kernel: kernel.8.cloned.1.call-start
scs
__scs_entry_jumppad:
0x0: {  	(pc) =	sbr.rel $0x88, $3  }
0x1: {  	(tag) =	ssettag $0x0;
	lr =	simm.s32 $0x1  }
0x2: {  	[smem:$0x3F96] =	sst lr;
	_ =	strace $0xD0000000  }
0x3: {  	_ = 	snop  }
0x4: {  	_ = 	snop  }
0x5: {  	_ = 	snop  }
0x6: {  	_ = 	snop  }
0x7: {  	_ = 	snop  }
__scs_overlays_trampoline_lowered:
0x8: {  	[smem:$0x3FA5] =	sst s0  }
0x9: {  	[smem:$0x3FA6] =	sst s1  }
0xa: {  	[smem:$0x3FA7] =	sst s2  }
0xb: {  	[smem:$0x3FA8] =	sst s3  }
0xc: {  	[smem:$0x3FA9] =	sst s4  }
0xd: {  	[smem:$0x3FAA] =	sst s5  }
0xe: {  	[smem:$0x3FAB] =	sst s6  }
0xf: {  	[smem:$0x3FAC] =	sst s7  }
0x10: {  	[smem:$0x3FAD] =	sst s8  }
0x11: {  	[smem:$0x3FAE] =	sst s9;
	s0 =	simm.s32 @!p0 $0x0  }
0x12: {  	s1 =	sld [smem:$0x3F94];
	s0 =	simm.s32 @p0 $0x1  }
0x13: {  	[smem:$0x3FAF] =	sst s0;
	s0 =	simm.s32 @!p1 $0x0  }
0x14: {  	s2 =	sld [smem:$0x3F93];
	s0 =	simm.s32 @p1 $0x1  }
0x15: {  	[smem:$0x3FB0] =	sst s0;
	s0 =	simm.s32 @!p2 $0x0  }
0x16: {  	s3 =	sld [smem:$0x3FDB];
	s0 =	simm.s32 @p2 $0x1  }
0x17: {  	s4 =	simm.s32 $0x1BF5;
	[smem:$0x3FB2] =	sst s0  }
0x18: {  	s0 =	sld [smem:$0x3F95];
	_ =	swait.ge [sflag:s4], $0x0  }
0x19: {  	s7 =	sld [smem:$0x3F96]  }
0x1a: {  	s8 =	sadd.s32 $0xFFFFE003, lr  }
0x1b: {  	s9 =	sadd.s32 $0xFFFFFEF7, lr;
	s5 =	simm.s32 $0xFFFFFFFF;
	p2 =	slt.u32 s8, $0xFFFFF086  }
0x1c: {  	p1 =	slt.u32 s9, $0xF7A;
	s5 =	simm.s32 @!p2 $0x0  }
0x1d: {  	s5 =	simm.s32 @p1 $0x1;
	p0 =	seq.s32 s7, s2  }
0x1e: {  	s7 =	smul.u32 @!p0 $0xF7A, s2;
	p2 =	seq.s32 @!p0 s5, $0x0  }
0x1f: {  	s9 =	smul.u32 $0xF7A, s1;
	s8 =	simm.s32 @!p0 $0x1BF5;
	p2 =	por !p2, p0  }
0x20: {  	[sflag:s8] =	ssyncset.s32 @!p0 $0xFFFFF086;
	s6 =	sadd.s32 @!p0 s3, s7;
	s7 =	simm.s32 @!p0 $0x108  }
0x21: {  	s3 =	sadd.s32 s3, s9;
	s6 =	sadd.s32 @!p0 $0x88, s6;
	s7 =	simm.s32 @p2 $0x1082  }
0x22: {  	[simem:s7], [sflag:s8] =	dma.local @!p0 [hbm:s6], $0xF7A  }
0x23: {  	s9 =	sor.u32 $0xD0000000, s2;
	s6 =	simm.s32 $0x108;
	_ =	swait.ge @!p0 [sflag:s8], $0x0  }
0x24: {  	s3 =	sadd.s32 $0x88, s3;
	s6 =	simm.s32 @!p1 $0x1082;
	[sflag:s4] =	ssyncset.s32 $0xFFFFF086  }
0x25: {  	[simem:s6], [sflag:s4] =	dma.local [hbm:s3], $0xF7A  }
0x26: {  	[smem:$0x3F96] =	sst s1;
	(tag) =	ssettag s2;
	_ =	strace s9  }
0x27: {  	s1 =	sld [smem:$0x3FA6]  }
0x28: {  	s2 =	sld [smem:$0x3FA7]  }
0x29: {  	s4 =	sld [smem:$0x3FA9]  }
0x2a: {  	p0 =	seq.s32 s5, $0x0;
	s5 =	sld [smem:$0x3FAA]  }
0x2b: {  	s6 =	sld [smem:$0x3FAB]  }
0x2c: {  	s7 =	sld [smem:$0x3FAC]  }
0x2d: {  	s3 =	simm.s32 $0x108;
	s8 =	sld [smem:$0x3FAD]  }
0x2e: {  	s3 =	simm.s32 @!p0 $0x1082;
	s9 =	sld [smem:$0x3FAE]  }
0x2f: {  	lr =	sadd.s32 s0, s3;
	s0 =	sld [smem:$0x3FA5]  }
0x30: {  	s3 =	sld [smem:$0x3FA8]  }
0x31: {  	[smem:$0x3FB1] =	sst s10  }
0x32: {  	s10 =	sld [smem:$0x3FAF];
	_ =	sdelay $0x3  }
0x33: {  	p0 =	seq.s32 s10, $0x1;
	s10 =	sld [smem:$0x3FB1];
	_ =	sdelay $0x3  }
0x34: {  	[smem:$0x3FB1] =	sst s10  }
0x35: {  	s10 =	sld [smem:$0x3FB0];
	_ =	sdelay $0x3  }
0x36: {  	p1 =	seq.s32 s10, $0x1;
	s10 =	sld [smem:$0x3FB1];
	_ =	sdelay $0x3  }
0x37: {  	[smem:$0x3FB1] =	sst s10  }
0x38: {  	s10 =	sld [smem:$0x3FB2]  }
0x39: {  	_ = 	snop;
	(pc) =	sbr.ind lr, $3  }
0x3a: {  	_ = 	snop  }
0x3b: {  	_ = 	snop  }
0x3c: {  	p2 =	seq.s32 s10, $0x1;
	s10 =	sld [smem:$0x3FB1]  }
0x3d: {  	_ =	shalt  }
0x3e: {  	_ =	shalt  }
0x3f: {  	_ =	shalt  }
0x40: {  	_ =	shalt  }
0x41: {  	_ =	shalt  }
0x42: {  	_ =	shalt  }
0x43: {  	_ =	shalt  }
0x44: {  	_ =	shalt  }
0x45: {  	_ =	shalt  }
0x46: {  	_ =	shalt  }
0x47: {  	_ =	shalt  }
0x48: {  	_ =	shalt  }
0x49: {  	_ =	shalt  }
0x4a: {  	_ =	shalt  }
0x4b: {  	_ =	shalt  }
0x4c: {  	_ =	shalt  }
0x4d: {  	_ =	shalt  }
0x4e: {  	_ =	shalt  }
0x4f: {  	_ =	shalt  }
0x50: {  	_ =	shalt  }
0x51: {  	_ =	shalt  }
0x52: {  	_ =	shalt  }
0x53: {  	_ =	shalt  }
0x54: {  	_ =	shalt  }
0x55: {  	_ =	shalt  }
0x56: {  	_ =	shalt  }
0x57: {  	_ =	shalt  }
0x58: {  	_ =	shalt  }
0x59: {  	_ =	shalt  }
0x5a: {  	_ =	shalt  }
0x5b: {  	_ =	shalt  }
0x5c: {  	_ =	shalt  }
0x5d: {  	_ =	shalt  }
0x5e: {  	_ =	shalt  }
0x5f: {  	_ =	shalt  }
0x60: {  	_ =	shalt  }
0x61: {  	_ =	shalt  }
0x62: {  	_ =	shalt  }
0x63: {  	_ =	shalt  }
0x64: {  	_ =	shalt  }
0x65: {  	_ =	shalt  }
0x66: {  	_ =	shalt  }
0x67: {  	_ =	shalt  }
0x68: {  	_ =	shalt  }
0x69: {  	_ =	shalt  }
0x6a: {  	_ =	shalt  }
0x6b: {  	_ =	shalt  }
0x6c: {  	_ =	shalt  }
0x6d: {  	_ =	shalt  }
0x6e: {  	_ =	shalt  }
0x6f: {  	_ =	shalt  }
0x70: {  	_ =	shalt  }
0x71: {  	_ =	shalt  }
0x72: {  	_ =	shalt  }
0x73: {  	_ =	shalt  }
0x74: {  	_ =	shalt  }
0x75: {  	_ =	shalt  }
0x76: {  	_ =	shalt  }
0x77: {  	_ =	shalt  }
0x78: {  	_ =	shalt  }
0x79: {  	_ =	shalt  }
0x7a: {  	_ =	shalt  }
0x7b: {  	_ =	shalt  }
0x7c: {  	_ =	shalt  }
0x7d: {  	_ =	shalt  }
0x7e: {  	_ =	shalt  }
0x7f: {  	_ =	shalt  }
0x80: {  	_ =	shalt  }
0x81: {  	_ =	shalt  }
0x82: {  	_ =	shalt  }
0x83: {  	_ =	shalt  }
0x84: {  	_ =	shalt  }
0x85: {  	_ =	shalt  }
0x86: {  	_ =	shalt  }
0x87: {  	_ =	shalt  }
.Lfunc_end0:
.L_simem_size_0:
called_computation.1_lowered:
.L_overlay_start_0:
0x88: {  	s2 =	sld [smem:$0x3FD9]  }
0x89: {  	s3 =	sld [smem:$0x3FFE];
	_ =	sdelay $0x1  }
0x8a: {  	s1 =	srdreg.scid  }
0x8b: {  	s0 =	sand.u32 $0x1, s1  }
0x8c: {  	s17 =	sshll.u32 s0, $0xA;
	s2 =	sadd.s32 s3, s2  }
0x8d: {  	s2 =	sadd.s32 s2, s17  }
0x8e: {  	[smem:$0x3FBD] =	sst s2  }
0x8f: {  	_ = 	snop  }
0x90: {  	s2 =	sld [smem:$0x3FD0];
	(tm) =	ssettm $0x1  }
0x91: {  	s18 =	sld [smem:$0x3FFB];
	_ =	sdelay $0x3  }
0x92: {  	_ =	strace s18  }
0x93: {  	s3 =	sld [smem:$0x3FFC];
	_ =	sdelay $0x3  }
0x94: {  	_ =	strace s3  }
0x95: {  	s3 =	sld [smem:$0x3FFD];
	_ =	sdelay $0x3  }
0x96: {  	_ =	strace s3  }
0x97: {  	_ =	strace $0x8FFFFFFF  }
0x98: {  	s19 =	sld [smem:$0x3FDB];
	_ =	sdelay $0x1  }
0x99: {  	s4 =	simm.s32 $_scs_section_size  }
0x9a: {  	s5 =	simm.s32 $_size__tile_overlayer_lowered;
	s6 =	simm.s32 $_tile_overlayer_lowered  }
0x9b: {  	s22 =	simm.s32 $0x1BFF;
	s21 =	sshll.u32 s6, $0x1;
	s3 =	sadd.s32 s4, s19  }
0x9c: {  	s7 =	simm.s32 $0x0;
	s20 =	sshll.u32 s5, $0x1;
	s5 =	sadd.s32 s21, s3  }
0x9d: {  	[timem:s7], [sflag:s22] =	dma.local [hbm:s5], s20  }
0x9e: {  	_ =	swait.ge [sflag:s22], s20  }
0x9f: {  	s4 =	ssub.s32 $0x0, s20;
	[sflag:s22] =	ssyncset.done $0x0  }
0xa0: {  	[sflag:s22] =	ssyncadd.s32 s4;
	_ =	sdelay $0x1  }
0xa1: {  	s23 =	simm.s32 $0x1B8B  }
0xa2: {  	_ =	swait.ge [sflag:s23], $0x1  }
0xa3: {  	[sflag:s23] =	ssyncset.done $0x0  }
0xa4: {  	s25 =	simm.s32 $0x1B8E;
	s24 =	sld [smem:$0x3FFE];
	[sflag:s23] =	ssyncadd.s32 $0xFFFFFFFF  }
0xa5: {  	s26 =	simm.s32 $execute0_lowered;
	[smem:$0x3FD2] =	sst s25  }
0xa6: {  	s5 =	sshll.u32 s26, $0x1;
	_ =	strace $0x80000049;
	[dreg:$0x1] =	wrdreg $0xFFFFFFFF  }
0xa7: {  	s28 =	simm.s32 $_size_execute0_lowered;
	s3 =	sadd.s32 s3, s5;
	[dreg:$0x0] =	wrdreg $0x0  }
0xa8: {  	s5 =	sshll.u32 s28, $0x1;
	[dreg:$0x2] =	wrdreg s3  }
0xa9: {  	[dreg:$0x3] =	wrdreg s5  }
0xaa: {  	[dreg:$0x4] =	wrdreg $0xC0  }
0xab: {  	_ =	task [dreg:s7], $0x5FFFF  }
0xac: {  	[dreg:$0x1] =	wrdreg $0xFFFFFFFF  }
0xad: {  	[dreg:$0x0] =	wrdreg $0x60  }
0xae: {  	[dreg:$0x2] =	wrdreg s24  }
0xaf: {  	[dreg:$0x3] =	wrdreg s2  }
0xb0: {  	[dreg:$0x4] =	wrdreg $0x9  }
0xb1: {  	_ =	task.clear_ibuf [dreg:s7], $0x5FFFF;
	_ =	strace $0x90000049  }
0xb2: {  	s29 =	simm.s32 $0x9;
	_ =	strace $0x8000004B  }
0xb3: {  	_ =	swait.ge [sflag:s29], $0x1  }
0xb4: {  	[sflag:s29] =	ssyncadd.s32 $0xFFFFFFFF  }
0xb5: {  	_ =	strace $0x9000004B  }
0xb6: {  	_ =	sfence  }
0xb7: {  	s30 =	sld [smem:$0x0];
	_ =	sdelay $0x2  }
0xb8: {  	s31 =	sshll.u32 s1, $0xD;
	s1 =	sshrl.u32 s1, $0x2  }
0xb9: {  	s3 =	sand.u32 $0x4000, s31;
	s1 =	sadd.s32 s1, s30  }
0xba: {  	s0 =	sor.u32 s3, s0;
	s1 =	sshll.u32 s1, $0x11  }
0xbb: {  	s0 =	sor.u32 s1, s0  }
0xbc: {  	s0 =	sadd.s32 $0x8F2B, s0  }
0xbd: {  	[sflag:s0] =	ssyncadd.remote.s32 $0x1  }
0xbe: {  	_ =	sfence.sel $0xFFFF  }
0xbf: {  	[dreg:$0x0] =	wrdreg $0xFFFFFFFF;
	(pc) =	sbr.abs _section_cstart, $3  }
0xc0: {  	[dreg:$0x1] =	wrdreg $0xFFFFFFFF  }
0xc1: {  	_ =	task.clear_ibuf [dreg:s7], $0x2FFFF;
	_ =	strace $0x9FFFFFFF  }
0xc2: {  	(tm) =	ssettm $0x7FFFFFFF  }
0xc3: {  	_ =	shalt  }
tec
execute0_lowered:
.L_overlay_start_1:
0x0: {  	(tag) =	ssettag $0x1  }
0x1: {  	s0 =	rddreg [dreg:$0x0]  }
0x2: {  	s1 =	rddreg [dreg:$0x1];
	s2 =	simm.s32 $0x0;
	s3 =	srdreg.scid  }
0x3: {  	s7 =	stileid.u32;
	s28 =	simm.s32 $0x1;
	s29 =	simm.s32 $0x80  }
0x4: {  	s30 =	simm.s32 $0x3200;
	s31 =	simm.s32 $0x6400;
	s15 =	simm.s32 $0x12C0  }
0x5: {  	[smem:$0x7FF] =	sst s2;
	s4 =	sadd.s32 $0x1EB000, s0;
	s5 =	sadd.s32 $0x24F000, s0  }
0x6: {  	s6 =	sadd.s32 $0x2B3000, s0;
	s3 =	sand.u32 $0x1, s3;
	s8 =	sshll.u32 s7, $0x1  }
0x7: {  	s7 =	sadd.s32 $0x317000, s0;
	s9 =	sadd.s32 $0xF6C00, s0;
	s13 =	sadd.s32 $0x37B000, s0  }
0x8: {  	_ =	strace $0x8000004A;
	s10 =	ssub.s32 $0x2, s3;
	s3 =	sor.u32 s3, s8  }
0x9: {  	s8 =	sadd.s32 $0x2800, s0;
	[dreg:$0x3] =	wrdreg s13;
	s11 =	sshrl.u32 s10, $0x1  }
0xa: {  	s12 =	smul.u32 $0x3200, s3;
	s17 =	sshll.u32 s3, $0x9;
	s3 =	sshll.u32 s3, $0x6  }
0xb: {  	s16 =	ssub.s32 s10, s11;
	s3 =	sadd.s32 s3, s13;
	s25 =	sor.u32 $0x10, s17  }
0xc: {  	[dreg:$0x4] =	wrdreg s17;
	s26 =	sor.u32 $0x18, s17;
	s17 =	simm.s32 $0x2BC0  }
0xd: {  	s13 =	simm.s32 $0x0;
	s18 =	sadd.s32 s4, s12;
	[dreg:$0xd] =	wrdreg s25  }
0xe: {  	s19 =	sadd.s32 s5, s12;
	s20 =	sadd.s32 s6, s12;
	[dreg:$0xf] =	wrdreg s26  }
0xf: {  	s21 =	sadd.s32 s7, s12;
	s22 =	sor.u32 $0xC8, s12;
	[dreg:$0x5] =	wrdreg s18  }
0x10: {  	s3 =	sadd.s32 $0x1, s3;
	s0 =	smax.u32 s16, $0x1;
	[dreg:$0x6] =	wrdreg s19  }
0x11: {  	s26 =	simm.s32 $0x2580;
	s16 =	simm.s32 $0x40;
	[dreg:$0x7] =	wrdreg s20  }
0x12: {  	s25 =	simm.s32 $0x8;
	[dreg:$0x8] =	wrdreg s21;
	s12 =	sadd.s32 s4, s22  }
0x13: {  	s23 =	sadd.s32 s5, s22;
	s24 =	sadd.s32 s6, s22;
	[dreg:$0xe] =	wrdreg s3  }
0x14: {  	s10 =	sadd.s32 s7, s22;
	[dreg:$0x10] =	wrdreg s0;
	s0 =	simm.s32 $0x9600  }
.Ltmp0:
0x15: {  	s21 =	simm.s32 $0x1900;
	[dreg:$0x9] =	wrdreg s12;
	(pc) =	sbr.rel .LBB2_1-.Ltmp0, $4  }
0x16: {  	v2 =	vlaneseq.u32;
	s18 =	simm.s32 $0x2;
	s19 =	simm.s32 $0xC800;
	[dreg:$0xa] =	wrdreg s23  }
0x17: {  	v0 =	vshrl.u32 v2, $0x3;
	v1 =	vmul.u32 $0x8, v2;
	s3 =	simm.s32 $0x12C00;
	s20 =	simm.s32 $0x15E00;
	[dreg:$0xb] =	wrdreg s24  }
0x18: {  	v2 =	vand.u32 $0x7, v2;
	v3 =	vor.u32 $0x2, v0;
	v4 =	vor.u32 $0x4, v0;
	s22 =	simm.s32 $0x5;
	[dreg:$0xc] =	wrdreg s10;
	s24 =	simm.s32 $0x1F40  }
0x19: {  	v5 =	vor.u32 $0x6, v0;
	v6 =	vor.u32 $0x80, v1;
	v7 =	vor.u32 $0x100, v1;
	s23 =	simm.s32 $0xFA00;
	s12 =	simm.s32 $0x3;
	s10 =	simm.s32 $0x4  }
.LBB2_14:
0x1a: {  	s13 =	rddreg [dreg:$0x11]  }
0x1b: {  	s11 =	rddreg [dreg:$0x10];
	s13 =	sadd.s32 $0x1, s13  }
0x1c: {  	p0 =	sne.s32 s13, s11  }
.Ltmp1:
0x1d: {  	_ = 	snop;
	(pc) =	sbr.rel @!p0 .LBB2_15-.Ltmp1, $2  }
0x1e: {  	_ =	sdelay $0x2  }
0x1f: {  	s15 =	simm.s32 $0x12C0;
	s21 =	simm.s32 $0x1900;
	s24 =	simm.s32 $0x1F40  }
.LBB2_1:
0x20: {  	[dreg:$0x11] =	wrdreg s13  }
0x21: {  	s11 =	rddreg [dreg:$0x5]  }
0x22: {  	[tilespmem:s2], [sflag:$0x1] =	stream.linear.gather [hbm4b:s11+s2], $0x640, $0x38;
	[tilespmem:$0x15F80] =	vst v63  }
0x23: {  	s14 =	rddreg [dreg:$0x6];
	s13 =	simm.s32 $0x640  }
0x24: {  	[tilespmem:s13], [sflag:$0x1] =	stream.linear.gather [hbm4b:s14+s2], $0x640, $0x38;
	[tilespmem:$0x15F80] =	vst v63  }
0x25: {  	s11 =	rddreg [dreg:$0x7];
	s14 =	simm.s32 $0xC80  }
0x26: {  	[tilespmem:s14], [sflag:$0x1] =	stream.linear.gather [hbm4b:s11+s2], $0x640, $0x38;
	[tilespmem:$0x15F80] =	vst v63  }
0x27: {  	s11 =	rddreg [dreg:$0x8]  }
0x28: {  	[tilespmem:s26], [sflag:$0x1] =	stream.linear.gather [hbm4b:s11+s2], $0x640, $0x38;
	[tilespmem:$0x15F80] =	vst v63  }
0x29: {  	_ =	swait.ge [sflag:s28], $0x640  }
0x2a: {  	[sflag:s28] =	ssyncset.done $0x0  }
0x2b: {  	[sflag:s28] =	ssyncadd.s32 $0xFFFFF9C0  }
0x2c: {  	_ =	swait.ge [sflag:s28], $0x640  }
0x2d: {  	[sflag:s28] =	ssyncset.done $0x0  }
0x2e: {  	[sflag:s28] =	ssyncadd.s32 $0xFFFFF9C0  }
0x2f: {  	_ =	swait.ge [sflag:s28], $0x640  }
0x30: {  	[sflag:s28] =	ssyncset.done $0x0  }
0x31: {  	[sflag:s28] =	ssyncadd.s32 $0xFFFFF9C0  }
0x32: {  	_ =	swait.ge [sflag:s28], $0x640  }
0x33: {  	[sflag:s28] =	ssyncset.done $0x0  }
0x34: {  	[sflag:s28] =	ssyncadd.s32 $0xFFFFF9C0  }
0x35: {  	[tilespmem:s30], [sflag:$0x3] =	stream.indirect.gather [hbm4b:s1+s29], $0x8, s2, s29, $0xb8;
	[tilespmem:$0x15F80] =	vst v63  }
0x36: {  	_ = 	snop  }
0x37: {  	[tilespmem:s31], [sflag:$0x3] =	stream.indirect.gather [hbm4b:s8+s29], $0x8, s13, s29, $0xb8;
	[tilespmem:$0x15F80] =	vst v63  }
0x38: {  	_ = 	snop  }
0x39: {  	[tilespmem:s0], [sflag:$0x3] =	stream.indirect.gather [hbm4b:s9+s29], $0x8, s14, s29, $0xb8;
	[tilespmem:$0x15F80] =	vst v63  }
0x3a: {  	s14 =	simm.s32 $0x3600  }
0x3b: {  	[tilespmem:s14], [sflag:$0x3] =	stream.indirect.gather [hbm4b:s1+s29], $0x8, s29, s29, $0xb8;
	[tilespmem:$0x15F80] =	vst v63  }
0x3c: {  	s13 =	simm.s32 $0x6C0;
	s14 =	simm.s32 $0x6800  }
0x3d: {  	[tilespmem:s14], [sflag:$0x3] =	stream.indirect.gather [hbm4b:s8+s29], $0x8, s13, s29, $0xb8;
	[tilespmem:$0x15F80] =	vst v63  }
0x3e: {  	s13 =	simm.s32 $0xD00;
	s14 =	simm.s32 $0x9A00  }
0x3f: {  	[tilespmem:s14], [sflag:$0x3] =	stream.indirect.gather [hbm4b:s9+s29], $0x8, s13, s29, $0xb8;
	[tilespmem:$0x15F80] =	vst v63  }
0x40: {  	s13 =	simm.s32 $0x100;
	s14 =	simm.s32 $0x3A00  }
0x41: {  	[tilespmem:s14], [sflag:$0x3] =	stream.indirect.gather [hbm4b:s1+s29], $0x8, s13, s29, $0xb8;
	[tilespmem:$0x15F80] =	vst v63  }
0x42: {  	s13 =	simm.s32 $0x740;
	s14 =	simm.s32 $0x6C00  }
0x43: {  	[tilespmem:s14], [sflag:$0x3] =	stream.indirect.gather [hbm4b:s8+s29], $0x8, s13, s29, $0xb8;
	[tilespmem:$0x15F80] =	vst v63  }
0x44: {  	s13 =	simm.s32 $0xD80;
	s14 =	simm.s32 $0x9E00  }
0x45: {  	[tilespmem:s14], [sflag:$0x3] =	stream.indirect.gather [hbm4b:s9+s29], $0x8, s13, s29, $0xb8;
	[tilespmem:$0x15F80] =	vst v63  }
0x46: {  	s13 =	simm.s32 $0x180;
	s14 =	simm.s32 $0x3E00  }
0x47: {  	[tilespmem:s14], [sflag:$0x3] =	stream.indirect.gather [hbm4b:s1+s29], $0x8, s13, s29, $0xb8;
	[tilespmem:$0x15F80] =	vst v63  }
0x48: {  	s13 =	simm.s32 $0x7C0;
	s14 =	simm.s32 $0x7000  }
0x49: {  	[tilespmem:s14], [sflag:$0x3] =	stream.indirect.gather [hbm4b:s8+s29], $0x8, s13, s29, $0xb8;
	[tilespmem:$0x15F80] =	vst v63  }
0x4a: {  	s13 =	simm.s32 $0xE00;
	s14 =	simm.s32 $0xA200  }
0x4b: {  	[tilespmem:s14], [sflag:$0x3] =	stream.indirect.gather [hbm4b:s9+s29], $0x8, s13, s29, $0xb8;
	[tilespmem:$0x15F80] =	vst v63  }
0x4c: {  	s13 =	simm.s32 $0x200;
	s14 =	simm.s32 $0x4200  }
0x4d: {  	[tilespmem:s14], [sflag:$0x3] =	stream.indirect.gather [hbm4b:s1+s29], $0x8, s13, s29, $0xb8;
	[tilespmem:$0x15F80] =	vst v63  }
0x4e: {  	s13 =	simm.s32 $0x840;
	s14 =	simm.s32 $0x7400  }
0x4f: {  	[tilespmem:s14], [sflag:$0x3] =	stream.indirect.gather [hbm4b:s8+s29], $0x8, s13, s29, $0xb8;
	[tilespmem:$0x15F80] =	vst v63  }
0x50: {  	s13 =	simm.s32 $0xE80;
	s14 =	simm.s32 $0xA600  }
0x51: {  	[tilespmem:s14], [sflag:$0x3] =	stream.indirect.gather [hbm4b:s9+s29], $0x8, s13, s29, $0xb8;
	[tilespmem:$0x15F80] =	vst v63  }
0x52: {  	s13 =	simm.s32 $0x280;
	s14 =	simm.s32 $0x4600  }
0x53: {  	[tilespmem:s14], [sflag:$0x3] =	stream.indirect.gather [hbm4b:s1+s29], $0x8, s13, s29, $0xb8;
	[tilespmem:$0x15F80] =	vst v63  }
0x54: {  	s13 =	simm.s32 $0x8C0;
	s14 =	simm.s32 $0x7800  }
0x55: {  	[tilespmem:s14], [sflag:$0x3] =	stream.indirect.gather [hbm4b:s8+s29], $0x8, s13, s29, $0xb8;
	[tilespmem:$0x15F80] =	vst v63  }
0x56: {  	s13 =	simm.s32 $0xF00;
	s14 =	simm.s32 $0xAA00  }
0x57: {  	[tilespmem:s14], [sflag:$0x3] =	stream.indirect.gather [hbm4b:s9+s29], $0x8, s13, s29, $0xb8;
	[tilespmem:$0x15F80] =	vst v63  }
0x58: {  	s13 =	simm.s32 $0x300;
	s14 =	simm.s32 $0x4A00  }
0x59: {  	[tilespmem:s14], [sflag:$0x3] =	stream.indirect.gather [hbm4b:s1+s29], $0x8, s13, s29, $0xb8;
	[tilespmem:$0x15F80] =	vst v63  }
0x5a: {  	s13 =	simm.s32 $0x940;
	s14 =	simm.s32 $0x7C00  }
0x5b: {  	[tilespmem:s14], [sflag:$0x3] =	stream.indirect.gather [hbm4b:s8+s29], $0x8, s13, s29, $0xb8;
	[tilespmem:$0x15F80] =	vst v63  }
0x5c: {  	s13 =	simm.s32 $0xF80;
	s14 =	simm.s32 $0xAE00  }
0x5d: {  	[tilespmem:s14], [sflag:$0x3] =	stream.indirect.gather [hbm4b:s9+s29], $0x8, s13, s29, $0xb8;
	[tilespmem:$0x15F80] =	vst v63  }
0x5e: {  	s13 =	simm.s32 $0x380;
	s14 =	simm.s32 $0x4E00  }
0x5f: {  	[tilespmem:s14], [sflag:$0x3] =	stream.indirect.gather [hbm4b:s1+s29], $0x8, s13, s29, $0xb8;
	[tilespmem:$0x15F80] =	vst v63  }
0x60: {  	s13 =	simm.s32 $0x9C0;
	s14 =	simm.s32 $0x8000  }
0x61: {  	[tilespmem:s14], [sflag:$0x3] =	stream.indirect.gather [hbm4b:s8+s29], $0x8, s13, s29, $0xb8;
	[tilespmem:$0x15F80] =	vst v63  }
0x62: {  	s13 =	simm.s32 $0x1000;
	s14 =	simm.s32 $0xB200  }
0x63: {  	[tilespmem:s14], [sflag:$0x3] =	stream.indirect.gather [hbm4b:s9+s29], $0x8, s13, s29, $0xb8;
	[tilespmem:$0x15F80] =	vst v63  }
0x64: {  	s13 =	simm.s32 $0x400;
	s14 =	simm.s32 $0x5200  }
0x65: {  	[tilespmem:s14], [sflag:$0x3] =	stream.indirect.gather [hbm4b:s1+s29], $0x8, s13, s29, $0xb8;
	[tilespmem:$0x15F80] =	vst v63  }
0x66: {  	s13 =	simm.s32 $0xA40;
	s14 =	simm.s32 $0x8400  }
0x67: {  	[tilespmem:s14], [sflag:$0x3] =	stream.indirect.gather [hbm4b:s8+s29], $0x8, s13, s29, $0xb8;
	[tilespmem:$0x15F80] =	vst v63  }
0x68: {  	s13 =	simm.s32 $0x1080;
	s14 =	simm.s32 $0xB600  }
0x69: {  	[tilespmem:s14], [sflag:$0x3] =	stream.indirect.gather [hbm4b:s9+s29], $0x8, s13, s29, $0xb8;
	[tilespmem:$0x15F80] =	vst v63  }
0x6a: {  	s13 =	simm.s32 $0x480;
	s14 =	simm.s32 $0x5600  }
0x6b: {  	[tilespmem:s14], [sflag:$0x3] =	stream.indirect.gather [hbm4b:s1+s29], $0x8, s13, s29, $0xb8;
	[tilespmem:$0x15F80] =	vst v63  }
0x6c: {  	s13 =	simm.s32 $0xAC0;
	s14 =	simm.s32 $0x8800  }
0x6d: {  	[tilespmem:s14], [sflag:$0x3] =	stream.indirect.gather [hbm4b:s8+s29], $0x8, s13, s29, $0xb8;
	[tilespmem:$0x15F80] =	vst v63  }
0x6e: {  	s13 =	simm.s32 $0x1100;
	s14 =	simm.s32 $0xBA00  }
0x6f: {  	[tilespmem:s14], [sflag:$0x3] =	stream.indirect.gather [hbm4b:s9+s29], $0x8, s13, s29, $0xb8;
	[tilespmem:$0x15F80] =	vst v63  }
0x70: {  	s13 =	simm.s32 $0x500;
	s14 =	simm.s32 $0x5A00  }
0x71: {  	[tilespmem:s14], [sflag:$0x3] =	stream.indirect.gather [hbm4b:s1+s29], $0x8, s13, s29, $0xb8;
	[tilespmem:$0x15F80] =	vst v63  }
0x72: {  	s13 =	simm.s32 $0xB40;
	s14 =	simm.s32 $0x8C00  }
0x73: {  	[tilespmem:s14], [sflag:$0x3] =	stream.indirect.gather [hbm4b:s8+s29], $0x8, s13, s29, $0xb8;
	[tilespmem:$0x15F80] =	vst v63  }
0x74: {  	s13 =	simm.s32 $0x1180;
	s14 =	simm.s32 $0xBE00  }
0x75: {  	[tilespmem:s14], [sflag:$0x3] =	stream.indirect.gather [hbm4b:s9+s29], $0x8, s13, s29, $0xb8;
	[tilespmem:$0x15F80] =	vst v63  }
0x76: {  	s13 =	simm.s32 $0x580;
	s14 =	simm.s32 $0x5E00  }
0x77: {  	[tilespmem:s14], [sflag:$0x3] =	stream.indirect.gather [hbm4b:s1+s29], $0x8, s13, s29, $0xb8;
	[tilespmem:$0x15F80] =	vst v63  }
0x78: {  	s13 =	simm.s32 $0xBC0;
	s14 =	simm.s32 $0x9000  }
0x79: {  	[tilespmem:s14], [sflag:$0x3] =	stream.indirect.gather [hbm4b:s8+s29], $0x8, s13, s29, $0xb8;
	[tilespmem:$0x15F80] =	vst v63  }
0x7a: {  	s13 =	simm.s32 $0x1200;
	s14 =	simm.s32 $0xC200  }
0x7b: {  	[tilespmem:s14], [sflag:$0x3] =	stream.indirect.gather [hbm4b:s9+s29], $0x8, s13, s29, $0xb8;
	[tilespmem:$0x15F80] =	vst v63  }
0x7c: {  	s13 =	simm.s32 $0x600;
	s14 =	simm.s32 $0x6200  }
0x7d: {  	[tilespmem:s14], [sflag:$0x3] =	stream.indirect.gather [hbm4b:s1+s16], $0x8, s13, s16, $0xb8;
	[tilespmem:$0x15F80] =	vst v63  }
0x7e: {  	s13 =	simm.s32 $0xC40;
	s14 =	simm.s32 $0x9400  }
0x7f: {  	[tilespmem:s14], [sflag:$0x3] =	stream.indirect.gather [hbm4b:s8+s16], $0x8, s13, s16, $0xb8;
	[tilespmem:$0x15F80] =	vst v63  }
0x80: {  	s13 =	simm.s32 $0x1280;
	s14 =	simm.s32 $0xC600  }
0x81: {  	[tilespmem:s14], [sflag:$0x3] =	stream.indirect.gather [hbm4b:s9+s16], $0x8, s13, s16, $0xb8;
	[tilespmem:$0x15F80] =	vst v63  }
0x82: {  	s13 =	rddreg [dreg:$0x9]  }
0x83: {  	[tilespmem:s15], [sflag:$0x2] =	stream.linear.gather [hbm4b:s13+s2], $0x640, $0x38;
	[tilespmem:$0x15F80] =	vst v63  }
0x84: {  	s14 =	rddreg [dreg:$0xa]  }
0x85: {  	[tilespmem:s21], [sflag:$0x2] =	stream.linear.gather [hbm4b:s14+s2], $0x640, $0x38;
	[tilespmem:$0x15F80] =	vst v63  }
0x86: {  	s13 =	rddreg [dreg:$0xb]  }
0x87: {  	[tilespmem:s24], [sflag:$0x2] =	stream.linear.gather [hbm4b:s13+s2], $0x640, $0x38;
	[tilespmem:$0x15F80] =	vst v63  }
0x88: {  	s11 =	simm.s32 $0x0;
	s14 =	rddreg [dreg:$0xc]  }
0x89: {  	[tilespmem:s17], [sflag:$0x2] =	stream.linear.gather [hbm4b:s14+s2], $0x640, $0x38;
	[tilespmem:$0x15F80] =	vst v63  }
.LBB2_2:
0x8a: {  	_ =	swait.ge [sflag:s18], $0x640  }
0x8b: {  	[sflag:s18] =	ssyncset.done $0x0  }
0x8c: {  	[sflag:s18] =	ssyncadd.s32 $0xFFFFF9C0  }
0x8d: {  	_ =	swait.ge [sflag:s18], $0x640  }
0x8e: {  	[sflag:s18] =	ssyncset.done $0x0  }
0x8f: {  	[sflag:s18] =	ssyncadd.s32 $0xFFFFF9C0  }
0x90: {  	_ =	swait.ge [sflag:s18], $0x640  }
0x91: {  	[sflag:s18] =	ssyncset.done $0x0  }
0x92: {  	[sflag:s18] =	ssyncadd.s32 $0xFFFFF9C0  }
0x93: {  	_ =	swait.ge [sflag:s18], $0x640  }
0x94: {  	[sflag:s18] =	ssyncset.done $0x0  }
0x95: {  	[sflag:s18] =	ssyncadd.s32 $0xFFFFF9C0  }
0x96: {  	[tilespmem:s19], [sflag:$0x4] =	stream.indirect.gather [hbm4b:s1+s29], $0x8, s15, s29, $0xb8;
	[tilespmem:$0x15F80] =	vst v63  }
0x97: {  	_ = 	snop  }
0x98: {  	[tilespmem:s23], [sflag:$0x4] =	stream.indirect.gather [hbm4b:s8+s29], $0x8, s21, s29, $0xb8;
	[tilespmem:$0x15F80] =	vst v63  }
0x99: {  	_ = 	snop  }
0x9a: {  	[tilespmem:s3], [sflag:$0x4] =	stream.indirect.gather [hbm4b:s9+s29], $0x8, s24, s29, $0xb8;
	[tilespmem:$0x15F80] =	vst v63  }
0x9b: {  	s13 =	simm.s32 $0x1340;
	s14 =	simm.s32 $0xCC00  }
0x9c: {  	[tilespmem:s14], [sflag:$0x4] =	stream.indirect.gather [hbm4b:s1+s29], $0x8, s13, s29, $0xb8;
	[tilespmem:$0x15F80] =	vst v63  }
0x9d: {  	s21 =	simm.s32 $0x1980;
	s24 =	simm.s32 $0xFE00  }
0x9e: {  	[tilespmem:s24], [sflag:$0x4] =	stream.indirect.gather [hbm4b:s8+s29], $0x8, s21, s29, $0xb8;
	[tilespmem:$0x15F80] =	vst v63  }
0x9f: {  	s15 =	simm.s32 $0x13000;
	s14 =	simm.s32 $0x1FC0  }
0xa0: {  	[tilespmem:s15], [sflag:$0x4] =	stream.indirect.gather [hbm4b:s9+s29], $0x8, s14, s29, $0xb8;
	[tilespmem:$0x15F80] =	vst v63  }
0xa1: {  	s21 =	simm.s32 $0x13C0;
	s24 =	simm.s32 $0xD000  }
0xa2: {  	[tilespmem:s24], [sflag:$0x4] =	stream.indirect.gather [hbm4b:s1+s29], $0x8, s21, s29, $0xb8;
	[tilespmem:$0x15F80] =	vst v63  }
0xa3: {  	s14 =	simm.s32 $0x1A00;
	s15 =	simm.s32 $0x10200  }
0xa4: {  	[tilespmem:s15], [sflag:$0x4] =	stream.indirect.gather [hbm4b:s8+s29], $0x8, s14, s29, $0xb8;
	[tilespmem:$0x15F80] =	vst v63  }
0xa5: {  	s21 =	simm.s32 $0x2040;
	s24 =	simm.s32 $0x13400  }
0xa6: {  	[tilespmem:s24], [sflag:$0x4] =	stream.indirect.gather [hbm4b:s9+s29], $0x8, s21, s29, $0xb8;
	[tilespmem:$0x15F80] =	vst v63  }
0xa7: {  	s14 =	simm.s32 $0x1440;
	s15 =	simm.s32 $0xD400  }
0xa8: {  	[tilespmem:s15], [sflag:$0x4] =	stream.indirect.gather [hbm4b:s1+s29], $0x8, s14, s29, $0xb8;
	[tilespmem:$0x15F80] =	vst v63  }
0xa9: {  	s21 =	simm.s32 $0x1A80;
	s24 =	simm.s32 $0x10600  }
0xaa: {  	[tilespmem:s24], [sflag:$0x4] =	stream.indirect.gather [hbm4b:s8+s29], $0x8, s21, s29, $0xb8;
	[tilespmem:$0x15F80] =	vst v63  }
0xab: {  	s14 =	simm.s32 $0x20C0;
	s15 =	simm.s32 $0x13800  }
0xac: {  	[tilespmem:s15], [sflag:$0x4] =	stream.indirect.gather [hbm4b:s9+s29], $0x8, s14, s29, $0xb8;
	[tilespmem:$0x15F80] =	vst v63  }
0xad: {  	s21 =	simm.s32 $0x14C0;
	s24 =	simm.s32 $0xD800  }
0xae: {  	[tilespmem:s24], [sflag:$0x4] =	stream.indirect.gather [hbm4b:s1+s29], $0x8, s21, s29, $0xb8;
	[tilespmem:$0x15F80] =	vst v63  }
0xaf: {  	s14 =	simm.s32 $0x1B00;
	s15 =	simm.s32 $0x10A00  }
0xb0: {  	[tilespmem:s15], [sflag:$0x4] =	stream.indirect.gather [hbm4b:s8+s29], $0x8, s14, s29, $0xb8;
	[tilespmem:$0x15F80] =	vst v63  }
0xb1: {  	s21 =	simm.s32 $0x2140;
	s24 =	simm.s32 $0x13C00  }
0xb2: {  	[tilespmem:s24], [sflag:$0x4] =	stream.indirect.gather [hbm4b:s9+s29], $0x8, s21, s29, $0xb8;
	[tilespmem:$0x15F80] =	vst v63  }
0xb3: {  	s14 =	simm.s32 $0x1540;
	s15 =	simm.s32 $0xDC00  }
0xb4: {  	[tilespmem:s15], [sflag:$0x4] =	stream.indirect.gather [hbm4b:s1+s29], $0x8, s14, s29, $0xb8;
	[tilespmem:$0x15F80] =	vst v63  }
0xb5: {  	s21 =	simm.s32 $0x1B80;
	s24 =	simm.s32 $0x10E00  }
0xb6: {  	[tilespmem:s24], [sflag:$0x4] =	stream.indirect.gather [hbm4b:s8+s29], $0x8, s21, s29, $0xb8;
	[tilespmem:$0x15F80] =	vst v63  }
0xb7: {  	s14 =	simm.s32 $0x21C0;
	s15 =	simm.s32 $0x14000  }
0xb8: {  	[tilespmem:s15], [sflag:$0x4] =	stream.indirect.gather [hbm4b:s9+s29], $0x8, s14, s29, $0xb8;
	[tilespmem:$0x15F80] =	vst v63  }
0xb9: {  	s21 =	simm.s32 $0x15C0;
	s24 =	simm.s32 $0xE000  }
0xba: {  	[tilespmem:s24], [sflag:$0x4] =	stream.indirect.gather [hbm4b:s1+s29], $0x8, s21, s29, $0xb8;
	[tilespmem:$0x15F80] =	vst v63  }
0xbb: {  	s14 =	simm.s32 $0x1C00;
	s15 =	simm.s32 $0x11200  }
0xbc: {  	[tilespmem:s15], [sflag:$0x4] =	stream.indirect.gather [hbm4b:s8+s29], $0x8, s14, s29, $0xb8;
	[tilespmem:$0x15F80] =	vst v63  }
0xbd: {  	s21 =	simm.s32 $0x2240;
	s24 =	simm.s32 $0x14400  }
0xbe: {  	[tilespmem:s24], [sflag:$0x4] =	stream.indirect.gather [hbm4b:s9+s29], $0x8, s21, s29, $0xb8;
	[tilespmem:$0x15F80] =	vst v63  }
0xbf: {  	s14 =	simm.s32 $0x1640;
	s15 =	simm.s32 $0xE400  }
0xc0: {  	[tilespmem:s15], [sflag:$0x4] =	stream.indirect.gather [hbm4b:s1+s29], $0x8, s14, s29, $0xb8;
	[tilespmem:$0x15F80] =	vst v63  }
0xc1: {  	s21 =	simm.s32 $0x1C80;
	s24 =	simm.s32 $0x11600  }
0xc2: {  	[tilespmem:s24], [sflag:$0x4] =	stream.indirect.gather [hbm4b:s8+s29], $0x8, s21, s29, $0xb8;
	[tilespmem:$0x15F80] =	vst v63  }
0xc3: {  	s14 =	simm.s32 $0x22C0;
	s15 =	simm.s32 $0x14800  }
0xc4: {  	[tilespmem:s15], [sflag:$0x4] =	stream.indirect.gather [hbm4b:s9+s29], $0x8, s14, s29, $0xb8;
	[tilespmem:$0x15F80] =	vst v63  }
0xc5: {  	s21 =	simm.s32 $0x16C0;
	s24 =	simm.s32 $0xE800  }
0xc6: {  	[tilespmem:s24], [sflag:$0x4] =	stream.indirect.gather [hbm4b:s1+s29], $0x8, s21, s29, $0xb8;
	[tilespmem:$0x15F80] =	vst v63  }
0xc7: {  	s14 =	simm.s32 $0x1D00;
	s15 =	simm.s32 $0x11A00  }
0xc8: {  	[tilespmem:s15], [sflag:$0x4] =	stream.indirect.gather [hbm4b:s8+s29], $0x8, s14, s29, $0xb8;
	[tilespmem:$0x15F80] =	vst v63  }
0xc9: {  	s21 =	simm.s32 $0x2340;
	s24 =	simm.s32 $0x14C00  }
0xca: {  	[tilespmem:s24], [sflag:$0x4] =	stream.indirect.gather [hbm4b:s9+s29], $0x8, s21, s29, $0xb8;
	[tilespmem:$0x15F80] =	vst v63  }
0xcb: {  	s14 =	simm.s32 $0x1740;
	s15 =	simm.s32 $0xEC00  }
0xcc: {  	[tilespmem:s15], [sflag:$0x4] =	stream.indirect.gather [hbm4b:s1+s29], $0x8, s14, s29, $0xb8;
	[tilespmem:$0x15F80] =	vst v63  }
0xcd: {  	s21 =	simm.s32 $0x1D80;
	s24 =	simm.s32 $0x11E00  }
0xce: {  	[tilespmem:s24], [sflag:$0x4] =	stream.indirect.gather [hbm4b:s8+s29], $0x8, s21, s29, $0xb8;
	[tilespmem:$0x15F80] =	vst v63  }
0xcf: {  	s14 =	simm.s32 $0x23C0;
	s15 =	simm.s32 $0x15000  }
0xd0: {  	[tilespmem:s15], [sflag:$0x4] =	stream.indirect.gather [hbm4b:s9+s29], $0x8, s14, s29, $0xb8;
	[tilespmem:$0x15F80] =	vst v63  }
0xd1: {  	s21 =	simm.s32 $0x17C0;
	s24 =	simm.s32 $0xF000  }
0xd2: {  	[tilespmem:s24], [sflag:$0x4] =	stream.indirect.gather [hbm4b:s1+s29], $0x8, s21, s29, $0xb8;
	[tilespmem:$0x15F80] =	vst v63  }
0xd3: {  	s14 =	simm.s32 $0x1E00;
	s15 =	simm.s32 $0x12200  }
0xd4: {  	[tilespmem:s15], [sflag:$0x4] =	stream.indirect.gather [hbm4b:s8+s29], $0x8, s14, s29, $0xb8;
	[tilespmem:$0x15F80] =	vst v63  }
0xd5: {  	s21 =	simm.s32 $0x2440;
	s24 =	simm.s32 $0x15400  }
0xd6: {  	[tilespmem:s24], [sflag:$0x4] =	stream.indirect.gather [hbm4b:s9+s29], $0x8, s21, s29, $0xb8;
	[tilespmem:$0x15F80] =	vst v63  }
0xd7: {  	s14 =	simm.s32 $0x1840;
	s15 =	simm.s32 $0xF400  }
0xd8: {  	[tilespmem:s15], [sflag:$0x4] =	stream.indirect.gather [hbm4b:s1+s29], $0x8, s14, s29, $0xb8;
	[tilespmem:$0x15F80] =	vst v63  }
0xd9: {  	s21 =	simm.s32 $0x1E80;
	s24 =	simm.s32 $0x12600  }
0xda: {  	[tilespmem:s24], [sflag:$0x4] =	stream.indirect.gather [hbm4b:s8+s29], $0x8, s21, s29, $0xb8;
	[tilespmem:$0x15F80] =	vst v63  }
0xdb: {  	s14 =	simm.s32 $0x24C0;
	s15 =	simm.s32 $0x15800  }
0xdc: {  	[tilespmem:s15], [sflag:$0x4] =	stream.indirect.gather [hbm4b:s9+s29], $0x8, s14, s29, $0xb8;
	[tilespmem:$0x15F80] =	vst v63  }
0xdd: {  	s21 =	simm.s32 $0x18C0;
	s24 =	simm.s32 $0xF800  }
0xde: {  	[tilespmem:s24], [sflag:$0x4] =	stream.indirect.gather [hbm4b:s1+s16], $0x8, s21, s16, $0xb8;
	[tilespmem:$0x15F80] =	vst v63  }
0xdf: {  	s14 =	simm.s32 $0x1F00;
	s15 =	simm.s32 $0x12A00  }
0xe0: {  	[tilespmem:s15], [sflag:$0x4] =	stream.indirect.gather [hbm4b:s8+s16], $0x8, s14, s16, $0xb8;
	[tilespmem:$0x15F80] =	vst v63  }
0xe1: {  	s21 =	simm.s32 $0x2540;
	s24 =	simm.s32 $0x15C00  }
0xe2: {  	[tilespmem:s24], [sflag:$0x4] =	stream.indirect.gather [hbm4b:s9+s16], $0x8, s21, s16, $0xb8;
	[tilespmem:$0x15F80] =	vst v63  }
0xe3: {  	_ =	swait.ge [sflag:s12], $0x400  }
0xe4: {  	[sflag:s12] =	ssyncset.done $0x0  }
0xe5: {  	[sflag:s12] =	ssyncadd.s32 $0xFFFFFC00  }
0xe6: {  	_ =	swait.ge [sflag:s12], $0x400  }
0xe7: {  	[sflag:s12] =	ssyncset.done $0x0  }
0xe8: {  	[sflag:s12] =	ssyncadd.s32 $0xFFFFFC00  }
0xe9: {  	_ =	swait.ge [sflag:s12], $0x400  }
0xea: {  	[sflag:s12] =	ssyncset.done $0x0  }
0xeb: {  	[sflag:s12] =	ssyncadd.s32 $0xFFFFFC00  }
0xec: {  	_ =	swait.ge [sflag:s12], $0x400  }
0xed: {  	[sflag:s12] =	ssyncset.done $0x0  }
0xee: {  	[sflag:s12] =	ssyncadd.s32 $0xFFFFFC00  }
0xef: {  	_ =	swait.ge [sflag:s12], $0x400  }
0xf0: {  	[sflag:s12] =	ssyncset.done $0x0  }
0xf1: {  	[sflag:s12] =	ssyncadd.s32 $0xFFFFFC00  }
0xf2: {  	_ =	swait.ge [sflag:s12], $0x400  }
0xf3: {  	[sflag:s12] =	ssyncset.done $0x0  }
0xf4: {  	[sflag:s12] =	ssyncadd.s32 $0xFFFFFC00  }
0xf5: {  	_ =	swait.ge [sflag:s12], $0x400  }
0xf6: {  	[sflag:s12] =	ssyncset.done $0x0  }
0xf7: {  	[sflag:s12] =	ssyncadd.s32 $0xFFFFFC00  }
0xf8: {  	_ =	swait.ge [sflag:s12], $0x400  }
0xf9: {  	[sflag:s12] =	ssyncset.done $0x0  }
0xfa: {  	[sflag:s12] =	ssyncadd.s32 $0xFFFFFC00  }
0xfb: {  	_ =	swait.ge [sflag:s12], $0x400  }
0xfc: {  	[sflag:s12] =	ssyncset.done $0x0  }
0xfd: {  	[sflag:s12] =	ssyncadd.s32 $0xFFFFFC00  }
0xfe: {  	_ =	swait.ge [sflag:s12], $0x400  }
0xff: {  	[sflag:s12] =	ssyncset.done $0x0  }
0x100: {  	[sflag:s12] =	ssyncadd.s32 $0xFFFFFC00  }
0x101: {  	_ =	swait.ge [sflag:s12], $0x400  }
0x102: {  	[sflag:s12] =	ssyncset.done $0x0  }
0x103: {  	[sflag:s12] =	ssyncadd.s32 $0xFFFFFC00  }
0x104: {  	_ =	swait.ge [sflag:s12], $0x400  }
0x105: {  	[sflag:s12] =	ssyncset.done $0x0  }
0x106: {  	[sflag:s12] =	ssyncadd.s32 $0xFFFFFC00  }
0x107: {  	_ =	swait.ge [sflag:s12], $0x400  }
0x108: {  	[sflag:s12] =	ssyncset.done $0x0  }
0x109: {  	[sflag:s12] =	ssyncadd.s32 $0xFFFFFC00  }
0x10a: {  	_ =	swait.ge [sflag:s12], $0x400  }
0x10b: {  	[sflag:s12] =	ssyncset.done $0x0  }
0x10c: {  	[sflag:s12] =	ssyncadd.s32 $0xFFFFFC00  }
0x10d: {  	_ =	swait.ge [sflag:s12], $0x400  }
0x10e: {  	[sflag:s12] =	ssyncset.done $0x0  }
0x10f: {  	[sflag:s12] =	ssyncadd.s32 $0xFFFFFC00  }
0x110: {  	_ =	swait.ge [sflag:s12], $0x400  }
0x111: {  	[sflag:s12] =	ssyncset.done $0x0  }
0x112: {  	[sflag:s12] =	ssyncadd.s32 $0xFFFFFC00  }
0x113: {  	_ =	swait.ge [sflag:s12], $0x400  }
0x114: {  	[sflag:s12] =	ssyncset.done $0x0  }
0x115: {  	[sflag:s12] =	ssyncadd.s32 $0xFFFFFC00  }
0x116: {  	_ =	swait.ge [sflag:s12], $0x400  }
0x117: {  	[sflag:s12] =	ssyncset.done $0x0  }
0x118: {  	[sflag:s12] =	ssyncadd.s32 $0xFFFFFC00  }
0x119: {  	_ =	swait.ge [sflag:s12], $0x400  }
0x11a: {  	[sflag:s12] =	ssyncset.done $0x0  }
0x11b: {  	[sflag:s12] =	ssyncadd.s32 $0xFFFFFC00  }
0x11c: {  	_ =	swait.ge [sflag:s12], $0x400  }
0x11d: {  	[sflag:s12] =	ssyncset.done $0x0  }
0x11e: {  	[sflag:s12] =	ssyncadd.s32 $0xFFFFFC00  }
0x11f: {  	_ =	swait.ge [sflag:s12], $0x400  }
0x120: {  	[sflag:s12] =	ssyncset.done $0x0  }
0x121: {  	[sflag:s12] =	ssyncadd.s32 $0xFFFFFC00  }
0x122: {  	_ =	swait.ge [sflag:s12], $0x400  }
0x123: {  	[sflag:s12] =	ssyncset.done $0x0  }
0x124: {  	[sflag:s12] =	ssyncadd.s32 $0xFFFFFC00  }
0x125: {  	_ =	swait.ge [sflag:s12], $0x400  }
0x126: {  	[sflag:s12] =	ssyncset.done $0x0  }
0x127: {  	[sflag:s12] =	ssyncadd.s32 $0xFFFFFC00  }
0x128: {  	_ =	swait.ge [sflag:s12], $0x400  }
0x129: {  	[sflag:s12] =	ssyncset.done $0x0  }
0x12a: {  	[sflag:s12] =	ssyncadd.s32 $0xFFFFFC00  }
0x12b: {  	_ =	swait.ge [sflag:s12], $0x400  }
0x12c: {  	[sflag:s12] =	ssyncset.done $0x0  }
0x12d: {  	[sflag:s12] =	ssyncadd.s32 $0xFFFFFC00  }
0x12e: {  	_ =	swait.ge [sflag:s12], $0x400  }
0x12f: {  	[sflag:s12] =	ssyncset.done $0x0  }
0x130: {  	[sflag:s12] =	ssyncadd.s32 $0xFFFFFC00  }
0x131: {  	_ =	swait.ge [sflag:s12], $0x400  }
0x132: {  	[sflag:s12] =	ssyncset.done $0x0  }
0x133: {  	[sflag:s12] =	ssyncadd.s32 $0xFFFFFC00  }
0x134: {  	_ =	swait.ge [sflag:s12], $0x400  }
0x135: {  	[sflag:s12] =	ssyncset.done $0x0  }
0x136: {  	[sflag:s12] =	ssyncadd.s32 $0xFFFFFC00  }
0x137: {  	_ =	swait.ge [sflag:s12], $0x400  }
0x138: {  	[sflag:s12] =	ssyncset.done $0x0  }
0x139: {  	[sflag:s12] =	ssyncadd.s32 $0xFFFFFC00  }
0x13a: {  	_ =	swait.ge [sflag:s12], $0x400  }
0x13b: {  	[sflag:s12] =	ssyncset.done $0x0  }
0x13c: {  	[sflag:s12] =	ssyncadd.s32 $0xFFFFFC00  }
0x13d: {  	_ =	swait.ge [sflag:s12], $0x400  }
0x13e: {  	[sflag:s12] =	ssyncset.done $0x0  }
0x13f: {  	[sflag:s12] =	ssyncadd.s32 $0xFFFFFC00  }
0x140: {  	_ =	swait.ge [sflag:s12], $0x400  }
0x141: {  	[sflag:s12] =	ssyncset.done $0x0  }
0x142: {  	[sflag:s12] =	ssyncadd.s32 $0xFFFFFC00  }
0x143: {  	_ =	swait.ge [sflag:s12], $0x400  }
0x144: {  	[sflag:s12] =	ssyncset.done $0x0  }
0x145: {  	[sflag:s12] =	ssyncadd.s32 $0xFFFFFC00  }
0x146: {  	_ =	swait.ge [sflag:s12], $0x400  }
0x147: {  	[sflag:s12] =	ssyncset.done $0x0  }
0x148: {  	[sflag:s12] =	ssyncadd.s32 $0xFFFFFC00  }
0x149: {  	_ =	swait.ge [sflag:s12], $0x400  }
0x14a: {  	[sflag:s12] =	ssyncset.done $0x0  }
0x14b: {  	[sflag:s12] =	ssyncadd.s32 $0xFFFFFC00  }
0x14c: {  	_ =	swait.ge [sflag:s12], $0x400  }
0x14d: {  	[sflag:s12] =	ssyncset.done $0x0  }
0x14e: {  	[sflag:s12] =	ssyncadd.s32 $0xFFFFFC00  }
0x14f: {  	_ =	swait.ge [sflag:s12], $0x200  }
0x150: {  	[sflag:s12] =	ssyncset.done $0x0  }
0x151: {  	[sflag:s12] =	ssyncadd.s32 $0xFFFFFE00  }
0x152: {  	_ =	swait.ge [sflag:s12], $0x200  }
0x153: {  	[sflag:s12] =	ssyncset.done $0x0  }
0x154: {  	[sflag:s12] =	ssyncadd.s32 $0xFFFFFE00  }
0x155: {  	_ =	swait.ge [sflag:s12], $0x200  }
0x156: {  	[sflag:s12] =	ssyncset.done $0x0  }
0x157: {  	s13 =	simm.s32 $0x0;
	s14 =	simm.s32 $0x0;
	[sflag:s12] =	ssyncadd.s32 $0xFFFFFE00  }
.LBB2_3:
0x158: {  	s15 =	sadd.s32 $0x0, s13  }
0x159: {  	v8 =	vor.u32 s15, v5  }
0x15a: {  	v9 =	vor.u32 s15, v4  }
0x15b: {  	v10 =	vor.u32 s15, v3  }
0x15c: {  	v12 =	vor.u32 s15, v0;
	v11 =	vshll.u32 v8, $0x3  }
0x15d: {  	v13 =	vshll.u32 v9, $0x3;
	v15 =	vor.u32 v2, v11  }
0x15e: {  	v11 =	vshll.u32 v10, $0x3;
	v14 =	vor.u32 v2, v13;
	v8 =	vld.idx.msk [tilespmem:v8+s26+$0x0], $0xffff  }
0x15f: {  	v16 =	vor.u32 v2, v11;
	v11 =	vld.idx.msk [tilespmem:v9+s26+$0x0], $0xffff  }
0x160: {  	v13 =	vshll.u32 v12, $0x3;
	v29 =	vld.idx.msk [tilespmem:v10+s26+$0x0], $0xffff  }
0x161: {  	v17 =	vor.u32 v2, v13;
	v21 =	vld.idx.msk [tilespmem:v12+s26+$0x0], $0xffff  }
0x162: {  	v9 =	vld.idx.msk [tilespmem:v15+s30+$0x0], $0xffff  }
0x163: {  	v13 =	vld.idx.msk [tilespmem:v14+s30+$0x0], $0xffff  }
0x164: {  	v19 =	vld.idx.msk [tilespmem:v14+s31+$0x0], $0xffff  }
0x165: {  	v24 =	vld.idx.msk [tilespmem:v16+s30+$0x0], $0xffff  }
0x166: {  	s24 =	sadd.s32 $0x8, s13;
	v23 =	vld.idx.msk [tilespmem:v17+s30+$0x0], $0xffff  }
0x167: {  	v30 =	vor.u32 s24, v4;
	v25 =	vld.idx.msk [tilespmem:v17+s31+$0x0], $0xffff  }
0x168: {  	v26 =	vld.idx.msk [tilespmem:v17+s0+$0x0], $0xffff  }
0x169: {  	v27 =	vimm.f32 $0.0e+00;
	v18 =	vor.u32 s24, v3;
	v31 =	vor.u32 s24, v5;
	v28 =	vld.idx.msk [tilespmem:v16+s31+$0x0], $0xffff  }
0x16a: {  	v20 =	vor.u32 s24, v0;
	v10 =	vshll.u32 v30, $0x3;
	v12 =	vshll.u32 v31, $0x3;
	v32 =	vld.idx.msk [tilespmem:v16+s0+$0x0], $0xffff  }
0x16b: {  	v12 =	vor.u32 v2, v12;
	v22 =	vld.idx.msk [tilespmem:v14+s0+$0x0], $0xffff;
	v16 =	vshll.u32 v20, $0x3;
	v17 =	vshll.u32 v18, $0x3  }
0x16c: {  	v14 =	vor.u32 v2, v17;
	v17 =	vor.u32 v2, v16;
	v16 =	vld.idx.msk [tilespmem:v30+s26+$0x0], $0xffff;
	v33 =	vmul.f32 v23, v21  }
0x16d: {  	v10 =	vor.u32 v2, v10;
	v23 =	vld.idx.msk [tilespmem:v15+s31+$0x0], $0xffff;
	v34 =	vmul.f32 v25, v21;
	v35 =	vmul.f32 v26, v21  }
0x16e: {  	v21 =	vld.idx.msk [tilespmem:v15+s0+$0x0], $0xffff;
	v26 =	vmul.f32 v24, v29;
	v24 =	vmul.f32 v28, v29;
	v25 =	vadd.f32 v33, v27  }
0x16f: {  	s15 =	simm.s32 $0x10;
	v15 =	vld.idx.msk [tilespmem:v31+s26+$0x0], $0xffff;
	v29 =	vmul.f32 v32, v29;
	v28 =	vadd.f32 v34, v27;
	v27 =	vadd.f32 v35, v27  }
.LBB2_4:
0x170: {  	p0 =	sne.s32 s15, $0xC0;
	v30 =	vld.idx.msk [tilespmem:v18+s26+$0x0], $0xffff;
	v18 =	vadd.f32 v26, v25;
	v13 =	vmul.f32 v13, v11;
	v19 =	vmul.f32 v19, v11  }
0x171: {  	v11 =	vmul.f32 v22, v11;
	v25 =	vld.idx.msk [tilespmem:v20+s26+$0x0], $0xffff;
	v20 =	vadd.f32 v24, v28;
	v24 =	vadd.f32 v29, v27  }
0x172: {  	v22 =	vmul.f32 v9, v8;
	v23 =	vmul.f32 v23, v8;
	v18 =	vadd.f32 v13, v18;
	v9 =	vld.idx.msk [tilespmem:v12+s30+$0x0], $0xffff  }
0x173: {  	v13 =	vld.idx.msk [tilespmem:v10+s30+$0x0], $0xffff;
	v19 =	vadd.f32 v19, v20;
	v28 =	vadd.f32 v11, v24;
	v20 =	vmul.f32 v21, v8  }
0x174: {  	v21 =	vmov v12;
	v8 =	vmov v15;
	v24 =	vld.idx.msk [tilespmem:v14+s30+$0x0], $0xffff;
	v26 =	vadd.f32 v22, v18  }
0x175: {  	v11 =	vmov v16;
	v15 =	vld.idx.msk [tilespmem:v17+s30+$0x0], $0xffff;
	v27 =	vadd.f32 v23, v19;
	v29 =	vadd.f32 v20, v28  }
0x176: {  	v16 =	vld.idx.msk [tilespmem:v17+s31+$0x0], $0xffff  }
0x177: {  	v28 =	vld.idx.msk [tilespmem:v17+s0+$0x0], $0xffff  }
0x178: {  	s21 =	sadd.s32 s15, s13;
	v31 =	vld.idx.msk [tilespmem:v14+s31+$0x0], $0xffff  }
0x179: {  	v32 =	vor.u32 s21, v4;
	v33 =	vor.u32 s21, v5;
	v18 =	vor.u32 s21, v3;
	v34 =	vld.idx.msk [tilespmem:v14+s0+$0x0], $0xffff  }
0x17a: {  	v12 =	vshll.u32 v33, $0x3;
	v20 =	vor.u32 s21, v0;
	v17 =	vshll.u32 v32, $0x3;
	v19 =	vld.idx.msk [tilespmem:v10+s31+$0x0], $0xffff  }
.Ltmp2:
0x17b: {  	v12 =	vor.u32 v2, v12;
	v35 =	vshll.u32 v20, $0x3;
	v14 =	vshll.u32 v18, $0x3;
	v22 =	vld.idx.msk [tilespmem:v10+s0+$0x0], $0xffff;
	(pc) =	sbr.rel @p0 .LBB2_4-.Ltmp2, $4  }
0x17c: {  	v14 =	vor.u32 v2, v14;
	v36 =	vmul.f32 v15, v25;
	v10 =	vor.u32 v2, v17;
	v23 =	vld.idx.msk [tilespmem:v21+s31+$0x0], $0xffff  }
0x17d: {  	v17 =	vor.u32 v2, v35;
	v35 =	vmul.f32 v16, v25;
	v37 =	vmul.f32 v28, v25;
	v21 =	vld.idx.msk [tilespmem:v21+s0+$0x0], $0xffff  }
0x17e: {  	v25 =	vadd.f32 v36, v26;
	v26 =	vmul.f32 v24, v30;
	v24 =	vmul.f32 v31, v30;
	v15 =	vld.idx.msk [tilespmem:v33+s26+$0x0], $0xffff  }
0x17f: {  	s15 =	sadd.s32 $0x8, s15;
	v28 =	vadd.f32 v35, v27;
	v27 =	vadd.f32 v37, v29;
	v29 =	vmul.f32 v34, v30;
	v16 =	vld.idx.msk [tilespmem:v32+s26+$0x0], $0xffff  }
0x180: {  	_ =	sdelay $0x3  }
0x181: {  	v18 =	vld.idx.msk [tilespmem:v18+s26+$0x0], $0xffff  }
0x182: {  	v20 =	vld.idx.msk [tilespmem:v20+s26+$0x0], $0xffff  }
0x183: {  	v30 =	vld.idx.msk [tilespmem:v14+s30+$0x0], $0xffff  }
0x184: {  	v31 =	vld.idx.msk [tilespmem:v17+s30+$0x0], $0xffff  }
0x185: {  	v41 =	vld.idx.msk [tilespmem:v17+s31+$0x0], $0xffff  }
0x186: {  	v13 =	vmul.f32 v13, v11;
	v43 =	vld.idx.msk [tilespmem:v17+s0+$0x0], $0xffff  }
0x187: {  	v25 =	vadd.f32 v26, v25;
	v19 =	vmul.f32 v19, v11;
	v42 =	vmul.f32 v22, v11;
	v45 =	vld.idx.msk [tilespmem:v14+s31+$0x0], $0xffff  }
0x188: {  	v9 =	vmul.f32 v9, v8;
	v46 =	vld.idx.msk [tilespmem:v10+s30+$0x0], $0xffff;
	v55 =	vmov s14;
	v24 =	vadd.f32 v24, v28  }
0x189: {  	v47 =	vld.idx.msk [tilespmem:v14+s0+$0x0], $0xffff;
	v27 =	vadd.f32 v29, v27;
	v44 =	vmul.f32 v23, v8;
	v13 =	vadd.f32 v13, v25  }
0x18a: {  	v49 =	vld.idx.msk [tilespmem:v10+s31+$0x0], $0xffff;
	v57 =	vand.u32 $0x7, v55;
	v8 =	vmul.f32 v21, v8;
	v19 =	vadd.f32 v19, v24  }
0x18b: {  	v50 =	vld.idx.msk [tilespmem:v10+s0+$0x0], $0xffff;
	v11 =	vadd.f32 v42, v27;
	v9 =	vadd.f32 v9, v13;
	v48 =	vmul.f32 v31, v20  }
0x18c: {  	v52 =	vld.idx.msk [tilespmem:v12+s30+$0x0], $0xffff;
	v19 =	vadd.f32 v44, v19;
	v51 =	vmul.f32 v41, v20;
	v17 =	vmul.f32 v43, v20  }
0x18d: {  	v8 =	vadd.f32 v8, v11;
	v53 =	vmul.f32 v30, v18;
	v54 =	vmul.f32 v45, v18  }
0x18e: {  	v56 =	vld.idx.msk [tilespmem:v12+s31+$0x0], $0xffff;
	v13 =	vmul.f32 v47, v18;
	v59 =	vmul.f32 v46, v16;
	v9 =	vadd.f32 v48, v9  }
0x18f: {  	v58 =	vld.idx.msk [tilespmem:v12+s0+$0x0], $0xffff;
	v19 =	vadd.f32 v51, v19;
	v8 =	vadd.f32 v17, v8;
	v17 =	vbroadcast v57, $0x0  }
0x190: {  	v11 =	vmul.f32 v49, v16;
	v10 =	vmul.f32 v50, v16;
	v9 =	vadd.f32 v53, v9  }
0x191: {  	v14 =	vmul.f32 v52, v15;
	v19 =	vadd.f32 v54, v19;
	v60 =	vor.u32 v1, v17  }
0x192: {  	s14 =	sadd.s32 $0x1, s14;
	v8 =	vadd.f32 v13, v8;
	v61 =	vor.u32 v6, v17;
	v9 =	vadd.f32 v59, v9  }
0x193: {  	p0 =	sne.s32 s14, $0x8;
	v62 =	vmul.f32 v56, v15;
	v17 =	vor.u32 v7, v17;
	v11 =	vadd.f32 v11, v19  }
.Ltmp3:
0x194: {  	v63 =	vmul.f32 v58, v15;
	v8 =	vadd.f32 v10, v8;
	v9 =	vadd.f32 v14, v9;
	(pc) =	sbr.rel @p0 .LBB2_3-.Ltmp3, $4  }
0x195: {  	v11 =	vadd.f32 v62, v11  }
0x196: {  	v8 =	vadd.f32 v63, v8;
	[tilespmem:v60+s20+$0x0] =	vst.idx.msk $0xffff, v9  }
0x197: {  	[tilespmem:v61+s20+$0x0] =	vst.idx.msk $0xffff, v11  }
0x198: {  	s13 =	sadd.s32 $0xC8, s13;
	[tilespmem:v17+s20+$0x0] =	vst.idx.msk $0xffff, v8  }
0x199: {  	s21 =	sshll.u32 s11, $0x4;
	s13 =	rddreg [dreg:$0x4]  }
0x19a: {  	s13 =	sor.u32 s13, s21  }
0x19b: {  	s14 =	rddreg [dreg:$0x3];
	p0 =	seq.s32 s11, $0x1F;
	s13 =	sshrl.u32 s13, $0x3  }
.Ltmp4:
0x19c: {  	s24 =	simm.s32 $0x4000;
	s13 =	sadd.s32 s14, s13;
	(pc) =	sbr.rel @p0 .LBB2_8-.Ltmp4, $4  }
0x19d: {  	[hbm4b:s13+s25] =	stream.strided.scatter [tilespmem:s20], [sflag:$0x5], $0x180, s24, s25, $0x38;
	[tilespmem:$0x15F80] =	vst v63  }
0x19e: {  	_ =	swait.ge [sflag:s22], $0x180  }
0x19f: {  	[sflag:s22] =	ssyncset.done $0x0  }
0x1a0: {  	[sflag:s22] =	ssyncadd.s32 $0xFFFFFE80  }
0x1a1: {  	s13 =	rddreg [dreg:$0xd]  }
0x1a2: {  	s13 =	sadd.s32 s21, s13  }
0x1a3: {  	s13 =	smul.u32 $0x19, s13;
	_ =	sdelay $0x1  }
0x1a4: {  	s14 =	sadd.s32 s4, s13  }
0x1a5: {  	[tilespmem:s2], [sflag:$0x1] =	stream.linear.gather [hbm4b:s14+s2], $0x640, $0x38;
	[tilespmem:$0x15F80] =	vst v63  }
0x1a6: {  	s15 =	simm.s32 $0x640;
	s24 =	sadd.s32 s5, s13  }
0x1a7: {  	[tilespmem:s15], [sflag:$0x1] =	stream.linear.gather [hbm4b:s24+s2], $0x640, $0x38;
	[tilespmem:$0x15F80] =	vst v63  }
0x1a8: {  	s25 =	sadd.s32 s6, s13;
	s24 =	simm.s32 $0xC80  }
0x1a9: {  	[tilespmem:s24], [sflag:$0x1] =	stream.linear.gather [hbm4b:s25+s2], $0x640, $0x38;
	[tilespmem:$0x15F80] =	vst v63  }
0x1aa: {  	s13 =	sadd.s32 s7, s13  }
0x1ab: {  	[tilespmem:s26], [sflag:$0x1] =	stream.linear.gather [hbm4b:s13+s2], $0x640, $0x38;
	[tilespmem:$0x15F80] =	vst v63  }
0x1ac: {  	_ =	swait.ge [sflag:s28], $0x640  }
0x1ad: {  	[sflag:s28] =	ssyncset.done $0x0  }
0x1ae: {  	[sflag:s28] =	ssyncadd.s32 $0xFFFFF9C0  }
0x1af: {  	_ =	swait.ge [sflag:s28], $0x640  }
0x1b0: {  	[sflag:s28] =	ssyncset.done $0x0  }
0x1b1: {  	[sflag:s28] =	ssyncadd.s32 $0xFFFFF9C0  }
0x1b2: {  	_ =	swait.ge [sflag:s28], $0x640  }
0x1b3: {  	[sflag:s28] =	ssyncset.done $0x0  }
0x1b4: {  	[sflag:s28] =	ssyncadd.s32 $0xFFFFF9C0  }
0x1b5: {  	_ =	swait.ge [sflag:s28], $0x640  }
0x1b6: {  	[sflag:s28] =	ssyncset.done $0x0  }
0x1b7: {  	[sflag:s28] =	ssyncadd.s32 $0xFFFFF9C0  }
0x1b8: {  	[tilespmem:s30], [sflag:$0x3] =	stream.indirect.gather [hbm4b:s1+s29], $0x8, s2, s29, $0xb8;
	[tilespmem:$0x15F80] =	vst v63  }
0x1b9: {  	_ = 	snop  }
0x1ba: {  	[tilespmem:s31], [sflag:$0x3] =	stream.indirect.gather [hbm4b:s8+s29], $0x8, s15, s29, $0xb8;
	[tilespmem:$0x15F80] =	vst v63  }
0x1bb: {  	_ = 	snop  }
0x1bc: {  	[tilespmem:s0], [sflag:$0x3] =	stream.indirect.gather [hbm4b:s9+s29], $0x8, s24, s29, $0xb8;
	[tilespmem:$0x15F80] =	vst v63  }
0x1bd: {  	s15 =	simm.s32 $0x3600  }
0x1be: {  	[tilespmem:s15], [sflag:$0x3] =	stream.indirect.gather [hbm4b:s1+s29], $0x8, s29, s29, $0xb8;
	[tilespmem:$0x15F80] =	vst v63  }
0x1bf: {  	s25 =	simm.s32 $0x6800;
	s24 =	simm.s32 $0x6C0  }
0x1c0: {  	[tilespmem:s25], [sflag:$0x3] =	stream.indirect.gather [hbm4b:s8+s29], $0x8, s24, s29, $0xb8;
	[tilespmem:$0x15F80] =	vst v63  }
0x1c1: {  	s14 =	simm.s32 $0xD00;
	s15 =	simm.s32 $0x9A00  }
0x1c2: {  	[tilespmem:s15], [sflag:$0x3] =	stream.indirect.gather [hbm4b:s9+s29], $0x8, s14, s29, $0xb8;
	[tilespmem:$0x15F80] =	vst v63  }
0x1c3: {  	s24 =	simm.s32 $0x100;
	s25 =	simm.s32 $0x3A00  }
0x1c4: {  	[tilespmem:s25], [sflag:$0x3] =	stream.indirect.gather [hbm4b:s1+s29], $0x8, s24, s29, $0xb8;
	[tilespmem:$0x15F80] =	vst v63  }
0x1c5: {  	s14 =	simm.s32 $0x740;
	s15 =	simm.s32 $0x6C00  }
0x1c6: {  	[tilespmem:s15], [sflag:$0x3] =	stream.indirect.gather [hbm4b:s8+s29], $0x8, s14, s29, $0xb8;
	[tilespmem:$0x15F80] =	vst v63  }
0x1c7: {  	s24 =	simm.s32 $0xD80;
	s25 =	simm.s32 $0x9E00  }
0x1c8: {  	[tilespmem:s25], [sflag:$0x3] =	stream.indirect.gather [hbm4b:s9+s29], $0x8, s24, s29, $0xb8;
	[tilespmem:$0x15F80] =	vst v63  }
0x1c9: {  	s14 =	simm.s32 $0x180;
	s15 =	simm.s32 $0x3E00  }
0x1ca: {  	[tilespmem:s15], [sflag:$0x3] =	stream.indirect.gather [hbm4b:s1+s29], $0x8, s14, s29, $0xb8;
	[tilespmem:$0x15F80] =	vst v63  }
0x1cb: {  	s24 =	simm.s32 $0x7C0;
	s25 =	simm.s32 $0x7000  }
0x1cc: {  	[tilespmem:s25], [sflag:$0x3] =	stream.indirect.gather [hbm4b:s8+s29], $0x8, s24, s29, $0xb8;
	[tilespmem:$0x15F80] =	vst v63  }
0x1cd: {  	s14 =	simm.s32 $0xE00;
	s15 =	simm.s32 $0xA200  }
0x1ce: {  	[tilespmem:s15], [sflag:$0x3] =	stream.indirect.gather [hbm4b:s9+s29], $0x8, s14, s29, $0xb8;
	[tilespmem:$0x15F80] =	vst v63  }
0x1cf: {  	s24 =	simm.s32 $0x200;
	s25 =	simm.s32 $0x4200  }
0x1d0: {  	[tilespmem:s25], [sflag:$0x3] =	stream.indirect.gather [hbm4b:s1+s29], $0x8, s24, s29, $0xb8;
	[tilespmem:$0x15F80] =	vst v63  }
0x1d1: {  	s14 =	simm.s32 $0x840;
	s15 =	simm.s32 $0x7400  }
0x1d2: {  	[tilespmem:s15], [sflag:$0x3] =	stream.indirect.gather [hbm4b:s8+s29], $0x8, s14, s29, $0xb8;
	[tilespmem:$0x15F80] =	vst v63  }
0x1d3: {  	s24 =	simm.s32 $0xE80;
	s25 =	simm.s32 $0xA600  }
0x1d4: {  	[tilespmem:s25], [sflag:$0x3] =	stream.indirect.gather [hbm4b:s9+s29], $0x8, s24, s29, $0xb8;
	[tilespmem:$0x15F80] =	vst v63  }
0x1d5: {  	s14 =	simm.s32 $0x280;
	s15 =	simm.s32 $0x4600  }
0x1d6: {  	[tilespmem:s15], [sflag:$0x3] =	stream.indirect.gather [hbm4b:s1+s29], $0x8, s14, s29, $0xb8;
	[tilespmem:$0x15F80] =	vst v63  }
0x1d7: {  	s24 =	simm.s32 $0x8C0;
	s25 =	simm.s32 $0x7800  }
0x1d8: {  	[tilespmem:s25], [sflag:$0x3] =	stream.indirect.gather [hbm4b:s8+s29], $0x8, s24, s29, $0xb8;
	[tilespmem:$0x15F80] =	vst v63  }
0x1d9: {  	s14 =	simm.s32 $0xF00;
	s15 =	simm.s32 $0xAA00  }
0x1da: {  	[tilespmem:s15], [sflag:$0x3] =	stream.indirect.gather [hbm4b:s9+s29], $0x8, s14, s29, $0xb8;
	[tilespmem:$0x15F80] =	vst v63  }
0x1db: {  	s24 =	simm.s32 $0x300;
	s25 =	simm.s32 $0x4A00  }
0x1dc: {  	[tilespmem:s25], [sflag:$0x3] =	stream.indirect.gather [hbm4b:s1+s29], $0x8, s24, s29, $0xb8;
	[tilespmem:$0x15F80] =	vst v63  }
0x1dd: {  	s14 =	simm.s32 $0x940;
	s15 =	simm.s32 $0x7C00  }
0x1de: {  	[tilespmem:s15], [sflag:$0x3] =	stream.indirect.gather [hbm4b:s8+s29], $0x8, s14, s29, $0xb8;
	[tilespmem:$0x15F80] =	vst v63  }
0x1df: {  	s24 =	simm.s32 $0xF80;
	s25 =	simm.s32 $0xAE00  }
0x1e0: {  	[tilespmem:s25], [sflag:$0x3] =	stream.indirect.gather [hbm4b:s9+s29], $0x8, s24, s29, $0xb8;
	[tilespmem:$0x15F80] =	vst v63  }
0x1e1: {  	s14 =	simm.s32 $0x380;
	s15 =	simm.s32 $0x4E00  }
0x1e2: {  	[tilespmem:s15], [sflag:$0x3] =	stream.indirect.gather [hbm4b:s1+s29], $0x8, s14, s29, $0xb8;
	[tilespmem:$0x15F80] =	vst v63  }
0x1e3: {  	s24 =	simm.s32 $0x9C0;
	s25 =	simm.s32 $0x8000  }
0x1e4: {  	[tilespmem:s25], [sflag:$0x3] =	stream.indirect.gather [hbm4b:s8+s29], $0x8, s24, s29, $0xb8;
	[tilespmem:$0x15F80] =	vst v63  }
0x1e5: {  	s14 =	simm.s32 $0x1000;
	s15 =	simm.s32 $0xB200  }
0x1e6: {  	[tilespmem:s15], [sflag:$0x3] =	stream.indirect.gather [hbm4b:s9+s29], $0x8, s14, s29, $0xb8;
	[tilespmem:$0x15F80] =	vst v63  }
0x1e7: {  	s24 =	simm.s32 $0x400;
	s25 =	simm.s32 $0x5200  }
0x1e8: {  	[tilespmem:s25], [sflag:$0x3] =	stream.indirect.gather [hbm4b:s1+s29], $0x8, s24, s29, $0xb8;
	[tilespmem:$0x15F80] =	vst v63  }
0x1e9: {  	s14 =	simm.s32 $0xA40;
	s15 =	simm.s32 $0x8400  }
0x1ea: {  	[tilespmem:s15], [sflag:$0x3] =	stream.indirect.gather [hbm4b:s8+s29], $0x8, s14, s29, $0xb8;
	[tilespmem:$0x15F80] =	vst v63  }
0x1eb: {  	s24 =	simm.s32 $0x1080;
	s25 =	simm.s32 $0xB600  }
0x1ec: {  	[tilespmem:s25], [sflag:$0x3] =	stream.indirect.gather [hbm4b:s9+s29], $0x8, s24, s29, $0xb8;
	[tilespmem:$0x15F80] =	vst v63  }
0x1ed: {  	s14 =	simm.s32 $0x480;
	s15 =	simm.s32 $0x5600  }
0x1ee: {  	[tilespmem:s15], [sflag:$0x3] =	stream.indirect.gather [hbm4b:s1+s29], $0x8, s14, s29, $0xb8;
	[tilespmem:$0x15F80] =	vst v63  }
0x1ef: {  	s24 =	simm.s32 $0xAC0;
	s25 =	simm.s32 $0x8800  }
0x1f0: {  	[tilespmem:s25], [sflag:$0x3] =	stream.indirect.gather [hbm4b:s8+s29], $0x8, s24, s29, $0xb8;
	[tilespmem:$0x15F80] =	vst v63  }
0x1f1: {  	s14 =	simm.s32 $0x1100;
	s15 =	simm.s32 $0xBA00  }
0x1f2: {  	[tilespmem:s15], [sflag:$0x3] =	stream.indirect.gather [hbm4b:s9+s29], $0x8, s14, s29, $0xb8;
	[tilespmem:$0x15F80] =	vst v63  }
0x1f3: {  	s24 =	simm.s32 $0x500;
	s25 =	simm.s32 $0x5A00  }
0x1f4: {  	[tilespmem:s25], [sflag:$0x3] =	stream.indirect.gather [hbm4b:s1+s29], $0x8, s24, s29, $0xb8;
	[tilespmem:$0x15F80] =	vst v63  }
0x1f5: {  	s14 =	simm.s32 $0xB40;
	s15 =	simm.s32 $0x8C00  }
0x1f6: {  	[tilespmem:s15], [sflag:$0x3] =	stream.indirect.gather [hbm4b:s8+s29], $0x8, s14, s29, $0xb8;
	[tilespmem:$0x15F80] =	vst v63  }
0x1f7: {  	s24 =	simm.s32 $0x1180;
	s25 =	simm.s32 $0xBE00  }
0x1f8: {  	[tilespmem:s25], [sflag:$0x3] =	stream.indirect.gather [hbm4b:s9+s29], $0x8, s24, s29, $0xb8;
	[tilespmem:$0x15F80] =	vst v63  }
0x1f9: {  	s14 =	simm.s32 $0x580;
	s15 =	simm.s32 $0x5E00  }
0x1fa: {  	[tilespmem:s15], [sflag:$0x3] =	stream.indirect.gather [hbm4b:s1+s29], $0x8, s14, s29, $0xb8;
	[tilespmem:$0x15F80] =	vst v63  }
0x1fb: {  	s24 =	simm.s32 $0xBC0;
	s25 =	simm.s32 $0x9000  }
0x1fc: {  	[tilespmem:s25], [sflag:$0x3] =	stream.indirect.gather [hbm4b:s8+s29], $0x8, s24, s29, $0xb8;
	[tilespmem:$0x15F80] =	vst v63  }
0x1fd: {  	s14 =	simm.s32 $0x1200;
	s15 =	simm.s32 $0xC200  }
0x1fe: {  	[tilespmem:s15], [sflag:$0x3] =	stream.indirect.gather [hbm4b:s9+s29], $0x8, s14, s29, $0xb8;
	[tilespmem:$0x15F80] =	vst v63  }
0x1ff: {  	s24 =	simm.s32 $0x600;
	s25 =	simm.s32 $0x6200  }
0x200: {  	[tilespmem:s25], [sflag:$0x3] =	stream.indirect.gather [hbm4b:s1+s16], $0x8, s24, s16, $0xb8;
	[tilespmem:$0x15F80] =	vst v63  }
0x201: {  	s14 =	simm.s32 $0xC40;
	s15 =	simm.s32 $0x9400  }
0x202: {  	[tilespmem:s15], [sflag:$0x3] =	stream.indirect.gather [hbm4b:s8+s16], $0x8, s14, s16, $0xb8;
	[tilespmem:$0x15F80] =	vst v63  }
0x203: {  	s24 =	simm.s32 $0x1280;
	s25 =	simm.s32 $0xC600  }
0x204: {  	[tilespmem:s25], [sflag:$0x3] =	stream.indirect.gather [hbm4b:s9+s16], $0x8, s24, s16, $0xb8;
	[tilespmem:$0x15F80] =	vst v63  }
.LBB2_8:
0x205: {  	_ =	swait.ge [sflag:s10], $0x400  }
0x206: {  	[sflag:s10] =	ssyncset.done $0x0  }
0x207: {  	[sflag:s10] =	ssyncadd.s32 $0xFFFFFC00  }
0x208: {  	_ =	swait.ge [sflag:s10], $0x400  }
0x209: {  	[sflag:s10] =	ssyncset.done $0x0  }
0x20a: {  	[sflag:s10] =	ssyncadd.s32 $0xFFFFFC00  }
0x20b: {  	_ =	swait.ge [sflag:s10], $0x400  }
0x20c: {  	[sflag:s10] =	ssyncset.done $0x0  }
0x20d: {  	[sflag:s10] =	ssyncadd.s32 $0xFFFFFC00  }
0x20e: {  	_ =	swait.ge [sflag:s10], $0x400  }
0x20f: {  	[sflag:s10] =	ssyncset.done $0x0  }
0x210: {  	[sflag:s10] =	ssyncadd.s32 $0xFFFFFC00  }
0x211: {  	_ =	swait.ge [sflag:s10], $0x400  }
0x212: {  	[sflag:s10] =	ssyncset.done $0x0  }
0x213: {  	[sflag:s10] =	ssyncadd.s32 $0xFFFFFC00  }
0x214: {  	_ =	swait.ge [sflag:s10], $0x400  }
0x215: {  	[sflag:s10] =	ssyncset.done $0x0  }
0x216: {  	[sflag:s10] =	ssyncadd.s32 $0xFFFFFC00  }
0x217: {  	_ =	swait.ge [sflag:s10], $0x400  }
0x218: {  	[sflag:s10] =	ssyncset.done $0x0  }
0x219: {  	[sflag:s10] =	ssyncadd.s32 $0xFFFFFC00  }
0x21a: {  	_ =	swait.ge [sflag:s10], $0x400  }
0x21b: {  	[sflag:s10] =	ssyncset.done $0x0  }
0x21c: {  	[sflag:s10] =	ssyncadd.s32 $0xFFFFFC00  }
0x21d: {  	_ =	swait.ge [sflag:s10], $0x400  }
0x21e: {  	[sflag:s10] =	ssyncset.done $0x0  }
0x21f: {  	[sflag:s10] =	ssyncadd.s32 $0xFFFFFC00  }
0x220: {  	_ =	swait.ge [sflag:s10], $0x400  }
0x221: {  	[sflag:s10] =	ssyncset.done $0x0  }
0x222: {  	[sflag:s10] =	ssyncadd.s32 $0xFFFFFC00  }
0x223: {  	_ =	swait.ge [sflag:s10], $0x400  }
0x224: {  	[sflag:s10] =	ssyncset.done $0x0  }
0x225: {  	[sflag:s10] =	ssyncadd.s32 $0xFFFFFC00  }
0x226: {  	_ =	swait.ge [sflag:s10], $0x400  }
0x227: {  	[sflag:s10] =	ssyncset.done $0x0  }
0x228: {  	[sflag:s10] =	ssyncadd.s32 $0xFFFFFC00  }
0x229: {  	_ =	swait.ge [sflag:s10], $0x400  }
0x22a: {  	[sflag:s10] =	ssyncset.done $0x0  }
0x22b: {  	[sflag:s10] =	ssyncadd.s32 $0xFFFFFC00  }
0x22c: {  	_ =	swait.ge [sflag:s10], $0x400  }
0x22d: {  	[sflag:s10] =	ssyncset.done $0x0  }
0x22e: {  	[sflag:s10] =	ssyncadd.s32 $0xFFFFFC00  }
0x22f: {  	_ =	swait.ge [sflag:s10], $0x400  }
0x230: {  	[sflag:s10] =	ssyncset.done $0x0  }
0x231: {  	[sflag:s10] =	ssyncadd.s32 $0xFFFFFC00  }
0x232: {  	_ =	swait.ge [sflag:s10], $0x400  }
0x233: {  	[sflag:s10] =	ssyncset.done $0x0  }
0x234: {  	[sflag:s10] =	ssyncadd.s32 $0xFFFFFC00  }
0x235: {  	_ =	swait.ge [sflag:s10], $0x400  }
0x236: {  	[sflag:s10] =	ssyncset.done $0x0  }
0x237: {  	[sflag:s10] =	ssyncadd.s32 $0xFFFFFC00  }
0x238: {  	_ =	swait.ge [sflag:s10], $0x400  }
0x239: {  	[sflag:s10] =	ssyncset.done $0x0  }
0x23a: {  	[sflag:s10] =	ssyncadd.s32 $0xFFFFFC00  }
0x23b: {  	_ =	swait.ge [sflag:s10], $0x400  }
0x23c: {  	[sflag:s10] =	ssyncset.done $0x0  }
0x23d: {  	[sflag:s10] =	ssyncadd.s32 $0xFFFFFC00  }
0x23e: {  	_ =	swait.ge [sflag:s10], $0x400  }
0x23f: {  	[sflag:s10] =	ssyncset.done $0x0  }
0x240: {  	[sflag:s10] =	ssyncadd.s32 $0xFFFFFC00  }
0x241: {  	_ =	swait.ge [sflag:s10], $0x400  }
0x242: {  	[sflag:s10] =	ssyncset.done $0x0  }
0x243: {  	[sflag:s10] =	ssyncadd.s32 $0xFFFFFC00  }
0x244: {  	_ =	swait.ge [sflag:s10], $0x400  }
0x245: {  	[sflag:s10] =	ssyncset.done $0x0  }
0x246: {  	[sflag:s10] =	ssyncadd.s32 $0xFFFFFC00  }
0x247: {  	_ =	swait.ge [sflag:s10], $0x400  }
0x248: {  	[sflag:s10] =	ssyncset.done $0x0  }
0x249: {  	[sflag:s10] =	ssyncadd.s32 $0xFFFFFC00  }
0x24a: {  	_ =	swait.ge [sflag:s10], $0x400  }
0x24b: {  	[sflag:s10] =	ssyncset.done $0x0  }
0x24c: {  	[sflag:s10] =	ssyncadd.s32 $0xFFFFFC00  }
0x24d: {  	_ =	swait.ge [sflag:s10], $0x400  }
0x24e: {  	[sflag:s10] =	ssyncset.done $0x0  }
0x24f: {  	[sflag:s10] =	ssyncadd.s32 $0xFFFFFC00  }
0x250: {  	_ =	swait.ge [sflag:s10], $0x400  }
0x251: {  	[sflag:s10] =	ssyncset.done $0x0  }
0x252: {  	[sflag:s10] =	ssyncadd.s32 $0xFFFFFC00  }
0x253: {  	_ =	swait.ge [sflag:s10], $0x400  }
0x254: {  	[sflag:s10] =	ssyncset.done $0x0  }
0x255: {  	[sflag:s10] =	ssyncadd.s32 $0xFFFFFC00  }
0x256: {  	_ =	swait.ge [sflag:s10], $0x400  }
0x257: {  	[sflag:s10] =	ssyncset.done $0x0  }
0x258: {  	[sflag:s10] =	ssyncadd.s32 $0xFFFFFC00  }
0x259: {  	_ =	swait.ge [sflag:s10], $0x400  }
0x25a: {  	[sflag:s10] =	ssyncset.done $0x0  }
0x25b: {  	[sflag:s10] =	ssyncadd.s32 $0xFFFFFC00  }
0x25c: {  	_ =	swait.ge [sflag:s10], $0x400  }
0x25d: {  	[sflag:s10] =	ssyncset.done $0x0  }
0x25e: {  	[sflag:s10] =	ssyncadd.s32 $0xFFFFFC00  }
0x25f: {  	_ =	swait.ge [sflag:s10], $0x400  }
0x260: {  	[sflag:s10] =	ssyncset.done $0x0  }
0x261: {  	[sflag:s10] =	ssyncadd.s32 $0xFFFFFC00  }
0x262: {  	_ =	swait.ge [sflag:s10], $0x400  }
0x263: {  	[sflag:s10] =	ssyncset.done $0x0  }
0x264: {  	[sflag:s10] =	ssyncadd.s32 $0xFFFFFC00  }
0x265: {  	_ =	swait.ge [sflag:s10], $0x400  }
0x266: {  	[sflag:s10] =	ssyncset.done $0x0  }
0x267: {  	[sflag:s10] =	ssyncadd.s32 $0xFFFFFC00  }
0x268: {  	_ =	swait.ge [sflag:s10], $0x400  }
0x269: {  	[sflag:s10] =	ssyncset.done $0x0  }
0x26a: {  	[sflag:s10] =	ssyncadd.s32 $0xFFFFFC00  }
0x26b: {  	_ =	swait.ge [sflag:s10], $0x400  }
0x26c: {  	[sflag:s10] =	ssyncset.done $0x0  }
0x26d: {  	[sflag:s10] =	ssyncadd.s32 $0xFFFFFC00  }
0x26e: {  	_ =	swait.ge [sflag:s10], $0x400  }
0x26f: {  	[sflag:s10] =	ssyncset.done $0x0  }
0x270: {  	[sflag:s10] =	ssyncadd.s32 $0xFFFFFC00  }
0x271: {  	_ =	swait.ge [sflag:s10], $0x200  }
0x272: {  	[sflag:s10] =	ssyncset.done $0x0  }
0x273: {  	[sflag:s10] =	ssyncadd.s32 $0xFFFFFE00  }
0x274: {  	_ =	swait.ge [sflag:s10], $0x200  }
0x275: {  	[sflag:s10] =	ssyncset.done $0x0  }
0x276: {  	[sflag:s10] =	ssyncadd.s32 $0xFFFFFE00  }
0x277: {  	_ =	swait.ge [sflag:s10], $0x200  }
0x278: {  	s13 =	sshll.u32 s11, $0x1;
	[sflag:s10] =	ssyncset.done $0x0  }
0x279: {  	s14 =	simm.s32 $0x0;
	s15 =	simm.s32 $0x0;
	[sflag:s10] =	ssyncadd.s32 $0xFFFFFE00  }
.LBB2_9:
0x27a: {  	s24 =	sadd.s32 $0x0, s14  }
0x27b: {  	v8 =	vor.u32 s24, v5  }
0x27c: {  	v9 =	vor.u32 s24, v4  }
0x27d: {  	v10 =	vor.u32 s24, v3  }
0x27e: {  	v12 =	vor.u32 s24, v0;
	v11 =	vshll.u32 v8, $0x3  }
0x27f: {  	v13 =	vshll.u32 v9, $0x3;
	v15 =	vor.u32 v2, v11  }
0x280: {  	v11 =	vshll.u32 v10, $0x3;
	v14 =	vor.u32 v2, v13;
	v8 =	vld.idx.msk [tilespmem:v8+s17+$0x0], $0xffff  }
0x281: {  	v16 =	vor.u32 v2, v11;
	v11 =	vld.idx.msk [tilespmem:v9+s17+$0x0], $0xffff  }
0x282: {  	v13 =	vshll.u32 v12, $0x3;
	v29 =	vld.idx.msk [tilespmem:v10+s17+$0x0], $0xffff  }
0x283: {  	v17 =	vor.u32 v2, v13;
	v21 =	vld.idx.msk [tilespmem:v12+s17+$0x0], $0xffff  }
0x284: {  	v9 =	vld.idx.msk [tilespmem:v15+s19+$0x0], $0xffff  }
0x285: {  	v13 =	vld.idx.msk [tilespmem:v14+s19+$0x0], $0xffff  }
0x286: {  	v19 =	vld.idx.msk [tilespmem:v14+s23+$0x0], $0xffff  }
0x287: {  	v24 =	vld.idx.msk [tilespmem:v16+s19+$0x0], $0xffff  }
0x288: {  	s25 =	sadd.s32 $0x8, s14;
	v23 =	vld.idx.msk [tilespmem:v17+s19+$0x0], $0xffff  }
0x289: {  	v30 =	vor.u32 s25, v4;
	v25 =	vld.idx.msk [tilespmem:v17+s23+$0x0], $0xffff  }
0x28a: {  	v26 =	vld.idx.msk [tilespmem:v17+s3+$0x0], $0xffff  }
0x28b: {  	v27 =	vimm.f32 $0.0e+00;
	v18 =	vor.u32 s25, v3;
	v31 =	vor.u32 s25, v5;
	v28 =	vld.idx.msk [tilespmem:v16+s23+$0x0], $0xffff  }
0x28c: {  	v20 =	vor.u32 s25, v0;
	v10 =	vshll.u32 v30, $0x3;
	v12 =	vshll.u32 v31, $0x3;
	v32 =	vld.idx.msk [tilespmem:v16+s3+$0x0], $0xffff  }
0x28d: {  	v12 =	vor.u32 v2, v12;
	v22 =	vld.idx.msk [tilespmem:v14+s3+$0x0], $0xffff;
	v16 =	vshll.u32 v20, $0x3;
	v17 =	vshll.u32 v18, $0x3  }
0x28e: {  	v14 =	vor.u32 v2, v17;
	v17 =	vor.u32 v2, v16;
	v16 =	vld.idx.msk [tilespmem:v30+s17+$0x0], $0xffff;
	v33 =	vmul.f32 v23, v21  }
0x28f: {  	v10 =	vor.u32 v2, v10;
	v23 =	vld.idx.msk [tilespmem:v15+s23+$0x0], $0xffff;
	v34 =	vmul.f32 v25, v21;
	v35 =	vmul.f32 v26, v21  }
0x290: {  	v21 =	vld.idx.msk [tilespmem:v15+s3+$0x0], $0xffff;
	v26 =	vmul.f32 v24, v29;
	v24 =	vmul.f32 v28, v29;
	v25 =	vadd.f32 v33, v27  }
0x291: {  	s24 =	simm.s32 $0x10;
	v15 =	vld.idx.msk [tilespmem:v31+s17+$0x0], $0xffff;
	v29 =	vmul.f32 v32, v29;
	v28 =	vadd.f32 v34, v27;
	v27 =	vadd.f32 v35, v27  }
.LBB2_10:
0x292: {  	p1 =	sne.s32 s24, $0xC0;
	v30 =	vld.idx.msk [tilespmem:v18+s17+$0x0], $0xffff;
	v18 =	vadd.f32 v26, v25;
	v13 =	vmul.f32 v13, v11;
	v19 =	vmul.f32 v19, v11  }
0x293: {  	v11 =	vmul.f32 v22, v11;
	v25 =	vld.idx.msk [tilespmem:v20+s17+$0x0], $0xffff;
	v20 =	vadd.f32 v24, v28;
	v24 =	vadd.f32 v29, v27  }
0x294: {  	v22 =	vmul.f32 v9, v8;
	v23 =	vmul.f32 v23, v8;
	v18 =	vadd.f32 v13, v18;
	v9 =	vld.idx.msk [tilespmem:v12+s19+$0x0], $0xffff  }
0x295: {  	v13 =	vld.idx.msk [tilespmem:v10+s19+$0x0], $0xffff;
	v19 =	vadd.f32 v19, v20;
	v28 =	vadd.f32 v11, v24;
	v20 =	vmul.f32 v21, v8  }
0x296: {  	v21 =	vmov v12;
	v8 =	vmov v15;
	v24 =	vld.idx.msk [tilespmem:v14+s19+$0x0], $0xffff;
	v26 =	vadd.f32 v22, v18  }
0x297: {  	v11 =	vmov v16;
	v15 =	vld.idx.msk [tilespmem:v17+s19+$0x0], $0xffff;
	v27 =	vadd.f32 v23, v19;
	v29 =	vadd.f32 v20, v28  }
0x298: {  	v16 =	vld.idx.msk [tilespmem:v17+s23+$0x0], $0xffff  }
0x299: {  	v28 =	vld.idx.msk [tilespmem:v17+s3+$0x0], $0xffff  }
0x29a: {  	s25 =	sadd.s32 s24, s14;
	v31 =	vld.idx.msk [tilespmem:v14+s23+$0x0], $0xffff  }
0x29b: {  	v32 =	vor.u32 s25, v4;
	v33 =	vor.u32 s25, v5;
	v18 =	vor.u32 s25, v3;
	v34 =	vld.idx.msk [tilespmem:v14+s3+$0x0], $0xffff  }
0x29c: {  	v12 =	vshll.u32 v33, $0x3;
	v20 =	vor.u32 s25, v0;
	v17 =	vshll.u32 v32, $0x3;
	v19 =	vld.idx.msk [tilespmem:v10+s23+$0x0], $0xffff  }
.Ltmp5:
0x29d: {  	v12 =	vor.u32 v2, v12;
	v35 =	vshll.u32 v20, $0x3;
	v14 =	vshll.u32 v18, $0x3;
	v22 =	vld.idx.msk [tilespmem:v10+s3+$0x0], $0xffff;
	(pc) =	sbr.rel @p1 .LBB2_10-.Ltmp5, $4  }
0x29e: {  	v14 =	vor.u32 v2, v14;
	v36 =	vmul.f32 v15, v25;
	v10 =	vor.u32 v2, v17;
	v23 =	vld.idx.msk [tilespmem:v21+s23+$0x0], $0xffff  }
0x29f: {  	v17 =	vor.u32 v2, v35;
	v35 =	vmul.f32 v16, v25;
	v37 =	vmul.f32 v28, v25;
	v21 =	vld.idx.msk [tilespmem:v21+s3+$0x0], $0xffff  }
0x2a0: {  	v25 =	vadd.f32 v36, v26;
	v26 =	vmul.f32 v24, v30;
	v24 =	vmul.f32 v31, v30;
	v15 =	vld.idx.msk [tilespmem:v33+s17+$0x0], $0xffff  }
0x2a1: {  	s24 =	sadd.s32 $0x8, s24;
	v28 =	vadd.f32 v35, v27;
	v27 =	vadd.f32 v37, v29;
	v29 =	vmul.f32 v34, v30;
	v16 =	vld.idx.msk [tilespmem:v32+s17+$0x0], $0xffff  }
0x2a2: {  	_ =	sdelay $0x3  }
0x2a3: {  	v18 =	vld.idx.msk [tilespmem:v18+s17+$0x0], $0xffff  }
0x2a4: {  	v20 =	vld.idx.msk [tilespmem:v20+s17+$0x0], $0xffff  }
0x2a5: {  	v30 =	vld.idx.msk [tilespmem:v14+s19+$0x0], $0xffff  }
0x2a6: {  	v31 =	vld.idx.msk [tilespmem:v17+s19+$0x0], $0xffff  }
0x2a7: {  	v41 =	vld.idx.msk [tilespmem:v17+s23+$0x0], $0xffff  }
0x2a8: {  	v13 =	vmul.f32 v13, v11;
	v43 =	vld.idx.msk [tilespmem:v17+s3+$0x0], $0xffff  }
0x2a9: {  	v25 =	vadd.f32 v26, v25;
	v19 =	vmul.f32 v19, v11;
	v42 =	vmul.f32 v22, v11;
	v45 =	vld.idx.msk [tilespmem:v14+s23+$0x0], $0xffff  }
0x2aa: {  	v9 =	vmul.f32 v9, v8;
	v46 =	vld.idx.msk [tilespmem:v10+s19+$0x0], $0xffff;
	v55 =	vmov s15;
	v24 =	vadd.f32 v24, v28  }
0x2ab: {  	v47 =	vld.idx.msk [tilespmem:v14+s3+$0x0], $0xffff;
	v27 =	vadd.f32 v29, v27;
	v44 =	vmul.f32 v23, v8;
	v13 =	vadd.f32 v13, v25  }
0x2ac: {  	v49 =	vld.idx.msk [tilespmem:v10+s23+$0x0], $0xffff;
	v57 =	vand.u32 $0x7, v55;
	v8 =	vmul.f32 v21, v8;
	v19 =	vadd.f32 v19, v24  }
0x2ad: {  	v50 =	vld.idx.msk [tilespmem:v10+s3+$0x0], $0xffff;
	v11 =	vadd.f32 v42, v27;
	v9 =	vadd.f32 v9, v13;
	v48 =	vmul.f32 v31, v20  }
0x2ae: {  	v52 =	vld.idx.msk [tilespmem:v12+s19+$0x0], $0xffff;
	v19 =	vadd.f32 v44, v19;
	v51 =	vmul.f32 v41, v20;
	v17 =	vmul.f32 v43, v20  }
0x2af: {  	v8 =	vadd.f32 v8, v11;
	v53 =	vmul.f32 v30, v18;
	v54 =	vmul.f32 v45, v18  }
0x2b0: {  	v56 =	vld.idx.msk [tilespmem:v12+s23+$0x0], $0xffff;
	v13 =	vmul.f32 v47, v18;
	v59 =	vmul.f32 v46, v16;
	v9 =	vadd.f32 v48, v9  }
0x2b1: {  	v58 =	vld.idx.msk [tilespmem:v12+s3+$0x0], $0xffff;
	v19 =	vadd.f32 v51, v19;
	v8 =	vadd.f32 v17, v8;
	v17 =	vbroadcast v57, $0x0  }
0x2b2: {  	v11 =	vmul.f32 v49, v16;
	v10 =	vmul.f32 v50, v16;
	v9 =	vadd.f32 v53, v9  }
0x2b3: {  	v14 =	vmul.f32 v52, v15;
	v19 =	vadd.f32 v54, v19;
	v60 =	vor.u32 v1, v17  }
0x2b4: {  	s15 =	sadd.s32 $0x1, s15;
	v8 =	vadd.f32 v13, v8;
	v61 =	vor.u32 v6, v17;
	v9 =	vadd.f32 v59, v9  }
0x2b5: {  	p1 =	sne.s32 s15, $0x8;
	v62 =	vmul.f32 v56, v15;
	v17 =	vor.u32 v7, v17;
	v11 =	vadd.f32 v11, v19  }
.Ltmp6:
0x2b6: {  	v63 =	vmul.f32 v58, v15;
	v8 =	vadd.f32 v10, v8;
	v9 =	vadd.f32 v14, v9;
	(pc) =	sbr.rel @p1 .LBB2_9-.Ltmp6, $4  }
0x2b7: {  	v11 =	vadd.f32 v62, v11  }
0x2b8: {  	v8 =	vadd.f32 v63, v8;
	[tilespmem:v60+s20+$0x0] =	vst.idx.msk $0xffff, v9  }
0x2b9: {  	[tilespmem:v61+s20+$0x0] =	vst.idx.msk $0xffff, v11  }
0x2ba: {  	s14 =	sadd.s32 $0xC8, s14;
	[tilespmem:v17+s20+$0x0] =	vst.idx.msk $0xffff, v8  }
0x2bb: {  	s14 =	rddreg [dreg:$0xe];
	s25 =	simm.s32 $0x8  }
.Ltmp7:
0x2bc: {  	s24 =	simm.s32 $0x4000;
	s13 =	sadd.s32 s13, s14;
	(pc) =	sbr.rel @p0 .LBB2_14-.Ltmp7, $4  }
0x2bd: {  	[hbm4b:s13+s25] =	stream.strided.scatter [tilespmem:s20], [sflag:$0x5], $0x180, s24, s25, $0x38;
	[tilespmem:$0x15F80] =	vst v63  }
0x2be: {  	_ =	swait.ge [sflag:s22], $0x180  }
0x2bf: {  	[sflag:s22] =	ssyncset.done $0x0  }
0x2c0: {  	[sflag:s22] =	ssyncadd.s32 $0xFFFFFE80  }
0x2c1: {  	s13 =	rddreg [dreg:$0xf]  }
0x2c2: {  	s13 =	sadd.s32 s21, s13  }
0x2c3: {  	s13 =	smul.u32 $0x19, s13;
	_ =	sdelay $0x1  }
0x2c4: {  	s15 =	simm.s32 $0x12C0;
	s14 =	sadd.s32 s4, s13  }
0x2c5: {  	[tilespmem:s15], [sflag:$0x2] =	stream.linear.gather [hbm4b:s14+s2], $0x640, $0x38;
	[tilespmem:$0x15F80] =	vst v63  }
0x2c6: {  	s21 =	simm.s32 $0x1900;
	s24 =	sadd.s32 s5, s13  }
0x2c7: {  	[tilespmem:s21], [sflag:$0x2] =	stream.linear.gather [hbm4b:s24+s2], $0x640, $0x38;
	[tilespmem:$0x15F80] =	vst v63  }
.Ltmp8:
0x2c8: {  	_ = 	snop;
	(pc) =	sbr.rel .LBB2_2-.Ltmp8, $4  }
0x2c9: {  	s14 =	sadd.s32 s6, s13;
	s24 =	simm.s32 $0x1F40  }
0x2ca: {  	[tilespmem:s24], [sflag:$0x2] =	stream.linear.gather [hbm4b:s14+s2], $0x640, $0x38;
	[tilespmem:$0x15F80] =	vst v63  }
0x2cb: {  	s11 =	sadd.s32 $0x1, s11;
	s13 =	sadd.s32 s7, s13  }
0x2cc: {  	[tilespmem:s17], [sflag:$0x2] =	stream.linear.gather [hbm4b:s13+s2], $0x640, $0x38;
	[tilespmem:$0x15F80] =	vst v63  }
.LBB2_15:
0x2cd: {  	_ =	sfence.sel $0x180000  }
0x2ce: {  	[bflag:$0x0] =	sbarrier.arrive $0xFFFF  }
0x2cf: {  	_ =	strace $0x9000004A  }
0x2d0: {  	s0 =	stileid.u32;
	[bflag:$0x2] =	sbarrier.arrive $0xFFFF  }
0x2d1: {  	p0 =	sne.s32 s0, $0x0;
	s0 =	rddreg [dreg:$0x2]  }
0x2d2: {  	s0 =	sadd.s32 @!p0 $0x100000, s0  }
0x2d3: {  	[sflag:s0] =	ssyncadd.tile.s32 @!p0 $0x1;
	_ =	shalt  }
.Lfunc_end2:
_tile_overlayer_lowered:
.L_overlay_start_2:
0x2d4: {  	(tag) =	ssettag $0x2  }
0x2d5: {  	s0 =	rddreg [dreg:$0x0];
	s2 =	stileid.u32  }
0x2d6: {  	s1 =	rddreg [dreg:$0x1];
	p0 =	sne.s32 s2, $0x0  }
0x2d7: {  	s3 =	rddreg [dreg:$0x2];
	[bflag:$0x3] =	sbarrier.arrive $0xFFFF;
	s2 =	simm.s32 @!p0 $0x1C05  }
0x2d8: {  	[timem:s3], [sflag:s2] =	dma.local @!p0 [hbm:s0], s1  }
0x2d9: {  	s0 =	simm.s32 @!p0 $0x5  }
0x2da: {  	_ =	swait.ge @!p0 [sflag:s0], s1  }
0x2db: {  	s1 =	ssub.s32 @!p0 $0x0, s1;
	[sflag:s0] =	ssyncset.done @!p0 $0x0  }
0x2dc: {  	[sflag:s0] =	ssyncadd.s32 @!p0 s1  }
0x2dd: {  	[bflag:$0x3] =	sbarrier.arrive $0xFFFF  }
0x2de: {  	_ =	shalt  }

</sc_bundles>
